<compile_context>
chip_gen: v7x
topology: tpu7x:2x2x1
jax: 0.10.2.dev20260603
libtpu: 0.0.44.dev20260713+nightly
codegen_flags: <defaults>
</compile_context>

<pallas_src>
import functools

import jax
import jax.numpy as jnp
from jax import lax
from jax.experimental import pallas as pl
from jax.experimental.pallas import tpu as pltpu
from jax.experimental.pallas import tpu_sc as plsc

_E, _O, _D = 64, 192, 768
_ET = 16
_TT = 1024
_NE = _E // _ET

_NW = 32
_TW = 64
_L = 16
_KW = _TT // _TW


def _tc_body(aggw_ref, ew_ref, x_ref, gw_ref, eb_ref, ow_ref, ob_ref, ab_ref,
             lp_ref, v_scr, amat_scr):
    i = pl.program_id(0)

    @pl.when(i == 0)
    def _amat():
        a = aggw_ref[...]
        a_rep = jnp.concatenate([a] * _ET, axis=1)
        rows = jax.lax.broadcasted_iota(jnp.int32, (_ET, _ET * _O), 0)
        cols = jax.lax.broadcasted_iota(jnp.int32, (_ET, _ET * _O), 1)
        amat_scr[...] = jnp.where(rows == cols // _O,
                                  jnp.broadcast_to(a_rep, (_ET, _ET * _O)),
                                  0.0)

    @pl.when(i < _NE)
    def _vred():
        v_scr[pl.ds(i * _ET, _ET), :] = jax.lax.dot_general(
            amat_scr[...], ew_ref[...], (((1,), (0,)), ((), ())),
            preferred_element_type=jnp.float32)

    @pl.when(i >= _NE)
    def _tokens():
        x = x_ref[...]
        lgt = jax.lax.dot_general(
            gw_ref[...], x, (((1,), (1,)), ((), ())),
            preferred_element_type=jnp.float32)
        pt = jax.lax.dot_general(
            v_scr[...], x, (((1,), (1,)), ((), ())),
            preferred_element_type=jnp.float32)
        base = jax.lax.dot_general(
            ow_ref[...], x, (((1,), (1,)), ((), ())),
            preferred_element_type=jnp.float32)
        cvec = jnp.sum(eb_ref[...] * aggw_ref[...], axis=1,
                       keepdims=True)
        pt = pt + base + cvec + (ob_ref[0, 0] + ab_ref[0, 0])
        for k in range(_KW):
            lp_ref[k, 0:_E, :] = lgt[:, k * _TW:(k + 1) * _TW]
            lp_ref[k, _E:2 * _E, :] = pt[:, k * _TW:(k + 1) * _TW]


def _sc_body(lp_hbm, out_hbm, lp_v, o_v):
    wid = lax.axis_index("s") * 2 + lax.axis_index("c")
    pltpu.sync_copy(lp_hbm.at[wid], lp_v)
    for g in range(_TW // _L):
        sl = pl.ds(g * _L, _L)
        m = jnp.full((_L,), -jnp.inf, jnp.float32)
        val = jnp.zeros((_L,), jnp.float32)
        for j in range(_E):
            row = lp_v[j, sl]
            better = row > m
            m = jnp.where(better, row, m)
            val = jnp.where(better, lp_v[_E + j, sl], val)
        o_v[sl] = val
    pltpu.sync_copy(o_v, out_hbm.at[pl.ds(wid * _TW, _TW)])


def kernel(x, gate_w, expert_w, expert_b, agg_w, agg_b, orig_w, orig_b):
    B, S, D = x.shape
    G = agg_w.shape[0]
    T = B * S
    hs = x.reshape(T, D)
    ob = orig_b.reshape(1, 1)
    ab = agg_b.reshape(1, 1)
    nt = T // _TT
    last_e = _NE - 1

    lp = pl.pallas_call(
        _tc_body,
        grid=(_NE + nt,),
        in_specs=[
            pl.BlockSpec((1, _O), lambda i: (0, 0)),
            pl.BlockSpec((_ET * _O, _D),
                         lambda i: (jnp.minimum(i, last_e), 0)),
            pl.BlockSpec((_TT, _D),
                         lambda i: (jnp.maximum(i - _NE, 0), 0)),
            pl.BlockSpec((_E, _D), lambda i: (0, 0)),
            pl.BlockSpec((_E, _O), lambda i: (0, 0)),
            pl.BlockSpec((1, _D), lambda i: (0, 0)),
            pl.BlockSpec((1, 1), lambda i: (0, 0)),
            pl.BlockSpec((1, 1), lambda i: (0, 0)),
        ],
        out_specs=pl.BlockSpec((_KW, 2 * _E, _TW),
                               lambda i: (jnp.maximum(i - _NE, 0), 0, 0)),
        out_shape=jax.ShapeDtypeStruct((_NW, 2 * _E, _TW), jnp.float32),
        scratch_shapes=[pltpu.VMEM((_E, _D), jnp.float32),
                        pltpu.VMEM((_ET, _ET * _O), jnp.float32)],
    )(agg_w, expert_w.reshape(_E * _O, D), hs, gate_w, expert_b, orig_w,
      ob, ab)

    sc = functools.partial(
        pl.kernel,
        mesh=plsc.VectorSubcoreMesh(core_axis_name="c", subcore_axis_name="s"),
        out_type=jax.ShapeDtypeStruct((T,), jnp.float32),
        scratch_types=[pltpu.VMEM((2 * _E, _TW), jnp.float32),
                       pltpu.VMEM((_TW,), jnp.float32)],
    )(_sc_body)
    out = sc(lp)

    return out.reshape(B, S, G)

# --- scband reference (transcript-rebuilt; emitter-appended) ---
"""Pipeline reference for scband-mixture-ffndown-24489903522180 (READ-ONLY COPY).

The authoritative reference and input builder live on the scoring server;
editing this copy changes nothing except your own understanding.
"""

import jax, jax.numpy as jnp
import numpy as np

B, S, D = 1, 2048, 768
E, O, G, TOP_K = 64, 192, 1, 1


def setup_inputs(seed: int = 0) -> dict:
    key = jax.random.key(seed)
    ks = jax.random.split(key, 8)
    x = jax.random.normal(ks[0], (B, S, D), dtype=jnp.float32)
    gate_w = jax.random.normal(ks[1], (E, D), dtype=jnp.float32) * 0.02
    expert_w = jax.random.normal(ks[2], (E, O, D), dtype=jnp.float32) * 0.02
    expert_b = jax.random.normal(ks[3], (E, O), dtype=jnp.float32) * 0.02
    agg_w = jax.random.normal(ks[4], (G, O), dtype=jnp.float32) * 0.02
    agg_b = jax.random.normal(ks[5], (G,), dtype=jnp.float32) * 0.02
    orig_w = jax.random.normal(ks[6], (G, D), dtype=jnp.float32) * 0.02
    orig_b = jax.random.normal(ks[7], (G,), dtype=jnp.float32) * 0.02
    return {"x": x, "gate_w": gate_w, "expert_w": expert_w, "expert_b": expert_b,
            "agg_w": agg_w, "agg_b": agg_b, "orig_w": orig_w, "orig_b": orig_b}


def reference(x, gate_w, expert_w, expert_b, agg_w, agg_b, orig_w, orig_b):
    batch_size, seq_len, hidden_dim = x.shape
    T = batch_size * seq_len
    hs = x.reshape(T, hidden_dim)
    group_final = []
    # single expert group (group_num_experts = [64])
    router_logits = hs @ gate_w.T                                # [T, E]
    routing_weights = jax.nn.softmax(router_logits, axis=-1)
    rw_top, selected = jax.lax.top_k(routing_weights, TOP_K)     # [T, k]
    rw_top = rw_top / jnp.sum(rw_top, axis=-1, keepdims=True)
    rw_top = rw_top.astype(hs.dtype)
    # per-token per-expert combine weight (equivalent to the torch expert-loop
    # gather + index_add_ dispatch; unselected experts get exactly 0 weight,
    # so (W_e x + b_e) * w matches token-wise expert application)
    combine = jnp.sum(jax.nn.one_hot(selected, E, dtype=hs.dtype) * rw_top[..., None], axis=1)  # [T, E]
    expert_out = jnp.einsum('td,eod->teo', hs, expert_w) + expert_b[None, :, :]  # [T, E, O]
    final = jnp.einsum('teo,te->to', expert_out, combine)        # [T, O]
    group_final.append(final.reshape(batch_size, seq_len, O))
    # stack over groups, permute, aggregate
    stack = jnp.stack(group_final, axis=-1)                      # [B, S, O, G]
    stack = jnp.transpose(stack, (0, 1, 3, 2))                   # [B, S, G, O]
    stack = stack.reshape(T, G, O)
    agg = jnp.einsum('tgo,ko->tgk', stack, agg_w) + agg_b        # [T, G, G]
    agg = agg.reshape(batch_size, seq_len, G, G).mean(axis=2)    # [B, S, G]
    orig = jnp.einsum('bsd,kd->bsk', x, orig_w) + orig_b         # [B, S, G]
    return orig + agg

if __name__ == "__main__":
    import jax
    _d = setup_inputs()
    print(jax.jit(kernel)(*tuple(_d.values())))

</pallas_src>

<mosaic_0001>
#map = affine_map<(d0, d1) -> (0, 0, 0)>
#map1 = affine_map<(d0, d1) -> (0)>
module attributes {stable_mosaic.version = 14 : i64} {
  func.func @_sc_body(%arg0: i32, %arg1: i32, %arg2: memref<32x128x64xf32, #tpu.memory_space<hbm>>, %arg3: memref<2048xf32, #tpu.memory_space<hbm>>, %arg4: memref<128x64xf32, #tpu.memory_space<vmem>>, %arg5: memref<64xf32, #tpu.memory_space<vmem>>) attributes {dimension_semantics = [#tpu.dimension_semantics<core_parallel>, #tpu.dimension_semantics<subcore_parallel>], iteration_bounds = array<i64: 2, 16>, scalar_prefetch = 0 : i64, scratch_operands = 2 : i64, tpu.core_type = #tpu.core_type<sc_vector_subcore>, window_params = [{transform_indices = #map}, {transform_indices = #map1}]} {
    %mul3A = arith.constant 2 : i32
    %mul3A_0 = arith.muli %arg1, %mul3A : i32
    %add3A = arith.addi %mul3A_0, %arg0 : i32
    "tpu.region"() ({
      %run_scoped3A = tpu.sem_alloc : memref<!tpu.dma_semaphore, #tpu.memory_space<semaphore_mem>>
      %dma_start3A = arith.constant 0 : i32
      %dma_start3A_3358 = arith.constant 0 : i32
      %dma_start3A_3359 = tpu.memref_slice %arg2[%add3A, %dma_start3A, %dma_start3A_3358] : memref<32x128x64xf32, #tpu.memory_space<hbm>> -> memref<1x128x64xf32, #tpu.memory_space<hbm>>
      %dma_start3A_3360 = tpu.memref_squeeze %dma_start3A_3359 : memref<1x128x64xf32, #tpu.memory_space<hbm>> -> memref<128x64xf32, #tpu.memory_space<hbm>>
      %dma_start3A_3361 = arith.constant 0 : i32
      %dma_start3A_3362 = arith.constant 0 : i32
      %dma_start3A_3363 = tpu.memref_slice %arg2[%add3A, %dma_start3A_3361, %dma_start3A_3362] : memref<32x128x64xf32, #tpu.memory_space<hbm>> -> memref<1x128x64xf32, #tpu.memory_space<hbm>>
      %dma_start3A_3364 = tpu.memref_squeeze %dma_start3A_3363 : memref<1x128x64xf32, #tpu.memory_space<hbm>> -> memref<128x64xf32, #tpu.memory_space<hbm>>
      tpu.enqueue_dma source(%dma_start3A_3364 : memref<128x64xf32, #tpu.memory_space<hbm>>) target(%arg4 : memref<128x64xf32, #tpu.memory_space<vmem>>) target_semaphore(%run_scoped3A : memref<!tpu.dma_semaphore, #tpu.memory_space<semaphore_mem>>)
      %dma_wait3A = arith.constant 0 : i32
      %dma_wait3A_3365 = arith.constant 0 : i32
      %dma_wait3A_3366 = tpu.memref_slice %arg2[%add3A, %dma_wait3A, %dma_wait3A_3365] : memref<32x128x64xf32, #tpu.memory_space<hbm>> -> memref<1x128x64xf32, #tpu.memory_space<hbm>>
      %dma_wait3A_3367 = tpu.memref_squeeze %dma_wait3A_3366 : memref<1x128x64xf32, #tpu.memory_space<hbm>> -> memref<128x64xf32, #tpu.memory_space<hbm>>
      %dma_wait3A_3368 = arith.constant 0 : i32
      %dma_wait3A_3369 = arith.constant 0 : i32
      %dma_wait3A_3370 = tpu.memref_slice %arg2[%add3A, %dma_wait3A_3368, %dma_wait3A_3369] : memref<32x128x64xf32, #tpu.memory_space<hbm>> -> memref<1x128x64xf32, #tpu.memory_space<hbm>>
      %dma_wait3A_3371 = tpu.memref_squeeze %dma_wait3A_3370 : memref<1x128x64xf32, #tpu.memory_space<hbm>> -> memref<128x64xf32, #tpu.memory_space<hbm>>
      tpu.wait_dma2 semaphore(%run_scoped3A : memref<!tpu.dma_semaphore, #tpu.memory_space<semaphore_mem>>) src(%dma_wait3A_3371 : memref<128x64xf32, #tpu.memory_space<hbm>>) dst(%arg4 : memref<128x64xf32, #tpu.memory_space<vmem>>)
      tpu.yield
    }) : () -> ()
    %broadcast_in_dim3A = arith.constant 0xFF800000 : f32
    %broadcast_in_dim3A_1 = vector.broadcast %broadcast_in_dim3A : f32 to vector<16xf32>
    %broadcast_in_dim3A_2 = arith.constant 0.000000e+00 : f32
    %broadcast_in_dim3A_3 = vector.broadcast %broadcast_in_dim3A_2 : f32 to vector<16xf32>
    %get3A = arith.constant 0 : i32
    %get3A_4 = arith.index_cast %get3A : i32 to index
    %get3A_5 = arith.constant 0 : index
    %get3A_6 = tpu.vector_load %arg4[%get3A_4, %get3A_5] {strides = array<i32>} : memref<128x64xf32, #tpu.memory_space<vmem>>, vector<1x16xf32>,
    %get3A_7 = vector.shape_cast %get3A_6 : vector<1x16xf32> to vector<16xf32>
    %gt3A = arith.cmpf ogt, %get3A_7, %broadcast_in_dim3A_1 : vector<16xf32>
    %select_n3A = arith.select %gt3A, %get3A_7, %broadcast_in_dim3A_1 : vector<16xi1>, vector<16xf32>
    %get3A_8 = arith.constant 64 : i32
    %get3A_9 = arith.index_cast %get3A_8 : i32 to index
    %get3A_10 = arith.constant 0 : index
    %get3A_11 = tpu.vector_load %arg4[%get3A_9, %get3A_10] {strides = array<i32>} : memref<128x64xf32, #tpu.memory_space<vmem>>, vector<1x16xf32>,
    %get3A_12 = vector.shape_cast %get3A_11 : vector<1x16xf32> to vector<16xf32>
    %select_n3A_13 = arith.select %gt3A, %get3A_12, %broadcast_in_dim3A_3 : vector<16xi1>, vector<16xf32>
    %get3A_14 = arith.constant 1 : i32
    %get3A_15 = arith.index_cast %get3A_14 : i32 to index
    %get3A_16 = arith.constant 0 : index
    %get3A_17 = tpu.vector_load %arg4[%get3A_15, %get3A_16] {strides = array<i32>} : memref<128x64xf32, #tpu.memory_space<vmem>>, vector<1x16xf32>,
    %get3A_18 = vector.shape_cast %get3A_17 : vector<1x16xf32> to vector<16xf32>
    %gt3A_19 = arith.cmpf ogt, %get3A_18, %select_n3A : vector<16xf32>
    %select_n3A_20 = arith.select %gt3A_19, %get3A_18, %select_n3A : vector<16xi1>, vector<16xf32>
    %get3A_21 = arith.constant 65 : i32
    %get3A_22 = arith.index_cast %get3A_21 : i32 to index
    %get3A_23 = arith.constant 0 : index
    %get3A_24 = tpu.vector_load %arg4[%get3A_22, %get3A_23] {strides = array<i32>} : memref<128x64xf32, #tpu.memory_space<vmem>>, vector<1x16xf32>,
    %get3A_25 = vector.shape_cast %get3A_24 : vector<1x16xf32> to vector<16xf32>
    %select_n3A_26 = arith.select %gt3A_19, %get3A_25, %select_n3A_13 : vector<16xi1>, vector<16xf32>
    %get3A_27 = arith.constant 2 : i32
    %get3A_28 = arith.index_cast %get3A_27 : i32 to index
    %get3A_29 = arith.constant 0 : index
    %get3A_30 = tpu.vector_load %arg4[%get3A_28, %get3A_29] {strides = array<i32>} : memref<128x64xf32, #tpu.memory_space<vmem>>, vector<1x16xf32>,
    %get3A_31 = vector.shape_cast %get3A_30 : vector<1x16xf32> to vector<16xf32>
    %gt3A_32 = arith.cmpf ogt, %get3A_31, %select_n3A_20 : vector<16xf32>
    %select_n3A_33 = arith.select %gt3A_32, %get3A_31, %select_n3A_20 : vector<16xi1>, vector<16xf32>
    %get3A_34 = arith.constant 66 : i32
    %get3A_35 = arith.index_cast %get3A_34 : i32 to index
    %get3A_36 = arith.constant 0 : index
    %get3A_37 = tpu.vector_load %arg4[%get3A_35, %get3A_36] {strides = array<i32>} : memref<128x64xf32, #tpu.memory_space<vmem>>, vector<1x16xf32>,
    %get3A_38 = vector.shape_cast %get3A_37 : vector<1x16xf32> to vector<16xf32>
    %select_n3A_39 = arith.select %gt3A_32, %get3A_38, %select_n3A_26 : vector<16xi1>, vector<16xf32>
    %get3A_40 = arith.constant 3 : i32
    %get3A_41 = arith.index_cast %get3A_40 : i32 to index
    %get3A_42 = arith.constant 0 : index
    %get3A_43 = tpu.vector_load %arg4[%get3A_41, %get3A_42] {strides = array<i32>} : memref<128x64xf32, #tpu.memory_space<vmem>>, vector<1x16xf32>,
    %get3A_44 = vector.shape_cast %get3A_43 : vector<1x16xf32> to vector<16xf32>
    %gt3A_45 = arith.cmpf ogt, %get3A_44, %select_n3A_33 : vector<16xf32>
    %select_n3A_46 = arith.select %gt3A_45, %get3A_44, %select_n3A_33 : vector<16xi1>, vector<16xf32>
    %get3A_47 = arith.constant 67 : i32
    %get3A_48 = arith.index_cast %get3A_47 : i32 to index
    %get3A_49 = arith.constant 0 : index
    %get3A_50 = tpu.vector_load %arg4[%get3A_48, %get3A_49] {strides = array<i32>} : memref<128x64xf32, #tpu.memory_space<vmem>>, vector<1x16xf32>,
    %get3A_51 = vector.shape_cast %get3A_50 : vector<1x16xf32> to vector<16xf32>
    %select_n3A_52 = arith.select %gt3A_45, %get3A_51, %select_n3A_39 : vector<16xi1>, vector<16xf32>
    %get3A_53 = arith.constant 4 : i32
    %get3A_54 = arith.index_cast %get3A_53 : i32 to index
    %get3A_55 = arith.constant 0 : index
    %get3A_56 = tpu.vector_load %arg4[%get3A_54, %get3A_55] {strides = array<i32>} : memref<128x64xf32, #tpu.memory_space<vmem>>, vector<1x16xf32>,
    %get3A_57 = vector.shape_cast %get3A_56 : vector<1x16xf32> to vector<16xf32>
    %gt3A_58 = arith.cmpf ogt, %get3A_57, %select_n3A_46 : vector<16xf32>
    %select_n3A_59 = arith.select %gt3A_58, %get3A_57, %select_n3A_46 : vector<16xi1>, vector<16xf32>
    %get3A_60 = arith.constant 68 : i32
    %get3A_61 = arith.index_cast %get3A_60 : i32 to index
    %get3A_62 = arith.constant 0 : index
    %get3A_63 = tpu.vector_load %arg4[%get3A_61, %get3A_62] {strides = array<i32>} : memref<128x64xf32, #tpu.memory_space<vmem>>, vector<1x16xf32>,
    %get3A_64 = vector.shape_cast %get3A_63 : vector<1x16xf32> to vector<16xf32>
    %select_n3A_65 = arith.select %gt3A_58, %get3A_64, %select_n3A_52 : vector<16xi1>, vector<16xf32>
    %get3A_66 = arith.constant 5 : i32
    %get3A_67 = arith.index_cast %get3A_66 : i32 to index
    %get3A_68 = arith.constant 0 : index
    %get3A_69 = tpu.vector_load %arg4[%get3A_67, %get3A_68] {strides = array<i32>} : memref<128x64xf32, #tpu.memory_space<vmem>>, vector<1x16xf32>,
    %get3A_70 = vector.shape_cast %get3A_69 : vector<1x16xf32> to vector<16xf32>
    %gt3A_71 = arith.cmpf ogt, %get3A_70, %select_n3A_59 : vector<16xf32>
    %select_n3A_72 = arith.select %gt3A_71, %get3A_70, %select_n3A_59 : vector<16xi1>, vector<16xf32>
    %get3A_73 = arith.constant 69 : i32
    %get3A_74 = arith.index_cast %get3A_73 : i32 to index
    %get3A_75 = arith.constant 0 : index
    %get3A_76 = tpu.vector_load %arg4[%get3A_74, %get3A_75] {strides = array<i32>} : memref<128x64xf32, #tpu.memory_space<vmem>>, vector<1x16xf32>,
    %get3A_77 = vector.shape_cast %get3A_76 : vector<1x16xf32> to vector<16xf32>
    %select_n3A_78 = arith.select %gt3A_71, %get3A_77, %select_n3A_65 : vector<16xi1>, vector<16xf32>
    %get3A_79 = arith.constant 6 : i32
    %get3A_80 = arith.index_cast %get3A_79 : i32 to index
    %get3A_81 = arith.constant 0 : index
    %get3A_82 = tpu.vector_load %arg4[%get3A_80, %get3A_81] {strides = array<i32>} : memref<128x64xf32, #tpu.memory_space<vmem>>, vector<1x16xf32>,
    %get3A_83 = vector.shape_cast %get3A_82 : vector<1x16xf32> to vector<16xf32>
    %gt3A_84 = arith.cmpf ogt, %get3A_83, %select_n3A_72 : vector<16xf32>
    %select_n3A_85 = arith.select %gt3A_84, %get3A_83, %select_n3A_72 : vector<16xi1>, vector<16xf32>
    %get3A_86 = arith.constant 70 : i32
    %get3A_87 = arith.index_cast %get3A_86 : i32 to index
    %get3A_88 = arith.constant 0 : index
    %get3A_89 = tpu.vector_load %arg4[%get3A_87, %get3A_88] {strides = array<i32>} : memref<128x64xf32, #tpu.memory_space<vmem>>, vector<1x16xf32>,
    %get3A_90 = vector.shape_cast %get3A_89 : vector<1x16xf32> to vector<16xf32>
    %select_n3A_91 = arith.select %gt3A_84, %get3A_90, %select_n3A_78 : vector<16xi1>, vector<16xf32>
    %get3A_92 = arith.constant 7 : i32
    %get3A_93 = arith.index_cast %get3A_92 : i32 to index
    %get3A_94 = arith.constant 0 : index
    %get3A_95 = tpu.vector_load %arg4[%get3A_93, %get3A_94] {strides = array<i32>} : memref<128x64xf32, #tpu.memory_space<vmem>>, vector<1x16xf32>,
    %get3A_96 = vector.shape_cast %get3A_95 : vector<1x16xf32> to vector<16xf32>
    %gt3A_97 = arith.cmpf ogt, %get3A_96, %select_n3A_85 : vector<16xf32>
    %select_n3A_98 = arith.select %gt3A_97, %get3A_96, %select_n3A_85 : vector<16xi1>, vector<16xf32>
    %get3A_99 = arith.constant 71 : i32
    %get3A_100 = arith.index_cast %get3A_99 : i32 to index
    %get3A_101 = arith.constant 0 : index
    %get3A_102 = tpu.vector_load %arg4[%get3A_100, %get3A_101] {strides = array<i32>} : memref<128x64xf32, #tpu.memory_space<vmem>>, vector<1x16xf32>,
    %get3A_103 = vector.shape_cast %get3A_102 : vector<1x16xf32> to vector<16xf32>
    %select_n3A_104 = arith.select %gt3A_97, %get3A_103, %select_n3A_91 : vector<16xi1>, vector<16xf32>
    %get3A_105 = arith.constant 8 : i32
    %get3A_106 = arith.index_cast %get3A_105 : i32 to index
    %get3A_107 = arith.constant 0 : index
    %get3A_108 = tpu.vector_load %arg4[%get3A_106, %get3A_107] {strides = array<i32>} : memref<128x64xf32, #tpu.memory_space<vmem>>, vector<1x16xf32>,
    %get3A_109 = vector.shape_cast %get3A_108 : vector<1x16xf32> to vector<16xf32>
    %gt3A_110 = arith.cmpf ogt, %get3A_109, %select_n3A_98 : vector<16xf32>
    %select_n3A_111 = arith.select %gt3A_110, %get3A_109, %select_n3A_98 : vector<16xi1>, vector<16xf32>
    %get3A_112 = arith.constant 72 : i32
    %get3A_113 = arith.index_cast %get3A_112 : i32 to index
    %get3A_114 = arith.constant 0 : index
    %get3A_115 = tpu.vector_load %arg4[%get3A_113, %get3A_114] {strides = array<i32>} : memref<128x64xf32, #tpu.memory_space<vmem>>, vector<1x16xf32>,
    %get3A_116 = vector.shape_cast %get3A_115 : vector<1x16xf32> to vector<16xf32>
    %select_n3A_117 = arith.select %gt3A_110, %get3A_116, %select_n3A_104 : vector<16xi1>, vector<16xf32>
    %get3A_118 = arith.constant 9 : i32
    %get3A_119 = arith.index_cast %get3A_118 : i32 to index
    %get3A_120 = arith.constant 0 : index
    %get3A_121 = tpu.vector_load %arg4[%get3A_119, %get3A_120] {strides = array<i32>} : memref<128x64xf32, #tpu.memory_space<vmem>>, vector<1x16xf32>,
    %get3A_122 = vector.shape_cast %get3A_121 : vector<1x16xf32> to vector<16xf32>
    %gt3A_123 = arith.cmpf ogt, %get3A_122, %select_n3A_111 : vector<16xf32>
    %select_n3A_124 = arith.select %gt3A_123, %get3A_122, %select_n3A_111 : vector<16xi1>, vector<16xf32>
    %get3A_125 = arith.constant 73 : i32
    %get3A_126 = arith.index_cast %get3A_125 : i32 to index
    %get3A_127 = arith.constant 0 : index
    %get3A_128 = tpu.vector_load %arg4[%get3A_126, %get3A_127] {strides = array<i32>} : memref<128x64xf32, #tpu.memory_space<vmem>>, vector<1x16xf32>,
    %get3A_129 = vector.shape_cast %get3A_128 : vector<1x16xf32> to vector<16xf32>
    %select_n3A_130 = arith.select %gt3A_123, %get3A_129, %select_n3A_117 : vector<16xi1>, vector<16xf32>
    %get3A_131 = arith.constant 10 : i32
    %get3A_132 = arith.index_cast %get3A_131 : i32 to index
    %get3A_133 = arith.constant 0 : index
    %get3A_134 = tpu.vector_load %arg4[%get3A_132, %get3A_133] {strides = array<i32>} : memref<128x64xf32, #tpu.memory_space<vmem>>, vector<1x16xf32>,
    %get3A_135 = vector.shape_cast %get3A_134 : vector<1x16xf32> to vector<16xf32>
    %gt3A_136 = arith.cmpf ogt, %get3A_135, %select_n3A_124 : vector<16xf32>
    %select_n3A_137 = arith.select %gt3A_136, %get3A_135, %select_n3A_124 : vector<16xi1>, vector<16xf32>
    %get3A_138 = arith.constant 74 : i32
    %get3A_139 = arith.index_cast %get3A_138 : i32 to index
    %get3A_140 = arith.constant 0 : index
    %get3A_141 = tpu.vector_load %arg4[%get3A_139, %get3A_140] {strides = array<i32>} : memref<128x64xf32, #tpu.memory_space<vmem>>, vector<1x16xf32>,
    %get3A_142 = vector.shape_cast %get3A_141 : vector<1x16xf32> to vector<16xf32>
    %select_n3A_143 = arith.select %gt3A_136, %get3A_142, %select_n3A_130 : vector<16xi1>, vector<16xf32>
    %get3A_144 = arith.constant 11 : i32
    %get3A_145 = arith.index_cast %get3A_144 : i32 to index
    %get3A_146 = arith.constant 0 : index
    %get3A_147 = tpu.vector_load %arg4[%get3A_145, %get3A_146] {strides = array<i32>} : memref<128x64xf32, #tpu.memory_space<vmem>>, vector<1x16xf32>,
    %get3A_148 = vector.shape_cast %get3A_147 : vector<1x16xf32> to vector<16xf32>
    %gt3A_149 = arith.cmpf ogt, %get3A_148, %select_n3A_137 : vector<16xf32>
    %select_n3A_150 = arith.select %gt3A_149, %get3A_148, %select_n3A_137 : vector<16xi1>, vector<16xf32>
    %get3A_151 = arith.constant 75 : i32
    %get3A_152 = arith.index_cast %get3A_151 : i32 to index
    %get3A_153 = arith.constant 0 : index
    %get3A_154 = tpu.vector_load %arg4[%get3A_152, %get3A_153] {strides = array<i32>} : memref<128x64xf32, #tpu.memory_space<vmem>>, vector<1x16xf32>,
    %get3A_155 = vector.shape_cast %get3A_154 : vector<1x16xf32> to vector<16xf32>
    %select_n3A_156 = arith.select %gt3A_149, %get3A_155, %select_n3A_143 : vector<16xi1>, vector<16xf32>
    %get3A_157 = arith.constant 12 : i32
    %get3A_158 = arith.index_cast %get3A_157 : i32 to index
    %get3A_159 = arith.constant 0 : index
    %get3A_160 = tpu.vector_load %arg4[%get3A_158, %get3A_159] {strides = array<i32>} : memref<128x64xf32, #tpu.memory_space<vmem>>, vector<1x16xf32>,
    %get3A_161 = vector.shape_cast %get3A_160 : vector<1x16xf32> to vector<16xf32>
    %gt3A_162 = arith.cmpf ogt, %get3A_161, %select_n3A_150 : vector<16xf32>
    %select_n3A_163 = arith.select %gt3A_162, %get3A_161, %select_n3A_150 : vector<16xi1>, vector<16xf32>
    %get3A_164 = arith.constant 76 : i32
    %get3A_165 = arith.index_cast %get3A_164 : i32 to index
    %get3A_166 = arith.constant 0 : index
    %get3A_167 = tpu.vector_load %arg4[%get3A_165, %get3A_166] {strides = array<i32>} : memref<128x64xf32, #tpu.memory_space<vmem>>, vector<1x16xf32>,
    %get3A_168 = vector.shape_cast %get3A_167 : vector<1x16xf32> to vector<16xf32>
    %select_n3A_169 = arith.select %gt3A_162, %get3A_168, %select_n3A_156 : vector<16xi1>, vector<16xf32>
    %get3A_170 = arith.constant 13 : i32
    %get3A_171 = arith.index_cast %get3A_170 : i32 to index
    %get3A_172 = arith.constant 0 : index
    %get3A_173 = tpu.vector_load %arg4[%get3A_171, %get3A_172] {strides = array<i32>} : memref<128x64xf32, #tpu.memory_space<vmem>>, vector<1x16xf32>,
    %get3A_174 = vector.shape_cast %get3A_173 : vector<1x16xf32> to vector<16xf32>
    %gt3A_175 = arith.cmpf ogt, %get3A_174, %select_n3A_163 : vector<16xf32>
    %select_n3A_176 = arith.select %gt3A_175, %get3A_174, %select_n3A_163 : vector<16xi1>, vector<16xf32>
    %get3A_177 = arith.constant 77 : i32
    %get3A_178 = arith.index_cast %get3A_177 : i32 to index
    %get3A_179 = arith.constant 0 : index
    %get3A_180 = tpu.vector_load %arg4[%get3A_178, %get3A_179] {strides = array<i32>} : memref<128x64xf32, #tpu.memory_space<vmem>>, vector<1x16xf32>,
    %get3A_181 = vector.shape_cast %get3A_180 : vector<1x16xf32> to vector<16xf32>
    %select_n3A_182 = arith.select %gt3A_175, %get3A_181, %select_n3A_169 : vector<16xi1>, vector<16xf32>
    %get3A_183 = arith.constant 14 : i32
    %get3A_184 = arith.index_cast %get3A_183 : i32 to index
    %get3A_185 = arith.constant 0 : index
    %get3A_186 = tpu.vector_load %arg4[%get3A_184, %get3A_185] {strides = array<i32>} : memref<128x64xf32, #tpu.memory_space<vmem>>, vector<1x16xf32>,
    %get3A_187 = vector.shape_cast %get3A_186 : vector<1x16xf32> to vector<16xf32>
    %gt3A_188 = arith.cmpf ogt, %get3A_187, %select_n3A_176 : vector<16xf32>
    %select_n3A_189 = arith.select %gt3A_188, %get3A_187, %select_n3A_176 : vector<16xi1>, vector<16xf32>
    %get3A_190 = arith.constant 78 : i32
    %get3A_191 = arith.index_cast %get3A_190 : i32 to index
    %get3A_192 = arith.constant 0 : index
    %get3A_193 = tpu.vector_load %arg4[%get3A_191, %get3A_192] {strides = array<i32>} : memref<128x64xf32, #tpu.memory_space<vmem>>, vector<1x16xf32>,
    %get3A_194 = vector.shape_cast %get3A_193 : vector<1x16xf32> to vector<16xf32>
    %select_n3A_195 = arith.select %gt3A_188, %get3A_194, %select_n3A_182 : vector<16xi1>, vector<16xf32>
    %get3A_196 = arith.constant 15 : i32
    %get3A_197 = arith.index_cast %get3A_196 : i32 to index
    %get3A_198 = arith.constant 0 : index
    %get3A_199 = tpu.vector_load %arg4[%get3A_197, %get3A_198] {strides = array<i32>} : memref<128x64xf32, #tpu.memory_space<vmem>>, vector<1x16xf32>,
    %get3A_200 = vector.shape_cast %get3A_199 : vector<1x16xf32> to vector<16xf32>
    %gt3A_201 = arith.cmpf ogt, %get3A_200, %select_n3A_189 : vector<16xf32>
    %select_n3A_202 = arith.select %gt3A_201, %get3A_200, %select_n3A_189 : vector<16xi1>, vector<16xf32>
    %get3A_203 = arith.constant 79 : i32
    %get3A_204 = arith.index_cast %get3A_203 : i32 to index
    %get3A_205 = arith.constant 0 : index
    %get3A_206 = tpu.vector_load %arg4[%get3A_204, %get3A_205] {strides = array<i32>} : memref<128x64xf32, #tpu.memory_space<vmem>>, vector<1x16xf32>,
    %get3A_207 = vector.shape_cast %get3A_206 : vector<1x16xf32> to vector<16xf32>
    %select_n3A_208 = arith.select %gt3A_201, %get3A_207, %select_n3A_195 : vector<16xi1>, vector<16xf32>
    %get3A_209 = arith.constant 16 : i32
    %get3A_210 = arith.index_cast %get3A_209 : i32 to index
    %get3A_211 = arith.constant 0 : index
    %get3A_212 = tpu.vector_load %arg4[%get3A_210, %get3A_211] {strides = array<i32>} : memref<128x64xf32, #tpu.memory_space<vmem>>, vector<1x16xf32>,
    %get3A_213 = vector.shape_cast %get3A_212 : vector<1x16xf32> to vector<16xf32>
    %gt3A_214 = arith.cmpf ogt, %get3A_213, %select_n3A_202 : vector<16xf32>
    %select_n3A_215 = arith.select %gt3A_214, %get3A_213, %select_n3A_202 : vector<16xi1>, vector<16xf32>
    %get3A_216 = arith.constant 80 : i32
    %get3A_217 = arith.index_cast %get3A_216 : i32 to index
    %get3A_218 = arith.constant 0 : index
    %get3A_219 = tpu.vector_load %arg4[%get3A_217, %get3A_218] {strides = array<i32>} : memref<128x64xf32, #tpu.memory_space<vmem>>, vector<1x16xf32>,
    %get3A_220 = vector.shape_cast %get3A_219 : vector<1x16xf32> to vector<16xf32>
    %select_n3A_221 = arith.select %gt3A_214, %get3A_220, %select_n3A_208 : vector<16xi1>, vector<16xf32>
    %get3A_222 = arith.constant 17 : i32
    %get3A_223 = arith.index_cast %get3A_222 : i32 to index
    %get3A_224 = arith.constant 0 : index
    %get3A_225 = tpu.vector_load %arg4[%get3A_223, %get3A_224] {strides = array<i32>} : memref<128x64xf32, #tpu.memory_space<vmem>>, vector<1x16xf32>,
    %get3A_226 = vector.shape_cast %get3A_225 : vector<1x16xf32> to vector<16xf32>
    %gt3A_227 = arith.cmpf ogt, %get3A_226, %select_n3A_215 : vector<16xf32>
    %select_n3A_228 = arith.select %gt3A_227, %get3A_226, %select_n3A_215 : vector<16xi1>, vector<16xf32>
    %get3A_229 = arith.constant 81 : i32
    %get3A_230 = arith.index_cast %get3A_229 : i32 to index
    %get3A_231 = arith.constant 0 : index
    %get3A_232 = tpu.vector_load %arg4[%get3A_230, %get3A_231] {strides = array<i32>} : memref<128x64xf32, #tpu.memory_space<vmem>>, vector<1x16xf32>,
    %get3A_233 = vector.shape_cast %get3A_232 : vector<1x16xf32> to vector<16xf32>
    %select_n3A_234 = arith.select %gt3A_227, %get3A_233, %select_n3A_221 : vector<16xi1>, vector<16xf32>
    %get3A_235 = arith.constant 18 : i32
    %get3A_236 = arith.index_cast %get3A_235 : i32 to index
    %get3A_237 = arith.constant 0 : index
    %get3A_238 = tpu.vector_load %arg4[%get3A_236, %get3A_237] {strides = array<i32>} : memref<128x64xf32, #tpu.memory_space<vmem>>, vector<1x16xf32>,
    %get3A_239 = vector.shape_cast %get3A_238 : vector<1x16xf32> to vector<16xf32>
    %gt3A_240 = arith.cmpf ogt, %get3A_239, %select_n3A_228 : vector<16xf32>
    %select_n3A_241 = arith.select %gt3A_240, %get3A_239, %select_n3A_228 : vector<16xi1>, vector<16xf32>
    %get3A_242 = arith.constant 82 : i32
    %get3A_243 = arith.index_cast %get3A_242 : i32 to index
    %get3A_244 = arith.constant 0 : index
    %get3A_245 = tpu.vector_load %arg4[%get3A_243, %get3A_244] {strides = array<i32>} : memref<128x64xf32, #tpu.memory_space<vmem>>, vector<1x16xf32>,
    %get3A_246 = vector.shape_cast %get3A_245 : vector<1x16xf32> to vector<16xf32>
    %select_n3A_247 = arith.select %gt3A_240, %get3A_246, %select_n3A_234 : vector<16xi1>, vector<16xf32>
    %get3A_248 = arith.constant 19 : i32
    %get3A_249 = arith.index_cast %get3A_248 : i32 to index
    %get3A_250 = arith.constant 0 : index
    %get3A_251 = tpu.vector_load %arg4[%get3A_249, %get3A_250] {strides = array<i32>} : memref<128x64xf32, #tpu.memory_space<vmem>>, vector<1x16xf32>,
    %get3A_252 = vector.shape_cast %get3A_251 : vector<1x16xf32> to vector<16xf32>
    %gt3A_253 = arith.cmpf ogt, %get3A_252, %select_n3A_241 : vector<16xf32>
    %select_n3A_254 = arith.select %gt3A_253, %get3A_252, %select_n3A_241 : vector<16xi1>, vector<16xf32>
    %get3A_255 = arith.constant 83 : i32
    %get3A_256 = arith.index_cast %get3A_255 : i32 to index
    %get3A_257 = arith.constant 0 : index
    %get3A_258 = tpu.vector_load %arg4[%get3A_256, %get3A_257] {strides = array<i32>} : memref<128x64xf32, #tpu.memory_space<vmem>>, vector<1x16xf32>,
    %get3A_259 = vector.shape_cast %get3A_258 : vector<1x16xf32> to vector<16xf32>
    %select_n3A_260 = arith.select %gt3A_253, %get3A_259, %select_n3A_247 : vector<16xi1>, vector<16xf32>
    %get3A_261 = arith.constant 20 : i32
    %get3A_262 = arith.index_cast %get3A_261 : i32 to index
    %get3A_263 = arith.constant 0 : index
    %get3A_264 = tpu.vector_load %arg4[%get3A_262, %get3A_263] {strides = array<i32>} : memref<128x64xf32, #tpu.memory_space<vmem>>, vector<1x16xf32>,
    %get3A_265 = vector.shape_cast %get3A_264 : vector<1x16xf32> to vector<16xf32>
    %gt3A_266 = arith.cmpf ogt, %get3A_265, %select_n3A_254 : vector<16xf32>
    %select_n3A_267 = arith.select %gt3A_266, %get3A_265, %select_n3A_254 : vector<16xi1>, vector<16xf32>
    %get3A_268 = arith.constant 84 : i32
    %get3A_269 = arith.index_cast %get3A_268 : i32 to index
    %get3A_270 = arith.constant 0 : index
    %get3A_271 = tpu.vector_load %arg4[%get3A_269, %get3A_270] {strides = array<i32>} : memref<128x64xf32, #tpu.memory_space<vmem>>, vector<1x16xf32>,
    %get3A_272 = vector.shape_cast %get3A_271 : vector<1x16xf32> to vector<16xf32>
    %select_n3A_273 = arith.select %gt3A_266, %get3A_272, %select_n3A_260 : vector<16xi1>, vector<16xf32>
    %get3A_274 = arith.constant 21 : i32
    %get3A_275 = arith.index_cast %get3A_274 : i32 to index
    %get3A_276 = arith.constant 0 : index
    %get3A_277 = tpu.vector_load %arg4[%get3A_275, %get3A_276] {strides = array<i32>} : memref<128x64xf32, #tpu.memory_space<vmem>>, vector<1x16xf32>,
    %get3A_278 = vector.shape_cast %get3A_277 : vector<1x16xf32> to vector<16xf32>
    %gt3A_279 = arith.cmpf ogt, %get3A_278, %select_n3A_267 : vector<16xf32>
    %select_n3A_280 = arith.select %gt3A_279, %get3A_278, %select_n3A_267 : vector<16xi1>, vector<16xf32>
    %get3A_281 = arith.constant 85 : i32
    %get3A_282 = arith.index_cast %get3A_281 : i32 to index
    %get3A_283 = arith.constant 0 : index
    %get3A_284 = tpu.vector_load %arg4[%get3A_282, %get3A_283] {strides = array<i32>} : memref<128x64xf32, #tpu.memory_space<vmem>>, vector<1x16xf32>,
    %get3A_285 = vector.shape_cast %get3A_284 : vector<1x16xf32> to vector<16xf32>
    %select_n3A_286 = arith.select %gt3A_279, %get3A_285, %select_n3A_273 : vector<16xi1>, vector<16xf32>
    %get3A_287 = arith.constant 22 : i32
    %get3A_288 = arith.index_cast %get3A_287 : i32 to index
    %get3A_289 = arith.constant 0 : index
    %get3A_290 = tpu.vector_load %arg4[%get3A_288, %get3A_289] {strides = array<i32>} : memref<128x64xf32, #tpu.memory_space<vmem>>, vector<1x16xf32>,
    %get3A_291 = vector.shape_cast %get3A_290 : vector<1x16xf32> to vector<16xf32>
    %gt3A_292 = arith.cmpf ogt, %get3A_291, %select_n3A_280 : vector<16xf32>
    %select_n3A_293 = arith.select %gt3A_292, %get3A_291, %select_n3A_280 : vector<16xi1>, vector<16xf32>
    %get3A_294 = arith.constant 86 : i32
    %get3A_295 = arith.index_cast %get3A_294 : i32 to index
    %get3A_296 = arith.constant 0 : index
    %get3A_297 = tpu.vector_load %arg4[%get3A_295, %get3A_296] {strides = array<i32>} : memref<128x64xf32, #tpu.memory_space<vmem>>, vector<1x16xf32>,
    %get3A_298 = vector.shape_cast %get3A_297 : vector<1x16xf32> to vector<16xf32>
    %select_n3A_299 = arith.select %gt3A_292, %get3A_298, %select_n3A_286 : vector<16xi1>, vector<16xf32>
    %get3A_300 = arith.constant 23 : i32
    %get3A_301 = arith.index_cast %get3A_300 : i32 to index
    %get3A_302 = arith.constant 0 : index
    %get3A_303 = tpu.vector_load %arg4[%get3A_301, %get3A_302] {strides = array<i32>} : memref<128x64xf32, #tpu.memory_space<vmem>>, vector<1x16xf32>,
    %get3A_304 = vector.shape_cast %get3A_303 : vector<1x16xf32> to vector<16xf32>
    %gt3A_305 = arith.cmpf ogt, %get3A_304, %select_n3A_293 : vector<16xf32>
    %select_n3A_306 = arith.select %gt3A_305, %get3A_304, %select_n3A_293 : vector<16xi1>, vector<16xf32>
    %get3A_307 = arith.constant 87 : i32
    %get3A_308 = arith.index_cast %get3A_307 : i32 to index
    %get3A_309 = arith.constant 0 : index
    %get3A_310 = tpu.vector_load %arg4[%get3A_308, %get3A_309] {strides = array<i32>} : memref<128x64xf32, #tpu.memory_space<vmem>>, vector<1x16xf32>,
    %get3A_311 = vector.shape_cast %get3A_310 : vector<1x16xf32> to vector<16xf32>
    %select_n3A_312 = arith.select %gt3A_305, %get3A_311, %select_n3A_299 : vector<16xi1>, vector<16xf32>
    %get3A_313 = arith.constant 24 : i32
    %get3A_314 = arith.index_cast %get3A_313 : i32 to index
    %get3A_315 = arith.constant 0 : index
    %get3A_316 = tpu.vector_load %arg4[%get3A_314, %get3A_315] {strides = array<i32>} : memref<128x64xf32, #tpu.memory_space<vmem>>, vector<1x16xf32>,
    %get3A_317 = vector.shape_cast %get3A_316 : vector<1x16xf32> to vector<16xf32>
    %gt3A_318 = arith.cmpf ogt, %get3A_317, %select_n3A_306 : vector<16xf32>
    %select_n3A_319 = arith.select %gt3A_318, %get3A_317, %select_n3A_306 : vector<16xi1>, vector<16xf32>
    %get3A_320 = arith.constant 88 : i32
    %get3A_321 = arith.index_cast %get3A_320 : i32 to index
    %get3A_322 = arith.constant 0 : index
    %get3A_323 = tpu.vector_load %arg4[%get3A_321, %get3A_322] {strides = array<i32>} : memref<128x64xf32, #tpu.memory_space<vmem>>, vector<1x16xf32>,
    %get3A_324 = vector.shape_cast %get3A_323 : vector<1x16xf32> to vector<16xf32>
    %select_n3A_325 = arith.select %gt3A_318, %get3A_324, %select_n3A_312 : vector<16xi1>, vector<16xf32>
    %get3A_326 = arith.constant 25 : i32
    %get3A_327 = arith.index_cast %get3A_326 : i32 to index
    %get3A_328 = arith.constant 0 : index
    %get3A_329 = tpu.vector_load %arg4[%get3A_327, %get3A_328] {strides = array<i32>} : memref<128x64xf32, #tpu.memory_space<vmem>>, vector<1x16xf32>,
    %get3A_330 = vector.shape_cast %get3A_329 : vector<1x16xf32> to vector<16xf32>
    %gt3A_331 = arith.cmpf ogt, %get3A_330, %select_n3A_319 : vector<16xf32>
    %select_n3A_332 = arith.select %gt3A_331, %get3A_330, %select_n3A_319 : vector<16xi1>, vector<16xf32>
    %get3A_333 = arith.constant 89 : i32
    %get3A_334 = arith.index_cast %get3A_333 : i32 to index
    %get3A_335 = arith.constant 0 : index
    %get3A_336 = tpu.vector_load %arg4[%get3A_334, %get3A_335] {strides = array<i32>} : memref<128x64xf32, #tpu.memory_space<vmem>>, vector<1x16xf32>,
    %get3A_337 = vector.shape_cast %get3A_336 : vector<1x16xf32> to vector<16xf32>
    %select_n3A_338 = arith.select %gt3A_331, %get3A_337, %select_n3A_325 : vector<16xi1>, vector<16xf32>
    %get3A_339 = arith.constant 26 : i32
    %get3A_340 = arith.index_cast %get3A_339 : i32 to index
    %get3A_341 = arith.constant 0 : index
    %get3A_342 = tpu.vector_load %arg4[%get3A_340, %get3A_341] {strides = array<i32>} : memref<128x64xf32, #tpu.memory_space<vmem>>, vector<1x16xf32>,
    %get3A_343 = vector.shape_cast %get3A_342 : vector<1x16xf32> to vector<16xf32>
    %gt3A_344 = arith.cmpf ogt, %get3A_343, %select_n3A_332 : vector<16xf32>
    %select_n3A_345 = arith.select %gt3A_344, %get3A_343, %select_n3A_332 : vector<16xi1>, vector<16xf32>
    %get3A_346 = arith.constant 90 : i32
    %get3A_347 = arith.index_cast %get3A_346 : i32 to index
    %get3A_348 = arith.constant 0 : index
    %get3A_349 = tpu.vector_load %arg4[%get3A_347, %get3A_348] {strides = array<i32>} : memref<128x64xf32, #tpu.memory_space<vmem>>, vector<1x16xf32>,
    %get3A_350 = vector.shape_cast %get3A_349 : vector<1x16xf32> to vector<16xf32>
    %select_n3A_351 = arith.select %gt3A_344, %get3A_350, %select_n3A_338 : vector<16xi1>, vector<16xf32>
    %get3A_352 = arith.constant 27 : i32
    %get3A_353 = arith.index_cast %get3A_352 : i32 to index
    %get3A_354 = arith.constant 0 : index
    %get3A_355 = tpu.vector_load %arg4[%get3A_353, %get3A_354] {strides = array<i32>} : memref<128x64xf32, #tpu.memory_space<vmem>>, vector<1x16xf32>,
    %get3A_356 = vector.shape_cast %get3A_355 : vector<1x16xf32> to vector<16xf32>
    %gt3A_357 = arith.cmpf ogt, %get3A_356, %select_n3A_345 : vector<16xf32>
    %select_n3A_358 = arith.select %gt3A_357, %get3A_356, %select_n3A_345 : vector<16xi1>, vector<16xf32>
    %get3A_359 = arith.constant 91 : i32
    %get3A_360 = arith.index_cast %get3A_359 : i32 to index
    %get3A_361 = arith.constant 0 : index
    %get3A_362 = tpu.vector_load %arg4[%get3A_360, %get3A_361] {strides = array<i32>} : memref<128x64xf32, #tpu.memory_space<vmem>>, vector<1x16xf32>,
    %get3A_363 = vector.shape_cast %get3A_362 : vector<1x16xf32> to vector<16xf32>
    %select_n3A_364 = arith.select %gt3A_357, %get3A_363, %select_n3A_351 : vector<16xi1>, vector<16xf32>
    %get3A_365 = arith.constant 28 : i32
    %get3A_366 = arith.index_cast %get3A_365 : i32 to index
    %get3A_367 = arith.constant 0 : index
    %get3A_368 = tpu.vector_load %arg4[%get3A_366, %get3A_367] {strides = array<i32>} : memref<128x64xf32, #tpu.memory_space<vmem>>, vector<1x16xf32>,
    %get3A_369 = vector.shape_cast %get3A_368 : vector<1x16xf32> to vector<16xf32>
    %gt3A_370 = arith.cmpf ogt, %get3A_369, %select_n3A_358 : vector<16xf32>
    %select_n3A_371 = arith.select %gt3A_370, %get3A_369, %select_n3A_358 : vector<16xi1>, vector<16xf32>
    %get3A_372 = arith.constant 92 : i32
    %get3A_373 = arith.index_cast %get3A_372 : i32 to index
    %get3A_374 = arith.constant 0 : index
    %get3A_375 = tpu.vector_load %arg4[%get3A_373, %get3A_374] {strides = array<i32>} : memref<128x64xf32, #tpu.memory_space<vmem>>, vector<1x16xf32>,
    %get3A_376 = vector.shape_cast %get3A_375 : vector<1x16xf32> to vector<16xf32>
    %select_n3A_377 = arith.select %gt3A_370, %get3A_376, %select_n3A_364 : vector<16xi1>, vector<16xf32>
    %get3A_378 = arith.constant 29 : i32
    %get3A_379 = arith.index_cast %get3A_378 : i32 to index
    %get3A_380 = arith.constant 0 : index
    %get3A_381 = tpu.vector_load %arg4[%get3A_379, %get3A_380] {strides = array<i32>} : memref<128x64xf32, #tpu.memory_space<vmem>>, vector<1x16xf32>,
    %get3A_382 = vector.shape_cast %get3A_381 : vector<1x16xf32> to vector<16xf32>
    %gt3A_383 = arith.cmpf ogt, %get3A_382, %select_n3A_371 : vector<16xf32>
    %select_n3A_384 = arith.select %gt3A_383, %get3A_382, %select_n3A_371 : vector<16xi1>, vector<16xf32>
    %get3A_385 = arith.constant 93 : i32
    %get3A_386 = arith.index_cast %get3A_385 : i32 to index
    %get3A_387 = arith.constant 0 : index
    %get3A_388 = tpu.vector_load %arg4[%get3A_386, %get3A_387] {strides = array<i32>} : memref<128x64xf32, #tpu.memory_space<vmem>>, vector<1x16xf32>,
    %get3A_389 = vector.shape_cast %get3A_388 : vector<1x16xf32> to vector<16xf32>
    %select_n3A_390 = arith.select %gt3A_383, %get3A_389, %select_n3A_377 : vector<16xi1>, vector<16xf32>
    %get3A_391 = arith.constant 30 : i32
    %get3A_392 = arith.index_cast %get3A_391 : i32 to index
    %get3A_393 = arith.constant 0 : index
    %get3A_394 = tpu.vector_load %arg4[%get3A_392, %get3A_393] {strides = array<i32>} : memref<128x64xf32, #tpu.memory_space<vmem>>, vector<1x16xf32>,
    %get3A_395 = vector.shape_cast %get3A_394 : vector<1x16xf32> to vector<16xf32>
    %gt3A_396 = arith.cmpf ogt, %get3A_395, %select_n3A_384 : vector<16xf32>
    %select_n3A_397 = arith.select %gt3A_396, %get3A_395, %select_n3A_384 : vector<16xi1>, vector<16xf32>
    %get3A_398 = arith.constant 94 : i32
    %get3A_399 = arith.index_cast %get3A_398 : i32 to index
    %get3A_400 = arith.constant 0 : index
    %get3A_401 = tpu.vector_load %arg4[%get3A_399, %get3A_400] {strides = array<i32>} : memref<128x64xf32, #tpu.memory_space<vmem>>, vector<1x16xf32>,
    %get3A_402 = vector.shape_cast %get3A_401 : vector<1x16xf32> to vector<16xf32>
    %select_n3A_403 = arith.select %gt3A_396, %get3A_402, %select_n3A_390 : vector<16xi1>, vector<16xf32>
    %get3A_404 = arith.constant 31 : i32
    %get3A_405 = arith.index_cast %get3A_404 : i32 to index
    %get3A_406 = arith.constant 0 : index
    %get3A_407 = tpu.vector_load %arg4[%get3A_405, %get3A_406] {strides = array<i32>} : memref<128x64xf32, #tpu.memory_space<vmem>>, vector<1x16xf32>,
    %get3A_408 = vector.shape_cast %get3A_407 : vector<1x16xf32> to vector<16xf32>
    %gt3A_409 = arith.cmpf ogt, %get3A_408, %select_n3A_397 : vector<16xf32>
    %select_n3A_410 = arith.select %gt3A_409, %get3A_408, %select_n3A_397 : vector<16xi1>, vector<16xf32>
    %get3A_411 = arith.constant 95 : i32
    %get3A_412 = arith.index_cast %get3A_411 : i32 to index
    %get3A_413 = arith.constant 0 : index
    %get3A_414 = tpu.vector_load %arg4[%get3A_412, %get3A_413] {strides = array<i32>} : memref<128x64xf32, #tpu.memory_space<vmem>>, vector<1x16xf32>,
    %get3A_415 = vector.shape_cast %get3A_414 : vector<1x16xf32> to vector<16xf32>
    %select_n3A_416 = arith.select %gt3A_409, %get3A_415, %select_n3A_403 : vector<16xi1>, vector<16xf32>
    %get3A_417 = arith.constant 32 : i32
    %get3A_418 = arith.index_cast %get3A_417 : i32 to index
    %get3A_419 = arith.constant 0 : index
    %get3A_420 = tpu.vector_load %arg4[%get3A_418, %get3A_419] {strides = array<i32>} : memref<128x64xf32, #tpu.memory_space<vmem>>, vector<1x16xf32>,
    %get3A_421 = vector.shape_cast %get3A_420 : vector<1x16xf32> to vector<16xf32>
    %gt3A_422 = arith.cmpf ogt, %get3A_421, %select_n3A_410 : vector<16xf32>
    %select_n3A_423 = arith.select %gt3A_422, %get3A_421, %select_n3A_410 : vector<16xi1>, vector<16xf32>
    %get3A_424 = arith.constant 96 : i32
    %get3A_425 = arith.index_cast %get3A_424 : i32 to index
    %get3A_426 = arith.constant 0 : index
    %get3A_427 = tpu.vector_load %arg4[%get3A_425, %get3A_426] {strides = array<i32>} : memref<128x64xf32, #tpu.memory_space<vmem>>, vector<1x16xf32>,
    %get3A_428 = vector.shape_cast %get3A_427 : vector<1x16xf32> to vector<16xf32>
    %select_n3A_429 = arith.select %gt3A_422, %get3A_428, %select_n3A_416 : vector<16xi1>, vector<16xf32>
    %get3A_430 = arith.constant 33 : i32
    %get3A_431 = arith.index_cast %get3A_430 : i32 to index
    %get3A_432 = arith.constant 0 : index
    %get3A_433 = tpu.vector_load %arg4[%get3A_431, %get3A_432] {strides = array<i32>} : memref<128x64xf32, #tpu.memory_space<vmem>>, vector<1x16xf32>,
    %get3A_434 = vector.shape_cast %get3A_433 : vector<1x16xf32> to vector<16xf32>
    %gt3A_435 = arith.cmpf ogt, %get3A_434, %select_n3A_423 : vector<16xf32>
    %select_n3A_436 = arith.select %gt3A_435, %get3A_434, %select_n3A_423 : vector<16xi1>, vector<16xf32>
    %get3A_437 = arith.constant 97 : i32
    %get3A_438 = arith.index_cast %get3A_437 : i32 to index
    %get3A_439 = arith.constant 0 : index
    %get3A_440 = tpu.vector_load %arg4[%get3A_438, %get3A_439] {strides = array<i32>} : memref<128x64xf32, #tpu.memory_space<vmem>>, vector<1x16xf32>,
    %get3A_441 = vector.shape_cast %get3A_440 : vector<1x16xf32> to vector<16xf32>
    %select_n3A_442 = arith.select %gt3A_435, %get3A_441, %select_n3A_429 : vector<16xi1>, vector<16xf32>
    %get3A_443 = arith.constant 34 : i32
    %get3A_444 = arith.index_cast %get3A_443 : i32 to index
    %get3A_445 = arith.constant 0 : index
    %get3A_446 = tpu.vector_load %arg4[%get3A_444, %get3A_445] {strides = array<i32>} : memref<128x64xf32, #tpu.memory_space<vmem>>, vector<1x16xf32>,
    %get3A_447 = vector.shape_cast %get3A_446 : vector<1x16xf32> to vector<16xf32>
    %gt3A_448 = arith.cmpf ogt, %get3A_447, %select_n3A_436 : vector<16xf32>
    %select_n3A_449 = arith.select %gt3A_448, %get3A_447, %select_n3A_436 : vector<16xi1>, vector<16xf32>
    %get3A_450 = arith.constant 98 : i32
    %get3A_451 = arith.index_cast %get3A_450 : i32 to index
    %get3A_452 = arith.constant 0 : index
    %get3A_453 = tpu.vector_load %arg4[%get3A_451, %get3A_452] {strides = array<i32>} : memref<128x64xf32, #tpu.memory_space<vmem>>, vector<1x16xf32>,
    %get3A_454 = vector.shape_cast %get3A_453 : vector<1x16xf32> to vector<16xf32>
    %select_n3A_455 = arith.select %gt3A_448, %get3A_454, %select_n3A_442 : vector<16xi1>, vector<16xf32>
    %get3A_456 = arith.constant 35 : i32
    %get3A_457 = arith.index_cast %get3A_456 : i32 to index
    %get3A_458 = arith.constant 0 : index
    %get3A_459 = tpu.vector_load %arg4[%get3A_457, %get3A_458] {strides = array<i32>} : memref<128x64xf32, #tpu.memory_space<vmem>>, vector<1x16xf32>,
    %get3A_460 = vector.shape_cast %get3A_459 : vector<1x16xf32> to vector<16xf32>
    %gt3A_461 = arith.cmpf ogt, %get3A_460, %select_n3A_449 : vector<16xf32>
    %select_n3A_462 = arith.select %gt3A_461, %get3A_460, %select_n3A_449 : vector<16xi1>, vector<16xf32>
    %get3A_463 = arith.constant 99 : i32
    %get3A_464 = arith.index_cast %get3A_463 : i32 to index
    %get3A_465 = arith.constant 0 : index
    %get3A_466 = tpu.vector_load %arg4[%get3A_464, %get3A_465] {strides = array<i32>} : memref<128x64xf32, #tpu.memory_space<vmem>>, vector<1x16xf32>,
    %get3A_467 = vector.shape_cast %get3A_466 : vector<1x16xf32> to vector<16xf32>
    %select_n3A_468 = arith.select %gt3A_461, %get3A_467, %select_n3A_455 : vector<16xi1>, vector<16xf32>
    %get3A_469 = arith.constant 36 : i32
    %get3A_470 = arith.index_cast %get3A_469 : i32 to index
    %get3A_471 = arith.constant 0 : index
    %get3A_472 = tpu.vector_load %arg4[%get3A_470, %get3A_471] {strides = array<i32>} : memref<128x64xf32, #tpu.memory_space<vmem>>, vector<1x16xf32>,
    %get3A_473 = vector.shape_cast %get3A_472 : vector<1x16xf32> to vector<16xf32>
    %gt3A_474 = arith.cmpf ogt, %get3A_473, %select_n3A_462 : vector<16xf32>
    %select_n3A_475 = arith.select %gt3A_474, %get3A_473, %select_n3A_462 : vector<16xi1>, vector<16xf32>
    %get3A_476 = arith.constant 100 : i32
    %get3A_477 = arith.index_cast %get3A_476 : i32 to index
    %get3A_478 = arith.constant 0 : index
    %get3A_479 = tpu.vector_load %arg4[%get3A_477, %get3A_478] {strides = array<i32>} : memref<128x64xf32, #tpu.memory_space<vmem>>, vector<1x16xf32>,
    %get3A_480 = vector.shape_cast %get3A_479 : vector<1x16xf32> to vector<16xf32>
    %select_n3A_481 = arith.select %gt3A_474, %get3A_480, %select_n3A_468 : vector<16xi1>, vector<16xf32>
    %get3A_482 = arith.constant 37 : i32
    %get3A_483 = arith.index_cast %get3A_482 : i32 to index
    %get3A_484 = arith.constant 0 : index
    %get3A_485 = tpu.vector_load %arg4[%get3A_483, %get3A_484] {strides = array<i32>} : memref<128x64xf32, #tpu.memory_space<vmem>>, vector<1x16xf32>,
    %get3A_486 = vector.shape_cast %get3A_485 : vector<1x16xf32> to vector<16xf32>
    %gt3A_487 = arith.cmpf ogt, %get3A_486, %select_n3A_475 : vector<16xf32>
    %select_n3A_488 = arith.select %gt3A_487, %get3A_486, %select_n3A_475 : vector<16xi1>, vector<16xf32>
    %get3A_489 = arith.constant 101 : i32
    %get3A_490 = arith.index_cast %get3A_489 : i32 to index
    %get3A_491 = arith.constant 0 : index
    %get3A_492 = tpu.vector_load %arg4[%get3A_490, %get3A_491] {strides = array<i32>} : memref<128x64xf32, #tpu.memory_space<vmem>>, vector<1x16xf32>,
    %get3A_493 = vector.shape_cast %get3A_492 : vector<1x16xf32> to vector<16xf32>
    %select_n3A_494 = arith.select %gt3A_487, %get3A_493, %select_n3A_481 : vector<16xi1>, vector<16xf32>
    %get3A_495 = arith.constant 38 : i32
    %get3A_496 = arith.index_cast %get3A_495 : i32 to index
    %get3A_497 = arith.constant 0 : index
    %get3A_498 = tpu.vector_load %arg4[%get3A_496, %get3A_497] {strides = array<i32>} : memref<128x64xf32, #tpu.memory_space<vmem>>, vector<1x16xf32>,
    %get3A_499 = vector.shape_cast %get3A_498 : vector<1x16xf32> to vector<16xf32>
    %gt3A_500 = arith.cmpf ogt, %get3A_499, %select_n3A_488 : vector<16xf32>
    %select_n3A_501 = arith.select %gt3A_500, %get3A_499, %select_n3A_488 : vector<16xi1>, vector<16xf32>
    %get3A_502 = arith.constant 102 : i32
    %get3A_503 = arith.index_cast %get3A_502 : i32 to index
    %get3A_504 = arith.constant 0 : index
    %get3A_505 = tpu.vector_load %arg4[%get3A_503, %get3A_504] {strides = array<i32>} : memref<128x64xf32, #tpu.memory_space<vmem>>, vector<1x16xf32>,
    %get3A_506 = vector.shape_cast %get3A_505 : vector<1x16xf32> to vector<16xf32>
    %select_n3A_507 = arith.select %gt3A_500, %get3A_506, %select_n3A_494 : vector<16xi1>, vector<16xf32>
    %get3A_508 = arith.constant 39 : i32
    %get3A_509 = arith.index_cast %get3A_508 : i32 to index
    %get3A_510 = arith.constant 0 : index
    %get3A_511 = tpu.vector_load %arg4[%get3A_509, %get3A_510] {strides = array<i32>} : memref<128x64xf32, #tpu.memory_space<vmem>>, vector<1x16xf32>,
    %get3A_512 = vector.shape_cast %get3A_511 : vector<1x16xf32> to vector<16xf32>
    %gt3A_513 = arith.cmpf ogt, %get3A_512, %select_n3A_501 : vector<16xf32>
    %select_n3A_514 = arith.select %gt3A_513, %get3A_512, %select_n3A_501 : vector<16xi1>, vector<16xf32>
    %get3A_515 = arith.constant 103 : i32
    %get3A_516 = arith.index_cast %get3A_515 : i32 to index
    %get3A_517 = arith.constant 0 : index
    %get3A_518 = tpu.vector_load %arg4[%get3A_516, %get3A_517] {strides = array<i32>} : memref<128x64xf32, #tpu.memory_space<vmem>>, vector<1x16xf32>,
    %get3A_519 = vector.shape_cast %get3A_518 : vector<1x16xf32> to vector<16xf32>
    %select_n3A_520 = arith.select %gt3A_513, %get3A_519, %select_n3A_507 : vector<16xi1>, vector<16xf32>
    %get3A_521 = arith.constant 40 : i32
    %get3A_522 = arith.index_cast %get3A_521 : i32 to index
    %get3A_523 = arith.constant 0 : index
    %get3A_524 = tpu.vector_load %arg4[%get3A_522, %get3A_523] {strides = array<i32>} : memref<128x64xf32, #tpu.memory_space<vmem>>, vector<1x16xf32>,
    %get3A_525 = vector.shape_cast %get3A_524 : vector<1x16xf32> to vector<16xf32>
    %gt3A_526 = arith.cmpf ogt, %get3A_525, %select_n3A_514 : vector<16xf32>
    %select_n3A_527 = arith.select %gt3A_526, %get3A_525, %select_n3A_514 : vector<16xi1>, vector<16xf32>
    %get3A_528 = arith.constant 104 : i32
    %get3A_529 = arith.index_cast %get3A_528 : i32 to index
    %get3A_530 = arith.constant 0 : index
    %get3A_531 = tpu.vector_load %arg4[%get3A_529, %get3A_530] {strides = array<i32>} : memref<128x64xf32, #tpu.memory_space<vmem>>, vector<1x16xf32>,
    %get3A_532 = vector.shape_cast %get3A_531 : vector<1x16xf32> to vector<16xf32>
    %select_n3A_533 = arith.select %gt3A_526, %get3A_532, %select_n3A_520 : vector<16xi1>, vector<16xf32>
    %get3A_534 = arith.constant 41 : i32
    %get3A_535 = arith.index_cast %get3A_534 : i32 to index
    %get3A_536 = arith.constant 0 : index
    %get3A_537 = tpu.vector_load %arg4[%get3A_535, %get3A_536] {strides = array<i32>} : memref<128x64xf32, #tpu.memory_space<vmem>>, vector<1x16xf32>,
    %get3A_538 = vector.shape_cast %get3A_537 : vector<1x16xf32> to vector<16xf32>
    %gt3A_539 = arith.cmpf ogt, %get3A_538, %select_n3A_527 : vector<16xf32>
    %select_n3A_540 = arith.select %gt3A_539, %get3A_538, %select_n3A_527 : vector<16xi1>, vector<16xf32>
    %get3A_541 = arith.constant 105 : i32
    %get3A_542 = arith.index_cast %get3A_541 : i32 to index
    %get3A_543 = arith.constant 0 : index
    %get3A_544 = tpu.vector_load %arg4[%get3A_542, %get3A_543] {strides = array<i32>} : memref<128x64xf32, #tpu.memory_space<vmem>>, vector<1x16xf32>,
    %get3A_545 = vector.shape_cast %get3A_544 : vector<1x16xf32> to vector<16xf32>
    %select_n3A_546 = arith.select %gt3A_539, %get3A_545, %select_n3A_533 : vector<16xi1>, vector<16xf32>
    %get3A_547 = arith.constant 42 : i32
    %get3A_548 = arith.index_cast %get3A_547 : i32 to index
    %get3A_549 = arith.constant 0 : index
    %get3A_550 = tpu.vector_load %arg4[%get3A_548, %get3A_549] {strides = array<i32>} : memref<128x64xf32, #tpu.memory_space<vmem>>, vector<1x16xf32>,
    %get3A_551 = vector.shape_cast %get3A_550 : vector<1x16xf32> to vector<16xf32>
    %gt3A_552 = arith.cmpf ogt, %get3A_551, %select_n3A_540 : vector<16xf32>
    %select_n3A_553 = arith.select %gt3A_552, %get3A_551, %select_n3A_540 : vector<16xi1>, vector<16xf32>
    %get3A_554 = arith.constant 106 : i32
    %get3A_555 = arith.index_cast %get3A_554 : i32 to index
    %get3A_556 = arith.constant 0 : index
    %get3A_557 = tpu.vector_load %arg4[%get3A_555, %get3A_556] {strides = array<i32>} : memref<128x64xf32, #tpu.memory_space<vmem>>, vector<1x16xf32>,
    %get3A_558 = vector.shape_cast %get3A_557 : vector<1x16xf32> to vector<16xf32>
    %select_n3A_559 = arith.select %gt3A_552, %get3A_558, %select_n3A_546 : vector<16xi1>, vector<16xf32>
    %get3A_560 = arith.constant 43 : i32
    %get3A_561 = arith.index_cast %get3A_560 : i32 to index
    %get3A_562 = arith.constant 0 : index
    %get3A_563 = tpu.vector_load %arg4[%get3A_561, %get3A_562] {strides = array<i32>} : memref<128x64xf32, #tpu.memory_space<vmem>>, vector<1x16xf32>,
    %get3A_564 = vector.shape_cast %get3A_563 : vector<1x16xf32> to vector<16xf32>
    %gt3A_565 = arith.cmpf ogt, %get3A_564, %select_n3A_553 : vector<16xf32>
    %select_n3A_566 = arith.select %gt3A_565, %get3A_564, %select_n3A_553 : vector<16xi1>, vector<16xf32>
    %get3A_567 = arith.constant 107 : i32
    %get3A_568 = arith.index_cast %get3A_567 : i32 to index
    %get3A_569 = arith.constant 0 : index
    %get3A_570 = tpu.vector_load %arg4[%get3A_568, %get3A_569] {strides = array<i32>} : memref<128x64xf32, #tpu.memory_space<vmem>>, vector<1x16xf32>,
    %get3A_571 = vector.shape_cast %get3A_570 : vector<1x16xf32> to vector<16xf32>
    %select_n3A_572 = arith.select %gt3A_565, %get3A_571, %select_n3A_559 : vector<16xi1>, vector<16xf32>
    %get3A_573 = arith.constant 44 : i32
    %get3A_574 = arith.index_cast %get3A_573 : i32 to index
    %get3A_575 = arith.constant 0 : index
    %get3A_576 = tpu.vector_load %arg4[%get3A_574, %get3A_575] {strides = array<i32>} : memref<128x64xf32, #tpu.memory_space<vmem>>, vector<1x16xf32>,
    %get3A_577 = vector.shape_cast %get3A_576 : vector<1x16xf32> to vector<16xf32>
    %gt3A_578 = arith.cmpf ogt, %get3A_577, %select_n3A_566 : vector<16xf32>
    %select_n3A_579 = arith.select %gt3A_578, %get3A_577, %select_n3A_566 : vector<16xi1>, vector<16xf32>
    %get3A_580 = arith.constant 108 : i32
    %get3A_581 = arith.index_cast %get3A_580 : i32 to index
    %get3A_582 = arith.constant 0 : index
    %get3A_583 = tpu.vector_load %arg4[%get3A_581, %get3A_582] {strides = array<i32>} : memref<128x64xf32, #tpu.memory_space<vmem>>, vector<1x16xf32>,
    %get3A_584 = vector.shape_cast %get3A_583 : vector<1x16xf32> to vector<16xf32>
    %select_n3A_585 = arith.select %gt3A_578, %get3A_584, %select_n3A_572 : vector<16xi1>, vector<16xf32>
    %get3A_586 = arith.constant 45 : i32
    %get3A_587 = arith.index_cast %get3A_586 : i32 to index
    %get3A_588 = arith.constant 0 : index
    %get3A_589 = tpu.vector_load %arg4[%get3A_587, %get3A_588] {strides = array<i32>} : memref<128x64xf32, #tpu.memory_space<vmem>>, vector<1x16xf32>,
    %get3A_590 = vector.shape_cast %get3A_589 : vector<1x16xf32> to vector<16xf32>
    %gt3A_591 = arith.cmpf ogt, %get3A_590, %select_n3A_579 : vector<16xf32>
    %select_n3A_592 = arith.select %gt3A_591, %get3A_590, %select_n3A_579 : vector<16xi1>, vector<16xf32>
    %get3A_593 = arith.constant 109 : i32
    %get3A_594 = arith.index_cast %get3A_593 : i32 to index
    %get3A_595 = arith.constant 0 : index
    %get3A_596 = tpu.vector_load %arg4[%get3A_594, %get3A_595] {strides = array<i32>} : memref<128x64xf32, #tpu.memory_space<vmem>>, vector<1x16xf32>,
    %get3A_597 = vector.shape_cast %get3A_596 : vector<1x16xf32> to vector<16xf32>
    %select_n3A_598 = arith.select %gt3A_591, %get3A_597, %select_n3A_585 : vector<16xi1>, vector<16xf32>
    %get3A_599 = arith.constant 46 : i32
    %get3A_600 = arith.index_cast %get3A_599 : i32 to index
    %get3A_601 = arith.constant 0 : index
    %get3A_602 = tpu.vector_load %arg4[%get3A_600, %get3A_601] {strides = array<i32>} : memref<128x64xf32, #tpu.memory_space<vmem>>, vector<1x16xf32>,
    %get3A_603 = vector.shape_cast %get3A_602 : vector<1x16xf32> to vector<16xf32>
    %gt3A_604 = arith.cmpf ogt, %get3A_603, %select_n3A_592 : vector<16xf32>
    %select_n3A_605 = arith.select %gt3A_604, %get3A_603, %select_n3A_592 : vector<16xi1>, vector<16xf32>
    %get3A_606 = arith.constant 110 : i32
    %get3A_607 = arith.index_cast %get3A_606 : i32 to index
    %get3A_608 = arith.constant 0 : index
    %get3A_609 = tpu.vector_load %arg4[%get3A_607, %get3A_608] {strides = array<i32>} : memref<128x64xf32, #tpu.memory_space<vmem>>, vector<1x16xf32>,
    %get3A_610 = vector.shape_cast %get3A_609 : vector<1x16xf32> to vector<16xf32>
    %select_n3A_611 = arith.select %gt3A_604, %get3A_610, %select_n3A_598 : vector<16xi1>, vector<16xf32>
    %get3A_612 = arith.constant 47 : i32
    %get3A_613 = arith.index_cast %get3A_612 : i32 to index
    %get3A_614 = arith.constant 0 : index
    %get3A_615 = tpu.vector_load %arg4[%get3A_613, %get3A_614] {strides = array<i32>} : memref<128x64xf32, #tpu.memory_space<vmem>>, vector<1x16xf32>,
    %get3A_616 = vector.shape_cast %get3A_615 : vector<1x16xf32> to vector<16xf32>
    %gt3A_617 = arith.cmpf ogt, %get3A_616, %select_n3A_605 : vector<16xf32>
    %select_n3A_618 = arith.select %gt3A_617, %get3A_616, %select_n3A_605 : vector<16xi1>, vector<16xf32>
    %get3A_619 = arith.constant 111 : i32
    %get3A_620 = arith.index_cast %get3A_619 : i32 to index
    %get3A_621 = arith.constant 0 : index
    %get3A_622 = tpu.vector_load %arg4[%get3A_620, %get3A_621] {strides = array<i32>} : memref<128x64xf32, #tpu.memory_space<vmem>>, vector<1x16xf32>,
    %get3A_623 = vector.shape_cast %get3A_622 : vector<1x16xf32> to vector<16xf32>
    %select_n3A_624 = arith.select %gt3A_617, %get3A_623, %select_n3A_611 : vector<16xi1>, vector<16xf32>
    %get3A_625 = arith.constant 48 : i32
    %get3A_626 = arith.index_cast %get3A_625 : i32 to index
    %get3A_627 = arith.constant 0 : index
    %get3A_628 = tpu.vector_load %arg4[%get3A_626, %get3A_627] {strides = array<i32>} : memref<128x64xf32, #tpu.memory_space<vmem>>, vector<1x16xf32>,
    %get3A_629 = vector.shape_cast %get3A_628 : vector<1x16xf32> to vector<16xf32>
    %gt3A_630 = arith.cmpf ogt, %get3A_629, %select_n3A_618 : vector<16xf32>
    %select_n3A_631 = arith.select %gt3A_630, %get3A_629, %select_n3A_618 : vector<16xi1>, vector<16xf32>
    %get3A_632 = arith.constant 112 : i32
    %get3A_633 = arith.index_cast %get3A_632 : i32 to index
    %get3A_634 = arith.constant 0 : index
    %get3A_635 = tpu.vector_load %arg4[%get3A_633, %get3A_634] {strides = array<i32>} : memref<128x64xf32, #tpu.memory_space<vmem>>, vector<1x16xf32>,
    %get3A_636 = vector.shape_cast %get3A_635 : vector<1x16xf32> to vector<16xf32>
    %select_n3A_637 = arith.select %gt3A_630, %get3A_636, %select_n3A_624 : vector<16xi1>, vector<16xf32>
    %get3A_638 = arith.constant 49 : i32
    %get3A_639 = arith.index_cast %get3A_638 : i32 to index
    %get3A_640 = arith.constant 0 : index
    %get3A_641 = tpu.vector_load %arg4[%get3A_639, %get3A_640] {strides = array<i32>} : memref<128x64xf32, #tpu.memory_space<vmem>>, vector<1x16xf32>,
    %get3A_642 = vector.shape_cast %get3A_641 : vector<1x16xf32> to vector<16xf32>
    %gt3A_643 = arith.cmpf ogt, %get3A_642, %select_n3A_631 : vector<16xf32>
    %select_n3A_644 = arith.select %gt3A_643, %get3A_642, %select_n3A_631 : vector<16xi1>, vector<16xf32>
    %get3A_645 = arith.constant 113 : i32
    %get3A_646 = arith.index_cast %get3A_645 : i32 to index
    %get3A_647 = arith.constant 0 : index
    %get3A_648 = tpu.vector_load %arg4[%get3A_646, %get3A_647] {strides = array<i32>} : memref<128x64xf32, #tpu.memory_space<vmem>>, vector<1x16xf32>,
    %get3A_649 = vector.shape_cast %get3A_648 : vector<1x16xf32> to vector<16xf32>
    %select_n3A_650 = arith.select %gt3A_643, %get3A_649, %select_n3A_637 : vector<16xi1>, vector<16xf32>
    %get3A_651 = arith.constant 50 : i32
    %get3A_652 = arith.index_cast %get3A_651 : i32 to index
    %get3A_653 = arith.constant 0 : index
    %get3A_654 = tpu.vector_load %arg4[%get3A_652, %get3A_653] {strides = array<i32>} : memref<128x64xf32, #tpu.memory_space<vmem>>, vector<1x16xf32>,
    %get3A_655 = vector.shape_cast %get3A_654 : vector<1x16xf32> to vector<16xf32>
    %gt3A_656 = arith.cmpf ogt, %get3A_655, %select_n3A_644 : vector<16xf32>
    %select_n3A_657 = arith.select %gt3A_656, %get3A_655, %select_n3A_644 : vector<16xi1>, vector<16xf32>
    %get3A_658 = arith.constant 114 : i32
    %get3A_659 = arith.index_cast %get3A_658 : i32 to index
    %get3A_660 = arith.constant 0 : index
    %get3A_661 = tpu.vector_load %arg4[%get3A_659, %get3A_660] {strides = array<i32>} : memref<128x64xf32, #tpu.memory_space<vmem>>, vector<1x16xf32>,
    %get3A_662 = vector.shape_cast %get3A_661 : vector<1x16xf32> to vector<16xf32>
    %select_n3A_663 = arith.select %gt3A_656, %get3A_662, %select_n3A_650 : vector<16xi1>, vector<16xf32>
    %get3A_664 = arith.constant 51 : i32
    %get3A_665 = arith.index_cast %get3A_664 : i32 to index
    %get3A_666 = arith.constant 0 : index
    %get3A_667 = tpu.vector_load %arg4[%get3A_665, %get3A_666] {strides = array<i32>} : memref<128x64xf32, #tpu.memory_space<vmem>>, vector<1x16xf32>,
    %get3A_668 = vector.shape_cast %get3A_667 : vector<1x16xf32> to vector<16xf32>
    %gt3A_669 = arith.cmpf ogt, %get3A_668, %select_n3A_657 : vector<16xf32>
    %select_n3A_670 = arith.select %gt3A_669, %get3A_668, %select_n3A_657 : vector<16xi1>, vector<16xf32>
    %get3A_671 = arith.constant 115 : i32
    %get3A_672 = arith.index_cast %get3A_671 : i32 to index
    %get3A_673 = arith.constant 0 : index
    %get3A_674 = tpu.vector_load %arg4[%get3A_672, %get3A_673] {strides = array<i32>} : memref<128x64xf32, #tpu.memory_space<vmem>>, vector<1x16xf32>,
    %get3A_675 = vector.shape_cast %get3A_674 : vector<1x16xf32> to vector<16xf32>
    %select_n3A_676 = arith.select %gt3A_669, %get3A_675, %select_n3A_663 : vector<16xi1>, vector<16xf32>
    %get3A_677 = arith.constant 52 : i32
    %get3A_678 = arith.index_cast %get3A_677 : i32 to index
    %get3A_679 = arith.constant 0 : index
    %get3A_680 = tpu.vector_load %arg4[%get3A_678, %get3A_679] {strides = array<i32>} : memref<128x64xf32, #tpu.memory_space<vmem>>, vector<1x16xf32>,
    %get3A_681 = vector.shape_cast %get3A_680 : vector<1x16xf32> to vector<16xf32>
    %gt3A_682 = arith.cmpf ogt, %get3A_681, %select_n3A_670 : vector<16xf32>
    %select_n3A_683 = arith.select %gt3A_682, %get3A_681, %select_n3A_670 : vector<16xi1>, vector<16xf32>
    %get3A_684 = arith.constant 116 : i32
    %get3A_685 = arith.index_cast %get3A_684 : i32 to index
    %get3A_686 = arith.constant 0 : index
    %get3A_687 = tpu.vector_load %arg4[%get3A_685, %get3A_686] {strides = array<i32>} : memref<128x64xf32, #tpu.memory_space<vmem>>, vector<1x16xf32>,
    %get3A_688 = vector.shape_cast %get3A_687 : vector<1x16xf32> to vector<16xf32>
    %select_n3A_689 = arith.select %gt3A_682, %get3A_688, %select_n3A_676 : vector<16xi1>, vector<16xf32>
    %get3A_690 = arith.constant 53 : i32
    %get3A_691 = arith.index_cast %get3A_690 : i32 to index
    %get3A_692 = arith.constant 0 : index
    %get3A_693 = tpu.vector_load %arg4[%get3A_691, %get3A_692] {strides = array<i32>} : memref<128x64xf32, #tpu.memory_space<vmem>>, vector<1x16xf32>,
    %get3A_694 = vector.shape_cast %get3A_693 : vector<1x16xf32> to vector<16xf32>
    %gt3A_695 = arith.cmpf ogt, %get3A_694, %select_n3A_683 : vector<16xf32>
    %select_n3A_696 = arith.select %gt3A_695, %get3A_694, %select_n3A_683 : vector<16xi1>, vector<16xf32>
    %get3A_697 = arith.constant 117 : i32
    %get3A_698 = arith.index_cast %get3A_697 : i32 to index
    %get3A_699 = arith.constant 0 : index
    %get3A_700 = tpu.vector_load %arg4[%get3A_698, %get3A_699] {strides = array<i32>} : memref<128x64xf32, #tpu.memory_space<vmem>>, vector<1x16xf32>,
    %get3A_701 = vector.shape_cast %get3A_700 : vector<1x16xf32> to vector<16xf32>
    %select_n3A_702 = arith.select %gt3A_695, %get3A_701, %select_n3A_689 : vector<16xi1>, vector<16xf32>
    %get3A_703 = arith.constant 54 : i32
    %get3A_704 = arith.index_cast %get3A_703 : i32 to index
    %get3A_705 = arith.constant 0 : index
    %get3A_706 = tpu.vector_load %arg4[%get3A_704, %get3A_705] {strides = array<i32>} : memref<128x64xf32, #tpu.memory_space<vmem>>, vector<1x16xf32>,
    %get3A_707 = vector.shape_cast %get3A_706 : vector<1x16xf32> to vector<16xf32>
    %gt3A_708 = arith.cmpf ogt, %get3A_707, %select_n3A_696 : vector<16xf32>
    %select_n3A_709 = arith.select %gt3A_708, %get3A_707, %select_n3A_696 : vector<16xi1>, vector<16xf32>
    %get3A_710 = arith.constant 118 : i32
    %get3A_711 = arith.index_cast %get3A_710 : i32 to index
    %get3A_712 = arith.constant 0 : index
    %get3A_713 = tpu.vector_load %arg4[%get3A_711, %get3A_712] {strides = array<i32>} : memref<128x64xf32, #tpu.memory_space<vmem>>, vector<1x16xf32>,
    %get3A_714 = vector.shape_cast %get3A_713 : vector<1x16xf32> to vector<16xf32>
    %select_n3A_715 = arith.select %gt3A_708, %get3A_714, %select_n3A_702 : vector<16xi1>, vector<16xf32>
    %get3A_716 = arith.constant 55 : i32
    %get3A_717 = arith.index_cast %get3A_716 : i32 to index
    %get3A_718 = arith.constant 0 : index
    %get3A_719 = tpu.vector_load %arg4[%get3A_717, %get3A_718] {strides = array<i32>} : memref<128x64xf32, #tpu.memory_space<vmem>>, vector<1x16xf32>,
    %get3A_720 = vector.shape_cast %get3A_719 : vector<1x16xf32> to vector<16xf32>
    %gt3A_721 = arith.cmpf ogt, %get3A_720, %select_n3A_709 : vector<16xf32>
    %select_n3A_722 = arith.select %gt3A_721, %get3A_720, %select_n3A_709 : vector<16xi1>, vector<16xf32>
    %get3A_723 = arith.constant 119 : i32
    %get3A_724 = arith.index_cast %get3A_723 : i32 to index
    %get3A_725 = arith.constant 0 : index
    %get3A_726 = tpu.vector_load %arg4[%get3A_724, %get3A_725] {strides = array<i32>} : memref<128x64xf32, #tpu.memory_space<vmem>>, vector<1x16xf32>,
    %get3A_727 = vector.shape_cast %get3A_726 : vector<1x16xf32> to vector<16xf32>
    %select_n3A_728 = arith.select %gt3A_721, %get3A_727, %select_n3A_715 : vector<16xi1>, vector<16xf32>
    %get3A_729 = arith.constant 56 : i32
    %get3A_730 = arith.index_cast %get3A_729 : i32 to index
    %get3A_731 = arith.constant 0 : index
    %get3A_732 = tpu.vector_load %arg4[%get3A_730, %get3A_731] {strides = array<i32>} : memref<128x64xf32, #tpu.memory_space<vmem>>, vector<1x16xf32>,
    %get3A_733 = vector.shape_cast %get3A_732 : vector<1x16xf32> to vector<16xf32>
    %gt3A_734 = arith.cmpf ogt, %get3A_733, %select_n3A_722 : vector<16xf32>
    %select_n3A_735 = arith.select %gt3A_734, %get3A_733, %select_n3A_722 : vector<16xi1>, vector<16xf32>
    %get3A_736 = arith.constant 120 : i32
    %get3A_737 = arith.index_cast %get3A_736 : i32 to index
    %get3A_738 = arith.constant 0 : index
    %get3A_739 = tpu.vector_load %arg4[%get3A_737, %get3A_738] {strides = array<i32>} : memref<128x64xf32, #tpu.memory_space<vmem>>, vector<1x16xf32>,
    %get3A_740 = vector.shape_cast %get3A_739 : vector<1x16xf32> to vector<16xf32>
    %select_n3A_741 = arith.select %gt3A_734, %get3A_740, %select_n3A_728 : vector<16xi1>, vector<16xf32>
    %get3A_742 = arith.constant 57 : i32
    %get3A_743 = arith.index_cast %get3A_742 : i32 to index
    %get3A_744 = arith.constant 0 : index
    %get3A_745 = tpu.vector_load %arg4[%get3A_743, %get3A_744] {strides = array<i32>} : memref<128x64xf32, #tpu.memory_space<vmem>>, vector<1x16xf32>,
    %get3A_746 = vector.shape_cast %get3A_745 : vector<1x16xf32> to vector<16xf32>
    %gt3A_747 = arith.cmpf ogt, %get3A_746, %select_n3A_735 : vector<16xf32>
    %select_n3A_748 = arith.select %gt3A_747, %get3A_746, %select_n3A_735 : vector<16xi1>, vector<16xf32>
    %get3A_749 = arith.constant 121 : i32
    %get3A_750 = arith.index_cast %get3A_749 : i32 to index
    %get3A_751 = arith.constant 0 : index
    %get3A_752 = tpu.vector_load %arg4[%get3A_750, %get3A_751] {strides = array<i32>} : memref<128x64xf32, #tpu.memory_space<vmem>>, vector<1x16xf32>,
    %get3A_753 = vector.shape_cast %get3A_752 : vector<1x16xf32> to vector<16xf32>
    %select_n3A_754 = arith.select %gt3A_747, %get3A_753, %select_n3A_741 : vector<16xi1>, vector<16xf32>
    %get3A_755 = arith.constant 58 : i32
    %get3A_756 = arith.index_cast %get3A_755 : i32 to index
    %get3A_757 = arith.constant 0 : index
    %get3A_758 = tpu.vector_load %arg4[%get3A_756, %get3A_757] {strides = array<i32>} : memref<128x64xf32, #tpu.memory_space<vmem>>, vector<1x16xf32>,
    %get3A_759 = vector.shape_cast %get3A_758 : vector<1x16xf32> to vector<16xf32>
    %gt3A_760 = arith.cmpf ogt, %get3A_759, %select_n3A_748 : vector<16xf32>
    %select_n3A_761 = arith.select %gt3A_760, %get3A_759, %select_n3A_748 : vector<16xi1>, vector<16xf32>
    %get3A_762 = arith.constant 122 : i32
    %get3A_763 = arith.index_cast %get3A_762 : i32 to index
    %get3A_764 = arith.constant 0 : index
    %get3A_765 = tpu.vector_load %arg4[%get3A_763, %get3A_764] {strides = array<i32>} : memref<128x64xf32, #tpu.memory_space<vmem>>, vector<1x16xf32>,
    %get3A_766 = vector.shape_cast %get3A_765 : vector<1x16xf32> to vector<16xf32>
    %select_n3A_767 = arith.select %gt3A_760, %get3A_766, %select_n3A_754 : vector<16xi1>, vector<16xf32>
    %get3A_768 = arith.constant 59 : i32
    %get3A_769 = arith.index_cast %get3A_768 : i32 to index
    %get3A_770 = arith.constant 0 : index
    %get3A_771 = tpu.vector_load %arg4[%get3A_769, %get3A_770] {strides = array<i32>} : memref<128x64xf32, #tpu.memory_space<vmem>>, vector<1x16xf32>,
    %get3A_772 = vector.shape_cast %get3A_771 : vector<1x16xf32> to vector<16xf32>
    %gt3A_773 = arith.cmpf ogt, %get3A_772, %select_n3A_761 : vector<16xf32>
    %select_n3A_774 = arith.select %gt3A_773, %get3A_772, %select_n3A_761 : vector<16xi1>, vector<16xf32>
    %get3A_775 = arith.constant 123 : i32
    %get3A_776 = arith.index_cast %get3A_775 : i32 to index
    %get3A_777 = arith.constant 0 : index
    %get3A_778 = tpu.vector_load %arg4[%get3A_776, %get3A_777] {strides = array<i32>} : memref<128x64xf32, #tpu.memory_space<vmem>>, vector<1x16xf32>,
    %get3A_779 = vector.shape_cast %get3A_778 : vector<1x16xf32> to vector<16xf32>
    %select_n3A_780 = arith.select %gt3A_773, %get3A_779, %select_n3A_767 : vector<16xi1>, vector<16xf32>
    %get3A_781 = arith.constant 60 : i32
    %get3A_782 = arith.index_cast %get3A_781 : i32 to index
    %get3A_783 = arith.constant 0 : index
    %get3A_784 = tpu.vector_load %arg4[%get3A_782, %get3A_783] {strides = array<i32>} : memref<128x64xf32, #tpu.memory_space<vmem>>, vector<1x16xf32>,
    %get3A_785 = vector.shape_cast %get3A_784 : vector<1x16xf32> to vector<16xf32>
    %gt3A_786 = arith.cmpf ogt, %get3A_785, %select_n3A_774 : vector<16xf32>
    %select_n3A_787 = arith.select %gt3A_786, %get3A_785, %select_n3A_774 : vector<16xi1>, vector<16xf32>
    %get3A_788 = arith.constant 124 : i32
    %get3A_789 = arith.index_cast %get3A_788 : i32 to index
    %get3A_790 = arith.constant 0 : index
    %get3A_791 = tpu.vector_load %arg4[%get3A_789, %get3A_790] {strides = array<i32>} : memref<128x64xf32, #tpu.memory_space<vmem>>, vector<1x16xf32>,
    %get3A_792 = vector.shape_cast %get3A_791 : vector<1x16xf32> to vector<16xf32>
    %select_n3A_793 = arith.select %gt3A_786, %get3A_792, %select_n3A_780 : vector<16xi1>, vector<16xf32>
    %get3A_794 = arith.constant 61 : i32
    %get3A_795 = arith.index_cast %get3A_794 : i32 to index
    %get3A_796 = arith.constant 0 : index
    %get3A_797 = tpu.vector_load %arg4[%get3A_795, %get3A_796] {strides = array<i32>} : memref<128x64xf32, #tpu.memory_space<vmem>>, vector<1x16xf32>,
    %get3A_798 = vector.shape_cast %get3A_797 : vector<1x16xf32> to vector<16xf32>
    %gt3A_799 = arith.cmpf ogt, %get3A_798, %select_n3A_787 : vector<16xf32>
    %select_n3A_800 = arith.select %gt3A_799, %get3A_798, %select_n3A_787 : vector<16xi1>, vector<16xf32>
    %get3A_801 = arith.constant 125 : i32
    %get3A_802 = arith.index_cast %get3A_801 : i32 to index
    %get3A_803 = arith.constant 0 : index
    %get3A_804 = tpu.vector_load %arg4[%get3A_802, %get3A_803] {strides = array<i32>} : memref<128x64xf32, #tpu.memory_space<vmem>>, vector<1x16xf32>,
    %get3A_805 = vector.shape_cast %get3A_804 : vector<1x16xf32> to vector<16xf32>
    %select_n3A_806 = arith.select %gt3A_799, %get3A_805, %select_n3A_793 : vector<16xi1>, vector<16xf32>
    %get3A_807 = arith.constant 62 : i32
    %get3A_808 = arith.index_cast %get3A_807 : i32 to index
    %get3A_809 = arith.constant 0 : index
    %get3A_810 = tpu.vector_load %arg4[%get3A_808, %get3A_809] {strides = array<i32>} : memref<128x64xf32, #tpu.memory_space<vmem>>, vector<1x16xf32>,
    %get3A_811 = vector.shape_cast %get3A_810 : vector<1x16xf32> to vector<16xf32>
    %gt3A_812 = arith.cmpf ogt, %get3A_811, %select_n3A_800 : vector<16xf32>
    %select_n3A_813 = arith.select %gt3A_812, %get3A_811, %select_n3A_800 : vector<16xi1>, vector<16xf32>
    %get3A_814 = arith.constant 126 : i32
    %get3A_815 = arith.index_cast %get3A_814 : i32 to index
    %get3A_816 = arith.constant 0 : index
    %get3A_817 = tpu.vector_load %arg4[%get3A_815, %get3A_816] {strides = array<i32>} : memref<128x64xf32, #tpu.memory_space<vmem>>, vector<1x16xf32>,
    %get3A_818 = vector.shape_cast %get3A_817 : vector<1x16xf32> to vector<16xf32>
    %select_n3A_819 = arith.select %gt3A_812, %get3A_818, %select_n3A_806 : vector<16xi1>, vector<16xf32>
    %get3A_820 = arith.constant 63 : i32
    %get3A_821 = arith.index_cast %get3A_820 : i32 to index
    %get3A_822 = arith.constant 0 : index
    %get3A_823 = tpu.vector_load %arg4[%get3A_821, %get3A_822] {strides = array<i32>} : memref<128x64xf32, #tpu.memory_space<vmem>>, vector<1x16xf32>,
    %get3A_824 = vector.shape_cast %get3A_823 : vector<1x16xf32> to vector<16xf32>
    %gt3A_825 = arith.cmpf ogt, %get3A_824, %select_n3A_813 : vector<16xf32>
    %select_n3A_826 = arith.select %gt3A_825, %get3A_824, %select_n3A_813 : vector<16xi1>, vector<16xf32>
    %get3A_827 = arith.constant 127 : i32
    %get3A_828 = arith.index_cast %get3A_827 : i32 to index
    %get3A_829 = arith.constant 0 : index
    %get3A_830 = tpu.vector_load %arg4[%get3A_828, %get3A_829] {strides = array<i32>} : memref<128x64xf32, #tpu.memory_space<vmem>>, vector<1x16xf32>,
    %get3A_831 = vector.shape_cast %get3A_830 : vector<1x16xf32> to vector<16xf32>
    %select_n3A_832 = arith.select %gt3A_825, %get3A_831, %select_n3A_819 : vector<16xi1>, vector<16xf32>
    %swap3A = arith.constant 0 : index
    %swap3A_833 = tpu.vector_load %arg5[%swap3A] {strides = array<i32>} : memref<64xf32, #tpu.memory_space<vmem>>, vector<16xf32>,
    %swap3A_834 = vector.shape_cast %swap3A_833 : vector<16xf32> to vector<16xf32>
    %swap3A_835 = vector.shape_cast %select_n3A_832 : vector<16xf32> to vector<16xf32>
    tpu.vector_store %arg5[%swap3A], %swap3A_835 {strides = array<i32>} : memref<64xf32, #tpu.memory_space<vmem>>, vector<16xf32>,
    %broadcast_in_dim3A_836 = arith.constant 0xFF800000 : f32
    %broadcast_in_dim3A_837 = vector.broadcast %broadcast_in_dim3A_836 : f32 to vector<16xf32>
    %broadcast_in_dim3A_838 = arith.constant 0.000000e+00 : f32
    %broadcast_in_dim3A_839 = vector.broadcast %broadcast_in_dim3A_838 : f32 to vector<16xf32>
    %get3A_840 = arith.constant 0 : i32
    %get3A_841 = arith.index_cast %get3A_840 : i32 to index
    %get3A_842 = arith.constant 16 : index
    %get3A_843 = tpu.vector_load %arg4[%get3A_841, %get3A_842] {strides = array<i32>} : memref<128x64xf32, #tpu.memory_space<vmem>>, vector<1x16xf32>,
    %get3A_844 = vector.shape_cast %get3A_843 : vector<1x16xf32> to vector<16xf32>
    %gt3A_845 = arith.cmpf ogt, %get3A_844, %broadcast_in_dim3A_837 : vector<16xf32>
    %select_n3A_846 = arith.select %gt3A_845, %get3A_844, %broadcast_in_dim3A_837 : vector<16xi1>, vector<16xf32>
    %get3A_847 = arith.constant 64 : i32
    %get3A_848 = arith.index_cast %get3A_847 : i32 to index
    %get3A_849 = arith.constant 16 : index
    %get3A_850 = tpu.vector_load %arg4[%get3A_848, %get3A_849] {strides = array<i32>} : memref<128x64xf32, #tpu.memory_space<vmem>>, vector<1x16xf32>,
    %get3A_851 = vector.shape_cast %get3A_850 : vector<1x16xf32> to vector<16xf32>
    %select_n3A_852 = arith.select %gt3A_845, %get3A_851, %broadcast_in_dim3A_839 : vector<16xi1>, vector<16xf32>
    %get3A_853 = arith.constant 1 : i32
    %get3A_854 = arith.index_cast %get3A_853 : i32 to index
    %get3A_855 = arith.constant 16 : index
    %get3A_856 = tpu.vector_load %arg4[%get3A_854, %get3A_855] {strides = array<i32>} : memref<128x64xf32, #tpu.memory_space<vmem>>, vector<1x16xf32>,
    %get3A_857 = vector.shape_cast %get3A_856 : vector<1x16xf32> to vector<16xf32>
    %gt3A_858 = arith.cmpf ogt, %get3A_857, %select_n3A_846 : vector<16xf32>
    %select_n3A_859 = arith.select %gt3A_858, %get3A_857, %select_n3A_846 : vector<16xi1>, vector<16xf32>
    %get3A_860 = arith.constant 65 : i32
    %get3A_861 = arith.index_cast %get3A_860 : i32 to index
    %get3A_862 = arith.constant 16 : index
    %get3A_863 = tpu.vector_load %arg4[%get3A_861, %get3A_862] {strides = array<i32>} : memref<128x64xf32, #tpu.memory_space<vmem>>, vector<1x16xf32>,
    %get3A_864 = vector.shape_cast %get3A_863 : vector<1x16xf32> to vector<16xf32>
    %select_n3A_865 = arith.select %gt3A_858, %get3A_864, %select_n3A_852 : vector<16xi1>, vector<16xf32>
    %get3A_866 = arith.constant 2 : i32
    %get3A_867 = arith.index_cast %get3A_866 : i32 to index
    %get3A_868 = arith.constant 16 : index
    %get3A_869 = tpu.vector_load %arg4[%get3A_867, %get3A_868] {strides = array<i32>} : memref<128x64xf32, #tpu.memory_space<vmem>>, vector<1x16xf32>,
    %get3A_870 = vector.shape_cast %get3A_869 : vector<1x16xf32> to vector<16xf32>
    %gt3A_871 = arith.cmpf ogt, %get3A_870, %select_n3A_859 : vector<16xf32>
    %select_n3A_872 = arith.select %gt3A_871, %get3A_870, %select_n3A_859 : vector<16xi1>, vector<16xf32>
    %get3A_873 = arith.constant 66 : i32
    %get3A_874 = arith.index_cast %get3A_873 : i32 to index
    %get3A_875 = arith.constant 16 : index
    %get3A_876 = tpu.vector_load %arg4[%get3A_874, %get3A_875] {strides = array<i32>} : memref<128x64xf32, #tpu.memory_space<vmem>>, vector<1x16xf32>,
    %get3A_877 = vector.shape_cast %get3A_876 : vector<1x16xf32> to vector<16xf32>
    %select_n3A_878 = arith.select %gt3A_871, %get3A_877, %select_n3A_865 : vector<16xi1>, vector<16xf32>
    %get3A_879 = arith.constant 3 : i32
    %get3A_880 = arith.index_cast %get3A_879 : i32 to index
    %get3A_881 = arith.constant 16 : index
    %get3A_882 = tpu.vector_load %arg4[%get3A_880, %get3A_881] {strides = array<i32>} : memref<128x64xf32, #tpu.memory_space<vmem>>, vector<1x16xf32>,
    %get3A_883 = vector.shape_cast %get3A_882 : vector<1x16xf32> to vector<16xf32>
    %gt3A_884 = arith.cmpf ogt, %get3A_883, %select_n3A_872 : vector<16xf32>
    %select_n3A_885 = arith.select %gt3A_884, %get3A_883, %select_n3A_872 : vector<16xi1>, vector<16xf32>
    %get3A_886 = arith.constant 67 : i32
    %get3A_887 = arith.index_cast %get3A_886 : i32 to index
    %get3A_888 = arith.constant 16 : index
    %get3A_889 = tpu.vector_load %arg4[%get3A_887, %get3A_888] {strides = array<i32>} : memref<128x64xf32, #tpu.memory_space<vmem>>, vector<1x16xf32>,
    %get3A_890 = vector.shape_cast %get3A_889 : vector<1x16xf32> to vector<16xf32>
    %select_n3A_891 = arith.select %gt3A_884, %get3A_890, %select_n3A_878 : vector<16xi1>, vector<16xf32>
    %get3A_892 = arith.constant 4 : i32
    %get3A_893 = arith.index_cast %get3A_892 : i32 to index
    %get3A_894 = arith.constant 16 : index
    %get3A_895 = tpu.vector_load %arg4[%get3A_893, %get3A_894] {strides = array<i32>} : memref<128x64xf32, #tpu.memory_space<vmem>>, vector<1x16xf32>,
    %get3A_896 = vector.shape_cast %get3A_895 : vector<1x16xf32> to vector<16xf32>
    %gt3A_897 = arith.cmpf ogt, %get3A_896, %select_n3A_885 : vector<16xf32>
    %select_n3A_898 = arith.select %gt3A_897, %get3A_896, %select_n3A_885 : vector<16xi1>, vector<16xf32>
    %get3A_899 = arith.constant 68 : i32
    %get3A_900 = arith.index_cast %get3A_899 : i32 to index
    %get3A_901 = arith.constant 16 : index
    %get3A_902 = tpu.vector_load %arg4[%get3A_900, %get3A_901] {strides = array<i32>} : memref<128x64xf32, #tpu.memory_space<vmem>>, vector<1x16xf32>,
    %get3A_903 = vector.shape_cast %get3A_902 : vector<1x16xf32> to vector<16xf32>
    %select_n3A_904 = arith.select %gt3A_897, %get3A_903, %select_n3A_891 : vector<16xi1>, vector<16xf32>
    %get3A_905 = arith.constant 5 : i32
    %get3A_906 = arith.index_cast %get3A_905 : i32 to index
    %get3A_907 = arith.constant 16 : index
    %get3A_908 = tpu.vector_load %arg4[%get3A_906, %get3A_907] {strides = array<i32>} : memref<128x64xf32, #tpu.memory_space<vmem>>, vector<1x16xf32>,
    %get3A_909 = vector.shape_cast %get3A_908 : vector<1x16xf32> to vector<16xf32>
    %gt3A_910 = arith.cmpf ogt, %get3A_909, %select_n3A_898 : vector<16xf32>
    %select_n3A_911 = arith.select %gt3A_910, %get3A_909, %select_n3A_898 : vector<16xi1>, vector<16xf32>
    %get3A_912 = arith.constant 69 : i32
    %get3A_913 = arith.index_cast %get3A_912 : i32 to index
    %get3A_914 = arith.constant 16 : index
    %get3A_915 = tpu.vector_load %arg4[%get3A_913, %get3A_914] {strides = array<i32>} : memref<128x64xf32, #tpu.memory_space<vmem>>, vector<1x16xf32>,
    %get3A_916 = vector.shape_cast %get3A_915 : vector<1x16xf32> to vector<16xf32>
    %select_n3A_917 = arith.select %gt3A_910, %get3A_916, %select_n3A_904 : vector<16xi1>, vector<16xf32>
    %get3A_918 = arith.constant 6 : i32
    %get3A_919 = arith.index_cast %get3A_918 : i32 to index
    %get3A_920 = arith.constant 16 : index
    %get3A_921 = tpu.vector_load %arg4[%get3A_919, %get3A_920] {strides = array<i32>} : memref<128x64xf32, #tpu.memory_space<vmem>>, vector<1x16xf32>,
    %get3A_922 = vector.shape_cast %get3A_921 : vector<1x16xf32> to vector<16xf32>
    %gt3A_923 = arith.cmpf ogt, %get3A_922, %select_n3A_911 : vector<16xf32>
    %select_n3A_924 = arith.select %gt3A_923, %get3A_922, %select_n3A_911 : vector<16xi1>, vector<16xf32>
    %get3A_925 = arith.constant 70 : i32
    %get3A_926 = arith.index_cast %get3A_925 : i32 to index
    %get3A_927 = arith.constant 16 : index
    %get3A_928 = tpu.vector_load %arg4[%get3A_926, %get3A_927] {strides = array<i32>} : memref<128x64xf32, #tpu.memory_space<vmem>>, vector<1x16xf32>,
    %get3A_929 = vector.shape_cast %get3A_928 : vector<1x16xf32> to vector<16xf32>
    %select_n3A_930 = arith.select %gt3A_923, %get3A_929, %select_n3A_917 : vector<16xi1>, vector<16xf32>
    %get3A_931 = arith.constant 7 : i32
    %get3A_932 = arith.index_cast %get3A_931 : i32 to index
    %get3A_933 = arith.constant 16 : index
    %get3A_934 = tpu.vector_load %arg4[%get3A_932, %get3A_933] {strides = array<i32>} : memref<128x64xf32, #tpu.memory_space<vmem>>, vector<1x16xf32>,
    %get3A_935 = vector.shape_cast %get3A_934 : vector<1x16xf32> to vector<16xf32>
    %gt3A_936 = arith.cmpf ogt, %get3A_935, %select_n3A_924 : vector<16xf32>
    %select_n3A_937 = arith.select %gt3A_936, %get3A_935, %select_n3A_924 : vector<16xi1>, vector<16xf32>
    %get3A_938 = arith.constant 71 : i32
    %get3A_939 = arith.index_cast %get3A_938 : i32 to index
    %get3A_940 = arith.constant 16 : index
    %get3A_941 = tpu.vector_load %arg4[%get3A_939, %get3A_940] {strides = array<i32>} : memref<128x64xf32, #tpu.memory_space<vmem>>, vector<1x16xf32>,
    %get3A_942 = vector.shape_cast %get3A_941 : vector<1x16xf32> to vector<16xf32>
    %select_n3A_943 = arith.select %gt3A_936, %get3A_942, %select_n3A_930 : vector<16xi1>, vector<16xf32>
    %get3A_944 = arith.constant 8 : i32
    %get3A_945 = arith.index_cast %get3A_944 : i32 to index
    %get3A_946 = arith.constant 16 : index
    %get3A_947 = tpu.vector_load %arg4[%get3A_945, %get3A_946] {strides = array<i32>} : memref<128x64xf32, #tpu.memory_space<vmem>>, vector<1x16xf32>,
    %get3A_948 = vector.shape_cast %get3A_947 : vector<1x16xf32> to vector<16xf32>
    %gt3A_949 = arith.cmpf ogt, %get3A_948, %select_n3A_937 : vector<16xf32>
    %select_n3A_950 = arith.select %gt3A_949, %get3A_948, %select_n3A_937 : vector<16xi1>, vector<16xf32>
    %get3A_951 = arith.constant 72 : i32
    %get3A_952 = arith.index_cast %get3A_951 : i32 to index
    %get3A_953 = arith.constant 16 : index
    %get3A_954 = tpu.vector_load %arg4[%get3A_952, %get3A_953] {strides = array<i32>} : memref<128x64xf32, #tpu.memory_space<vmem>>, vector<1x16xf32>,
    %get3A_955 = vector.shape_cast %get3A_954 : vector<1x16xf32> to vector<16xf32>
    %select_n3A_956 = arith.select %gt3A_949, %get3A_955, %select_n3A_943 : vector<16xi1>, vector<16xf32>
    %get3A_957 = arith.constant 9 : i32
    %get3A_958 = arith.index_cast %get3A_957 : i32 to index
    %get3A_959 = arith.constant 16 : index
    %get3A_960 = tpu.vector_load %arg4[%get3A_958, %get3A_959] {strides = array<i32>} : memref<128x64xf32, #tpu.memory_space<vmem>>, vector<1x16xf32>,
    %get3A_961 = vector.shape_cast %get3A_960 : vector<1x16xf32> to vector<16xf32>
    %gt3A_962 = arith.cmpf ogt, %get3A_961, %select_n3A_950 : vector<16xf32>
    %select_n3A_963 = arith.select %gt3A_962, %get3A_961, %select_n3A_950 : vector<16xi1>, vector<16xf32>
    %get3A_964 = arith.constant 73 : i32
    %get3A_965 = arith.index_cast %get3A_964 : i32 to index
    %get3A_966 = arith.constant 16 : index
    %get3A_967 = tpu.vector_load %arg4[%get3A_965, %get3A_966] {strides = array<i32>} : memref<128x64xf32, #tpu.memory_space<vmem>>, vector<1x16xf32>,
    %get3A_968 = vector.shape_cast %get3A_967 : vector<1x16xf32> to vector<16xf32>
    %select_n3A_969 = arith.select %gt3A_962, %get3A_968, %select_n3A_956 : vector<16xi1>, vector<16xf32>
    %get3A_970 = arith.constant 10 : i32
    %get3A_971 = arith.index_cast %get3A_970 : i32 to index
    %get3A_972 = arith.constant 16 : index
    %get3A_973 = tpu.vector_load %arg4[%get3A_971, %get3A_972] {strides = array<i32>} : memref<128x64xf32, #tpu.memory_space<vmem>>, vector<1x16xf32>,
    %get3A_974 = vector.shape_cast %get3A_973 : vector<1x16xf32> to vector<16xf32>
    %gt3A_975 = arith.cmpf ogt, %get3A_974, %select_n3A_963 : vector<16xf32>
    %select_n3A_976 = arith.select %gt3A_975, %get3A_974, %select_n3A_963 : vector<16xi1>, vector<16xf32>
    %get3A_977 = arith.constant 74 : i32
    %get3A_978 = arith.index_cast %get3A_977 : i32 to index
    %get3A_979 = arith.constant 16 : index
    %get3A_980 = tpu.vector_load %arg4[%get3A_978, %get3A_979] {strides = array<i32>} : memref<128x64xf32, #tpu.memory_space<vmem>>, vector<1x16xf32>,
    %get3A_981 = vector.shape_cast %get3A_980 : vector<1x16xf32> to vector<16xf32>
    %select_n3A_982 = arith.select %gt3A_975, %get3A_981, %select_n3A_969 : vector<16xi1>, vector<16xf32>
    %get3A_983 = arith.constant 11 : i32
    %get3A_984 = arith.index_cast %get3A_983 : i32 to index
    %get3A_985 = arith.constant 16 : index
    %get3A_986 = tpu.vector_load %arg4[%get3A_984, %get3A_985] {strides = array<i32>} : memref<128x64xf32, #tpu.memory_space<vmem>>, vector<1x16xf32>,
    %get3A_987 = vector.shape_cast %get3A_986 : vector<1x16xf32> to vector<16xf32>
    %gt3A_988 = arith.cmpf ogt, %get3A_987, %select_n3A_976 : vector<16xf32>
    %select_n3A_989 = arith.select %gt3A_988, %get3A_987, %select_n3A_976 : vector<16xi1>, vector<16xf32>
    %get3A_990 = arith.constant 75 : i32
    %get3A_991 = arith.index_cast %get3A_990 : i32 to index
    %get3A_992 = arith.constant 16 : index
    %get3A_993 = tpu.vector_load %arg4[%get3A_991, %get3A_992] {strides = array<i32>} : memref<128x64xf32, #tpu.memory_space<vmem>>, vector<1x16xf32>,
    %get3A_994 = vector.shape_cast %get3A_993 : vector<1x16xf32> to vector<16xf32>
    %select_n3A_995 = arith.select %gt3A_988, %get3A_994, %select_n3A_982 : vector<16xi1>, vector<16xf32>
    %get3A_996 = arith.constant 12 : i32
    %get3A_997 = arith.index_cast %get3A_996 : i32 to index
    %get3A_998 = arith.constant 16 : index
    %get3A_999 = tpu.vector_load %arg4[%get3A_997, %get3A_998] {strides = array<i32>} : memref<128x64xf32, #tpu.memory_space<vmem>>, vector<1x16xf32>,
    %get3A_1000 = vector.shape_cast %get3A_999 : vector<1x16xf32> to vector<16xf32>
    %gt3A_1001 = arith.cmpf ogt, %get3A_1000, %select_n3A_989 : vector<16xf32>
    %select_n3A_1002 = arith.select %gt3A_1001, %get3A_1000, %select_n3A_989 : vector<16xi1>, vector<16xf32>
    %get3A_1003 = arith.constant 76 : i32
    %get3A_1004 = arith.index_cast %get3A_1003 : i32 to index
    %get3A_1005 = arith.constant 16 : index
    %get3A_1006 = tpu.vector_load %arg4[%get3A_1004, %get3A_1005] {strides = array<i32>} : memref<128x64xf32, #tpu.memory_space<vmem>>, vector<1x16xf32>,
    %get3A_1007 = vector.shape_cast %get3A_1006 : vector<1x16xf32> to vector<16xf32>
    %select_n3A_1008 = arith.select %gt3A_1001, %get3A_1007, %select_n3A_995 : vector<16xi1>, vector<16xf32>
    %get3A_1009 = arith.constant 13 : i32
    %get3A_1010 = arith.index_cast %get3A_1009 : i32 to index
    %get3A_1011 = arith.constant 16 : index
    %get3A_1012 = tpu.vector_load %arg4[%get3A_1010, %get3A_1011] {strides = array<i32>} : memref<128x64xf32, #tpu.memory_space<vmem>>, vector<1x16xf32>,
    %get3A_1013 = vector.shape_cast %get3A_1012 : vector<1x16xf32> to vector<16xf32>
    %gt3A_1014 = arith.cmpf ogt, %get3A_1013, %select_n3A_1002 : vector<16xf32>
    %select_n3A_1015 = arith.select %gt3A_1014, %get3A_1013, %select_n3A_1002 : vector<16xi1>, vector<16xf32>
    %get3A_1016 = arith.constant 77 : i32
    %get3A_1017 = arith.index_cast %get3A_1016 : i32 to index
    %get3A_1018 = arith.constant 16 : index
    %get3A_1019 = tpu.vector_load %arg4[%get3A_1017, %get3A_1018] {strides = array<i32>} : memref<128x64xf32, #tpu.memory_space<vmem>>, vector<1x16xf32>,
    %get3A_1020 = vector.shape_cast %get3A_1019 : vector<1x16xf32> to vector<16xf32>
    %select_n3A_1021 = arith.select %gt3A_1014, %get3A_1020, %select_n3A_1008 : vector<16xi1>, vector<16xf32>
    %get3A_1022 = arith.constant 14 : i32
    %get3A_1023 = arith.index_cast %get3A_1022 : i32 to index
    %get3A_1024 = arith.constant 16 : index
    %get3A_1025 = tpu.vector_load %arg4[%get3A_1023, %get3A_1024] {strides = array<i32>} : memref<128x64xf32, #tpu.memory_space<vmem>>, vector<1x16xf32>,
    %get3A_1026 = vector.shape_cast %get3A_1025 : vector<1x16xf32> to vector<16xf32>
    %gt3A_1027 = arith.cmpf ogt, %get3A_1026, %select_n3A_1015 : vector<16xf32>
    %select_n3A_1028 = arith.select %gt3A_1027, %get3A_1026, %select_n3A_1015 : vector<16xi1>, vector<16xf32>
    %get3A_1029 = arith.constant 78 : i32
    %get3A_1030 = arith.index_cast %get3A_1029 : i32 to index
    %get3A_1031 = arith.constant 16 : index
    %get3A_1032 = tpu.vector_load %arg4[%get3A_1030, %get3A_1031] {strides = array<i32>} : memref<128x64xf32, #tpu.memory_space<vmem>>, vector<1x16xf32>,
    %get3A_1033 = vector.shape_cast %get3A_1032 : vector<1x16xf32> to vector<16xf32>
    %select_n3A_1034 = arith.select %gt3A_1027, %get3A_1033, %select_n3A_1021 : vector<16xi1>, vector<16xf32>
    %get3A_1035 = arith.constant 15 : i32
    %get3A_1036 = arith.index_cast %get3A_1035 : i32 to index
    %get3A_1037 = arith.constant 16 : index
    %get3A_1038 = tpu.vector_load %arg4[%get3A_1036, %get3A_1037] {strides = array<i32>} : memref<128x64xf32, #tpu.memory_space<vmem>>, vector<1x16xf32>,
    %get3A_1039 = vector.shape_cast %get3A_1038 : vector<1x16xf32> to vector<16xf32>
    %gt3A_1040 = arith.cmpf ogt, %get3A_1039, %select_n3A_1028 : vector<16xf32>
    %select_n3A_1041 = arith.select %gt3A_1040, %get3A_1039, %select_n3A_1028 : vector<16xi1>, vector<16xf32>
    %get3A_1042 = arith.constant 79 : i32
    %get3A_1043 = arith.index_cast %get3A_1042 : i32 to index
    %get3A_1044 = arith.constant 16 : index
    %get3A_1045 = tpu.vector_load %arg4[%get3A_1043, %get3A_1044] {strides = array<i32>} : memref<128x64xf32, #tpu.memory_space<vmem>>, vector<1x16xf32>,
    %get3A_1046 = vector.shape_cast %get3A_1045 : vector<1x16xf32> to vector<16xf32>
    %select_n3A_1047 = arith.select %gt3A_1040, %get3A_1046, %select_n3A_1034 : vector<16xi1>, vector<16xf32>
    %get3A_1048 = arith.constant 16 : i32
    %get3A_1049 = arith.index_cast %get3A_1048 : i32 to index
    %get3A_1050 = arith.constant 16 : index
    %get3A_1051 = tpu.vector_load %arg4[%get3A_1049, %get3A_1050] {strides = array<i32>} : memref<128x64xf32, #tpu.memory_space<vmem>>, vector<1x16xf32>,
    %get3A_1052 = vector.shape_cast %get3A_1051 : vector<1x16xf32> to vector<16xf32>
    %gt3A_1053 = arith.cmpf ogt, %get3A_1052, %select_n3A_1041 : vector<16xf32>
    %select_n3A_1054 = arith.select %gt3A_1053, %get3A_1052, %select_n3A_1041 : vector<16xi1>, vector<16xf32>
    %get3A_1055 = arith.constant 80 : i32
    %get3A_1056 = arith.index_cast %get3A_1055 : i32 to index
    %get3A_1057 = arith.constant 16 : index
    %get3A_1058 = tpu.vector_load %arg4[%get3A_1056, %get3A_1057] {strides = array<i32>} : memref<128x64xf32, #tpu.memory_space<vmem>>, vector<1x16xf32>,
    %get3A_1059 = vector.shape_cast %get3A_1058 : vector<1x16xf32> to vector<16xf32>
    %select_n3A_1060 = arith.select %gt3A_1053, %get3A_1059, %select_n3A_1047 : vector<16xi1>, vector<16xf32>
    %get3A_1061 = arith.constant 17 : i32
    %get3A_1062 = arith.index_cast %get3A_1061 : i32 to index
    %get3A_1063 = arith.constant 16 : index
    %get3A_1064 = tpu.vector_load %arg4[%get3A_1062, %get3A_1063] {strides = array<i32>} : memref<128x64xf32, #tpu.memory_space<vmem>>, vector<1x16xf32>,
    %get3A_1065 = vector.shape_cast %get3A_1064 : vector<1x16xf32> to vector<16xf32>
    %gt3A_1066 = arith.cmpf ogt, %get3A_1065, %select_n3A_1054 : vector<16xf32>
    %select_n3A_1067 = arith.select %gt3A_1066, %get3A_1065, %select_n3A_1054 : vector<16xi1>, vector<16xf32>
    %get3A_1068 = arith.constant 81 : i32
    %get3A_1069 = arith.index_cast %get3A_1068 : i32 to index
    %get3A_1070 = arith.constant 16 : index
    %get3A_1071 = tpu.vector_load %arg4[%get3A_1069, %get3A_1070] {strides = array<i32>} : memref<128x64xf32, #tpu.memory_space<vmem>>, vector<1x16xf32>,
    %get3A_1072 = vector.shape_cast %get3A_1071 : vector<1x16xf32> to vector<16xf32>
    %select_n3A_1073 = arith.select %gt3A_1066, %get3A_1072, %select_n3A_1060 : vector<16xi1>, vector<16xf32>
    %get3A_1074 = arith.constant 18 : i32
    %get3A_1075 = arith.index_cast %get3A_1074 : i32 to index
    %get3A_1076 = arith.constant 16 : index
    %get3A_1077 = tpu.vector_load %arg4[%get3A_1075, %get3A_1076] {strides = array<i32>} : memref<128x64xf32, #tpu.memory_space<vmem>>, vector<1x16xf32>,
    %get3A_1078 = vector.shape_cast %get3A_1077 : vector<1x16xf32> to vector<16xf32>
    %gt3A_1079 = arith.cmpf ogt, %get3A_1078, %select_n3A_1067 : vector<16xf32>
    %select_n3A_1080 = arith.select %gt3A_1079, %get3A_1078, %select_n3A_1067 : vector<16xi1>, vector<16xf32>
    %get3A_1081 = arith.constant 82 : i32
    %get3A_1082 = arith.index_cast %get3A_1081 : i32 to index
    %get3A_1083 = arith.constant 16 : index
    %get3A_1084 = tpu.vector_load %arg4[%get3A_1082, %get3A_1083] {strides = array<i32>} : memref<128x64xf32, #tpu.memory_space<vmem>>, vector<1x16xf32>,
    %get3A_1085 = vector.shape_cast %get3A_1084 : vector<1x16xf32> to vector<16xf32>
    %select_n3A_1086 = arith.select %gt3A_1079, %get3A_1085, %select_n3A_1073 : vector<16xi1>, vector<16xf32>
    %get3A_1087 = arith.constant 19 : i32
    %get3A_1088 = arith.index_cast %get3A_1087 : i32 to index
    %get3A_1089 = arith.constant 16 : index
    %get3A_1090 = tpu.vector_load %arg4[%get3A_1088, %get3A_1089] {strides = array<i32>} : memref<128x64xf32, #tpu.memory_space<vmem>>, vector<1x16xf32>,
    %get3A_1091 = vector.shape_cast %get3A_1090 : vector<1x16xf32> to vector<16xf32>
    %gt3A_1092 = arith.cmpf ogt, %get3A_1091, %select_n3A_1080 : vector<16xf32>
    %select_n3A_1093 = arith.select %gt3A_1092, %get3A_1091, %select_n3A_1080 : vector<16xi1>, vector<16xf32>
    %get3A_1094 = arith.constant 83 : i32
    %get3A_1095 = arith.index_cast %get3A_1094 : i32 to index
    %get3A_1096 = arith.constant 16 : index
    %get3A_1097 = tpu.vector_load %arg4[%get3A_1095, %get3A_1096] {strides = array<i32>} : memref<128x64xf32, #tpu.memory_space<vmem>>, vector<1x16xf32>,
    %get3A_1098 = vector.shape_cast %get3A_1097 : vector<1x16xf32> to vector<16xf32>
    %select_n3A_1099 = arith.select %gt3A_1092, %get3A_1098, %select_n3A_1086 : vector<16xi1>, vector<16xf32>
    %get3A_1100 = arith.constant 20 : i32
    %get3A_1101 = arith.index_cast %get3A_1100 : i32 to index
    %get3A_1102 = arith.constant 16 : index
    %get3A_1103 = tpu.vector_load %arg4[%get3A_1101, %get3A_1102] {strides = array<i32>} : memref<128x64xf32, #tpu.memory_space<vmem>>, vector<1x16xf32>,
    %get3A_1104 = vector.shape_cast %get3A_1103 : vector<1x16xf32> to vector<16xf32>
    %gt3A_1105 = arith.cmpf ogt, %get3A_1104, %select_n3A_1093 : vector<16xf32>
    %select_n3A_1106 = arith.select %gt3A_1105, %get3A_1104, %select_n3A_1093 : vector<16xi1>, vector<16xf32>
    %get3A_1107 = arith.constant 84 : i32
    %get3A_1108 = arith.index_cast %get3A_1107 : i32 to index
    %get3A_1109 = arith.constant 16 : index
    %get3A_1110 = tpu.vector_load %arg4[%get3A_1108, %get3A_1109] {strides = array<i32>} : memref<128x64xf32, #tpu.memory_space<vmem>>, vector<1x16xf32>,
    %get3A_1111 = vector.shape_cast %get3A_1110 : vector<1x16xf32> to vector<16xf32>
    %select_n3A_1112 = arith.select %gt3A_1105, %get3A_1111, %select_n3A_1099 : vector<16xi1>, vector<16xf32>
    %get3A_1113 = arith.constant 21 : i32
    %get3A_1114 = arith.index_cast %get3A_1113 : i32 to index
    %get3A_1115 = arith.constant 16 : index
    %get3A_1116 = tpu.vector_load %arg4[%get3A_1114, %get3A_1115] {strides = array<i32>} : memref<128x64xf32, #tpu.memory_space<vmem>>, vector<1x16xf32>,
    %get3A_1117 = vector.shape_cast %get3A_1116 : vector<1x16xf32> to vector<16xf32>
    %gt3A_1118 = arith.cmpf ogt, %get3A_1117, %select_n3A_1106 : vector<16xf32>
    %select_n3A_1119 = arith.select %gt3A_1118, %get3A_1117, %select_n3A_1106 : vector<16xi1>, vector<16xf32>
    %get3A_1120 = arith.constant 85 : i32
    %get3A_1121 = arith.index_cast %get3A_1120 : i32 to index
    %get3A_1122 = arith.constant 16 : index
    %get3A_1123 = tpu.vector_load %arg4[%get3A_1121, %get3A_1122] {strides = array<i32>} : memref<128x64xf32, #tpu.memory_space<vmem>>, vector<1x16xf32>,
    %get3A_1124 = vector.shape_cast %get3A_1123 : vector<1x16xf32> to vector<16xf32>
    %select_n3A_1125 = arith.select %gt3A_1118, %get3A_1124, %select_n3A_1112 : vector<16xi1>, vector<16xf32>
    %get3A_1126 = arith.constant 22 : i32
    %get3A_1127 = arith.index_cast %get3A_1126 : i32 to index
    %get3A_1128 = arith.constant 16 : index
    %get3A_1129 = tpu.vector_load %arg4[%get3A_1127, %get3A_1128] {strides = array<i32>} : memref<128x64xf32, #tpu.memory_space<vmem>>, vector<1x16xf32>,
    %get3A_1130 = vector.shape_cast %get3A_1129 : vector<1x16xf32> to vector<16xf32>
    %gt3A_1131 = arith.cmpf ogt, %get3A_1130, %select_n3A_1119 : vector<16xf32>
    %select_n3A_1132 = arith.select %gt3A_1131, %get3A_1130, %select_n3A_1119 : vector<16xi1>, vector<16xf32>
    %get3A_1133 = arith.constant 86 : i32
    %get3A_1134 = arith.index_cast %get3A_1133 : i32 to index
    %get3A_1135 = arith.constant 16 : index
    %get3A_1136 = tpu.vector_load %arg4[%get3A_1134, %get3A_1135] {strides = array<i32>} : memref<128x64xf32, #tpu.memory_space<vmem>>, vector<1x16xf32>,
    %get3A_1137 = vector.shape_cast %get3A_1136 : vector<1x16xf32> to vector<16xf32>
    %select_n3A_1138 = arith.select %gt3A_1131, %get3A_1137, %select_n3A_1125 : vector<16xi1>, vector<16xf32>
    %get3A_1139 = arith.constant 23 : i32
    %get3A_1140 = arith.index_cast %get3A_1139 : i32 to index
    %get3A_1141 = arith.constant 16 : index
    %get3A_1142 = tpu.vector_load %arg4[%get3A_1140, %get3A_1141] {strides = array<i32>} : memref<128x64xf32, #tpu.memory_space<vmem>>, vector<1x16xf32>,
    %get3A_1143 = vector.shape_cast %get3A_1142 : vector<1x16xf32> to vector<16xf32>
    %gt3A_1144 = arith.cmpf ogt, %get3A_1143, %select_n3A_1132 : vector<16xf32>
    %select_n3A_1145 = arith.select %gt3A_1144, %get3A_1143, %select_n3A_1132 : vector<16xi1>, vector<16xf32>
    %get3A_1146 = arith.constant 87 : i32
    %get3A_1147 = arith.index_cast %get3A_1146 : i32 to index
    %get3A_1148 = arith.constant 16 : index
    %get3A_1149 = tpu.vector_load %arg4[%get3A_1147, %get3A_1148] {strides = array<i32>} : memref<128x64xf32, #tpu.memory_space<vmem>>, vector<1x16xf32>,
    %get3A_1150 = vector.shape_cast %get3A_1149 : vector<1x16xf32> to vector<16xf32>
    %select_n3A_1151 = arith.select %gt3A_1144, %get3A_1150, %select_n3A_1138 : vector<16xi1>, vector<16xf32>
    %get3A_1152 = arith.constant 24 : i32
    %get3A_1153 = arith.index_cast %get3A_1152 : i32 to index
    %get3A_1154 = arith.constant 16 : index
    %get3A_1155 = tpu.vector_load %arg4[%get3A_1153, %get3A_1154] {strides = array<i32>} : memref<128x64xf32, #tpu.memory_space<vmem>>, vector<1x16xf32>,
    %get3A_1156 = vector.shape_cast %get3A_1155 : vector<1x16xf32> to vector<16xf32>
    %gt3A_1157 = arith.cmpf ogt, %get3A_1156, %select_n3A_1145 : vector<16xf32>
    %select_n3A_1158 = arith.select %gt3A_1157, %get3A_1156, %select_n3A_1145 : vector<16xi1>, vector<16xf32>
    %get3A_1159 = arith.constant 88 : i32
    %get3A_1160 = arith.index_cast %get3A_1159 : i32 to index
    %get3A_1161 = arith.constant 16 : index
    %get3A_1162 = tpu.vector_load %arg4[%get3A_1160, %get3A_1161] {strides = array<i32>} : memref<128x64xf32, #tpu.memory_space<vmem>>, vector<1x16xf32>,
    %get3A_1163 = vector.shape_cast %get3A_1162 : vector<1x16xf32> to vector<16xf32>
    %select_n3A_1164 = arith.select %gt3A_1157, %get3A_1163, %select_n3A_1151 : vector<16xi1>, vector<16xf32>
    %get3A_1165 = arith.constant 25 : i32
    %get3A_1166 = arith.index_cast %get3A_1165 : i32 to index
    %get3A_1167 = arith.constant 16 : index
    %get3A_1168 = tpu.vector_load %arg4[%get3A_1166, %get3A_1167] {strides = array<i32>} : memref<128x64xf32, #tpu.memory_space<vmem>>, vector<1x16xf32>,
    %get3A_1169 = vector.shape_cast %get3A_1168 : vector<1x16xf32> to vector<16xf32>
    %gt3A_1170 = arith.cmpf ogt, %get3A_1169, %select_n3A_1158 : vector<16xf32>
    %select_n3A_1171 = arith.select %gt3A_1170, %get3A_1169, %select_n3A_1158 : vector<16xi1>, vector<16xf32>
    %get3A_1172 = arith.constant 89 : i32
    %get3A_1173 = arith.index_cast %get3A_1172 : i32 to index
    %get3A_1174 = arith.constant 16 : index
    %get3A_1175 = tpu.vector_load %arg4[%get3A_1173, %get3A_1174] {strides = array<i32>} : memref<128x64xf32, #tpu.memory_space<vmem>>, vector<1x16xf32>,
    %get3A_1176 = vector.shape_cast %get3A_1175 : vector<1x16xf32> to vector<16xf32>
    %select_n3A_1177 = arith.select %gt3A_1170, %get3A_1176, %select_n3A_1164 : vector<16xi1>, vector<16xf32>
    %get3A_1178 = arith.constant 26 : i32
    %get3A_1179 = arith.index_cast %get3A_1178 : i32 to index
    %get3A_1180 = arith.constant 16 : index
    %get3A_1181 = tpu.vector_load %arg4[%get3A_1179, %get3A_1180] {strides = array<i32>} : memref<128x64xf32, #tpu.memory_space<vmem>>, vector<1x16xf32>,
    %get3A_1182 = vector.shape_cast %get3A_1181 : vector<1x16xf32> to vector<16xf32>
    %gt3A_1183 = arith.cmpf ogt, %get3A_1182, %select_n3A_1171 : vector<16xf32>
    %select_n3A_1184 = arith.select %gt3A_1183, %get3A_1182, %select_n3A_1171 : vector<16xi1>, vector<16xf32>
    %get3A_1185 = arith.constant 90 : i32
    %get3A_1186 = arith.index_cast %get3A_1185 : i32 to index
    %get3A_1187 = arith.constant 16 : index
    %get3A_1188 = tpu.vector_load %arg4[%get3A_1186, %get3A_1187] {strides = array<i32>} : memref<128x64xf32, #tpu.memory_space<vmem>>, vector<1x16xf32>,
    %get3A_1189 = vector.shape_cast %get3A_1188 : vector<1x16xf32> to vector<16xf32>
    %select_n3A_1190 = arith.select %gt3A_1183, %get3A_1189, %select_n3A_1177 : vector<16xi1>, vector<16xf32>
    %get3A_1191 = arith.constant 27 : i32
    %get3A_1192 = arith.index_cast %get3A_1191 : i32 to index
    %get3A_1193 = arith.constant 16 : index
    %get3A_1194 = tpu.vector_load %arg4[%get3A_1192, %get3A_1193] {strides = array<i32>} : memref<128x64xf32, #tpu.memory_space<vmem>>, vector<1x16xf32>,
    %get3A_1195 = vector.shape_cast %get3A_1194 : vector<1x16xf32> to vector<16xf32>
    %gt3A_1196 = arith.cmpf ogt, %get3A_1195, %select_n3A_1184 : vector<16xf32>
    %select_n3A_1197 = arith.select %gt3A_1196, %get3A_1195, %select_n3A_1184 : vector<16xi1>, vector<16xf32>
    %get3A_1198 = arith.constant 91 : i32
    %get3A_1199 = arith.index_cast %get3A_1198 : i32 to index
    %get3A_1200 = arith.constant 16 : index
    %get3A_1201 = tpu.vector_load %arg4[%get3A_1199, %get3A_1200] {strides = array<i32>} : memref<128x64xf32, #tpu.memory_space<vmem>>, vector<1x16xf32>,
    %get3A_1202 = vector.shape_cast %get3A_1201 : vector<1x16xf32> to vector<16xf32>
    %select_n3A_1203 = arith.select %gt3A_1196, %get3A_1202, %select_n3A_1190 : vector<16xi1>, vector<16xf32>
    %get3A_1204 = arith.constant 28 : i32
    %get3A_1205 = arith.index_cast %get3A_1204 : i32 to index
    %get3A_1206 = arith.constant 16 : index
    %get3A_1207 = tpu.vector_load %arg4[%get3A_1205, %get3A_1206] {strides = array<i32>} : memref<128x64xf32, #tpu.memory_space<vmem>>, vector<1x16xf32>,
    %get3A_1208 = vector.shape_cast %get3A_1207 : vector<1x16xf32> to vector<16xf32>
    %gt3A_1209 = arith.cmpf ogt, %get3A_1208, %select_n3A_1197 : vector<16xf32>
    %select_n3A_1210 = arith.select %gt3A_1209, %get3A_1208, %select_n3A_1197 : vector<16xi1>, vector<16xf32>
    %get3A_1211 = arith.constant 92 : i32
    %get3A_1212 = arith.index_cast %get3A_1211 : i32 to index
    %get3A_1213 = arith.constant 16 : index
    %get3A_1214 = tpu.vector_load %arg4[%get3A_1212, %get3A_1213] {strides = array<i32>} : memref<128x64xf32, #tpu.memory_space<vmem>>, vector<1x16xf32>,
    %get3A_1215 = vector.shape_cast %get3A_1214 : vector<1x16xf32> to vector<16xf32>
    %select_n3A_1216 = arith.select %gt3A_1209, %get3A_1215, %select_n3A_1203 : vector<16xi1>, vector<16xf32>
    %get3A_1217 = arith.constant 29 : i32
    %get3A_1218 = arith.index_cast %get3A_1217 : i32 to index
    %get3A_1219 = arith.constant 16 : index
    %get3A_1220 = tpu.vector_load %arg4[%get3A_1218, %get3A_1219] {strides = array<i32>} : memref<128x64xf32, #tpu.memory_space<vmem>>, vector<1x16xf32>,
    %get3A_1221 = vector.shape_cast %get3A_1220 : vector<1x16xf32> to vector<16xf32>
    %gt3A_1222 = arith.cmpf ogt, %get3A_1221, %select_n3A_1210 : vector<16xf32>
    %select_n3A_1223 = arith.select %gt3A_1222, %get3A_1221, %select_n3A_1210 : vector<16xi1>, vector<16xf32>
    %get3A_1224 = arith.constant 93 : i32
    %get3A_1225 = arith.index_cast %get3A_1224 : i32 to index
    %get3A_1226 = arith.constant 16 : index
    %get3A_1227 = tpu.vector_load %arg4[%get3A_1225, %get3A_1226] {strides = array<i32>} : memref<128x64xf32, #tpu.memory_space<vmem>>, vector<1x16xf32>,
    %get3A_1228 = vector.shape_cast %get3A_1227 : vector<1x16xf32> to vector<16xf32>
    %select_n3A_1229 = arith.select %gt3A_1222, %get3A_1228, %select_n3A_1216 : vector<16xi1>, vector<16xf32>
    %get3A_1230 = arith.constant 30 : i32
    %get3A_1231 = arith.index_cast %get3A_1230 : i32 to index
    %get3A_1232 = arith.constant 16 : index
    %get3A_1233 = tpu.vector_load %arg4[%get3A_1231, %get3A_1232] {strides = array<i32>} : memref<128x64xf32, #tpu.memory_space<vmem>>, vector<1x16xf32>,
    %get3A_1234 = vector.shape_cast %get3A_1233 : vector<1x16xf32> to vector<16xf32>
    %gt3A_1235 = arith.cmpf ogt, %get3A_1234, %select_n3A_1223 : vector<16xf32>
    %select_n3A_1236 = arith.select %gt3A_1235, %get3A_1234, %select_n3A_1223 : vector<16xi1>, vector<16xf32>
    %get3A_1237 = arith.constant 94 : i32
    %get3A_1238 = arith.index_cast %get3A_1237 : i32 to index
    %get3A_1239 = arith.constant 16 : index
    %get3A_1240 = tpu.vector_load %arg4[%get3A_1238, %get3A_1239] {strides = array<i32>} : memref<128x64xf32, #tpu.memory_space<vmem>>, vector<1x16xf32>,
    %get3A_1241 = vector.shape_cast %get3A_1240 : vector<1x16xf32> to vector<16xf32>
    %select_n3A_1242 = arith.select %gt3A_1235, %get3A_1241, %select_n3A_1229 : vector<16xi1>, vector<16xf32>
    %get3A_1243 = arith.constant 31 : i32
    %get3A_1244 = arith.index_cast %get3A_1243 : i32 to index
    %get3A_1245 = arith.constant 16 : index
    %get3A_1246 = tpu.vector_load %arg4[%get3A_1244, %get3A_1245] {strides = array<i32>} : memref<128x64xf32, #tpu.memory_space<vmem>>, vector<1x16xf32>,
    %get3A_1247 = vector.shape_cast %get3A_1246 : vector<1x16xf32> to vector<16xf32>
    %gt3A_1248 = arith.cmpf ogt, %get3A_1247, %select_n3A_1236 : vector<16xf32>
    %select_n3A_1249 = arith.select %gt3A_1248, %get3A_1247, %select_n3A_1236 : vector<16xi1>, vector<16xf32>
    %get3A_1250 = arith.constant 95 : i32
    %get3A_1251 = arith.index_cast %get3A_1250 : i32 to index
    %get3A_1252 = arith.constant 16 : index
    %get3A_1253 = tpu.vector_load %arg4[%get3A_1251, %get3A_1252] {strides = array<i32>} : memref<128x64xf32, #tpu.memory_space<vmem>>, vector<1x16xf32>,
    %get3A_1254 = vector.shape_cast %get3A_1253 : vector<1x16xf32> to vector<16xf32>
    %select_n3A_1255 = arith.select %gt3A_1248, %get3A_1254, %select_n3A_1242 : vector<16xi1>, vector<16xf32>
    %get3A_1256 = arith.constant 32 : i32
    %get3A_1257 = arith.index_cast %get3A_1256 : i32 to index
    %get3A_1258 = arith.constant 16 : index
    %get3A_1259 = tpu.vector_load %arg4[%get3A_1257, %get3A_1258] {strides = array<i32>} : memref<128x64xf32, #tpu.memory_space<vmem>>, vector<1x16xf32>,
    %get3A_1260 = vector.shape_cast %get3A_1259 : vector<1x16xf32> to vector<16xf32>
    %gt3A_1261 = arith.cmpf ogt, %get3A_1260, %select_n3A_1249 : vector<16xf32>
    %select_n3A_1262 = arith.select %gt3A_1261, %get3A_1260, %select_n3A_1249 : vector<16xi1>, vector<16xf32>
    %get3A_1263 = arith.constant 96 : i32
    %get3A_1264 = arith.index_cast %get3A_1263 : i32 to index
    %get3A_1265 = arith.constant 16 : index
    %get3A_1266 = tpu.vector_load %arg4[%get3A_1264, %get3A_1265] {strides = array<i32>} : memref<128x64xf32, #tpu.memory_space<vmem>>, vector<1x16xf32>,
    %get3A_1267 = vector.shape_cast %get3A_1266 : vector<1x16xf32> to vector<16xf32>
    %select_n3A_1268 = arith.select %gt3A_1261, %get3A_1267, %select_n3A_1255 : vector<16xi1>, vector<16xf32>
    %get3A_1269 = arith.constant 33 : i32
    %get3A_1270 = arith.index_cast %get3A_1269 : i32 to index
    %get3A_1271 = arith.constant 16 : index
    %get3A_1272 = tpu.vector_load %arg4[%get3A_1270, %get3A_1271] {strides = array<i32>} : memref<128x64xf32, #tpu.memory_space<vmem>>, vector<1x16xf32>,
    %get3A_1273 = vector.shape_cast %get3A_1272 : vector<1x16xf32> to vector<16xf32>
    %gt3A_1274 = arith.cmpf ogt, %get3A_1273, %select_n3A_1262 : vector<16xf32>
    %select_n3A_1275 = arith.select %gt3A_1274, %get3A_1273, %select_n3A_1262 : vector<16xi1>, vector<16xf32>
    %get3A_1276 = arith.constant 97 : i32
    %get3A_1277 = arith.index_cast %get3A_1276 : i32 to index
    %get3A_1278 = arith.constant 16 : index
    %get3A_1279 = tpu.vector_load %arg4[%get3A_1277, %get3A_1278] {strides = array<i32>} : memref<128x64xf32, #tpu.memory_space<vmem>>, vector<1x16xf32>,
    %get3A_1280 = vector.shape_cast %get3A_1279 : vector<1x16xf32> to vector<16xf32>
    %select_n3A_1281 = arith.select %gt3A_1274, %get3A_1280, %select_n3A_1268 : vector<16xi1>, vector<16xf32>
    %get3A_1282 = arith.constant 34 : i32
    %get3A_1283 = arith.index_cast %get3A_1282 : i32 to index
    %get3A_1284 = arith.constant 16 : index
    %get3A_1285 = tpu.vector_load %arg4[%get3A_1283, %get3A_1284] {strides = array<i32>} : memref<128x64xf32, #tpu.memory_space<vmem>>, vector<1x16xf32>,
    %get3A_1286 = vector.shape_cast %get3A_1285 : vector<1x16xf32> to vector<16xf32>
    %gt3A_1287 = arith.cmpf ogt, %get3A_1286, %select_n3A_1275 : vector<16xf32>
    %select_n3A_1288 = arith.select %gt3A_1287, %get3A_1286, %select_n3A_1275 : vector<16xi1>, vector<16xf32>
    %get3A_1289 = arith.constant 98 : i32
    %get3A_1290 = arith.index_cast %get3A_1289 : i32 to index
    %get3A_1291 = arith.constant 16 : index
    %get3A_1292 = tpu.vector_load %arg4[%get3A_1290, %get3A_1291] {strides = array<i32>} : memref<128x64xf32, #tpu.memory_space<vmem>>, vector<1x16xf32>,
    %get3A_1293 = vector.shape_cast %get3A_1292 : vector<1x16xf32> to vector<16xf32>
    %select_n3A_1294 = arith.select %gt3A_1287, %get3A_1293, %select_n3A_1281 : vector<16xi1>, vector<16xf32>
    %get3A_1295 = arith.constant 35 : i32
    %get3A_1296 = arith.index_cast %get3A_1295 : i32 to index
    %get3A_1297 = arith.constant 16 : index
    %get3A_1298 = tpu.vector_load %arg4[%get3A_1296, %get3A_1297] {strides = array<i32>} : memref<128x64xf32, #tpu.memory_space<vmem>>, vector<1x16xf32>,
    %get3A_1299 = vector.shape_cast %get3A_1298 : vector<1x16xf32> to vector<16xf32>
    %gt3A_1300 = arith.cmpf ogt, %get3A_1299, %select_n3A_1288 : vector<16xf32>
    %select_n3A_1301 = arith.select %gt3A_1300, %get3A_1299, %select_n3A_1288 : vector<16xi1>, vector<16xf32>
    %get3A_1302 = arith.constant 99 : i32
    %get3A_1303 = arith.index_cast %get3A_1302 : i32 to index
    %get3A_1304 = arith.constant 16 : index
    %get3A_1305 = tpu.vector_load %arg4[%get3A_1303, %get3A_1304] {strides = array<i32>} : memref<128x64xf32, #tpu.memory_space<vmem>>, vector<1x16xf32>,
    %get3A_1306 = vector.shape_cast %get3A_1305 : vector<1x16xf32> to vector<16xf32>
    %select_n3A_1307 = arith.select %gt3A_1300, %get3A_1306, %select_n3A_1294 : vector<16xi1>, vector<16xf32>
    %get3A_1308 = arith.constant 36 : i32
    %get3A_1309 = arith.index_cast %get3A_1308 : i32 to index
    %get3A_1310 = arith.constant 16 : index
    %get3A_1311 = tpu.vector_load %arg4[%get3A_1309, %get3A_1310] {strides = array<i32>} : memref<128x64xf32, #tpu.memory_space<vmem>>, vector<1x16xf32>,
    %get3A_1312 = vector.shape_cast %get3A_1311 : vector<1x16xf32> to vector<16xf32>
    %gt3A_1313 = arith.cmpf ogt, %get3A_1312, %select_n3A_1301 : vector<16xf32>
    %select_n3A_1314 = arith.select %gt3A_1313, %get3A_1312, %select_n3A_1301 : vector<16xi1>, vector<16xf32>
    %get3A_1315 = arith.constant 100 : i32
    %get3A_1316 = arith.index_cast %get3A_1315 : i32 to index
    %get3A_1317 = arith.constant 16 : index
    %get3A_1318 = tpu.vector_load %arg4[%get3A_1316, %get3A_1317] {strides = array<i32>} : memref<128x64xf32, #tpu.memory_space<vmem>>, vector<1x16xf32>,
    %get3A_1319 = vector.shape_cast %get3A_1318 : vector<1x16xf32> to vector<16xf32>
    %select_n3A_1320 = arith.select %gt3A_1313, %get3A_1319, %select_n3A_1307 : vector<16xi1>, vector<16xf32>
    %get3A_1321 = arith.constant 37 : i32
    %get3A_1322 = arith.index_cast %get3A_1321 : i32 to index
    %get3A_1323 = arith.constant 16 : index
    %get3A_1324 = tpu.vector_load %arg4[%get3A_1322, %get3A_1323] {strides = array<i32>} : memref<128x64xf32, #tpu.memory_space<vmem>>, vector<1x16xf32>,
    %get3A_1325 = vector.shape_cast %get3A_1324 : vector<1x16xf32> to vector<16xf32>
    %gt3A_1326 = arith.cmpf ogt, %get3A_1325, %select_n3A_1314 : vector<16xf32>
    %select_n3A_1327 = arith.select %gt3A_1326, %get3A_1325, %select_n3A_1314 : vector<16xi1>, vector<16xf32>
    %get3A_1328 = arith.constant 101 : i32
    %get3A_1329 = arith.index_cast %get3A_1328 : i32 to index
    %get3A_1330 = arith.constant 16 : index
    %get3A_1331 = tpu.vector_load %arg4[%get3A_1329, %get3A_1330] {strides = array<i32>} : memref<128x64xf32, #tpu.memory_space<vmem>>, vector<1x16xf32>,
    %get3A_1332 = vector.shape_cast %get3A_1331 : vector<1x16xf32> to vector<16xf32>
    %select_n3A_1333 = arith.select %gt3A_1326, %get3A_1332, %select_n3A_1320 : vector<16xi1>, vector<16xf32>
    %get3A_1334 = arith.constant 38 : i32
    %get3A_1335 = arith.index_cast %get3A_1334 : i32 to index
    %get3A_1336 = arith.constant 16 : index
    %get3A_1337 = tpu.vector_load %arg4[%get3A_1335, %get3A_1336] {strides = array<i32>} : memref<128x64xf32, #tpu.memory_space<vmem>>, vector<1x16xf32>,
    %get3A_1338 = vector.shape_cast %get3A_1337 : vector<1x16xf32> to vector<16xf32>
    %gt3A_1339 = arith.cmpf ogt, %get3A_1338, %select_n3A_1327 : vector<16xf32>
    %select_n3A_1340 = arith.select %gt3A_1339, %get3A_1338, %select_n3A_1327 : vector<16xi1>, vector<16xf32>
    %get3A_1341 = arith.constant 102 : i32
    %get3A_1342 = arith.index_cast %get3A_1341 : i32 to index
    %get3A_1343 = arith.constant 16 : index
    %get3A_1344 = tpu.vector_load %arg4[%get3A_1342, %get3A_1343] {strides = array<i32>} : memref<128x64xf32, #tpu.memory_space<vmem>>, vector<1x16xf32>,
    %get3A_1345 = vector.shape_cast %get3A_1344 : vector<1x16xf32> to vector<16xf32>
    %select_n3A_1346 = arith.select %gt3A_1339, %get3A_1345, %select_n3A_1333 : vector<16xi1>, vector<16xf32>
    %get3A_1347 = arith.constant 39 : i32
    %get3A_1348 = arith.index_cast %get3A_1347 : i32 to index
    %get3A_1349 = arith.constant 16 : index
    %get3A_1350 = tpu.vector_load %arg4[%get3A_1348, %get3A_1349] {strides = array<i32>} : memref<128x64xf32, #tpu.memory_space<vmem>>, vector<1x16xf32>,
    %get3A_1351 = vector.shape_cast %get3A_1350 : vector<1x16xf32> to vector<16xf32>
    %gt3A_1352 = arith.cmpf ogt, %get3A_1351, %select_n3A_1340 : vector<16xf32>
    %select_n3A_1353 = arith.select %gt3A_1352, %get3A_1351, %select_n3A_1340 : vector<16xi1>, vector<16xf32>
    %get3A_1354 = arith.constant 103 : i32
    %get3A_1355 = arith.index_cast %get3A_1354 : i32 to index
    %get3A_1356 = arith.constant 16 : index
    %get3A_1357 = tpu.vector_load %arg4[%get3A_1355, %get3A_1356] {strides = array<i32>} : memref<128x64xf32, #tpu.memory_space<vmem>>, vector<1x16xf32>,
    %get3A_1358 = vector.shape_cast %get3A_1357 : vector<1x16xf32> to vector<16xf32>
    %select_n3A_1359 = arith.select %gt3A_1352, %get3A_1358, %select_n3A_1346 : vector<16xi1>, vector<16xf32>
    %get3A_1360 = arith.constant 40 : i32
    %get3A_1361 = arith.index_cast %get3A_1360 : i32 to index
    %get3A_1362 = arith.constant 16 : index
    %get3A_1363 = tpu.vector_load %arg4[%get3A_1361, %get3A_1362] {strides = array<i32>} : memref<128x64xf32, #tpu.memory_space<vmem>>, vector<1x16xf32>,
    %get3A_1364 = vector.shape_cast %get3A_1363 : vector<1x16xf32> to vector<16xf32>
    %gt3A_1365 = arith.cmpf ogt, %get3A_1364, %select_n3A_1353 : vector<16xf32>
    %select_n3A_1366 = arith.select %gt3A_1365, %get3A_1364, %select_n3A_1353 : vector<16xi1>, vector<16xf32>
    %get3A_1367 = arith.constant 104 : i32
    %get3A_1368 = arith.index_cast %get3A_1367 : i32 to index
    %get3A_1369 = arith.constant 16 : index
    %get3A_1370 = tpu.vector_load %arg4[%get3A_1368, %get3A_1369] {strides = array<i32>} : memref<128x64xf32, #tpu.memory_space<vmem>>, vector<1x16xf32>,
    %get3A_1371 = vector.shape_cast %get3A_1370 : vector<1x16xf32> to vector<16xf32>
    %select_n3A_1372 = arith.select %gt3A_1365, %get3A_1371, %select_n3A_1359 : vector<16xi1>, vector<16xf32>
    %get3A_1373 = arith.constant 41 : i32
    %get3A_1374 = arith.index_cast %get3A_1373 : i32 to index
    %get3A_1375 = arith.constant 16 : index
    %get3A_1376 = tpu.vector_load %arg4[%get3A_1374, %get3A_1375] {strides = array<i32>} : memref<128x64xf32, #tpu.memory_space<vmem>>, vector<1x16xf32>,
    %get3A_1377 = vector.shape_cast %get3A_1376 : vector<1x16xf32> to vector<16xf32>
    %gt3A_1378 = arith.cmpf ogt, %get3A_1377, %select_n3A_1366 : vector<16xf32>
    %select_n3A_1379 = arith.select %gt3A_1378, %get3A_1377, %select_n3A_1366 : vector<16xi1>, vector<16xf32>
    %get3A_1380 = arith.constant 105 : i32
    %get3A_1381 = arith.index_cast %get3A_1380 : i32 to index
    %get3A_1382 = arith.constant 16 : index
    %get3A_1383 = tpu.vector_load %arg4[%get3A_1381, %get3A_1382] {strides = array<i32>} : memref<128x64xf32, #tpu.memory_space<vmem>>, vector<1x16xf32>,
    %get3A_1384 = vector.shape_cast %get3A_1383 : vector<1x16xf32> to vector<16xf32>
    %select_n3A_1385 = arith.select %gt3A_1378, %get3A_1384, %select_n3A_1372 : vector<16xi1>, vector<16xf32>
    %get3A_1386 = arith.constant 42 : i32
    %get3A_1387 = arith.index_cast %get3A_1386 : i32 to index
    %get3A_1388 = arith.constant 16 : index
    %get3A_1389 = tpu.vector_load %arg4[%get3A_1387, %get3A_1388] {strides = array<i32>} : memref<128x64xf32, #tpu.memory_space<vmem>>, vector<1x16xf32>,
    %get3A_1390 = vector.shape_cast %get3A_1389 : vector<1x16xf32> to vector<16xf32>
    %gt3A_1391 = arith.cmpf ogt, %get3A_1390, %select_n3A_1379 : vector<16xf32>
    %select_n3A_1392 = arith.select %gt3A_1391, %get3A_1390, %select_n3A_1379 : vector<16xi1>, vector<16xf32>
    %get3A_1393 = arith.constant 106 : i32
    %get3A_1394 = arith.index_cast %get3A_1393 : i32 to index
    %get3A_1395 = arith.constant 16 : index
    %get3A_1396 = tpu.vector_load %arg4[%get3A_1394, %get3A_1395] {strides = array<i32>} : memref<128x64xf32, #tpu.memory_space<vmem>>, vector<1x16xf32>,
    %get3A_1397 = vector.shape_cast %get3A_1396 : vector<1x16xf32> to vector<16xf32>
    %select_n3A_1398 = arith.select %gt3A_1391, %get3A_1397, %select_n3A_1385 : vector<16xi1>, vector<16xf32>
    %get3A_1399 = arith.constant 43 : i32
    %get3A_1400 = arith.index_cast %get3A_1399 : i32 to index
    %get3A_1401 = arith.constant 16 : index
    %get3A_1402 = tpu.vector_load %arg4[%get3A_1400, %get3A_1401] {strides = array<i32>} : memref<128x64xf32, #tpu.memory_space<vmem>>, vector<1x16xf32>,
    %get3A_1403 = vector.shape_cast %get3A_1402 : vector<1x16xf32> to vector<16xf32>
    %gt3A_1404 = arith.cmpf ogt, %get3A_1403, %select_n3A_1392 : vector<16xf32>
    %select_n3A_1405 = arith.select %gt3A_1404, %get3A_1403, %select_n3A_1392 : vector<16xi1>, vector<16xf32>
    %get3A_1406 = arith.constant 107 : i32
    %get3A_1407 = arith.index_cast %get3A_1406 : i32 to index
    %get3A_1408 = arith.constant 16 : index
    %get3A_1409 = tpu.vector_load %arg4[%get3A_1407, %get3A_1408] {strides = array<i32>} : memref<128x64xf32, #tpu.memory_space<vmem>>, vector<1x16xf32>,
    %get3A_1410 = vector.shape_cast %get3A_1409 : vector<1x16xf32> to vector<16xf32>
    %select_n3A_1411 = arith.select %gt3A_1404, %get3A_1410, %select_n3A_1398 : vector<16xi1>, vector<16xf32>
    %get3A_1412 = arith.constant 44 : i32
    %get3A_1413 = arith.index_cast %get3A_1412 : i32 to index
    %get3A_1414 = arith.constant 16 : index
    %get3A_1415 = tpu.vector_load %arg4[%get3A_1413, %get3A_1414] {strides = array<i32>} : memref<128x64xf32, #tpu.memory_space<vmem>>, vector<1x16xf32>,
    %get3A_1416 = vector.shape_cast %get3A_1415 : vector<1x16xf32> to vector<16xf32>
    %gt3A_1417 = arith.cmpf ogt, %get3A_1416, %select_n3A_1405 : vector<16xf32>
    %select_n3A_1418 = arith.select %gt3A_1417, %get3A_1416, %select_n3A_1405 : vector<16xi1>, vector<16xf32>
    %get3A_1419 = arith.constant 108 : i32
    %get3A_1420 = arith.index_cast %get3A_1419 : i32 to index
    %get3A_1421 = arith.constant 16 : index
    %get3A_1422 = tpu.vector_load %arg4[%get3A_1420, %get3A_1421] {strides = array<i32>} : memref<128x64xf32, #tpu.memory_space<vmem>>, vector<1x16xf32>,
    %get3A_1423 = vector.shape_cast %get3A_1422 : vector<1x16xf32> to vector<16xf32>
    %select_n3A_1424 = arith.select %gt3A_1417, %get3A_1423, %select_n3A_1411 : vector<16xi1>, vector<16xf32>
    %get3A_1425 = arith.constant 45 : i32
    %get3A_1426 = arith.index_cast %get3A_1425 : i32 to index
    %get3A_1427 = arith.constant 16 : index
    %get3A_1428 = tpu.vector_load %arg4[%get3A_1426, %get3A_1427] {strides = array<i32>} : memref<128x64xf32, #tpu.memory_space<vmem>>, vector<1x16xf32>,
    %get3A_1429 = vector.shape_cast %get3A_1428 : vector<1x16xf32> to vector<16xf32>
    %gt3A_1430 = arith.cmpf ogt, %get3A_1429, %select_n3A_1418 : vector<16xf32>
    %select_n3A_1431 = arith.select %gt3A_1430, %get3A_1429, %select_n3A_1418 : vector<16xi1>, vector<16xf32>
    %get3A_1432 = arith.constant 109 : i32
    %get3A_1433 = arith.index_cast %get3A_1432 : i32 to index
    %get3A_1434 = arith.constant 16 : index
    %get3A_1435 = tpu.vector_load %arg4[%get3A_1433, %get3A_1434] {strides = array<i32>} : memref<128x64xf32, #tpu.memory_space<vmem>>, vector<1x16xf32>,
    %get3A_1436 = vector.shape_cast %get3A_1435 : vector<1x16xf32> to vector<16xf32>
    %select_n3A_1437 = arith.select %gt3A_1430, %get3A_1436, %select_n3A_1424 : vector<16xi1>, vector<16xf32>
    %get3A_1438 = arith.constant 46 : i32
    %get3A_1439 = arith.index_cast %get3A_1438 : i32 to index
    %get3A_1440 = arith.constant 16 : index
    %get3A_1441 = tpu.vector_load %arg4[%get3A_1439, %get3A_1440] {strides = array<i32>} : memref<128x64xf32, #tpu.memory_space<vmem>>, vector<1x16xf32>,
    %get3A_1442 = vector.shape_cast %get3A_1441 : vector<1x16xf32> to vector<16xf32>
    %gt3A_1443 = arith.cmpf ogt, %get3A_1442, %select_n3A_1431 : vector<16xf32>
    %select_n3A_1444 = arith.select %gt3A_1443, %get3A_1442, %select_n3A_1431 : vector<16xi1>, vector<16xf32>
    %get3A_1445 = arith.constant 110 : i32
    %get3A_1446 = arith.index_cast %get3A_1445 : i32 to index
    %get3A_1447 = arith.constant 16 : index
    %get3A_1448 = tpu.vector_load %arg4[%get3A_1446, %get3A_1447] {strides = array<i32>} : memref<128x64xf32, #tpu.memory_space<vmem>>, vector<1x16xf32>,
    %get3A_1449 = vector.shape_cast %get3A_1448 : vector<1x16xf32> to vector<16xf32>
    %select_n3A_1450 = arith.select %gt3A_1443, %get3A_1449, %select_n3A_1437 : vector<16xi1>, vector<16xf32>
    %get3A_1451 = arith.constant 47 : i32
    %get3A_1452 = arith.index_cast %get3A_1451 : i32 to index
    %get3A_1453 = arith.constant 16 : index
    %get3A_1454 = tpu.vector_load %arg4[%get3A_1452, %get3A_1453] {strides = array<i32>} : memref<128x64xf32, #tpu.memory_space<vmem>>, vector<1x16xf32>,
    %get3A_1455 = vector.shape_cast %get3A_1454 : vector<1x16xf32> to vector<16xf32>
    %gt3A_1456 = arith.cmpf ogt, %get3A_1455, %select_n3A_1444 : vector<16xf32>
    %select_n3A_1457 = arith.select %gt3A_1456, %get3A_1455, %select_n3A_1444 : vector<16xi1>, vector<16xf32>
    %get3A_1458 = arith.constant 111 : i32
    %get3A_1459 = arith.index_cast %get3A_1458 : i32 to index
    %get3A_1460 = arith.constant 16 : index
    %get3A_1461 = tpu.vector_load %arg4[%get3A_1459, %get3A_1460] {strides = array<i32>} : memref<128x64xf32, #tpu.memory_space<vmem>>, vector<1x16xf32>,
    %get3A_1462 = vector.shape_cast %get3A_1461 : vector<1x16xf32> to vector<16xf32>
    %select_n3A_1463 = arith.select %gt3A_1456, %get3A_1462, %select_n3A_1450 : vector<16xi1>, vector<16xf32>
    %get3A_1464 = arith.constant 48 : i32
    %get3A_1465 = arith.index_cast %get3A_1464 : i32 to index
    %get3A_1466 = arith.constant 16 : index
    %get3A_1467 = tpu.vector_load %arg4[%get3A_1465, %get3A_1466] {strides = array<i32>} : memref<128x64xf32, #tpu.memory_space<vmem>>, vector<1x16xf32>,
    %get3A_1468 = vector.shape_cast %get3A_1467 : vector<1x16xf32> to vector<16xf32>
    %gt3A_1469 = arith.cmpf ogt, %get3A_1468, %select_n3A_1457 : vector<16xf32>
    %select_n3A_1470 = arith.select %gt3A_1469, %get3A_1468, %select_n3A_1457 : vector<16xi1>, vector<16xf32>
    %get3A_1471 = arith.constant 112 : i32
    %get3A_1472 = arith.index_cast %get3A_1471 : i32 to index
    %get3A_1473 = arith.constant 16 : index
    %get3A_1474 = tpu.vector_load %arg4[%get3A_1472, %get3A_1473] {strides = array<i32>} : memref<128x64xf32, #tpu.memory_space<vmem>>, vector<1x16xf32>,
    %get3A_1475 = vector.shape_cast %get3A_1474 : vector<1x16xf32> to vector<16xf32>
    %select_n3A_1476 = arith.select %gt3A_1469, %get3A_1475, %select_n3A_1463 : vector<16xi1>, vector<16xf32>
    %get3A_1477 = arith.constant 49 : i32
    %get3A_1478 = arith.index_cast %get3A_1477 : i32 to index
    %get3A_1479 = arith.constant 16 : index
    %get3A_1480 = tpu.vector_load %arg4[%get3A_1478, %get3A_1479] {strides = array<i32>} : memref<128x64xf32, #tpu.memory_space<vmem>>, vector<1x16xf32>,
    %get3A_1481 = vector.shape_cast %get3A_1480 : vector<1x16xf32> to vector<16xf32>
    %gt3A_1482 = arith.cmpf ogt, %get3A_1481, %select_n3A_1470 : vector<16xf32>
    %select_n3A_1483 = arith.select %gt3A_1482, %get3A_1481, %select_n3A_1470 : vector<16xi1>, vector<16xf32>
    %get3A_1484 = arith.constant 113 : i32
    %get3A_1485 = arith.index_cast %get3A_1484 : i32 to index
    %get3A_1486 = arith.constant 16 : index
    %get3A_1487 = tpu.vector_load %arg4[%get3A_1485, %get3A_1486] {strides = array<i32>} : memref<128x64xf32, #tpu.memory_space<vmem>>, vector<1x16xf32>,
    %get3A_1488 = vector.shape_cast %get3A_1487 : vector<1x16xf32> to vector<16xf32>
    %select_n3A_1489 = arith.select %gt3A_1482, %get3A_1488, %select_n3A_1476 : vector<16xi1>, vector<16xf32>
    %get3A_1490 = arith.constant 50 : i32
    %get3A_1491 = arith.index_cast %get3A_1490 : i32 to index
    %get3A_1492 = arith.constant 16 : index
    %get3A_1493 = tpu.vector_load %arg4[%get3A_1491, %get3A_1492] {strides = array<i32>} : memref<128x64xf32, #tpu.memory_space<vmem>>, vector<1x16xf32>,
    %get3A_1494 = vector.shape_cast %get3A_1493 : vector<1x16xf32> to vector<16xf32>
    %gt3A_1495 = arith.cmpf ogt, %get3A_1494, %select_n3A_1483 : vector<16xf32>
    %select_n3A_1496 = arith.select %gt3A_1495, %get3A_1494, %select_n3A_1483 : vector<16xi1>, vector<16xf32>
    %get3A_1497 = arith.constant 114 : i32
    %get3A_1498 = arith.index_cast %get3A_1497 : i32 to index
    %get3A_1499 = arith.constant 16 : index
    %get3A_1500 = tpu.vector_load %arg4[%get3A_1498, %get3A_1499] {strides = array<i32>} : memref<128x64xf32, #tpu.memory_space<vmem>>, vector<1x16xf32>,
    %get3A_1501 = vector.shape_cast %get3A_1500 : vector<1x16xf32> to vector<16xf32>
    %select_n3A_1502 = arith.select %gt3A_1495, %get3A_1501, %select_n3A_1489 : vector<16xi1>, vector<16xf32>
    %get3A_1503 = arith.constant 51 : i32
    %get3A_1504 = arith.index_cast %get3A_1503 : i32 to index
    %get3A_1505 = arith.constant 16 : index
    %get3A_1506 = tpu.vector_load %arg4[%get3A_1504, %get3A_1505] {strides = array<i32>} : memref<128x64xf32, #tpu.memory_space<vmem>>, vector<1x16xf32>,
    %get3A_1507 = vector.shape_cast %get3A_1506 : vector<1x16xf32> to vector<16xf32>
    %gt3A_1508 = arith.cmpf ogt, %get3A_1507, %select_n3A_1496 : vector<16xf32>
    %select_n3A_1509 = arith.select %gt3A_1508, %get3A_1507, %select_n3A_1496 : vector<16xi1>, vector<16xf32>
    %get3A_1510 = arith.constant 115 : i32
    %get3A_1511 = arith.index_cast %get3A_1510 : i32 to index
    %get3A_1512 = arith.constant 16 : index
    %get3A_1513 = tpu.vector_load %arg4[%get3A_1511, %get3A_1512] {strides = array<i32>} : memref<128x64xf32, #tpu.memory_space<vmem>>, vector<1x16xf32>,
    %get3A_1514 = vector.shape_cast %get3A_1513 : vector<1x16xf32> to vector<16xf32>
    %select_n3A_1515 = arith.select %gt3A_1508, %get3A_1514, %select_n3A_1502 : vector<16xi1>, vector<16xf32>
    %get3A_1516 = arith.constant 52 : i32
    %get3A_1517 = arith.index_cast %get3A_1516 : i32 to index
    %get3A_1518 = arith.constant 16 : index
    %get3A_1519 = tpu.vector_load %arg4[%get3A_1517, %get3A_1518] {strides = array<i32>} : memref<128x64xf32, #tpu.memory_space<vmem>>, vector<1x16xf32>,
    %get3A_1520 = vector.shape_cast %get3A_1519 : vector<1x16xf32> to vector<16xf32>
    %gt3A_1521 = arith.cmpf ogt, %get3A_1520, %select_n3A_1509 : vector<16xf32>
    %select_n3A_1522 = arith.select %gt3A_1521, %get3A_1520, %select_n3A_1509 : vector<16xi1>, vector<16xf32>
    %get3A_1523 = arith.constant 116 : i32
    %get3A_1524 = arith.index_cast %get3A_1523 : i32 to index
    %get3A_1525 = arith.constant 16 : index
    %get3A_1526 = tpu.vector_load %arg4[%get3A_1524, %get3A_1525] {strides = array<i32>} : memref<128x64xf32, #tpu.memory_space<vmem>>, vector<1x16xf32>,
    %get3A_1527 = vector.shape_cast %get3A_1526 : vector<1x16xf32> to vector<16xf32>
    %select_n3A_1528 = arith.select %gt3A_1521, %get3A_1527, %select_n3A_1515 : vector<16xi1>, vector<16xf32>
    %get3A_1529 = arith.constant 53 : i32
    %get3A_1530 = arith.index_cast %get3A_1529 : i32 to index
    %get3A_1531 = arith.constant 16 : index
    %get3A_1532 = tpu.vector_load %arg4[%get3A_1530, %get3A_1531] {strides = array<i32>} : memref<128x64xf32, #tpu.memory_space<vmem>>, vector<1x16xf32>,
    %get3A_1533 = vector.shape_cast %get3A_1532 : vector<1x16xf32> to vector<16xf32>
    %gt3A_1534 = arith.cmpf ogt, %get3A_1533, %select_n3A_1522 : vector<16xf32>
    %select_n3A_1535 = arith.select %gt3A_1534, %get3A_1533, %select_n3A_1522 : vector<16xi1>, vector<16xf32>
    %get3A_1536 = arith.constant 117 : i32
    %get3A_1537 = arith.index_cast %get3A_1536 : i32 to index
    %get3A_1538 = arith.constant 16 : index
    %get3A_1539 = tpu.vector_load %arg4[%get3A_1537, %get3A_1538] {strides = array<i32>} : memref<128x64xf32, #tpu.memory_space<vmem>>, vector<1x16xf32>,
    %get3A_1540 = vector.shape_cast %get3A_1539 : vector<1x16xf32> to vector<16xf32>
    %select_n3A_1541 = arith.select %gt3A_1534, %get3A_1540, %select_n3A_1528 : vector<16xi1>, vector<16xf32>
    %get3A_1542 = arith.constant 54 : i32
    %get3A_1543 = arith.index_cast %get3A_1542 : i32 to index
    %get3A_1544 = arith.constant 16 : index
    %get3A_1545 = tpu.vector_load %arg4[%get3A_1543, %get3A_1544] {strides = array<i32>} : memref<128x64xf32, #tpu.memory_space<vmem>>, vector<1x16xf32>,
    %get3A_1546 = vector.shape_cast %get3A_1545 : vector<1x16xf32> to vector<16xf32>
    %gt3A_1547 = arith.cmpf ogt, %get3A_1546, %select_n3A_1535 : vector<16xf32>
    %select_n3A_1548 = arith.select %gt3A_1547, %get3A_1546, %select_n3A_1535 : vector<16xi1>, vector<16xf32>
    %get3A_1549 = arith.constant 118 : i32
    %get3A_1550 = arith.index_cast %get3A_1549 : i32 to index
    %get3A_1551 = arith.constant 16 : index
    %get3A_1552 = tpu.vector_load %arg4[%get3A_1550, %get3A_1551] {strides = array<i32>} : memref<128x64xf32, #tpu.memory_space<vmem>>, vector<1x16xf32>,
    %get3A_1553 = vector.shape_cast %get3A_1552 : vector<1x16xf32> to vector<16xf32>
    %select_n3A_1554 = arith.select %gt3A_1547, %get3A_1553, %select_n3A_1541 : vector<16xi1>, vector<16xf32>
    %get3A_1555 = arith.constant 55 : i32
    %get3A_1556 = arith.index_cast %get3A_1555 : i32 to index
    %get3A_1557 = arith.constant 16 : index
    %get3A_1558 = tpu.vector_load %arg4[%get3A_1556, %get3A_1557] {strides = array<i32>} : memref<128x64xf32, #tpu.memory_space<vmem>>, vector<1x16xf32>,
    %get3A_1559 = vector.shape_cast %get3A_1558 : vector<1x16xf32> to vector<16xf32>
    %gt3A_1560 = arith.cmpf ogt, %get3A_1559, %select_n3A_1548 : vector<16xf32>
    %select_n3A_1561 = arith.select %gt3A_1560, %get3A_1559, %select_n3A_1548 : vector<16xi1>, vector<16xf32>
    %get3A_1562 = arith.constant 119 : i32
    %get3A_1563 = arith.index_cast %get3A_1562 : i32 to index
    %get3A_1564 = arith.constant 16 : index
    %get3A_1565 = tpu.vector_load %arg4[%get3A_1563, %get3A_1564] {strides = array<i32>} : memref<128x64xf32, #tpu.memory_space<vmem>>, vector<1x16xf32>,
    %get3A_1566 = vector.shape_cast %get3A_1565 : vector<1x16xf32> to vector<16xf32>
    %select_n3A_1567 = arith.select %gt3A_1560, %get3A_1566, %select_n3A_1554 : vector<16xi1>, vector<16xf32>
    %get3A_1568 = arith.constant 56 : i32
    %get3A_1569 = arith.index_cast %get3A_1568 : i32 to index
    %get3A_1570 = arith.constant 16 : index
    %get3A_1571 = tpu.vector_load %arg4[%get3A_1569, %get3A_1570] {strides = array<i32>} : memref<128x64xf32, #tpu.memory_space<vmem>>, vector<1x16xf32>,
    %get3A_1572 = vector.shape_cast %get3A_1571 : vector<1x16xf32> to vector<16xf32>
    %gt3A_1573 = arith.cmpf ogt, %get3A_1572, %select_n3A_1561 : vector<16xf32>
    %select_n3A_1574 = arith.select %gt3A_1573, %get3A_1572, %select_n3A_1561 : vector<16xi1>, vector<16xf32>
    %get3A_1575 = arith.constant 120 : i32
    %get3A_1576 = arith.index_cast %get3A_1575 : i32 to index
    %get3A_1577 = arith.constant 16 : index
    %get3A_1578 = tpu.vector_load %arg4[%get3A_1576, %get3A_1577] {strides = array<i32>} : memref<128x64xf32, #tpu.memory_space<vmem>>, vector<1x16xf32>,
    %get3A_1579 = vector.shape_cast %get3A_1578 : vector<1x16xf32> to vector<16xf32>
    %select_n3A_1580 = arith.select %gt3A_1573, %get3A_1579, %select_n3A_1567 : vector<16xi1>, vector<16xf32>
    %get3A_1581 = arith.constant 57 : i32
    %get3A_1582 = arith.index_cast %get3A_1581 : i32 to index
    %get3A_1583 = arith.constant 16 : index
    %get3A_1584 = tpu.vector_load %arg4[%get3A_1582, %get3A_1583] {strides = array<i32>} : memref<128x64xf32, #tpu.memory_space<vmem>>, vector<1x16xf32>,
    %get3A_1585 = vector.shape_cast %get3A_1584 : vector<1x16xf32> to vector<16xf32>
    %gt3A_1586 = arith.cmpf ogt, %get3A_1585, %select_n3A_1574 : vector<16xf32>
    %select_n3A_1587 = arith.select %gt3A_1586, %get3A_1585, %select_n3A_1574 : vector<16xi1>, vector<16xf32>
    %get3A_1588 = arith.constant 121 : i32
    %get3A_1589 = arith.index_cast %get3A_1588 : i32 to index
    %get3A_1590 = arith.constant 16 : index
    %get3A_1591 = tpu.vector_load %arg4[%get3A_1589, %get3A_1590] {strides = array<i32>} : memref<128x64xf32, #tpu.memory_space<vmem>>, vector<1x16xf32>,
    %get3A_1592 = vector.shape_cast %get3A_1591 : vector<1x16xf32> to vector<16xf32>
    %select_n3A_1593 = arith.select %gt3A_1586, %get3A_1592, %select_n3A_1580 : vector<16xi1>, vector<16xf32>
    %get3A_1594 = arith.constant 58 : i32
    %get3A_1595 = arith.index_cast %get3A_1594 : i32 to index
    %get3A_1596 = arith.constant 16 : index
    %get3A_1597 = tpu.vector_load %arg4[%get3A_1595, %get3A_1596] {strides = array<i32>} : memref<128x64xf32, #tpu.memory_space<vmem>>, vector<1x16xf32>,
    %get3A_1598 = vector.shape_cast %get3A_1597 : vector<1x16xf32> to vector<16xf32>
    %gt3A_1599 = arith.cmpf ogt, %get3A_1598, %select_n3A_1587 : vector<16xf32>
    %select_n3A_1600 = arith.select %gt3A_1599, %get3A_1598, %select_n3A_1587 : vector<16xi1>, vector<16xf32>
    %get3A_1601 = arith.constant 122 : i32
    %get3A_1602 = arith.index_cast %get3A_1601 : i32 to index
    %get3A_1603 = arith.constant 16 : index
    %get3A_1604 = tpu.vector_load %arg4[%get3A_1602, %get3A_1603] {strides = array<i32>} : memref<128x64xf32, #tpu.memory_space<vmem>>, vector<1x16xf32>,
    %get3A_1605 = vector.shape_cast %get3A_1604 : vector<1x16xf32> to vector<16xf32>
    %select_n3A_1606 = arith.select %gt3A_1599, %get3A_1605, %select_n3A_1593 : vector<16xi1>, vector<16xf32>
    %get3A_1607 = arith.constant 59 : i32
    %get3A_1608 = arith.index_cast %get3A_1607 : i32 to index
    %get3A_1609 = arith.constant 16 : index
    %get3A_1610 = tpu.vector_load %arg4[%get3A_1608, %get3A_1609] {strides = array<i32>} : memref<128x64xf32, #tpu.memory_space<vmem>>, vector<1x16xf32>,
    %get3A_1611 = vector.shape_cast %get3A_1610 : vector<1x16xf32> to vector<16xf32>
    %gt3A_1612 = arith.cmpf ogt, %get3A_1611, %select_n3A_1600 : vector<16xf32>
    %select_n3A_1613 = arith.select %gt3A_1612, %get3A_1611, %select_n3A_1600 : vector<16xi1>, vector<16xf32>
    %get3A_1614 = arith.constant 123 : i32
    %get3A_1615 = arith.index_cast %get3A_1614 : i32 to index
    %get3A_1616 = arith.constant 16 : index
    %get3A_1617 = tpu.vector_load %arg4[%get3A_1615, %get3A_1616] {strides = array<i32>} : memref<128x64xf32, #tpu.memory_space<vmem>>, vector<1x16xf32>,
    %get3A_1618 = vector.shape_cast %get3A_1617 : vector<1x16xf32> to vector<16xf32>
    %select_n3A_1619 = arith.select %gt3A_1612, %get3A_1618, %select_n3A_1606 : vector<16xi1>, vector<16xf32>
    %get3A_1620 = arith.constant 60 : i32
    %get3A_1621 = arith.index_cast %get3A_1620 : i32 to index
    %get3A_1622 = arith.constant 16 : index
    %get3A_1623 = tpu.vector_load %arg4[%get3A_1621, %get3A_1622] {strides = array<i32>} : memref<128x64xf32, #tpu.memory_space<vmem>>, vector<1x16xf32>,
    %get3A_1624 = vector.shape_cast %get3A_1623 : vector<1x16xf32> to vector<16xf32>
    %gt3A_1625 = arith.cmpf ogt, %get3A_1624, %select_n3A_1613 : vector<16xf32>
    %select_n3A_1626 = arith.select %gt3A_1625, %get3A_1624, %select_n3A_1613 : vector<16xi1>, vector<16xf32>
    %get3A_1627 = arith.constant 124 : i32
    %get3A_1628 = arith.index_cast %get3A_1627 : i32 to index
    %get3A_1629 = arith.constant 16 : index
    %get3A_1630 = tpu.vector_load %arg4[%get3A_1628, %get3A_1629] {strides = array<i32>} : memref<128x64xf32, #tpu.memory_space<vmem>>, vector<1x16xf32>,
    %get3A_1631 = vector.shape_cast %get3A_1630 : vector<1x16xf32> to vector<16xf32>
    %select_n3A_1632 = arith.select %gt3A_1625, %get3A_1631, %select_n3A_1619 : vector<16xi1>, vector<16xf32>
    %get3A_1633 = arith.constant 61 : i32
    %get3A_1634 = arith.index_cast %get3A_1633 : i32 to index
    %get3A_1635 = arith.constant 16 : index
    %get3A_1636 = tpu.vector_load %arg4[%get3A_1634, %get3A_1635] {strides = array<i32>} : memref<128x64xf32, #tpu.memory_space<vmem>>, vector<1x16xf32>,
    %get3A_1637 = vector.shape_cast %get3A_1636 : vector<1x16xf32> to vector<16xf32>
    %gt3A_1638 = arith.cmpf ogt, %get3A_1637, %select_n3A_1626 : vector<16xf32>
    %select_n3A_1639 = arith.select %gt3A_1638, %get3A_1637, %select_n3A_1626 : vector<16xi1>, vector<16xf32>
    %get3A_1640 = arith.constant 125 : i32
    %get3A_1641 = arith.index_cast %get3A_1640 : i32 to index
    %get3A_1642 = arith.constant 16 : index
    %get3A_1643 = tpu.vector_load %arg4[%get3A_1641, %get3A_1642] {strides = array<i32>} : memref<128x64xf32, #tpu.memory_space<vmem>>, vector<1x16xf32>,
    %get3A_1644 = vector.shape_cast %get3A_1643 : vector<1x16xf32> to vector<16xf32>
    %select_n3A_1645 = arith.select %gt3A_1638, %get3A_1644, %select_n3A_1632 : vector<16xi1>, vector<16xf32>
    %get3A_1646 = arith.constant 62 : i32
    %get3A_1647 = arith.index_cast %get3A_1646 : i32 to index
    %get3A_1648 = arith.constant 16 : index
    %get3A_1649 = tpu.vector_load %arg4[%get3A_1647, %get3A_1648] {strides = array<i32>} : memref<128x64xf32, #tpu.memory_space<vmem>>, vector<1x16xf32>,
    %get3A_1650 = vector.shape_cast %get3A_1649 : vector<1x16xf32> to vector<16xf32>
    %gt3A_1651 = arith.cmpf ogt, %get3A_1650, %select_n3A_1639 : vector<16xf32>
    %select_n3A_1652 = arith.select %gt3A_1651, %get3A_1650, %select_n3A_1639 : vector<16xi1>, vector<16xf32>
    %get3A_1653 = arith.constant 126 : i32
    %get3A_1654 = arith.index_cast %get3A_1653 : i32 to index
    %get3A_1655 = arith.constant 16 : index
    %get3A_1656 = tpu.vector_load %arg4[%get3A_1654, %get3A_1655] {strides = array<i32>} : memref<128x64xf32, #tpu.memory_space<vmem>>, vector<1x16xf32>,
    %get3A_1657 = vector.shape_cast %get3A_1656 : vector<1x16xf32> to vector<16xf32>
    %select_n3A_1658 = arith.select %gt3A_1651, %get3A_1657, %select_n3A_1645 : vector<16xi1>, vector<16xf32>
    %get3A_1659 = arith.constant 63 : i32
    %get3A_1660 = arith.index_cast %get3A_1659 : i32 to index
    %get3A_1661 = arith.constant 16 : index
    %get3A_1662 = tpu.vector_load %arg4[%get3A_1660, %get3A_1661] {strides = array<i32>} : memref<128x64xf32, #tpu.memory_space<vmem>>, vector<1x16xf32>,
    %get3A_1663 = vector.shape_cast %get3A_1662 : vector<1x16xf32> to vector<16xf32>
    %gt3A_1664 = arith.cmpf ogt, %get3A_1663, %select_n3A_1652 : vector<16xf32>
    %select_n3A_1665 = arith.select %gt3A_1664, %get3A_1663, %select_n3A_1652 : vector<16xi1>, vector<16xf32>
    %get3A_1666 = arith.constant 127 : i32
    %get3A_1667 = arith.index_cast %get3A_1666 : i32 to index
    %get3A_1668 = arith.constant 16 : index
    %get3A_1669 = tpu.vector_load %arg4[%get3A_1667, %get3A_1668] {strides = array<i32>} : memref<128x64xf32, #tpu.memory_space<vmem>>, vector<1x16xf32>,
    %get3A_1670 = vector.shape_cast %get3A_1669 : vector<1x16xf32> to vector<16xf32>
    %select_n3A_1671 = arith.select %gt3A_1664, %get3A_1670, %select_n3A_1658 : vector<16xi1>, vector<16xf32>
    %swap3A_1672 = arith.constant 16 : index
    %swap3A_1673 = tpu.vector_load %arg5[%swap3A_1672] {strides = array<i32>} : memref<64xf32, #tpu.memory_space<vmem>>, vector<16xf32>,
    %swap3A_1674 = vector.shape_cast %swap3A_1673 : vector<16xf32> to vector<16xf32>
    %swap3A_1675 = vector.shape_cast %select_n3A_1671 : vector<16xf32> to vector<16xf32>
    tpu.vector_store %arg5[%swap3A_1672], %swap3A_1675 {strides = array<i32>} : memref<64xf32, #tpu.memory_space<vmem>>, vector<16xf32>,
    %broadcast_in_dim3A_1676 = arith.constant 0xFF800000 : f32
    %broadcast_in_dim3A_1677 = vector.broadcast %broadcast_in_dim3A_1676 : f32 to vector<16xf32>
    %broadcast_in_dim3A_1678 = arith.constant 0.000000e+00 : f32
    %broadcast_in_dim3A_1679 = vector.broadcast %broadcast_in_dim3A_1678 : f32 to vector<16xf32>
    %get3A_1680 = arith.constant 0 : i32
    %get3A_1681 = arith.index_cast %get3A_1680 : i32 to index
    %get3A_1682 = arith.constant 32 : index
    %get3A_1683 = tpu.vector_load %arg4[%get3A_1681, %get3A_1682] {strides = array<i32>} : memref<128x64xf32, #tpu.memory_space<vmem>>, vector<1x16xf32>,
    %get3A_1684 = vector.shape_cast %get3A_1683 : vector<1x16xf32> to vector<16xf32>
    %gt3A_1685 = arith.cmpf ogt, %get3A_1684, %broadcast_in_dim3A_1677 : vector<16xf32>
    %select_n3A_1686 = arith.select %gt3A_1685, %get3A_1684, %broadcast_in_dim3A_1677 : vector<16xi1>, vector<16xf32>
    %get3A_1687 = arith.constant 64 : i32
    %get3A_1688 = arith.index_cast %get3A_1687 : i32 to index
    %get3A_1689 = arith.constant 32 : index
    %get3A_1690 = tpu.vector_load %arg4[%get3A_1688, %get3A_1689] {strides = array<i32>} : memref<128x64xf32, #tpu.memory_space<vmem>>, vector<1x16xf32>,
    %get3A_1691 = vector.shape_cast %get3A_1690 : vector<1x16xf32> to vector<16xf32>
    %select_n3A_1692 = arith.select %gt3A_1685, %get3A_1691, %broadcast_in_dim3A_1679 : vector<16xi1>, vector<16xf32>
    %get3A_1693 = arith.constant 1 : i32
    %get3A_1694 = arith.index_cast %get3A_1693 : i32 to index
    %get3A_1695 = arith.constant 32 : index
    %get3A_1696 = tpu.vector_load %arg4[%get3A_1694, %get3A_1695] {strides = array<i32>} : memref<128x64xf32, #tpu.memory_space<vmem>>, vector<1x16xf32>,
    %get3A_1697 = vector.shape_cast %get3A_1696 : vector<1x16xf32> to vector<16xf32>
    %gt3A_1698 = arith.cmpf ogt, %get3A_1697, %select_n3A_1686 : vector<16xf32>
    %select_n3A_1699 = arith.select %gt3A_1698, %get3A_1697, %select_n3A_1686 : vector<16xi1>, vector<16xf32>
    %get3A_1700 = arith.constant 65 : i32
    %get3A_1701 = arith.index_cast %get3A_1700 : i32 to index
    %get3A_1702 = arith.constant 32 : index
    %get3A_1703 = tpu.vector_load %arg4[%get3A_1701, %get3A_1702] {strides = array<i32>} : memref<128x64xf32, #tpu.memory_space<vmem>>, vector<1x16xf32>,
    %get3A_1704 = vector.shape_cast %get3A_1703 : vector<1x16xf32> to vector<16xf32>
    %select_n3A_1705 = arith.select %gt3A_1698, %get3A_1704, %select_n3A_1692 : vector<16xi1>, vector<16xf32>
    %get3A_1706 = arith.constant 2 : i32
    %get3A_1707 = arith.index_cast %get3A_1706 : i32 to index
    %get3A_1708 = arith.constant 32 : index
    %get3A_1709 = tpu.vector_load %arg4[%get3A_1707, %get3A_1708] {strides = array<i32>} : memref<128x64xf32, #tpu.memory_space<vmem>>, vector<1x16xf32>,
    %get3A_1710 = vector.shape_cast %get3A_1709 : vector<1x16xf32> to vector<16xf32>
    %gt3A_1711 = arith.cmpf ogt, %get3A_1710, %select_n3A_1699 : vector<16xf32>
    %select_n3A_1712 = arith.select %gt3A_1711, %get3A_1710, %select_n3A_1699 : vector<16xi1>, vector<16xf32>
    %get3A_1713 = arith.constant 66 : i32
    %get3A_1714 = arith.index_cast %get3A_1713 : i32 to index
    %get3A_1715 = arith.constant 32 : index
    %get3A_1716 = tpu.vector_load %arg4[%get3A_1714, %get3A_1715] {strides = array<i32>} : memref<128x64xf32, #tpu.memory_space<vmem>>, vector<1x16xf32>,
    %get3A_1717 = vector.shape_cast %get3A_1716 : vector<1x16xf32> to vector<16xf32>
    %select_n3A_1718 = arith.select %gt3A_1711, %get3A_1717, %select_n3A_1705 : vector<16xi1>, vector<16xf32>
    %get3A_1719 = arith.constant 3 : i32
    %get3A_1720 = arith.index_cast %get3A_1719 : i32 to index
    %get3A_1721 = arith.constant 32 : index
    %get3A_1722 = tpu.vector_load %arg4[%get3A_1720, %get3A_1721] {strides = array<i32>} : memref<128x64xf32, #tpu.memory_space<vmem>>, vector<1x16xf32>,
    %get3A_1723 = vector.shape_cast %get3A_1722 : vector<1x16xf32> to vector<16xf32>
    %gt3A_1724 = arith.cmpf ogt, %get3A_1723, %select_n3A_1712 : vector<16xf32>
    %select_n3A_1725 = arith.select %gt3A_1724, %get3A_1723, %select_n3A_1712 : vector<16xi1>, vector<16xf32>
    %get3A_1726 = arith.constant 67 : i32
    %get3A_1727 = arith.index_cast %get3A_1726 : i32 to index
    %get3A_1728 = arith.constant 32 : index
    %get3A_1729 = tpu.vector_load %arg4[%get3A_1727, %get3A_1728] {strides = array<i32>} : memref<128x64xf32, #tpu.memory_space<vmem>>, vector<1x16xf32>,
    %get3A_1730 = vector.shape_cast %get3A_1729 : vector<1x16xf32> to vector<16xf32>
    %select_n3A_1731 = arith.select %gt3A_1724, %get3A_1730, %select_n3A_1718 : vector<16xi1>, vector<16xf32>
    %get3A_1732 = arith.constant 4 : i32
    %get3A_1733 = arith.index_cast %get3A_1732 : i32 to index
    %get3A_1734 = arith.constant 32 : index
    %get3A_1735 = tpu.vector_load %arg4[%get3A_1733, %get3A_1734] {strides = array<i32>} : memref<128x64xf32, #tpu.memory_space<vmem>>, vector<1x16xf32>,
    %get3A_1736 = vector.shape_cast %get3A_1735 : vector<1x16xf32> to vector<16xf32>
    %gt3A_1737 = arith.cmpf ogt, %get3A_1736, %select_n3A_1725 : vector<16xf32>
    %select_n3A_1738 = arith.select %gt3A_1737, %get3A_1736, %select_n3A_1725 : vector<16xi1>, vector<16xf32>
    %get3A_1739 = arith.constant 68 : i32
    %get3A_1740 = arith.index_cast %get3A_1739 : i32 to index
    %get3A_1741 = arith.constant 32 : index
    %get3A_1742 = tpu.vector_load %arg4[%get3A_1740, %get3A_1741] {strides = array<i32>} : memref<128x64xf32, #tpu.memory_space<vmem>>, vector<1x16xf32>,
    %get3A_1743 = vector.shape_cast %get3A_1742 : vector<1x16xf32> to vector<16xf32>
    %select_n3A_1744 = arith.select %gt3A_1737, %get3A_1743, %select_n3A_1731 : vector<16xi1>, vector<16xf32>
    %get3A_1745 = arith.constant 5 : i32
    %get3A_1746 = arith.index_cast %get3A_1745 : i32 to index
    %get3A_1747 = arith.constant 32 : index
    %get3A_1748 = tpu.vector_load %arg4[%get3A_1746, %get3A_1747] {strides = array<i32>} : memref<128x64xf32, #tpu.memory_space<vmem>>, vector<1x16xf32>,
    %get3A_1749 = vector.shape_cast %get3A_1748 : vector<1x16xf32> to vector<16xf32>
    %gt3A_1750 = arith.cmpf ogt, %get3A_1749, %select_n3A_1738 : vector<16xf32>
    %select_n3A_1751 = arith.select %gt3A_1750, %get3A_1749, %select_n3A_1738 : vector<16xi1>, vector<16xf32>
    %get3A_1752 = arith.constant 69 : i32
    %get3A_1753 = arith.index_cast %get3A_1752 : i32 to index
    %get3A_1754 = arith.constant 32 : index
    %get3A_1755 = tpu.vector_load %arg4[%get3A_1753, %get3A_1754] {strides = array<i32>} : memref<128x64xf32, #tpu.memory_space<vmem>>, vector<1x16xf32>,
    %get3A_1756 = vector.shape_cast %get3A_1755 : vector<1x16xf32> to vector<16xf32>
    %select_n3A_1757 = arith.select %gt3A_1750, %get3A_1756, %select_n3A_1744 : vector<16xi1>, vector<16xf32>
    %get3A_1758 = arith.constant 6 : i32
    %get3A_1759 = arith.index_cast %get3A_1758 : i32 to index
    %get3A_1760 = arith.constant 32 : index
    %get3A_1761 = tpu.vector_load %arg4[%get3A_1759, %get3A_1760] {strides = array<i32>} : memref<128x64xf32, #tpu.memory_space<vmem>>, vector<1x16xf32>,
    %get3A_1762 = vector.shape_cast %get3A_1761 : vector<1x16xf32> to vector<16xf32>
    %gt3A_1763 = arith.cmpf ogt, %get3A_1762, %select_n3A_1751 : vector<16xf32>
    %select_n3A_1764 = arith.select %gt3A_1763, %get3A_1762, %select_n3A_1751 : vector<16xi1>, vector<16xf32>
    %get3A_1765 = arith.constant 70 : i32
    %get3A_1766 = arith.index_cast %get3A_1765 : i32 to index
    %get3A_1767 = arith.constant 32 : index
    %get3A_1768 = tpu.vector_load %arg4[%get3A_1766, %get3A_1767] {strides = array<i32>} : memref<128x64xf32, #tpu.memory_space<vmem>>, vector<1x16xf32>,
    %get3A_1769 = vector.shape_cast %get3A_1768 : vector<1x16xf32> to vector<16xf32>
    %select_n3A_1770 = arith.select %gt3A_1763, %get3A_1769, %select_n3A_1757 : vector<16xi1>, vector<16xf32>
    %get3A_1771 = arith.constant 7 : i32
    %get3A_1772 = arith.index_cast %get3A_1771 : i32 to index
    %get3A_1773 = arith.constant 32 : index
    %get3A_1774 = tpu.vector_load %arg4[%get3A_1772, %get3A_1773] {strides = array<i32>} : memref<128x64xf32, #tpu.memory_space<vmem>>, vector<1x16xf32>,
    %get3A_1775 = vector.shape_cast %get3A_1774 : vector<1x16xf32> to vector<16xf32>
    %gt3A_1776 = arith.cmpf ogt, %get3A_1775, %select_n3A_1764 : vector<16xf32>
    %select_n3A_1777 = arith.select %gt3A_1776, %get3A_1775, %select_n3A_1764 : vector<16xi1>, vector<16xf32>
    %get3A_1778 = arith.constant 71 : i32
    %get3A_1779 = arith.index_cast %get3A_1778 : i32 to index
    %get3A_1780 = arith.constant 32 : index
    %get3A_1781 = tpu.vector_load %arg4[%get3A_1779, %get3A_1780] {strides = array<i32>} : memref<128x64xf32, #tpu.memory_space<vmem>>, vector<1x16xf32>,
    %get3A_1782 = vector.shape_cast %get3A_1781 : vector<1x16xf32> to vector<16xf32>
    %select_n3A_1783 = arith.select %gt3A_1776, %get3A_1782, %select_n3A_1770 : vector<16xi1>, vector<16xf32>
    %get3A_1784 = arith.constant 8 : i32
    %get3A_1785 = arith.index_cast %get3A_1784 : i32 to index
    %get3A_1786 = arith.constant 32 : index
    %get3A_1787 = tpu.vector_load %arg4[%get3A_1785, %get3A_1786] {strides = array<i32>} : memref<128x64xf32, #tpu.memory_space<vmem>>, vector<1x16xf32>,
    %get3A_1788 = vector.shape_cast %get3A_1787 : vector<1x16xf32> to vector<16xf32>
    %gt3A_1789 = arith.cmpf ogt, %get3A_1788, %select_n3A_1777 : vector<16xf32>
    %select_n3A_1790 = arith.select %gt3A_1789, %get3A_1788, %select_n3A_1777 : vector<16xi1>, vector<16xf32>
    %get3A_1791 = arith.constant 72 : i32
    %get3A_1792 = arith.index_cast %get3A_1791 : i32 to index
    %get3A_1793 = arith.constant 32 : index
    %get3A_1794 = tpu.vector_load %arg4[%get3A_1792, %get3A_1793] {strides = array<i32>} : memref<128x64xf32, #tpu.memory_space<vmem>>, vector<1x16xf32>,
    %get3A_1795 = vector.shape_cast %get3A_1794 : vector<1x16xf32> to vector<16xf32>
    %select_n3A_1796 = arith.select %gt3A_1789, %get3A_1795, %select_n3A_1783 : vector<16xi1>, vector<16xf32>
    %get3A_1797 = arith.constant 9 : i32
    %get3A_1798 = arith.index_cast %get3A_1797 : i32 to index
    %get3A_1799 = arith.constant 32 : index
    %get3A_1800 = tpu.vector_load %arg4[%get3A_1798, %get3A_1799] {strides = array<i32>} : memref<128x64xf32, #tpu.memory_space<vmem>>, vector<1x16xf32>,
    %get3A_1801 = vector.shape_cast %get3A_1800 : vector<1x16xf32> to vector<16xf32>
    %gt3A_1802 = arith.cmpf ogt, %get3A_1801, %select_n3A_1790 : vector<16xf32>
    %select_n3A_1803 = arith.select %gt3A_1802, %get3A_1801, %select_n3A_1790 : vector<16xi1>, vector<16xf32>
    %get3A_1804 = arith.constant 73 : i32
    %get3A_1805 = arith.index_cast %get3A_1804 : i32 to index
    %get3A_1806 = arith.constant 32 : index
    %get3A_1807 = tpu.vector_load %arg4[%get3A_1805, %get3A_1806] {strides = array<i32>} : memref<128x64xf32, #tpu.memory_space<vmem>>, vector<1x16xf32>,
    %get3A_1808 = vector.shape_cast %get3A_1807 : vector<1x16xf32> to vector<16xf32>
    %select_n3A_1809 = arith.select %gt3A_1802, %get3A_1808, %select_n3A_1796 : vector<16xi1>, vector<16xf32>
    %get3A_1810 = arith.constant 10 : i32
    %get3A_1811 = arith.index_cast %get3A_1810 : i32 to index
    %get3A_1812 = arith.constant 32 : index
    %get3A_1813 = tpu.vector_load %arg4[%get3A_1811, %get3A_1812] {strides = array<i32>} : memref<128x64xf32, #tpu.memory_space<vmem>>, vector<1x16xf32>,
    %get3A_1814 = vector.shape_cast %get3A_1813 : vector<1x16xf32> to vector<16xf32>
    %gt3A_1815 = arith.cmpf ogt, %get3A_1814, %select_n3A_1803 : vector<16xf32>
    %select_n3A_1816 = arith.select %gt3A_1815, %get3A_1814, %select_n3A_1803 : vector<16xi1>, vector<16xf32>
    %get3A_1817 = arith.constant 74 : i32
    %get3A_1818 = arith.index_cast %get3A_1817 : i32 to index
    %get3A_1819 = arith.constant 32 : index
    %get3A_1820 = tpu.vector_load %arg4[%get3A_1818, %get3A_1819] {strides = array<i32>} : memref<128x64xf32, #tpu.memory_space<vmem>>, vector<1x16xf32>,
    %get3A_1821 = vector.shape_cast %get3A_1820 : vector<1x16xf32> to vector<16xf32>
    %select_n3A_1822 = arith.select %gt3A_1815, %get3A_1821, %select_n3A_1809 : vector<16xi1>, vector<16xf32>
    %get3A_1823 = arith.constant 11 : i32
    %get3A_1824 = arith.index_cast %get3A_1823 : i32 to index
    %get3A_1825 = arith.constant 32 : index
    %get3A_1826 = tpu.vector_load %arg4[%get3A_1824, %get3A_1825] {strides = array<i32>} : memref<128x64xf32, #tpu.memory_space<vmem>>, vector<1x16xf32>,
    %get3A_1827 = vector.shape_cast %get3A_1826 : vector<1x16xf32> to vector<16xf32>
    %gt3A_1828 = arith.cmpf ogt, %get3A_1827, %select_n3A_1816 : vector<16xf32>
    %select_n3A_1829 = arith.select %gt3A_1828, %get3A_1827, %select_n3A_1816 : vector<16xi1>, vector<16xf32>
    %get3A_1830 = arith.constant 75 : i32
    %get3A_1831 = arith.index_cast %get3A_1830 : i32 to index
    %get3A_1832 = arith.constant 32 : index
    %get3A_1833 = tpu.vector_load %arg4[%get3A_1831, %get3A_1832] {strides = array<i32>} : memref<128x64xf32, #tpu.memory_space<vmem>>, vector<1x16xf32>,
    %get3A_1834 = vector.shape_cast %get3A_1833 : vector<1x16xf32> to vector<16xf32>
    %select_n3A_1835 = arith.select %gt3A_1828, %get3A_1834, %select_n3A_1822 : vector<16xi1>, vector<16xf32>
    %get3A_1836 = arith.constant 12 : i32
    %get3A_1837 = arith.index_cast %get3A_1836 : i32 to index
    %get3A_1838 = arith.constant 32 : index
    %get3A_1839 = tpu.vector_load %arg4[%get3A_1837, %get3A_1838] {strides = array<i32>} : memref<128x64xf32, #tpu.memory_space<vmem>>, vector<1x16xf32>,
    %get3A_1840 = vector.shape_cast %get3A_1839 : vector<1x16xf32> to vector<16xf32>
    %gt3A_1841 = arith.cmpf ogt, %get3A_1840, %select_n3A_1829 : vector<16xf32>
    %select_n3A_1842 = arith.select %gt3A_1841, %get3A_1840, %select_n3A_1829 : vector<16xi1>, vector<16xf32>
    %get3A_1843 = arith.constant 76 : i32
    %get3A_1844 = arith.index_cast %get3A_1843 : i32 to index
    %get3A_1845 = arith.constant 32 : index
    %get3A_1846 = tpu.vector_load %arg4[%get3A_1844, %get3A_1845] {strides = array<i32>} : memref<128x64xf32, #tpu.memory_space<vmem>>, vector<1x16xf32>,
    %get3A_1847 = vector.shape_cast %get3A_1846 : vector<1x16xf32> to vector<16xf32>
    %select_n3A_1848 = arith.select %gt3A_1841, %get3A_1847, %select_n3A_1835 : vector<16xi1>, vector<16xf32>
    %get3A_1849 = arith.constant 13 : i32
    %get3A_1850 = arith.index_cast %get3A_1849 : i32 to index
    %get3A_1851 = arith.constant 32 : index
    %get3A_1852 = tpu.vector_load %arg4[%get3A_1850, %get3A_1851] {strides = array<i32>} : memref<128x64xf32, #tpu.memory_space<vmem>>, vector<1x16xf32>,
    %get3A_1853 = vector.shape_cast %get3A_1852 : vector<1x16xf32> to vector<16xf32>
    %gt3A_1854 = arith.cmpf ogt, %get3A_1853, %select_n3A_1842 : vector<16xf32>
    %select_n3A_1855 = arith.select %gt3A_1854, %get3A_1853, %select_n3A_1842 : vector<16xi1>, vector<16xf32>
    %get3A_1856 = arith.constant 77 : i32
    %get3A_1857 = arith.index_cast %get3A_1856 : i32 to index
    %get3A_1858 = arith.constant 32 : index
    %get3A_1859 = tpu.vector_load %arg4[%get3A_1857, %get3A_1858] {strides = array<i32>} : memref<128x64xf32, #tpu.memory_space<vmem>>, vector<1x16xf32>,
    %get3A_1860 = vector.shape_cast %get3A_1859 : vector<1x16xf32> to vector<16xf32>
    %select_n3A_1861 = arith.select %gt3A_1854, %get3A_1860, %select_n3A_1848 : vector<16xi1>, vector<16xf32>
    %get3A_1862 = arith.constant 14 : i32
    %get3A_1863 = arith.index_cast %get3A_1862 : i32 to index
    %get3A_1864 = arith.constant 32 : index
    %get3A_1865 = tpu.vector_load %arg4[%get3A_1863, %get3A_1864] {strides = array<i32>} : memref<128x64xf32, #tpu.memory_space<vmem>>, vector<1x16xf32>,
    %get3A_1866 = vector.shape_cast %get3A_1865 : vector<1x16xf32> to vector<16xf32>
    %gt3A_1867 = arith.cmpf ogt, %get3A_1866, %select_n3A_1855 : vector<16xf32>
    %select_n3A_1868 = arith.select %gt3A_1867, %get3A_1866, %select_n3A_1855 : vector<16xi1>, vector<16xf32>
    %get3A_1869 = arith.constant 78 : i32
    %get3A_1870 = arith.index_cast %get3A_1869 : i32 to index
    %get3A_1871 = arith.constant 32 : index
    %get3A_1872 = tpu.vector_load %arg4[%get3A_1870, %get3A_1871] {strides = array<i32>} : memref<128x64xf32, #tpu.memory_space<vmem>>, vector<1x16xf32>,
    %get3A_1873 = vector.shape_cast %get3A_1872 : vector<1x16xf32> to vector<16xf32>
    %select_n3A_1874 = arith.select %gt3A_1867, %get3A_1873, %select_n3A_1861 : vector<16xi1>, vector<16xf32>
    %get3A_1875 = arith.constant 15 : i32
    %get3A_1876 = arith.index_cast %get3A_1875 : i32 to index
    %get3A_1877 = arith.constant 32 : index
    %get3A_1878 = tpu.vector_load %arg4[%get3A_1876, %get3A_1877] {strides = array<i32>} : memref<128x64xf32, #tpu.memory_space<vmem>>, vector<1x16xf32>,
    %get3A_1879 = vector.shape_cast %get3A_1878 : vector<1x16xf32> to vector<16xf32>
    %gt3A_1880 = arith.cmpf ogt, %get3A_1879, %select_n3A_1868 : vector<16xf32>
    %select_n3A_1881 = arith.select %gt3A_1880, %get3A_1879, %select_n3A_1868 : vector<16xi1>, vector<16xf32>
    %get3A_1882 = arith.constant 79 : i32
    %get3A_1883 = arith.index_cast %get3A_1882 : i32 to index
    %get3A_1884 = arith.constant 32 : index
    %get3A_1885 = tpu.vector_load %arg4[%get3A_1883, %get3A_1884] {strides = array<i32>} : memref<128x64xf32, #tpu.memory_space<vmem>>, vector<1x16xf32>,
    %get3A_1886 = vector.shape_cast %get3A_1885 : vector<1x16xf32> to vector<16xf32>
    %select_n3A_1887 = arith.select %gt3A_1880, %get3A_1886, %select_n3A_1874 : vector<16xi1>, vector<16xf32>
    %get3A_1888 = arith.constant 16 : i32
    %get3A_1889 = arith.index_cast %get3A_1888 : i32 to index
    %get3A_1890 = arith.constant 32 : index
    %get3A_1891 = tpu.vector_load %arg4[%get3A_1889, %get3A_1890] {strides = array<i32>} : memref<128x64xf32, #tpu.memory_space<vmem>>, vector<1x16xf32>,
    %get3A_1892 = vector.shape_cast %get3A_1891 : vector<1x16xf32> to vector<16xf32>
    %gt3A_1893 = arith.cmpf ogt, %get3A_1892, %select_n3A_1881 : vector<16xf32>
    %select_n3A_1894 = arith.select %gt3A_1893, %get3A_1892, %select_n3A_1881 : vector<16xi1>, vector<16xf32>
    %get3A_1895 = arith.constant 80 : i32
    %get3A_1896 = arith.index_cast %get3A_1895 : i32 to index
    %get3A_1897 = arith.constant 32 : index
    %get3A_1898 = tpu.vector_load %arg4[%get3A_1896, %get3A_1897] {strides = array<i32>} : memref<128x64xf32, #tpu.memory_space<vmem>>, vector<1x16xf32>,
    %get3A_1899 = vector.shape_cast %get3A_1898 : vector<1x16xf32> to vector<16xf32>
    %select_n3A_1900 = arith.select %gt3A_1893, %get3A_1899, %select_n3A_1887 : vector<16xi1>, vector<16xf32>
    %get3A_1901 = arith.constant 17 : i32
    %get3A_1902 = arith.index_cast %get3A_1901 : i32 to index
    %get3A_1903 = arith.constant 32 : index
    %get3A_1904 = tpu.vector_load %arg4[%get3A_1902, %get3A_1903] {strides = array<i32>} : memref<128x64xf32, #tpu.memory_space<vmem>>, vector<1x16xf32>,
    %get3A_1905 = vector.shape_cast %get3A_1904 : vector<1x16xf32> to vector<16xf32>
    %gt3A_1906 = arith.cmpf ogt, %get3A_1905, %select_n3A_1894 : vector<16xf32>
    %select_n3A_1907 = arith.select %gt3A_1906, %get3A_1905, %select_n3A_1894 : vector<16xi1>, vector<16xf32>
    %get3A_1908 = arith.constant 81 : i32
    %get3A_1909 = arith.index_cast %get3A_1908 : i32 to index
    %get3A_1910 = arith.constant 32 : index
    %get3A_1911 = tpu.vector_load %arg4[%get3A_1909, %get3A_1910] {strides = array<i32>} : memref<128x64xf32, #tpu.memory_space<vmem>>, vector<1x16xf32>,
    %get3A_1912 = vector.shape_cast %get3A_1911 : vector<1x16xf32> to vector<16xf32>
    %select_n3A_1913 = arith.select %gt3A_1906, %get3A_1912, %select_n3A_1900 : vector<16xi1>, vector<16xf32>
    %get3A_1914 = arith.constant 18 : i32
    %get3A_1915 = arith.index_cast %get3A_1914 : i32 to index
    %get3A_1916 = arith.constant 32 : index
    %get3A_1917 = tpu.vector_load %arg4[%get3A_1915, %get3A_1916] {strides = array<i32>} : memref<128x64xf32, #tpu.memory_space<vmem>>, vector<1x16xf32>,
    %get3A_1918 = vector.shape_cast %get3A_1917 : vector<1x16xf32> to vector<16xf32>
    %gt3A_1919 = arith.cmpf ogt, %get3A_1918, %select_n3A_1907 : vector<16xf32>
    %select_n3A_1920 = arith.select %gt3A_1919, %get3A_1918, %select_n3A_1907 : vector<16xi1>, vector<16xf32>
    %get3A_1921 = arith.constant 82 : i32
    %get3A_1922 = arith.index_cast %get3A_1921 : i32 to index
    %get3A_1923 = arith.constant 32 : index
    %get3A_1924 = tpu.vector_load %arg4[%get3A_1922, %get3A_1923] {strides = array<i32>} : memref<128x64xf32, #tpu.memory_space<vmem>>, vector<1x16xf32>,
    %get3A_1925 = vector.shape_cast %get3A_1924 : vector<1x16xf32> to vector<16xf32>
    %select_n3A_1926 = arith.select %gt3A_1919, %get3A_1925, %select_n3A_1913 : vector<16xi1>, vector<16xf32>
    %get3A_1927 = arith.constant 19 : i32
    %get3A_1928 = arith.index_cast %get3A_1927 : i32 to index
    %get3A_1929 = arith.constant 32 : index
    %get3A_1930 = tpu.vector_load %arg4[%get3A_1928, %get3A_1929] {strides = array<i32>} : memref<128x64xf32, #tpu.memory_space<vmem>>, vector<1x16xf32>,
    %get3A_1931 = vector.shape_cast %get3A_1930 : vector<1x16xf32> to vector<16xf32>
    %gt3A_1932 = arith.cmpf ogt, %get3A_1931, %select_n3A_1920 : vector<16xf32>
    %select_n3A_1933 = arith.select %gt3A_1932, %get3A_1931, %select_n3A_1920 : vector<16xi1>, vector<16xf32>
    %get3A_1934 = arith.constant 83 : i32
    %get3A_1935 = arith.index_cast %get3A_1934 : i32 to index
    %get3A_1936 = arith.constant 32 : index
    %get3A_1937 = tpu.vector_load %arg4[%get3A_1935, %get3A_1936] {strides = array<i32>} : memref<128x64xf32, #tpu.memory_space<vmem>>, vector<1x16xf32>,
    %get3A_1938 = vector.shape_cast %get3A_1937 : vector<1x16xf32> to vector<16xf32>
    %select_n3A_1939 = arith.select %gt3A_1932, %get3A_1938, %select_n3A_1926 : vector<16xi1>, vector<16xf32>
    %get3A_1940 = arith.constant 20 : i32
    %get3A_1941 = arith.index_cast %get3A_1940 : i32 to index
    %get3A_1942 = arith.constant 32 : index
    %get3A_1943 = tpu.vector_load %arg4[%get3A_1941, %get3A_1942] {strides = array<i32>} : memref<128x64xf32, #tpu.memory_space<vmem>>, vector<1x16xf32>,
    %get3A_1944 = vector.shape_cast %get3A_1943 : vector<1x16xf32> to vector<16xf32>
    %gt3A_1945 = arith.cmpf ogt, %get3A_1944, %select_n3A_1933 : vector<16xf32>
    %select_n3A_1946 = arith.select %gt3A_1945, %get3A_1944, %select_n3A_1933 : vector<16xi1>, vector<16xf32>
    %get3A_1947 = arith.constant 84 : i32
    %get3A_1948 = arith.index_cast %get3A_1947 : i32 to index
    %get3A_1949 = arith.constant 32 : index
    %get3A_1950 = tpu.vector_load %arg4[%get3A_1948, %get3A_1949] {strides = array<i32>} : memref<128x64xf32, #tpu.memory_space<vmem>>, vector<1x16xf32>,
    %get3A_1951 = vector.shape_cast %get3A_1950 : vector<1x16xf32> to vector<16xf32>
    %select_n3A_1952 = arith.select %gt3A_1945, %get3A_1951, %select_n3A_1939 : vector<16xi1>, vector<16xf32>
    %get3A_1953 = arith.constant 21 : i32
    %get3A_1954 = arith.index_cast %get3A_1953 : i32 to index
    %get3A_1955 = arith.constant 32 : index
    %get3A_1956 = tpu.vector_load %arg4[%get3A_1954, %get3A_1955] {strides = array<i32>} : memref<128x64xf32, #tpu.memory_space<vmem>>, vector<1x16xf32>,
    %get3A_1957 = vector.shape_cast %get3A_1956 : vector<1x16xf32> to vector<16xf32>
    %gt3A_1958 = arith.cmpf ogt, %get3A_1957, %select_n3A_1946 : vector<16xf32>
    %select_n3A_1959 = arith.select %gt3A_1958, %get3A_1957, %select_n3A_1946 : vector<16xi1>, vector<16xf32>
    %get3A_1960 = arith.constant 85 : i32
    %get3A_1961 = arith.index_cast %get3A_1960 : i32 to index
    %get3A_1962 = arith.constant 32 : index
    %get3A_1963 = tpu.vector_load %arg4[%get3A_1961, %get3A_1962] {strides = array<i32>} : memref<128x64xf32, #tpu.memory_space<vmem>>, vector<1x16xf32>,
    %get3A_1964 = vector.shape_cast %get3A_1963 : vector<1x16xf32> to vector<16xf32>
    %select_n3A_1965 = arith.select %gt3A_1958, %get3A_1964, %select_n3A_1952 : vector<16xi1>, vector<16xf32>
    %get3A_1966 = arith.constant 22 : i32
    %get3A_1967 = arith.index_cast %get3A_1966 : i32 to index
    %get3A_1968 = arith.constant 32 : index
    %get3A_1969 = tpu.vector_load %arg4[%get3A_1967, %get3A_1968] {strides = array<i32>} : memref<128x64xf32, #tpu.memory_space<vmem>>, vector<1x16xf32>,
    %get3A_1970 = vector.shape_cast %get3A_1969 : vector<1x16xf32> to vector<16xf32>
    %gt3A_1971 = arith.cmpf ogt, %get3A_1970, %select_n3A_1959 : vector<16xf32>
    %select_n3A_1972 = arith.select %gt3A_1971, %get3A_1970, %select_n3A_1959 : vector<16xi1>, vector<16xf32>
    %get3A_1973 = arith.constant 86 : i32
    %get3A_1974 = arith.index_cast %get3A_1973 : i32 to index
    %get3A_1975 = arith.constant 32 : index
    %get3A_1976 = tpu.vector_load %arg4[%get3A_1974, %get3A_1975] {strides = array<i32>} : memref<128x64xf32, #tpu.memory_space<vmem>>, vector<1x16xf32>,
    %get3A_1977 = vector.shape_cast %get3A_1976 : vector<1x16xf32> to vector<16xf32>
    %select_n3A_1978 = arith.select %gt3A_1971, %get3A_1977, %select_n3A_1965 : vector<16xi1>, vector<16xf32>
    %get3A_1979 = arith.constant 23 : i32
    %get3A_1980 = arith.index_cast %get3A_1979 : i32 to index
    %get3A_1981 = arith.constant 32 : index
    %get3A_1982 = tpu.vector_load %arg4[%get3A_1980, %get3A_1981] {strides = array<i32>} : memref<128x64xf32, #tpu.memory_space<vmem>>, vector<1x16xf32>,
    %get3A_1983 = vector.shape_cast %get3A_1982 : vector<1x16xf32> to vector<16xf32>
    %gt3A_1984 = arith.cmpf ogt, %get3A_1983, %select_n3A_1972 : vector<16xf32>
    %select_n3A_1985 = arith.select %gt3A_1984, %get3A_1983, %select_n3A_1972 : vector<16xi1>, vector<16xf32>
    %get3A_1986 = arith.constant 87 : i32
    %get3A_1987 = arith.index_cast %get3A_1986 : i32 to index
    %get3A_1988 = arith.constant 32 : index
    %get3A_1989 = tpu.vector_load %arg4[%get3A_1987, %get3A_1988] {strides = array<i32>} : memref<128x64xf32, #tpu.memory_space<vmem>>, vector<1x16xf32>,
    %get3A_1990 = vector.shape_cast %get3A_1989 : vector<1x16xf32> to vector<16xf32>
    %select_n3A_1991 = arith.select %gt3A_1984, %get3A_1990, %select_n3A_1978 : vector<16xi1>, vector<16xf32>
    %get3A_1992 = arith.constant 24 : i32
    %get3A_1993 = arith.index_cast %get3A_1992 : i32 to index
    %get3A_1994 = arith.constant 32 : index
    %get3A_1995 = tpu.vector_load %arg4[%get3A_1993, %get3A_1994] {strides = array<i32>} : memref<128x64xf32, #tpu.memory_space<vmem>>, vector<1x16xf32>,
    %get3A_1996 = vector.shape_cast %get3A_1995 : vector<1x16xf32> to vector<16xf32>
    %gt3A_1997 = arith.cmpf ogt, %get3A_1996, %select_n3A_1985 : vector<16xf32>
    %select_n3A_1998 = arith.select %gt3A_1997, %get3A_1996, %select_n3A_1985 : vector<16xi1>, vector<16xf32>
    %get3A_1999 = arith.constant 88 : i32
    %get3A_2000 = arith.index_cast %get3A_1999 : i32 to index
    %get3A_2001 = arith.constant 32 : index
    %get3A_2002 = tpu.vector_load %arg4[%get3A_2000, %get3A_2001] {strides = array<i32>} : memref<128x64xf32, #tpu.memory_space<vmem>>, vector<1x16xf32>,
    %get3A_2003 = vector.shape_cast %get3A_2002 : vector<1x16xf32> to vector<16xf32>
    %select_n3A_2004 = arith.select %gt3A_1997, %get3A_2003, %select_n3A_1991 : vector<16xi1>, vector<16xf32>
    %get3A_2005 = arith.constant 25 : i32
    %get3A_2006 = arith.index_cast %get3A_2005 : i32 to index
    %get3A_2007 = arith.constant 32 : index
    %get3A_2008 = tpu.vector_load %arg4[%get3A_2006, %get3A_2007] {strides = array<i32>} : memref<128x64xf32, #tpu.memory_space<vmem>>, vector<1x16xf32>,
    %get3A_2009 = vector.shape_cast %get3A_2008 : vector<1x16xf32> to vector<16xf32>
    %gt3A_2010 = arith.cmpf ogt, %get3A_2009, %select_n3A_1998 : vector<16xf32>
    %select_n3A_2011 = arith.select %gt3A_2010, %get3A_2009, %select_n3A_1998 : vector<16xi1>, vector<16xf32>
    %get3A_2012 = arith.constant 89 : i32
    %get3A_2013 = arith.index_cast %get3A_2012 : i32 to index
    %get3A_2014 = arith.constant 32 : index
    %get3A_2015 = tpu.vector_load %arg4[%get3A_2013, %get3A_2014] {strides = array<i32>} : memref<128x64xf32, #tpu.memory_space<vmem>>, vector<1x16xf32>,
    %get3A_2016 = vector.shape_cast %get3A_2015 : vector<1x16xf32> to vector<16xf32>
    %select_n3A_2017 = arith.select %gt3A_2010, %get3A_2016, %select_n3A_2004 : vector<16xi1>, vector<16xf32>
    %get3A_2018 = arith.constant 26 : i32
    %get3A_2019 = arith.index_cast %get3A_2018 : i32 to index
    %get3A_2020 = arith.constant 32 : index
    %get3A_2021 = tpu.vector_load %arg4[%get3A_2019, %get3A_2020] {strides = array<i32>} : memref<128x64xf32, #tpu.memory_space<vmem>>, vector<1x16xf32>,
    %get3A_2022 = vector.shape_cast %get3A_2021 : vector<1x16xf32> to vector<16xf32>
    %gt3A_2023 = arith.cmpf ogt, %get3A_2022, %select_n3A_2011 : vector<16xf32>
    %select_n3A_2024 = arith.select %gt3A_2023, %get3A_2022, %select_n3A_2011 : vector<16xi1>, vector<16xf32>
    %get3A_2025 = arith.constant 90 : i32
    %get3A_2026 = arith.index_cast %get3A_2025 : i32 to index
    %get3A_2027 = arith.constant 32 : index
    %get3A_2028 = tpu.vector_load %arg4[%get3A_2026, %get3A_2027] {strides = array<i32>} : memref<128x64xf32, #tpu.memory_space<vmem>>, vector<1x16xf32>,
    %get3A_2029 = vector.shape_cast %get3A_2028 : vector<1x16xf32> to vector<16xf32>
    %select_n3A_2030 = arith.select %gt3A_2023, %get3A_2029, %select_n3A_2017 : vector<16xi1>, vector<16xf32>
    %get3A_2031 = arith.constant 27 : i32
    %get3A_2032 = arith.index_cast %get3A_2031 : i32 to index
    %get3A_2033 = arith.constant 32 : index
    %get3A_2034 = tpu.vector_load %arg4[%get3A_2032, %get3A_2033] {strides = array<i32>} : memref<128x64xf32, #tpu.memory_space<vmem>>, vector<1x16xf32>,
    %get3A_2035 = vector.shape_cast %get3A_2034 : vector<1x16xf32> to vector<16xf32>
    %gt3A_2036 = arith.cmpf ogt, %get3A_2035, %select_n3A_2024 : vector<16xf32>
    %select_n3A_2037 = arith.select %gt3A_2036, %get3A_2035, %select_n3A_2024 : vector<16xi1>, vector<16xf32>
    %get3A_2038 = arith.constant 91 : i32
    %get3A_2039 = arith.index_cast %get3A_2038 : i32 to index
    %get3A_2040 = arith.constant 32 : index
    %get3A_2041 = tpu.vector_load %arg4[%get3A_2039, %get3A_2040] {strides = array<i32>} : memref<128x64xf32, #tpu.memory_space<vmem>>, vector<1x16xf32>,
    %get3A_2042 = vector.shape_cast %get3A_2041 : vector<1x16xf32> to vector<16xf32>
    %select_n3A_2043 = arith.select %gt3A_2036, %get3A_2042, %select_n3A_2030 : vector<16xi1>, vector<16xf32>
    %get3A_2044 = arith.constant 28 : i32
    %get3A_2045 = arith.index_cast %get3A_2044 : i32 to index
    %get3A_2046 = arith.constant 32 : index
    %get3A_2047 = tpu.vector_load %arg4[%get3A_2045, %get3A_2046] {strides = array<i32>} : memref<128x64xf32, #tpu.memory_space<vmem>>, vector<1x16xf32>,
    %get3A_2048 = vector.shape_cast %get3A_2047 : vector<1x16xf32> to vector<16xf32>
    %gt3A_2049 = arith.cmpf ogt, %get3A_2048, %select_n3A_2037 : vector<16xf32>
    %select_n3A_2050 = arith.select %gt3A_2049, %get3A_2048, %select_n3A_2037 : vector<16xi1>, vector<16xf32>
    %get3A_2051 = arith.constant 92 : i32
    %get3A_2052 = arith.index_cast %get3A_2051 : i32 to index
    %get3A_2053 = arith.constant 32 : index
    %get3A_2054 = tpu.vector_load %arg4[%get3A_2052, %get3A_2053] {strides = array<i32>} : memref<128x64xf32, #tpu.memory_space<vmem>>, vector<1x16xf32>,
    %get3A_2055 = vector.shape_cast %get3A_2054 : vector<1x16xf32> to vector<16xf32>
    %select_n3A_2056 = arith.select %gt3A_2049, %get3A_2055, %select_n3A_2043 : vector<16xi1>, vector<16xf32>
    %get3A_2057 = arith.constant 29 : i32
    %get3A_2058 = arith.index_cast %get3A_2057 : i32 to index
    %get3A_2059 = arith.constant 32 : index
    %get3A_2060 = tpu.vector_load %arg4[%get3A_2058, %get3A_2059] {strides = array<i32>} : memref<128x64xf32, #tpu.memory_space<vmem>>, vector<1x16xf32>,
    %get3A_2061 = vector.shape_cast %get3A_2060 : vector<1x16xf32> to vector<16xf32>
    %gt3A_2062 = arith.cmpf ogt, %get3A_2061, %select_n3A_2050 : vector<16xf32>
    %select_n3A_2063 = arith.select %gt3A_2062, %get3A_2061, %select_n3A_2050 : vector<16xi1>, vector<16xf32>
    %get3A_2064 = arith.constant 93 : i32
    %get3A_2065 = arith.index_cast %get3A_2064 : i32 to index
    %get3A_2066 = arith.constant 32 : index
    %get3A_2067 = tpu.vector_load %arg4[%get3A_2065, %get3A_2066] {strides = array<i32>} : memref<128x64xf32, #tpu.memory_space<vmem>>, vector<1x16xf32>,
    %get3A_2068 = vector.shape_cast %get3A_2067 : vector<1x16xf32> to vector<16xf32>
    %select_n3A_2069 = arith.select %gt3A_2062, %get3A_2068, %select_n3A_2056 : vector<16xi1>, vector<16xf32>
    %get3A_2070 = arith.constant 30 : i32
    %get3A_2071 = arith.index_cast %get3A_2070 : i32 to index
    %get3A_2072 = arith.constant 32 : index
    %get3A_2073 = tpu.vector_load %arg4[%get3A_2071, %get3A_2072] {strides = array<i32>} : memref<128x64xf32, #tpu.memory_space<vmem>>, vector<1x16xf32>,
    %get3A_2074 = vector.shape_cast %get3A_2073 : vector<1x16xf32> to vector<16xf32>
    %gt3A_2075 = arith.cmpf ogt, %get3A_2074, %select_n3A_2063 : vector<16xf32>
    %select_n3A_2076 = arith.select %gt3A_2075, %get3A_2074, %select_n3A_2063 : vector<16xi1>, vector<16xf32>
    %get3A_2077 = arith.constant 94 : i32
    %get3A_2078 = arith.index_cast %get3A_2077 : i32 to index
    %get3A_2079 = arith.constant 32 : index
    %get3A_2080 = tpu.vector_load %arg4[%get3A_2078, %get3A_2079] {strides = array<i32>} : memref<128x64xf32, #tpu.memory_space<vmem>>, vector<1x16xf32>,
    %get3A_2081 = vector.shape_cast %get3A_2080 : vector<1x16xf32> to vector<16xf32>
    %select_n3A_2082 = arith.select %gt3A_2075, %get3A_2081, %select_n3A_2069 : vector<16xi1>, vector<16xf32>
    %get3A_2083 = arith.constant 31 : i32
    %get3A_2084 = arith.index_cast %get3A_2083 : i32 to index
    %get3A_2085 = arith.constant 32 : index
    %get3A_2086 = tpu.vector_load %arg4[%get3A_2084, %get3A_2085] {strides = array<i32>} : memref<128x64xf32, #tpu.memory_space<vmem>>, vector<1x16xf32>,
    %get3A_2087 = vector.shape_cast %get3A_2086 : vector<1x16xf32> to vector<16xf32>
    %gt3A_2088 = arith.cmpf ogt, %get3A_2087, %select_n3A_2076 : vector<16xf32>
    %select_n3A_2089 = arith.select %gt3A_2088, %get3A_2087, %select_n3A_2076 : vector<16xi1>, vector<16xf32>
    %get3A_2090 = arith.constant 95 : i32
    %get3A_2091 = arith.index_cast %get3A_2090 : i32 to index
    %get3A_2092 = arith.constant 32 : index
    %get3A_2093 = tpu.vector_load %arg4[%get3A_2091, %get3A_2092] {strides = array<i32>} : memref<128x64xf32, #tpu.memory_space<vmem>>, vector<1x16xf32>,
    %get3A_2094 = vector.shape_cast %get3A_2093 : vector<1x16xf32> to vector<16xf32>
    %select_n3A_2095 = arith.select %gt3A_2088, %get3A_2094, %select_n3A_2082 : vector<16xi1>, vector<16xf32>
    %get3A_2096 = arith.constant 32 : i32
    %get3A_2097 = arith.index_cast %get3A_2096 : i32 to index
    %get3A_2098 = arith.constant 32 : index
    %get3A_2099 = tpu.vector_load %arg4[%get3A_2097, %get3A_2098] {strides = array<i32>} : memref<128x64xf32, #tpu.memory_space<vmem>>, vector<1x16xf32>,
    %get3A_2100 = vector.shape_cast %get3A_2099 : vector<1x16xf32> to vector<16xf32>
    %gt3A_2101 = arith.cmpf ogt, %get3A_2100, %select_n3A_2089 : vector<16xf32>
    %select_n3A_2102 = arith.select %gt3A_2101, %get3A_2100, %select_n3A_2089 : vector<16xi1>, vector<16xf32>
    %get3A_2103 = arith.constant 96 : i32
    %get3A_2104 = arith.index_cast %get3A_2103 : i32 to index
    %get3A_2105 = arith.constant 32 : index
    %get3A_2106 = tpu.vector_load %arg4[%get3A_2104, %get3A_2105] {strides = array<i32>} : memref<128x64xf32, #tpu.memory_space<vmem>>, vector<1x16xf32>,
    %get3A_2107 = vector.shape_cast %get3A_2106 : vector<1x16xf32> to vector<16xf32>
    %select_n3A_2108 = arith.select %gt3A_2101, %get3A_2107, %select_n3A_2095 : vector<16xi1>, vector<16xf32>
    %get3A_2109 = arith.constant 33 : i32
    %get3A_2110 = arith.index_cast %get3A_2109 : i32 to index
    %get3A_2111 = arith.constant 32 : index
    %get3A_2112 = tpu.vector_load %arg4[%get3A_2110, %get3A_2111] {strides = array<i32>} : memref<128x64xf32, #tpu.memory_space<vmem>>, vector<1x16xf32>,
    %get3A_2113 = vector.shape_cast %get3A_2112 : vector<1x16xf32> to vector<16xf32>
    %gt3A_2114 = arith.cmpf ogt, %get3A_2113, %select_n3A_2102 : vector<16xf32>
    %select_n3A_2115 = arith.select %gt3A_2114, %get3A_2113, %select_n3A_2102 : vector<16xi1>, vector<16xf32>
    %get3A_2116 = arith.constant 97 : i32
    %get3A_2117 = arith.index_cast %get3A_2116 : i32 to index
    %get3A_2118 = arith.constant 32 : index
    %get3A_2119 = tpu.vector_load %arg4[%get3A_2117, %get3A_2118] {strides = array<i32>} : memref<128x64xf32, #tpu.memory_space<vmem>>, vector<1x16xf32>,
    %get3A_2120 = vector.shape_cast %get3A_2119 : vector<1x16xf32> to vector<16xf32>
    %select_n3A_2121 = arith.select %gt3A_2114, %get3A_2120, %select_n3A_2108 : vector<16xi1>, vector<16xf32>
    %get3A_2122 = arith.constant 34 : i32
    %get3A_2123 = arith.index_cast %get3A_2122 : i32 to index
    %get3A_2124 = arith.constant 32 : index
    %get3A_2125 = tpu.vector_load %arg4[%get3A_2123, %get3A_2124] {strides = array<i32>} : memref<128x64xf32, #tpu.memory_space<vmem>>, vector<1x16xf32>,
    %get3A_2126 = vector.shape_cast %get3A_2125 : vector<1x16xf32> to vector<16xf32>
    %gt3A_2127 = arith.cmpf ogt, %get3A_2126, %select_n3A_2115 : vector<16xf32>
    %select_n3A_2128 = arith.select %gt3A_2127, %get3A_2126, %select_n3A_2115 : vector<16xi1>, vector<16xf32>
    %get3A_2129 = arith.constant 98 : i32
    %get3A_2130 = arith.index_cast %get3A_2129 : i32 to index
    %get3A_2131 = arith.constant 32 : index
    %get3A_2132 = tpu.vector_load %arg4[%get3A_2130, %get3A_2131] {strides = array<i32>} : memref<128x64xf32, #tpu.memory_space<vmem>>, vector<1x16xf32>,
    %get3A_2133 = vector.shape_cast %get3A_2132 : vector<1x16xf32> to vector<16xf32>
    %select_n3A_2134 = arith.select %gt3A_2127, %get3A_2133, %select_n3A_2121 : vector<16xi1>, vector<16xf32>
    %get3A_2135 = arith.constant 35 : i32
    %get3A_2136 = arith.index_cast %get3A_2135 : i32 to index
    %get3A_2137 = arith.constant 32 : index
    %get3A_2138 = tpu.vector_load %arg4[%get3A_2136, %get3A_2137] {strides = array<i32>} : memref<128x64xf32, #tpu.memory_space<vmem>>, vector<1x16xf32>,
    %get3A_2139 = vector.shape_cast %get3A_2138 : vector<1x16xf32> to vector<16xf32>
    %gt3A_2140 = arith.cmpf ogt, %get3A_2139, %select_n3A_2128 : vector<16xf32>
    %select_n3A_2141 = arith.select %gt3A_2140, %get3A_2139, %select_n3A_2128 : vector<16xi1>, vector<16xf32>
    %get3A_2142 = arith.constant 99 : i32
    %get3A_2143 = arith.index_cast %get3A_2142 : i32 to index
    %get3A_2144 = arith.constant 32 : index
    %get3A_2145 = tpu.vector_load %arg4[%get3A_2143, %get3A_2144] {strides = array<i32>} : memref<128x64xf32, #tpu.memory_space<vmem>>, vector<1x16xf32>,
    %get3A_2146 = vector.shape_cast %get3A_2145 : vector<1x16xf32> to vector<16xf32>
    %select_n3A_2147 = arith.select %gt3A_2140, %get3A_2146, %select_n3A_2134 : vector<16xi1>, vector<16xf32>
    %get3A_2148 = arith.constant 36 : i32
    %get3A_2149 = arith.index_cast %get3A_2148 : i32 to index
    %get3A_2150 = arith.constant 32 : index
    %get3A_2151 = tpu.vector_load %arg4[%get3A_2149, %get3A_2150] {strides = array<i32>} : memref<128x64xf32, #tpu.memory_space<vmem>>, vector<1x16xf32>,
    %get3A_2152 = vector.shape_cast %get3A_2151 : vector<1x16xf32> to vector<16xf32>
    %gt3A_2153 = arith.cmpf ogt, %get3A_2152, %select_n3A_2141 : vector<16xf32>
    %select_n3A_2154 = arith.select %gt3A_2153, %get3A_2152, %select_n3A_2141 : vector<16xi1>, vector<16xf32>
    %get3A_2155 = arith.constant 100 : i32
    %get3A_2156 = arith.index_cast %get3A_2155 : i32 to index
    %get3A_2157 = arith.constant 32 : index
    %get3A_2158 = tpu.vector_load %arg4[%get3A_2156, %get3A_2157] {strides = array<i32>} : memref<128x64xf32, #tpu.memory_space<vmem>>, vector<1x16xf32>,
    %get3A_2159 = vector.shape_cast %get3A_2158 : vector<1x16xf32> to vector<16xf32>
    %select_n3A_2160 = arith.select %gt3A_2153, %get3A_2159, %select_n3A_2147 : vector<16xi1>, vector<16xf32>
    %get3A_2161 = arith.constant 37 : i32
    %get3A_2162 = arith.index_cast %get3A_2161 : i32 to index
    %get3A_2163 = arith.constant 32 : index
    %get3A_2164 = tpu.vector_load %arg4[%get3A_2162, %get3A_2163] {strides = array<i32>} : memref<128x64xf32, #tpu.memory_space<vmem>>, vector<1x16xf32>,
    %get3A_2165 = vector.shape_cast %get3A_2164 : vector<1x16xf32> to vector<16xf32>
    %gt3A_2166 = arith.cmpf ogt, %get3A_2165, %select_n3A_2154 : vector<16xf32>
    %select_n3A_2167 = arith.select %gt3A_2166, %get3A_2165, %select_n3A_2154 : vector<16xi1>, vector<16xf32>
    %get3A_2168 = arith.constant 101 : i32
    %get3A_2169 = arith.index_cast %get3A_2168 : i32 to index
    %get3A_2170 = arith.constant 32 : index
    %get3A_2171 = tpu.vector_load %arg4[%get3A_2169, %get3A_2170] {strides = array<i32>} : memref<128x64xf32, #tpu.memory_space<vmem>>, vector<1x16xf32>,
    %get3A_2172 = vector.shape_cast %get3A_2171 : vector<1x16xf32> to vector<16xf32>
    %select_n3A_2173 = arith.select %gt3A_2166, %get3A_2172, %select_n3A_2160 : vector<16xi1>, vector<16xf32>
    %get3A_2174 = arith.constant 38 : i32
    %get3A_2175 = arith.index_cast %get3A_2174 : i32 to index
    %get3A_2176 = arith.constant 32 : index
    %get3A_2177 = tpu.vector_load %arg4[%get3A_2175, %get3A_2176] {strides = array<i32>} : memref<128x64xf32, #tpu.memory_space<vmem>>, vector<1x16xf32>,
    %get3A_2178 = vector.shape_cast %get3A_2177 : vector<1x16xf32> to vector<16xf32>
    %gt3A_2179 = arith.cmpf ogt, %get3A_2178, %select_n3A_2167 : vector<16xf32>
    %select_n3A_2180 = arith.select %gt3A_2179, %get3A_2178, %select_n3A_2167 : vector<16xi1>, vector<16xf32>
    %get3A_2181 = arith.constant 102 : i32
    %get3A_2182 = arith.index_cast %get3A_2181 : i32 to index
    %get3A_2183 = arith.constant 32 : index
    %get3A_2184 = tpu.vector_load %arg4[%get3A_2182, %get3A_2183] {strides = array<i32>} : memref<128x64xf32, #tpu.memory_space<vmem>>, vector<1x16xf32>,
    %get3A_2185 = vector.shape_cast %get3A_2184 : vector<1x16xf32> to vector<16xf32>
    %select_n3A_2186 = arith.select %gt3A_2179, %get3A_2185, %select_n3A_2173 : vector<16xi1>, vector<16xf32>
    %get3A_2187 = arith.constant 39 : i32
    %get3A_2188 = arith.index_cast %get3A_2187 : i32 to index
    %get3A_2189 = arith.constant 32 : index
    %get3A_2190 = tpu.vector_load %arg4[%get3A_2188, %get3A_2189] {strides = array<i32>} : memref<128x64xf32, #tpu.memory_space<vmem>>, vector<1x16xf32>,
    %get3A_2191 = vector.shape_cast %get3A_2190 : vector<1x16xf32> to vector<16xf32>
    %gt3A_2192 = arith.cmpf ogt, %get3A_2191, %select_n3A_2180 : vector<16xf32>
    %select_n3A_2193 = arith.select %gt3A_2192, %get3A_2191, %select_n3A_2180 : vector<16xi1>, vector<16xf32>
    %get3A_2194 = arith.constant 103 : i32
    %get3A_2195 = arith.index_cast %get3A_2194 : i32 to index
    %get3A_2196 = arith.constant 32 : index
    %get3A_2197 = tpu.vector_load %arg4[%get3A_2195, %get3A_2196] {strides = array<i32>} : memref<128x64xf32, #tpu.memory_space<vmem>>, vector<1x16xf32>,
    %get3A_2198 = vector.shape_cast %get3A_2197 : vector<1x16xf32> to vector<16xf32>
    %select_n3A_2199 = arith.select %gt3A_2192, %get3A_2198, %select_n3A_2186 : vector<16xi1>, vector<16xf32>
    %get3A_2200 = arith.constant 40 : i32
    %get3A_2201 = arith.index_cast %get3A_2200 : i32 to index
    %get3A_2202 = arith.constant 32 : index
    %get3A_2203 = tpu.vector_load %arg4[%get3A_2201, %get3A_2202] {strides = array<i32>} : memref<128x64xf32, #tpu.memory_space<vmem>>, vector<1x16xf32>,
    %get3A_2204 = vector.shape_cast %get3A_2203 : vector<1x16xf32> to vector<16xf32>
    %gt3A_2205 = arith.cmpf ogt, %get3A_2204, %select_n3A_2193 : vector<16xf32>
    %select_n3A_2206 = arith.select %gt3A_2205, %get3A_2204, %select_n3A_2193 : vector<16xi1>, vector<16xf32>
    %get3A_2207 = arith.constant 104 : i32
    %get3A_2208 = arith.index_cast %get3A_2207 : i32 to index
    %get3A_2209 = arith.constant 32 : index
    %get3A_2210 = tpu.vector_load %arg4[%get3A_2208, %get3A_2209] {strides = array<i32>} : memref<128x64xf32, #tpu.memory_space<vmem>>, vector<1x16xf32>,
    %get3A_2211 = vector.shape_cast %get3A_2210 : vector<1x16xf32> to vector<16xf32>
    %select_n3A_2212 = arith.select %gt3A_2205, %get3A_2211, %select_n3A_2199 : vector<16xi1>, vector<16xf32>
    %get3A_2213 = arith.constant 41 : i32
    %get3A_2214 = arith.index_cast %get3A_2213 : i32 to index
    %get3A_2215 = arith.constant 32 : index
    %get3A_2216 = tpu.vector_load %arg4[%get3A_2214, %get3A_2215] {strides = array<i32>} : memref<128x64xf32, #tpu.memory_space<vmem>>, vector<1x16xf32>,
    %get3A_2217 = vector.shape_cast %get3A_2216 : vector<1x16xf32> to vector<16xf32>
    %gt3A_2218 = arith.cmpf ogt, %get3A_2217, %select_n3A_2206 : vector<16xf32>
    %select_n3A_2219 = arith.select %gt3A_2218, %get3A_2217, %select_n3A_2206 : vector<16xi1>, vector<16xf32>
    %get3A_2220 = arith.constant 105 : i32
    %get3A_2221 = arith.index_cast %get3A_2220 : i32 to index
    %get3A_2222 = arith.constant 32 : index
    %get3A_2223 = tpu.vector_load %arg4[%get3A_2221, %get3A_2222] {strides = array<i32>} : memref<128x64xf32, #tpu.memory_space<vmem>>, vector<1x16xf32>,
    %get3A_2224 = vector.shape_cast %get3A_2223 : vector<1x16xf32> to vector<16xf32>
    %select_n3A_2225 = arith.select %gt3A_2218, %get3A_2224, %select_n3A_2212 : vector<16xi1>, vector<16xf32>
    %get3A_2226 = arith.constant 42 : i32
    %get3A_2227 = arith.index_cast %get3A_2226 : i32 to index
    %get3A_2228 = arith.constant 32 : index
    %get3A_2229 = tpu.vector_load %arg4[%get3A_2227, %get3A_2228] {strides = array<i32>} : memref<128x64xf32, #tpu.memory_space<vmem>>, vector<1x16xf32>,
    %get3A_2230 = vector.shape_cast %get3A_2229 : vector<1x16xf32> to vector<16xf32>
    %gt3A_2231 = arith.cmpf ogt, %get3A_2230, %select_n3A_2219 : vector<16xf32>
    %select_n3A_2232 = arith.select %gt3A_2231, %get3A_2230, %select_n3A_2219 : vector<16xi1>, vector<16xf32>
    %get3A_2233 = arith.constant 106 : i32
    %get3A_2234 = arith.index_cast %get3A_2233 : i32 to index
    %get3A_2235 = arith.constant 32 : index
    %get3A_2236 = tpu.vector_load %arg4[%get3A_2234, %get3A_2235] {strides = array<i32>} : memref<128x64xf32, #tpu.memory_space<vmem>>, vector<1x16xf32>,
    %get3A_2237 = vector.shape_cast %get3A_2236 : vector<1x16xf32> to vector<16xf32>
    %select_n3A_2238 = arith.select %gt3A_2231, %get3A_2237, %select_n3A_2225 : vector<16xi1>, vector<16xf32>
    %get3A_2239 = arith.constant 43 : i32
    %get3A_2240 = arith.index_cast %get3A_2239 : i32 to index
    %get3A_2241 = arith.constant 32 : index
    %get3A_2242 = tpu.vector_load %arg4[%get3A_2240, %get3A_2241] {strides = array<i32>} : memref<128x64xf32, #tpu.memory_space<vmem>>, vector<1x16xf32>,
    %get3A_2243 = vector.shape_cast %get3A_2242 : vector<1x16xf32> to vector<16xf32>
    %gt3A_2244 = arith.cmpf ogt, %get3A_2243, %select_n3A_2232 : vector<16xf32>
    %select_n3A_2245 = arith.select %gt3A_2244, %get3A_2243, %select_n3A_2232 : vector<16xi1>, vector<16xf32>
    %get3A_2246 = arith.constant 107 : i32
    %get3A_2247 = arith.index_cast %get3A_2246 : i32 to index
    %get3A_2248 = arith.constant 32 : index
    %get3A_2249 = tpu.vector_load %arg4[%get3A_2247, %get3A_2248] {strides = array<i32>} : memref<128x64xf32, #tpu.memory_space<vmem>>, vector<1x16xf32>,
    %get3A_2250 = vector.shape_cast %get3A_2249 : vector<1x16xf32> to vector<16xf32>
    %select_n3A_2251 = arith.select %gt3A_2244, %get3A_2250, %select_n3A_2238 : vector<16xi1>, vector<16xf32>
    %get3A_2252 = arith.constant 44 : i32
    %get3A_2253 = arith.index_cast %get3A_2252 : i32 to index
    %get3A_2254 = arith.constant 32 : index
    %get3A_2255 = tpu.vector_load %arg4[%get3A_2253, %get3A_2254] {strides = array<i32>} : memref<128x64xf32, #tpu.memory_space<vmem>>, vector<1x16xf32>,
    %get3A_2256 = vector.shape_cast %get3A_2255 : vector<1x16xf32> to vector<16xf32>
    %gt3A_2257 = arith.cmpf ogt, %get3A_2256, %select_n3A_2245 : vector<16xf32>
    %select_n3A_2258 = arith.select %gt3A_2257, %get3A_2256, %select_n3A_2245 : vector<16xi1>, vector<16xf32>
    %get3A_2259 = arith.constant 108 : i32
    %get3A_2260 = arith.index_cast %get3A_2259 : i32 to index
    %get3A_2261 = arith.constant 32 : index
    %get3A_2262 = tpu.vector_load %arg4[%get3A_2260, %get3A_2261] {strides = array<i32>} : memref<128x64xf32, #tpu.memory_space<vmem>>, vector<1x16xf32>,
    %get3A_2263 = vector.shape_cast %get3A_2262 : vector<1x16xf32> to vector<16xf32>
    %select_n3A_2264 = arith.select %gt3A_2257, %get3A_2263, %select_n3A_2251 : vector<16xi1>, vector<16xf32>
    %get3A_2265 = arith.constant 45 : i32
    %get3A_2266 = arith.index_cast %get3A_2265 : i32 to index
    %get3A_2267 = arith.constant 32 : index
    %get3A_2268 = tpu.vector_load %arg4[%get3A_2266, %get3A_2267] {strides = array<i32>} : memref<128x64xf32, #tpu.memory_space<vmem>>, vector<1x16xf32>,
    %get3A_2269 = vector.shape_cast %get3A_2268 : vector<1x16xf32> to vector<16xf32>
    %gt3A_2270 = arith.cmpf ogt, %get3A_2269, %select_n3A_2258 : vector<16xf32>
    %select_n3A_2271 = arith.select %gt3A_2270, %get3A_2269, %select_n3A_2258 : vector<16xi1>, vector<16xf32>
    %get3A_2272 = arith.constant 109 : i32
    %get3A_2273 = arith.index_cast %get3A_2272 : i32 to index
    %get3A_2274 = arith.constant 32 : index
    %get3A_2275 = tpu.vector_load %arg4[%get3A_2273, %get3A_2274] {strides = array<i32>} : memref<128x64xf32, #tpu.memory_space<vmem>>, vector<1x16xf32>,
    %get3A_2276 = vector.shape_cast %get3A_2275 : vector<1x16xf32> to vector<16xf32>
    %select_n3A_2277 = arith.select %gt3A_2270, %get3A_2276, %select_n3A_2264 : vector<16xi1>, vector<16xf32>
    %get3A_2278 = arith.constant 46 : i32
    %get3A_2279 = arith.index_cast %get3A_2278 : i32 to index
    %get3A_2280 = arith.constant 32 : index
    %get3A_2281 = tpu.vector_load %arg4[%get3A_2279, %get3A_2280] {strides = array<i32>} : memref<128x64xf32, #tpu.memory_space<vmem>>, vector<1x16xf32>,
    %get3A_2282 = vector.shape_cast %get3A_2281 : vector<1x16xf32> to vector<16xf32>
    %gt3A_2283 = arith.cmpf ogt, %get3A_2282, %select_n3A_2271 : vector<16xf32>
    %select_n3A_2284 = arith.select %gt3A_2283, %get3A_2282, %select_n3A_2271 : vector<16xi1>, vector<16xf32>
    %get3A_2285 = arith.constant 110 : i32
    %get3A_2286 = arith.index_cast %get3A_2285 : i32 to index
    %get3A_2287 = arith.constant 32 : index
    %get3A_2288 = tpu.vector_load %arg4[%get3A_2286, %get3A_2287] {strides = array<i32>} : memref<128x64xf32, #tpu.memory_space<vmem>>, vector<1x16xf32>,
    %get3A_2289 = vector.shape_cast %get3A_2288 : vector<1x16xf32> to vector<16xf32>
    %select_n3A_2290 = arith.select %gt3A_2283, %get3A_2289, %select_n3A_2277 : vector<16xi1>, vector<16xf32>
    %get3A_2291 = arith.constant 47 : i32
    %get3A_2292 = arith.index_cast %get3A_2291 : i32 to index
    %get3A_2293 = arith.constant 32 : index
    %get3A_2294 = tpu.vector_load %arg4[%get3A_2292, %get3A_2293] {strides = array<i32>} : memref<128x64xf32, #tpu.memory_space<vmem>>, vector<1x16xf32>,
    %get3A_2295 = vector.shape_cast %get3A_2294 : vector<1x16xf32> to vector<16xf32>
    %gt3A_2296 = arith.cmpf ogt, %get3A_2295, %select_n3A_2284 : vector<16xf32>
    %select_n3A_2297 = arith.select %gt3A_2296, %get3A_2295, %select_n3A_2284 : vector<16xi1>, vector<16xf32>
    %get3A_2298 = arith.constant 111 : i32
    %get3A_2299 = arith.index_cast %get3A_2298 : i32 to index
    %get3A_2300 = arith.constant 32 : index
    %get3A_2301 = tpu.vector_load %arg4[%get3A_2299, %get3A_2300] {strides = array<i32>} : memref<128x64xf32, #tpu.memory_space<vmem>>, vector<1x16xf32>,
    %get3A_2302 = vector.shape_cast %get3A_2301 : vector<1x16xf32> to vector<16xf32>
    %select_n3A_2303 = arith.select %gt3A_2296, %get3A_2302, %select_n3A_2290 : vector<16xi1>, vector<16xf32>
    %get3A_2304 = arith.constant 48 : i32
    %get3A_2305 = arith.index_cast %get3A_2304 : i32 to index
    %get3A_2306 = arith.constant 32 : index
    %get3A_2307 = tpu.vector_load %arg4[%get3A_2305, %get3A_2306] {strides = array<i32>} : memref<128x64xf32, #tpu.memory_space<vmem>>, vector<1x16xf32>,
    %get3A_2308 = vector.shape_cast %get3A_2307 : vector<1x16xf32> to vector<16xf32>
    %gt3A_2309 = arith.cmpf ogt, %get3A_2308, %select_n3A_2297 : vector<16xf32>
    %select_n3A_2310 = arith.select %gt3A_2309, %get3A_2308, %select_n3A_2297 : vector<16xi1>, vector<16xf32>
    %get3A_2311 = arith.constant 112 : i32
    %get3A_2312 = arith.index_cast %get3A_2311 : i32 to index
    %get3A_2313 = arith.constant 32 : index
    %get3A_2314 = tpu.vector_load %arg4[%get3A_2312, %get3A_2313] {strides = array<i32>} : memref<128x64xf32, #tpu.memory_space<vmem>>, vector<1x16xf32>,
    %get3A_2315 = vector.shape_cast %get3A_2314 : vector<1x16xf32> to vector<16xf32>
    %select_n3A_2316 = arith.select %gt3A_2309, %get3A_2315, %select_n3A_2303 : vector<16xi1>, vector<16xf32>
    %get3A_2317 = arith.constant 49 : i32
    %get3A_2318 = arith.index_cast %get3A_2317 : i32 to index
    %get3A_2319 = arith.constant 32 : index
    %get3A_2320 = tpu.vector_load %arg4[%get3A_2318, %get3A_2319] {strides = array<i32>} : memref<128x64xf32, #tpu.memory_space<vmem>>, vector<1x16xf32>,
    %get3A_2321 = vector.shape_cast %get3A_2320 : vector<1x16xf32> to vector<16xf32>
    %gt3A_2322 = arith.cmpf ogt, %get3A_2321, %select_n3A_2310 : vector<16xf32>
    %select_n3A_2323 = arith.select %gt3A_2322, %get3A_2321, %select_n3A_2310 : vector<16xi1>, vector<16xf32>
    %get3A_2324 = arith.constant 113 : i32
    %get3A_2325 = arith.index_cast %get3A_2324 : i32 to index
    %get3A_2326 = arith.constant 32 : index
    %get3A_2327 = tpu.vector_load %arg4[%get3A_2325, %get3A_2326] {strides = array<i32>} : memref<128x64xf32, #tpu.memory_space<vmem>>, vector<1x16xf32>,
    %get3A_2328 = vector.shape_cast %get3A_2327 : vector<1x16xf32> to vector<16xf32>
    %select_n3A_2329 = arith.select %gt3A_2322, %get3A_2328, %select_n3A_2316 : vector<16xi1>, vector<16xf32>
    %get3A_2330 = arith.constant 50 : i32
    %get3A_2331 = arith.index_cast %get3A_2330 : i32 to index
    %get3A_2332 = arith.constant 32 : index
    %get3A_2333 = tpu.vector_load %arg4[%get3A_2331, %get3A_2332] {strides = array<i32>} : memref<128x64xf32, #tpu.memory_space<vmem>>, vector<1x16xf32>,
    %get3A_2334 = vector.shape_cast %get3A_2333 : vector<1x16xf32> to vector<16xf32>
    %gt3A_2335 = arith.cmpf ogt, %get3A_2334, %select_n3A_2323 : vector<16xf32>
    %select_n3A_2336 = arith.select %gt3A_2335, %get3A_2334, %select_n3A_2323 : vector<16xi1>, vector<16xf32>
    %get3A_2337 = arith.constant 114 : i32
    %get3A_2338 = arith.index_cast %get3A_2337 : i32 to index
    %get3A_2339 = arith.constant 32 : index
    %get3A_2340 = tpu.vector_load %arg4[%get3A_2338, %get3A_2339] {strides = array<i32>} : memref<128x64xf32, #tpu.memory_space<vmem>>, vector<1x16xf32>,
    %get3A_2341 = vector.shape_cast %get3A_2340 : vector<1x16xf32> to vector<16xf32>
    %select_n3A_2342 = arith.select %gt3A_2335, %get3A_2341, %select_n3A_2329 : vector<16xi1>, vector<16xf32>
    %get3A_2343 = arith.constant 51 : i32
    %get3A_2344 = arith.index_cast %get3A_2343 : i32 to index
    %get3A_2345 = arith.constant 32 : index
    %get3A_2346 = tpu.vector_load %arg4[%get3A_2344, %get3A_2345] {strides = array<i32>} : memref<128x64xf32, #tpu.memory_space<vmem>>, vector<1x16xf32>,
    %get3A_2347 = vector.shape_cast %get3A_2346 : vector<1x16xf32> to vector<16xf32>
    %gt3A_2348 = arith.cmpf ogt, %get3A_2347, %select_n3A_2336 : vector<16xf32>
    %select_n3A_2349 = arith.select %gt3A_2348, %get3A_2347, %select_n3A_2336 : vector<16xi1>, vector<16xf32>
    %get3A_2350 = arith.constant 115 : i32
    %get3A_2351 = arith.index_cast %get3A_2350 : i32 to index
    %get3A_2352 = arith.constant 32 : index
    %get3A_2353 = tpu.vector_load %arg4[%get3A_2351, %get3A_2352] {strides = array<i32>} : memref<128x64xf32, #tpu.memory_space<vmem>>, vector<1x16xf32>,
    %get3A_2354 = vector.shape_cast %get3A_2353 : vector<1x16xf32> to vector<16xf32>
    %select_n3A_2355 = arith.select %gt3A_2348, %get3A_2354, %select_n3A_2342 : vector<16xi1>, vector<16xf32>
    %get3A_2356 = arith.constant 52 : i32
    %get3A_2357 = arith.index_cast %get3A_2356 : i32 to index
    %get3A_2358 = arith.constant 32 : index
    %get3A_2359 = tpu.vector_load %arg4[%get3A_2357, %get3A_2358] {strides = array<i32>} : memref<128x64xf32, #tpu.memory_space<vmem>>, vector<1x16xf32>,
    %get3A_2360 = vector.shape_cast %get3A_2359 : vector<1x16xf32> to vector<16xf32>
    %gt3A_2361 = arith.cmpf ogt, %get3A_2360, %select_n3A_2349 : vector<16xf32>
    %select_n3A_2362 = arith.select %gt3A_2361, %get3A_2360, %select_n3A_2349 : vector<16xi1>, vector<16xf32>
    %get3A_2363 = arith.constant 116 : i32
    %get3A_2364 = arith.index_cast %get3A_2363 : i32 to index
    %get3A_2365 = arith.constant 32 : index
    %get3A_2366 = tpu.vector_load %arg4[%get3A_2364, %get3A_2365] {strides = array<i32>} : memref<128x64xf32, #tpu.memory_space<vmem>>, vector<1x16xf32>,
    %get3A_2367 = vector.shape_cast %get3A_2366 : vector<1x16xf32> to vector<16xf32>
    %select_n3A_2368 = arith.select %gt3A_2361, %get3A_2367, %select_n3A_2355 : vector<16xi1>, vector<16xf32>
    %get3A_2369 = arith.constant 53 : i32
    %get3A_2370 = arith.index_cast %get3A_2369 : i32 to index
    %get3A_2371 = arith.constant 32 : index
    %get3A_2372 = tpu.vector_load %arg4[%get3A_2370, %get3A_2371] {strides = array<i32>} : memref<128x64xf32, #tpu.memory_space<vmem>>, vector<1x16xf32>,
    %get3A_2373 = vector.shape_cast %get3A_2372 : vector<1x16xf32> to vector<16xf32>
    %gt3A_2374 = arith.cmpf ogt, %get3A_2373, %select_n3A_2362 : vector<16xf32>
    %select_n3A_2375 = arith.select %gt3A_2374, %get3A_2373, %select_n3A_2362 : vector<16xi1>, vector<16xf32>
    %get3A_2376 = arith.constant 117 : i32
    %get3A_2377 = arith.index_cast %get3A_2376 : i32 to index
    %get3A_2378 = arith.constant 32 : index
    %get3A_2379 = tpu.vector_load %arg4[%get3A_2377, %get3A_2378] {strides = array<i32>} : memref<128x64xf32, #tpu.memory_space<vmem>>, vector<1x16xf32>,
    %get3A_2380 = vector.shape_cast %get3A_2379 : vector<1x16xf32> to vector<16xf32>
    %select_n3A_2381 = arith.select %gt3A_2374, %get3A_2380, %select_n3A_2368 : vector<16xi1>, vector<16xf32>
    %get3A_2382 = arith.constant 54 : i32
    %get3A_2383 = arith.index_cast %get3A_2382 : i32 to index
    %get3A_2384 = arith.constant 32 : index
    %get3A_2385 = tpu.vector_load %arg4[%get3A_2383, %get3A_2384] {strides = array<i32>} : memref<128x64xf32, #tpu.memory_space<vmem>>, vector<1x16xf32>,
    %get3A_2386 = vector.shape_cast %get3A_2385 : vector<1x16xf32> to vector<16xf32>
    %gt3A_2387 = arith.cmpf ogt, %get3A_2386, %select_n3A_2375 : vector<16xf32>
    %select_n3A_2388 = arith.select %gt3A_2387, %get3A_2386, %select_n3A_2375 : vector<16xi1>, vector<16xf32>
    %get3A_2389 = arith.constant 118 : i32
    %get3A_2390 = arith.index_cast %get3A_2389 : i32 to index
    %get3A_2391 = arith.constant 32 : index
    %get3A_2392 = tpu.vector_load %arg4[%get3A_2390, %get3A_2391] {strides = array<i32>} : memref<128x64xf32, #tpu.memory_space<vmem>>, vector<1x16xf32>,
    %get3A_2393 = vector.shape_cast %get3A_2392 : vector<1x16xf32> to vector<16xf32>
    %select_n3A_2394 = arith.select %gt3A_2387, %get3A_2393, %select_n3A_2381 : vector<16xi1>, vector<16xf32>
    %get3A_2395 = arith.constant 55 : i32
    %get3A_2396 = arith.index_cast %get3A_2395 : i32 to index
    %get3A_2397 = arith.constant 32 : index
    %get3A_2398 = tpu.vector_load %arg4[%get3A_2396, %get3A_2397] {strides = array<i32>} : memref<128x64xf32, #tpu.memory_space<vmem>>, vector<1x16xf32>,
    %get3A_2399 = vector.shape_cast %get3A_2398 : vector<1x16xf32> to vector<16xf32>
    %gt3A_2400 = arith.cmpf ogt, %get3A_2399, %select_n3A_2388 : vector<16xf32>
    %select_n3A_2401 = arith.select %gt3A_2400, %get3A_2399, %select_n3A_2388 : vector<16xi1>, vector<16xf32>
    %get3A_2402 = arith.constant 119 : i32
    %get3A_2403 = arith.index_cast %get3A_2402 : i32 to index
    %get3A_2404 = arith.constant 32 : index
    %get3A_2405 = tpu.vector_load %arg4[%get3A_2403, %get3A_2404] {strides = array<i32>} : memref<128x64xf32, #tpu.memory_space<vmem>>, vector<1x16xf32>,
    %get3A_2406 = vector.shape_cast %get3A_2405 : vector<1x16xf32> to vector<16xf32>
    %select_n3A_2407 = arith.select %gt3A_2400, %get3A_2406, %select_n3A_2394 : vector<16xi1>, vector<16xf32>
    %get3A_2408 = arith.constant 56 : i32
    %get3A_2409 = arith.index_cast %get3A_2408 : i32 to index
    %get3A_2410 = arith.constant 32 : index
    %get3A_2411 = tpu.vector_load %arg4[%get3A_2409, %get3A_2410] {strides = array<i32>} : memref<128x64xf32, #tpu.memory_space<vmem>>, vector<1x16xf32>,
    %get3A_2412 = vector.shape_cast %get3A_2411 : vector<1x16xf32> to vector<16xf32>
    %gt3A_2413 = arith.cmpf ogt, %get3A_2412, %select_n3A_2401 : vector<16xf32>
    %select_n3A_2414 = arith.select %gt3A_2413, %get3A_2412, %select_n3A_2401 : vector<16xi1>, vector<16xf32>
    %get3A_2415 = arith.constant 120 : i32
    %get3A_2416 = arith.index_cast %get3A_2415 : i32 to index
    %get3A_2417 = arith.constant 32 : index
    %get3A_2418 = tpu.vector_load %arg4[%get3A_2416, %get3A_2417] {strides = array<i32>} : memref<128x64xf32, #tpu.memory_space<vmem>>, vector<1x16xf32>,
    %get3A_2419 = vector.shape_cast %get3A_2418 : vector<1x16xf32> to vector<16xf32>
    %select_n3A_2420 = arith.select %gt3A_2413, %get3A_2419, %select_n3A_2407 : vector<16xi1>, vector<16xf32>
    %get3A_2421 = arith.constant 57 : i32
    %get3A_2422 = arith.index_cast %get3A_2421 : i32 to index
    %get3A_2423 = arith.constant 32 : index
    %get3A_2424 = tpu.vector_load %arg4[%get3A_2422, %get3A_2423] {strides = array<i32>} : memref<128x64xf32, #tpu.memory_space<vmem>>, vector<1x16xf32>,
    %get3A_2425 = vector.shape_cast %get3A_2424 : vector<1x16xf32> to vector<16xf32>
    %gt3A_2426 = arith.cmpf ogt, %get3A_2425, %select_n3A_2414 : vector<16xf32>
    %select_n3A_2427 = arith.select %gt3A_2426, %get3A_2425, %select_n3A_2414 : vector<16xi1>, vector<16xf32>
    %get3A_2428 = arith.constant 121 : i32
    %get3A_2429 = arith.index_cast %get3A_2428 : i32 to index
    %get3A_2430 = arith.constant 32 : index
    %get3A_2431 = tpu.vector_load %arg4[%get3A_2429, %get3A_2430] {strides = array<i32>} : memref<128x64xf32, #tpu.memory_space<vmem>>, vector<1x16xf32>,
    %get3A_2432 = vector.shape_cast %get3A_2431 : vector<1x16xf32> to vector<16xf32>
    %select_n3A_2433 = arith.select %gt3A_2426, %get3A_2432, %select_n3A_2420 : vector<16xi1>, vector<16xf32>
    %get3A_2434 = arith.constant 58 : i32
    %get3A_2435 = arith.index_cast %get3A_2434 : i32 to index
    %get3A_2436 = arith.constant 32 : index
    %get3A_2437 = tpu.vector_load %arg4[%get3A_2435, %get3A_2436] {strides = array<i32>} : memref<128x64xf32, #tpu.memory_space<vmem>>, vector<1x16xf32>,
    %get3A_2438 = vector.shape_cast %get3A_2437 : vector<1x16xf32> to vector<16xf32>
    %gt3A_2439 = arith.cmpf ogt, %get3A_2438, %select_n3A_2427 : vector<16xf32>
    %select_n3A_2440 = arith.select %gt3A_2439, %get3A_2438, %select_n3A_2427 : vector<16xi1>, vector<16xf32>
    %get3A_2441 = arith.constant 122 : i32
    %get3A_2442 = arith.index_cast %get3A_2441 : i32 to index
    %get3A_2443 = arith.constant 32 : index
    %get3A_2444 = tpu.vector_load %arg4[%get3A_2442, %get3A_2443] {strides = array<i32>} : memref<128x64xf32, #tpu.memory_space<vmem>>, vector<1x16xf32>,
    %get3A_2445 = vector.shape_cast %get3A_2444 : vector<1x16xf32> to vector<16xf32>
    %select_n3A_2446 = arith.select %gt3A_2439, %get3A_2445, %select_n3A_2433 : vector<16xi1>, vector<16xf32>
    %get3A_2447 = arith.constant 59 : i32
    %get3A_2448 = arith.index_cast %get3A_2447 : i32 to index
    %get3A_2449 = arith.constant 32 : index
    %get3A_2450 = tpu.vector_load %arg4[%get3A_2448, %get3A_2449] {strides = array<i32>} : memref<128x64xf32, #tpu.memory_space<vmem>>, vector<1x16xf32>,
    %get3A_2451 = vector.shape_cast %get3A_2450 : vector<1x16xf32> to vector<16xf32>
    %gt3A_2452 = arith.cmpf ogt, %get3A_2451, %select_n3A_2440 : vector<16xf32>
    %select_n3A_2453 = arith.select %gt3A_2452, %get3A_2451, %select_n3A_2440 : vector<16xi1>, vector<16xf32>
    %get3A_2454 = arith.constant 123 : i32
    %get3A_2455 = arith.index_cast %get3A_2454 : i32 to index
    %get3A_2456 = arith.constant 32 : index
    %get3A_2457 = tpu.vector_load %arg4[%get3A_2455, %get3A_2456] {strides = array<i32>} : memref<128x64xf32, #tpu.memory_space<vmem>>, vector<1x16xf32>,
    %get3A_2458 = vector.shape_cast %get3A_2457 : vector<1x16xf32> to vector<16xf32>
    %select_n3A_2459 = arith.select %gt3A_2452, %get3A_2458, %select_n3A_2446 : vector<16xi1>, vector<16xf32>
    %get3A_2460 = arith.constant 60 : i32
    %get3A_2461 = arith.index_cast %get3A_2460 : i32 to index
    %get3A_2462 = arith.constant 32 : index
    %get3A_2463 = tpu.vector_load %arg4[%get3A_2461, %get3A_2462] {strides = array<i32>} : memref<128x64xf32, #tpu.memory_space<vmem>>, vector<1x16xf32>,
    %get3A_2464 = vector.shape_cast %get3A_2463 : vector<1x16xf32> to vector<16xf32>
    %gt3A_2465 = arith.cmpf ogt, %get3A_2464, %select_n3A_2453 : vector<16xf32>
    %select_n3A_2466 = arith.select %gt3A_2465, %get3A_2464, %select_n3A_2453 : vector<16xi1>, vector<16xf32>
    %get3A_2467 = arith.constant 124 : i32
    %get3A_2468 = arith.index_cast %get3A_2467 : i32 to index
    %get3A_2469 = arith.constant 32 : index
    %get3A_2470 = tpu.vector_load %arg4[%get3A_2468, %get3A_2469] {strides = array<i32>} : memref<128x64xf32, #tpu.memory_space<vmem>>, vector<1x16xf32>,
    %get3A_2471 = vector.shape_cast %get3A_2470 : vector<1x16xf32> to vector<16xf32>
    %select_n3A_2472 = arith.select %gt3A_2465, %get3A_2471, %select_n3A_2459 : vector<16xi1>, vector<16xf32>
    %get3A_2473 = arith.constant 61 : i32
    %get3A_2474 = arith.index_cast %get3A_2473 : i32 to index
    %get3A_2475 = arith.constant 32 : index
    %get3A_2476 = tpu.vector_load %arg4[%get3A_2474, %get3A_2475] {strides = array<i32>} : memref<128x64xf32, #tpu.memory_space<vmem>>, vector<1x16xf32>,
    %get3A_2477 = vector.shape_cast %get3A_2476 : vector<1x16xf32> to vector<16xf32>
    %gt3A_2478 = arith.cmpf ogt, %get3A_2477, %select_n3A_2466 : vector<16xf32>
    %select_n3A_2479 = arith.select %gt3A_2478, %get3A_2477, %select_n3A_2466 : vector<16xi1>, vector<16xf32>
    %get3A_2480 = arith.constant 125 : i32
    %get3A_2481 = arith.index_cast %get3A_2480 : i32 to index
    %get3A_2482 = arith.constant 32 : index
    %get3A_2483 = tpu.vector_load %arg4[%get3A_2481, %get3A_2482] {strides = array<i32>} : memref<128x64xf32, #tpu.memory_space<vmem>>, vector<1x16xf32>,
    %get3A_2484 = vector.shape_cast %get3A_2483 : vector<1x16xf32> to vector<16xf32>
    %select_n3A_2485 = arith.select %gt3A_2478, %get3A_2484, %select_n3A_2472 : vector<16xi1>, vector<16xf32>
    %get3A_2486 = arith.constant 62 : i32
    %get3A_2487 = arith.index_cast %get3A_2486 : i32 to index
    %get3A_2488 = arith.constant 32 : index
    %get3A_2489 = tpu.vector_load %arg4[%get3A_2487, %get3A_2488] {strides = array<i32>} : memref<128x64xf32, #tpu.memory_space<vmem>>, vector<1x16xf32>,
    %get3A_2490 = vector.shape_cast %get3A_2489 : vector<1x16xf32> to vector<16xf32>
    %gt3A_2491 = arith.cmpf ogt, %get3A_2490, %select_n3A_2479 : vector<16xf32>
    %select_n3A_2492 = arith.select %gt3A_2491, %get3A_2490, %select_n3A_2479 : vector<16xi1>, vector<16xf32>
    %get3A_2493 = arith.constant 126 : i32
    %get3A_2494 = arith.index_cast %get3A_2493 : i32 to index
    %get3A_2495 = arith.constant 32 : index
    %get3A_2496 = tpu.vector_load %arg4[%get3A_2494, %get3A_2495] {strides = array<i32>} : memref<128x64xf32, #tpu.memory_space<vmem>>, vector<1x16xf32>,
    %get3A_2497 = vector.shape_cast %get3A_2496 : vector<1x16xf32> to vector<16xf32>
    %select_n3A_2498 = arith.select %gt3A_2491, %get3A_2497, %select_n3A_2485 : vector<16xi1>, vector<16xf32>
    %get3A_2499 = arith.constant 63 : i32
    %get3A_2500 = arith.index_cast %get3A_2499 : i32 to index
    %get3A_2501 = arith.constant 32 : index
    %get3A_2502 = tpu.vector_load %arg4[%get3A_2500, %get3A_2501] {strides = array<i32>} : memref<128x64xf32, #tpu.memory_space<vmem>>, vector<1x16xf32>,
    %get3A_2503 = vector.shape_cast %get3A_2502 : vector<1x16xf32> to vector<16xf32>
    %gt3A_2504 = arith.cmpf ogt, %get3A_2503, %select_n3A_2492 : vector<16xf32>
    %select_n3A_2505 = arith.select %gt3A_2504, %get3A_2503, %select_n3A_2492 : vector<16xi1>, vector<16xf32>
    %get3A_2506 = arith.constant 127 : i32
    %get3A_2507 = arith.index_cast %get3A_2506 : i32 to index
    %get3A_2508 = arith.constant 32 : index
    %get3A_2509 = tpu.vector_load %arg4[%get3A_2507, %get3A_2508] {strides = array<i32>} : memref<128x64xf32, #tpu.memory_space<vmem>>, vector<1x16xf32>,
    %get3A_2510 = vector.shape_cast %get3A_2509 : vector<1x16xf32> to vector<16xf32>
    %select_n3A_2511 = arith.select %gt3A_2504, %get3A_2510, %select_n3A_2498 : vector<16xi1>, vector<16xf32>
    %swap3A_2512 = arith.constant 32 : index
    %swap3A_2513 = tpu.vector_load %arg5[%swap3A_2512] {strides = array<i32>} : memref<64xf32, #tpu.memory_space<vmem>>, vector<16xf32>,
    %swap3A_2514 = vector.shape_cast %swap3A_2513 : vector<16xf32> to vector<16xf32>
    %swap3A_2515 = vector.shape_cast %select_n3A_2511 : vector<16xf32> to vector<16xf32>
    tpu.vector_store %arg5[%swap3A_2512], %swap3A_2515 {strides = array<i32>} : memref<64xf32, #tpu.memory_space<vmem>>, vector<16xf32>,
    %broadcast_in_dim3A_2516 = arith.constant 0xFF800000 : f32
    %broadcast_in_dim3A_2517 = vector.broadcast %broadcast_in_dim3A_2516 : f32 to vector<16xf32>
    %broadcast_in_dim3A_2518 = arith.constant 0.000000e+00 : f32
    %broadcast_in_dim3A_2519 = vector.broadcast %broadcast_in_dim3A_2518 : f32 to vector<16xf32>
    %get3A_2520 = arith.constant 0 : i32
    %get3A_2521 = arith.index_cast %get3A_2520 : i32 to index
    %get3A_2522 = arith.constant 48 : index
    %get3A_2523 = tpu.vector_load %arg4[%get3A_2521, %get3A_2522] {strides = array<i32>} : memref<128x64xf32, #tpu.memory_space<vmem>>, vector<1x16xf32>,
    %get3A_2524 = vector.shape_cast %get3A_2523 : vector<1x16xf32> to vector<16xf32>
    %gt3A_2525 = arith.cmpf ogt, %get3A_2524, %broadcast_in_dim3A_2517 : vector<16xf32>
    %select_n3A_2526 = arith.select %gt3A_2525, %get3A_2524, %broadcast_in_dim3A_2517 : vector<16xi1>, vector<16xf32>
    %get3A_2527 = arith.constant 64 : i32
    %get3A_2528 = arith.index_cast %get3A_2527 : i32 to index
    %get3A_2529 = arith.constant 48 : index
    %get3A_2530 = tpu.vector_load %arg4[%get3A_2528, %get3A_2529] {strides = array<i32>} : memref<128x64xf32, #tpu.memory_space<vmem>>, vector<1x16xf32>,
    %get3A_2531 = vector.shape_cast %get3A_2530 : vector<1x16xf32> to vector<16xf32>
    %select_n3A_2532 = arith.select %gt3A_2525, %get3A_2531, %broadcast_in_dim3A_2519 : vector<16xi1>, vector<16xf32>
    %get3A_2533 = arith.constant 1 : i32
    %get3A_2534 = arith.index_cast %get3A_2533 : i32 to index
    %get3A_2535 = arith.constant 48 : index
    %get3A_2536 = tpu.vector_load %arg4[%get3A_2534, %get3A_2535] {strides = array<i32>} : memref<128x64xf32, #tpu.memory_space<vmem>>, vector<1x16xf32>,
    %get3A_2537 = vector.shape_cast %get3A_2536 : vector<1x16xf32> to vector<16xf32>
    %gt3A_2538 = arith.cmpf ogt, %get3A_2537, %select_n3A_2526 : vector<16xf32>
    %select_n3A_2539 = arith.select %gt3A_2538, %get3A_2537, %select_n3A_2526 : vector<16xi1>, vector<16xf32>
    %get3A_2540 = arith.constant 65 : i32
    %get3A_2541 = arith.index_cast %get3A_2540 : i32 to index
    %get3A_2542 = arith.constant 48 : index
    %get3A_2543 = tpu.vector_load %arg4[%get3A_2541, %get3A_2542] {strides = array<i32>} : memref<128x64xf32, #tpu.memory_space<vmem>>, vector<1x16xf32>,
    %get3A_2544 = vector.shape_cast %get3A_2543 : vector<1x16xf32> to vector<16xf32>
    %select_n3A_2545 = arith.select %gt3A_2538, %get3A_2544, %select_n3A_2532 : vector<16xi1>, vector<16xf32>
    %get3A_2546 = arith.constant 2 : i32
    %get3A_2547 = arith.index_cast %get3A_2546 : i32 to index
    %get3A_2548 = arith.constant 48 : index
    %get3A_2549 = tpu.vector_load %arg4[%get3A_2547, %get3A_2548] {strides = array<i32>} : memref<128x64xf32, #tpu.memory_space<vmem>>, vector<1x16xf32>,
    %get3A_2550 = vector.shape_cast %get3A_2549 : vector<1x16xf32> to vector<16xf32>
    %gt3A_2551 = arith.cmpf ogt, %get3A_2550, %select_n3A_2539 : vector<16xf32>
    %select_n3A_2552 = arith.select %gt3A_2551, %get3A_2550, %select_n3A_2539 : vector<16xi1>, vector<16xf32>
    %get3A_2553 = arith.constant 66 : i32
    %get3A_2554 = arith.index_cast %get3A_2553 : i32 to index
    %get3A_2555 = arith.constant 48 : index
    %get3A_2556 = tpu.vector_load %arg4[%get3A_2554, %get3A_2555] {strides = array<i32>} : memref<128x64xf32, #tpu.memory_space<vmem>>, vector<1x16xf32>,
    %get3A_2557 = vector.shape_cast %get3A_2556 : vector<1x16xf32> to vector<16xf32>
    %select_n3A_2558 = arith.select %gt3A_2551, %get3A_2557, %select_n3A_2545 : vector<16xi1>, vector<16xf32>
    %get3A_2559 = arith.constant 3 : i32
    %get3A_2560 = arith.index_cast %get3A_2559 : i32 to index
    %get3A_2561 = arith.constant 48 : index
    %get3A_2562 = tpu.vector_load %arg4[%get3A_2560, %get3A_2561] {strides = array<i32>} : memref<128x64xf32, #tpu.memory_space<vmem>>, vector<1x16xf32>,
    %get3A_2563 = vector.shape_cast %get3A_2562 : vector<1x16xf32> to vector<16xf32>
    %gt3A_2564 = arith.cmpf ogt, %get3A_2563, %select_n3A_2552 : vector<16xf32>
    %select_n3A_2565 = arith.select %gt3A_2564, %get3A_2563, %select_n3A_2552 : vector<16xi1>, vector<16xf32>
    %get3A_2566 = arith.constant 67 : i32
    %get3A_2567 = arith.index_cast %get3A_2566 : i32 to index
    %get3A_2568 = arith.constant 48 : index
    %get3A_2569 = tpu.vector_load %arg4[%get3A_2567, %get3A_2568] {strides = array<i32>} : memref<128x64xf32, #tpu.memory_space<vmem>>, vector<1x16xf32>,
    %get3A_2570 = vector.shape_cast %get3A_2569 : vector<1x16xf32> to vector<16xf32>
    %select_n3A_2571 = arith.select %gt3A_2564, %get3A_2570, %select_n3A_2558 : vector<16xi1>, vector<16xf32>
    %get3A_2572 = arith.constant 4 : i32
    %get3A_2573 = arith.index_cast %get3A_2572 : i32 to index
    %get3A_2574 = arith.constant 48 : index
    %get3A_2575 = tpu.vector_load %arg4[%get3A_2573, %get3A_2574] {strides = array<i32>} : memref<128x64xf32, #tpu.memory_space<vmem>>, vector<1x16xf32>,
    %get3A_2576 = vector.shape_cast %get3A_2575 : vector<1x16xf32> to vector<16xf32>
    %gt3A_2577 = arith.cmpf ogt, %get3A_2576, %select_n3A_2565 : vector<16xf32>
    %select_n3A_2578 = arith.select %gt3A_2577, %get3A_2576, %select_n3A_2565 : vector<16xi1>, vector<16xf32>
    %get3A_2579 = arith.constant 68 : i32
    %get3A_2580 = arith.index_cast %get3A_2579 : i32 to index
    %get3A_2581 = arith.constant 48 : index
    %get3A_2582 = tpu.vector_load %arg4[%get3A_2580, %get3A_2581] {strides = array<i32>} : memref<128x64xf32, #tpu.memory_space<vmem>>, vector<1x16xf32>,
    %get3A_2583 = vector.shape_cast %get3A_2582 : vector<1x16xf32> to vector<16xf32>
    %select_n3A_2584 = arith.select %gt3A_2577, %get3A_2583, %select_n3A_2571 : vector<16xi1>, vector<16xf32>
    %get3A_2585 = arith.constant 5 : i32
    %get3A_2586 = arith.index_cast %get3A_2585 : i32 to index
    %get3A_2587 = arith.constant 48 : index
    %get3A_2588 = tpu.vector_load %arg4[%get3A_2586, %get3A_2587] {strides = array<i32>} : memref<128x64xf32, #tpu.memory_space<vmem>>, vector<1x16xf32>,
    %get3A_2589 = vector.shape_cast %get3A_2588 : vector<1x16xf32> to vector<16xf32>
    %gt3A_2590 = arith.cmpf ogt, %get3A_2589, %select_n3A_2578 : vector<16xf32>
    %select_n3A_2591 = arith.select %gt3A_2590, %get3A_2589, %select_n3A_2578 : vector<16xi1>, vector<16xf32>
    %get3A_2592 = arith.constant 69 : i32
    %get3A_2593 = arith.index_cast %get3A_2592 : i32 to index
    %get3A_2594 = arith.constant 48 : index
    %get3A_2595 = tpu.vector_load %arg4[%get3A_2593, %get3A_2594] {strides = array<i32>} : memref<128x64xf32, #tpu.memory_space<vmem>>, vector<1x16xf32>,
    %get3A_2596 = vector.shape_cast %get3A_2595 : vector<1x16xf32> to vector<16xf32>
    %select_n3A_2597 = arith.select %gt3A_2590, %get3A_2596, %select_n3A_2584 : vector<16xi1>, vector<16xf32>
    %get3A_2598 = arith.constant 6 : i32
    %get3A_2599 = arith.index_cast %get3A_2598 : i32 to index
    %get3A_2600 = arith.constant 48 : index
    %get3A_2601 = tpu.vector_load %arg4[%get3A_2599, %get3A_2600] {strides = array<i32>} : memref<128x64xf32, #tpu.memory_space<vmem>>, vector<1x16xf32>,
    %get3A_2602 = vector.shape_cast %get3A_2601 : vector<1x16xf32> to vector<16xf32>
    %gt3A_2603 = arith.cmpf ogt, %get3A_2602, %select_n3A_2591 : vector<16xf32>
    %select_n3A_2604 = arith.select %gt3A_2603, %get3A_2602, %select_n3A_2591 : vector<16xi1>, vector<16xf32>
    %get3A_2605 = arith.constant 70 : i32
    %get3A_2606 = arith.index_cast %get3A_2605 : i32 to index
    %get3A_2607 = arith.constant 48 : index
    %get3A_2608 = tpu.vector_load %arg4[%get3A_2606, %get3A_2607] {strides = array<i32>} : memref<128x64xf32, #tpu.memory_space<vmem>>, vector<1x16xf32>,
    %get3A_2609 = vector.shape_cast %get3A_2608 : vector<1x16xf32> to vector<16xf32>
    %select_n3A_2610 = arith.select %gt3A_2603, %get3A_2609, %select_n3A_2597 : vector<16xi1>, vector<16xf32>
    %get3A_2611 = arith.constant 7 : i32
    %get3A_2612 = arith.index_cast %get3A_2611 : i32 to index
    %get3A_2613 = arith.constant 48 : index
    %get3A_2614 = tpu.vector_load %arg4[%get3A_2612, %get3A_2613] {strides = array<i32>} : memref<128x64xf32, #tpu.memory_space<vmem>>, vector<1x16xf32>,
    %get3A_2615 = vector.shape_cast %get3A_2614 : vector<1x16xf32> to vector<16xf32>
    %gt3A_2616 = arith.cmpf ogt, %get3A_2615, %select_n3A_2604 : vector<16xf32>
    %select_n3A_2617 = arith.select %gt3A_2616, %get3A_2615, %select_n3A_2604 : vector<16xi1>, vector<16xf32>
    %get3A_2618 = arith.constant 71 : i32
    %get3A_2619 = arith.index_cast %get3A_2618 : i32 to index
    %get3A_2620 = arith.constant 48 : index
    %get3A_2621 = tpu.vector_load %arg4[%get3A_2619, %get3A_2620] {strides = array<i32>} : memref<128x64xf32, #tpu.memory_space<vmem>>, vector<1x16xf32>,
    %get3A_2622 = vector.shape_cast %get3A_2621 : vector<1x16xf32> to vector<16xf32>
    %select_n3A_2623 = arith.select %gt3A_2616, %get3A_2622, %select_n3A_2610 : vector<16xi1>, vector<16xf32>
    %get3A_2624 = arith.constant 8 : i32
    %get3A_2625 = arith.index_cast %get3A_2624 : i32 to index
    %get3A_2626 = arith.constant 48 : index
    %get3A_2627 = tpu.vector_load %arg4[%get3A_2625, %get3A_2626] {strides = array<i32>} : memref<128x64xf32, #tpu.memory_space<vmem>>, vector<1x16xf32>,
    %get3A_2628 = vector.shape_cast %get3A_2627 : vector<1x16xf32> to vector<16xf32>
    %gt3A_2629 = arith.cmpf ogt, %get3A_2628, %select_n3A_2617 : vector<16xf32>
    %select_n3A_2630 = arith.select %gt3A_2629, %get3A_2628, %select_n3A_2617 : vector<16xi1>, vector<16xf32>
    %get3A_2631 = arith.constant 72 : i32
    %get3A_2632 = arith.index_cast %get3A_2631 : i32 to index
    %get3A_2633 = arith.constant 48 : index
    %get3A_2634 = tpu.vector_load %arg4[%get3A_2632, %get3A_2633] {strides = array<i32>} : memref<128x64xf32, #tpu.memory_space<vmem>>, vector<1x16xf32>,
    %get3A_2635 = vector.shape_cast %get3A_2634 : vector<1x16xf32> to vector<16xf32>
    %select_n3A_2636 = arith.select %gt3A_2629, %get3A_2635, %select_n3A_2623 : vector<16xi1>, vector<16xf32>
    %get3A_2637 = arith.constant 9 : i32
    %get3A_2638 = arith.index_cast %get3A_2637 : i32 to index
    %get3A_2639 = arith.constant 48 : index
    %get3A_2640 = tpu.vector_load %arg4[%get3A_2638, %get3A_2639] {strides = array<i32>} : memref<128x64xf32, #tpu.memory_space<vmem>>, vector<1x16xf32>,
    %get3A_2641 = vector.shape_cast %get3A_2640 : vector<1x16xf32> to vector<16xf32>
    %gt3A_2642 = arith.cmpf ogt, %get3A_2641, %select_n3A_2630 : vector<16xf32>
    %select_n3A_2643 = arith.select %gt3A_2642, %get3A_2641, %select_n3A_2630 : vector<16xi1>, vector<16xf32>
    %get3A_2644 = arith.constant 73 : i32
    %get3A_2645 = arith.index_cast %get3A_2644 : i32 to index
    %get3A_2646 = arith.constant 48 : index
    %get3A_2647 = tpu.vector_load %arg4[%get3A_2645, %get3A_2646] {strides = array<i32>} : memref<128x64xf32, #tpu.memory_space<vmem>>, vector<1x16xf32>,
    %get3A_2648 = vector.shape_cast %get3A_2647 : vector<1x16xf32> to vector<16xf32>
    %select_n3A_2649 = arith.select %gt3A_2642, %get3A_2648, %select_n3A_2636 : vector<16xi1>, vector<16xf32>
    %get3A_2650 = arith.constant 10 : i32
    %get3A_2651 = arith.index_cast %get3A_2650 : i32 to index
    %get3A_2652 = arith.constant 48 : index
    %get3A_2653 = tpu.vector_load %arg4[%get3A_2651, %get3A_2652] {strides = array<i32>} : memref<128x64xf32, #tpu.memory_space<vmem>>, vector<1x16xf32>,
    %get3A_2654 = vector.shape_cast %get3A_2653 : vector<1x16xf32> to vector<16xf32>
    %gt3A_2655 = arith.cmpf ogt, %get3A_2654, %select_n3A_2643 : vector<16xf32>
    %select_n3A_2656 = arith.select %gt3A_2655, %get3A_2654, %select_n3A_2643 : vector<16xi1>, vector<16xf32>
    %get3A_2657 = arith.constant 74 : i32
    %get3A_2658 = arith.index_cast %get3A_2657 : i32 to index
    %get3A_2659 = arith.constant 48 : index
    %get3A_2660 = tpu.vector_load %arg4[%get3A_2658, %get3A_2659] {strides = array<i32>} : memref<128x64xf32, #tpu.memory_space<vmem>>, vector<1x16xf32>,
    %get3A_2661 = vector.shape_cast %get3A_2660 : vector<1x16xf32> to vector<16xf32>
    %select_n3A_2662 = arith.select %gt3A_2655, %get3A_2661, %select_n3A_2649 : vector<16xi1>, vector<16xf32>
    %get3A_2663 = arith.constant 11 : i32
    %get3A_2664 = arith.index_cast %get3A_2663 : i32 to index
    %get3A_2665 = arith.constant 48 : index
    %get3A_2666 = tpu.vector_load %arg4[%get3A_2664, %get3A_2665] {strides = array<i32>} : memref<128x64xf32, #tpu.memory_space<vmem>>, vector<1x16xf32>,
    %get3A_2667 = vector.shape_cast %get3A_2666 : vector<1x16xf32> to vector<16xf32>
    %gt3A_2668 = arith.cmpf ogt, %get3A_2667, %select_n3A_2656 : vector<16xf32>
    %select_n3A_2669 = arith.select %gt3A_2668, %get3A_2667, %select_n3A_2656 : vector<16xi1>, vector<16xf32>
    %get3A_2670 = arith.constant 75 : i32
    %get3A_2671 = arith.index_cast %get3A_2670 : i32 to index
    %get3A_2672 = arith.constant 48 : index
    %get3A_2673 = tpu.vector_load %arg4[%get3A_2671, %get3A_2672] {strides = array<i32>} : memref<128x64xf32, #tpu.memory_space<vmem>>, vector<1x16xf32>,
    %get3A_2674 = vector.shape_cast %get3A_2673 : vector<1x16xf32> to vector<16xf32>
    %select_n3A_2675 = arith.select %gt3A_2668, %get3A_2674, %select_n3A_2662 : vector<16xi1>, vector<16xf32>
    %get3A_2676 = arith.constant 12 : i32
    %get3A_2677 = arith.index_cast %get3A_2676 : i32 to index
    %get3A_2678 = arith.constant 48 : index
    %get3A_2679 = tpu.vector_load %arg4[%get3A_2677, %get3A_2678] {strides = array<i32>} : memref<128x64xf32, #tpu.memory_space<vmem>>, vector<1x16xf32>,
    %get3A_2680 = vector.shape_cast %get3A_2679 : vector<1x16xf32> to vector<16xf32>
    %gt3A_2681 = arith.cmpf ogt, %get3A_2680, %select_n3A_2669 : vector<16xf32>
    %select_n3A_2682 = arith.select %gt3A_2681, %get3A_2680, %select_n3A_2669 : vector<16xi1>, vector<16xf32>
    %get3A_2683 = arith.constant 76 : i32
    %get3A_2684 = arith.index_cast %get3A_2683 : i32 to index
    %get3A_2685 = arith.constant 48 : index
    %get3A_2686 = tpu.vector_load %arg4[%get3A_2684, %get3A_2685] {strides = array<i32>} : memref<128x64xf32, #tpu.memory_space<vmem>>, vector<1x16xf32>,
    %get3A_2687 = vector.shape_cast %get3A_2686 : vector<1x16xf32> to vector<16xf32>
    %select_n3A_2688 = arith.select %gt3A_2681, %get3A_2687, %select_n3A_2675 : vector<16xi1>, vector<16xf32>
    %get3A_2689 = arith.constant 13 : i32
    %get3A_2690 = arith.index_cast %get3A_2689 : i32 to index
    %get3A_2691 = arith.constant 48 : index
    %get3A_2692 = tpu.vector_load %arg4[%get3A_2690, %get3A_2691] {strides = array<i32>} : memref<128x64xf32, #tpu.memory_space<vmem>>, vector<1x16xf32>,
    %get3A_2693 = vector.shape_cast %get3A_2692 : vector<1x16xf32> to vector<16xf32>
    %gt3A_2694 = arith.cmpf ogt, %get3A_2693, %select_n3A_2682 : vector<16xf32>
    %select_n3A_2695 = arith.select %gt3A_2694, %get3A_2693, %select_n3A_2682 : vector<16xi1>, vector<16xf32>
    %get3A_2696 = arith.constant 77 : i32
    %get3A_2697 = arith.index_cast %get3A_2696 : i32 to index
    %get3A_2698 = arith.constant 48 : index
    %get3A_2699 = tpu.vector_load %arg4[%get3A_2697, %get3A_2698] {strides = array<i32>} : memref<128x64xf32, #tpu.memory_space<vmem>>, vector<1x16xf32>,
    %get3A_2700 = vector.shape_cast %get3A_2699 : vector<1x16xf32> to vector<16xf32>
    %select_n3A_2701 = arith.select %gt3A_2694, %get3A_2700, %select_n3A_2688 : vector<16xi1>, vector<16xf32>
    %get3A_2702 = arith.constant 14 : i32
    %get3A_2703 = arith.index_cast %get3A_2702 : i32 to index
    %get3A_2704 = arith.constant 48 : index
    %get3A_2705 = tpu.vector_load %arg4[%get3A_2703, %get3A_2704] {strides = array<i32>} : memref<128x64xf32, #tpu.memory_space<vmem>>, vector<1x16xf32>,
    %get3A_2706 = vector.shape_cast %get3A_2705 : vector<1x16xf32> to vector<16xf32>
    %gt3A_2707 = arith.cmpf ogt, %get3A_2706, %select_n3A_2695 : vector<16xf32>
    %select_n3A_2708 = arith.select %gt3A_2707, %get3A_2706, %select_n3A_2695 : vector<16xi1>, vector<16xf32>
    %get3A_2709 = arith.constant 78 : i32
    %get3A_2710 = arith.index_cast %get3A_2709 : i32 to index
    %get3A_2711 = arith.constant 48 : index
    %get3A_2712 = tpu.vector_load %arg4[%get3A_2710, %get3A_2711] {strides = array<i32>} : memref<128x64xf32, #tpu.memory_space<vmem>>, vector<1x16xf32>,
    %get3A_2713 = vector.shape_cast %get3A_2712 : vector<1x16xf32> to vector<16xf32>
    %select_n3A_2714 = arith.select %gt3A_2707, %get3A_2713, %select_n3A_2701 : vector<16xi1>, vector<16xf32>
    %get3A_2715 = arith.constant 15 : i32
    %get3A_2716 = arith.index_cast %get3A_2715 : i32 to index
    %get3A_2717 = arith.constant 48 : index
    %get3A_2718 = tpu.vector_load %arg4[%get3A_2716, %get3A_2717] {strides = array<i32>} : memref<128x64xf32, #tpu.memory_space<vmem>>, vector<1x16xf32>,
    %get3A_2719 = vector.shape_cast %get3A_2718 : vector<1x16xf32> to vector<16xf32>
    %gt3A_2720 = arith.cmpf ogt, %get3A_2719, %select_n3A_2708 : vector<16xf32>
    %select_n3A_2721 = arith.select %gt3A_2720, %get3A_2719, %select_n3A_2708 : vector<16xi1>, vector<16xf32>
    %get3A_2722 = arith.constant 79 : i32
    %get3A_2723 = arith.index_cast %get3A_2722 : i32 to index
    %get3A_2724 = arith.constant 48 : index
    %get3A_2725 = tpu.vector_load %arg4[%get3A_2723, %get3A_2724] {strides = array<i32>} : memref<128x64xf32, #tpu.memory_space<vmem>>, vector<1x16xf32>,
    %get3A_2726 = vector.shape_cast %get3A_2725 : vector<1x16xf32> to vector<16xf32>
    %select_n3A_2727 = arith.select %gt3A_2720, %get3A_2726, %select_n3A_2714 : vector<16xi1>, vector<16xf32>
    %get3A_2728 = arith.constant 16 : i32
    %get3A_2729 = arith.index_cast %get3A_2728 : i32 to index
    %get3A_2730 = arith.constant 48 : index
    %get3A_2731 = tpu.vector_load %arg4[%get3A_2729, %get3A_2730] {strides = array<i32>} : memref<128x64xf32, #tpu.memory_space<vmem>>, vector<1x16xf32>,
    %get3A_2732 = vector.shape_cast %get3A_2731 : vector<1x16xf32> to vector<16xf32>
    %gt3A_2733 = arith.cmpf ogt, %get3A_2732, %select_n3A_2721 : vector<16xf32>
    %select_n3A_2734 = arith.select %gt3A_2733, %get3A_2732, %select_n3A_2721 : vector<16xi1>, vector<16xf32>
    %get3A_2735 = arith.constant 80 : i32
    %get3A_2736 = arith.index_cast %get3A_2735 : i32 to index
    %get3A_2737 = arith.constant 48 : index
    %get3A_2738 = tpu.vector_load %arg4[%get3A_2736, %get3A_2737] {strides = array<i32>} : memref<128x64xf32, #tpu.memory_space<vmem>>, vector<1x16xf32>,
    %get3A_2739 = vector.shape_cast %get3A_2738 : vector<1x16xf32> to vector<16xf32>
    %select_n3A_2740 = arith.select %gt3A_2733, %get3A_2739, %select_n3A_2727 : vector<16xi1>, vector<16xf32>
    %get3A_2741 = arith.constant 17 : i32
    %get3A_2742 = arith.index_cast %get3A_2741 : i32 to index
    %get3A_2743 = arith.constant 48 : index
    %get3A_2744 = tpu.vector_load %arg4[%get3A_2742, %get3A_2743] {strides = array<i32>} : memref<128x64xf32, #tpu.memory_space<vmem>>, vector<1x16xf32>,
    %get3A_2745 = vector.shape_cast %get3A_2744 : vector<1x16xf32> to vector<16xf32>
    %gt3A_2746 = arith.cmpf ogt, %get3A_2745, %select_n3A_2734 : vector<16xf32>
    %select_n3A_2747 = arith.select %gt3A_2746, %get3A_2745, %select_n3A_2734 : vector<16xi1>, vector<16xf32>
    %get3A_2748 = arith.constant 81 : i32
    %get3A_2749 = arith.index_cast %get3A_2748 : i32 to index
    %get3A_2750 = arith.constant 48 : index
    %get3A_2751 = tpu.vector_load %arg4[%get3A_2749, %get3A_2750] {strides = array<i32>} : memref<128x64xf32, #tpu.memory_space<vmem>>, vector<1x16xf32>,
    %get3A_2752 = vector.shape_cast %get3A_2751 : vector<1x16xf32> to vector<16xf32>
    %select_n3A_2753 = arith.select %gt3A_2746, %get3A_2752, %select_n3A_2740 : vector<16xi1>, vector<16xf32>
    %get3A_2754 = arith.constant 18 : i32
    %get3A_2755 = arith.index_cast %get3A_2754 : i32 to index
    %get3A_2756 = arith.constant 48 : index
    %get3A_2757 = tpu.vector_load %arg4[%get3A_2755, %get3A_2756] {strides = array<i32>} : memref<128x64xf32, #tpu.memory_space<vmem>>, vector<1x16xf32>,
    %get3A_2758 = vector.shape_cast %get3A_2757 : vector<1x16xf32> to vector<16xf32>
    %gt3A_2759 = arith.cmpf ogt, %get3A_2758, %select_n3A_2747 : vector<16xf32>
    %select_n3A_2760 = arith.select %gt3A_2759, %get3A_2758, %select_n3A_2747 : vector<16xi1>, vector<16xf32>
    %get3A_2761 = arith.constant 82 : i32
    %get3A_2762 = arith.index_cast %get3A_2761 : i32 to index
    %get3A_2763 = arith.constant 48 : index
    %get3A_2764 = tpu.vector_load %arg4[%get3A_2762, %get3A_2763] {strides = array<i32>} : memref<128x64xf32, #tpu.memory_space<vmem>>, vector<1x16xf32>,
    %get3A_2765 = vector.shape_cast %get3A_2764 : vector<1x16xf32> to vector<16xf32>
    %select_n3A_2766 = arith.select %gt3A_2759, %get3A_2765, %select_n3A_2753 : vector<16xi1>, vector<16xf32>
    %get3A_2767 = arith.constant 19 : i32
    %get3A_2768 = arith.index_cast %get3A_2767 : i32 to index
    %get3A_2769 = arith.constant 48 : index
    %get3A_2770 = tpu.vector_load %arg4[%get3A_2768, %get3A_2769] {strides = array<i32>} : memref<128x64xf32, #tpu.memory_space<vmem>>, vector<1x16xf32>,
    %get3A_2771 = vector.shape_cast %get3A_2770 : vector<1x16xf32> to vector<16xf32>
    %gt3A_2772 = arith.cmpf ogt, %get3A_2771, %select_n3A_2760 : vector<16xf32>
    %select_n3A_2773 = arith.select %gt3A_2772, %get3A_2771, %select_n3A_2760 : vector<16xi1>, vector<16xf32>
    %get3A_2774 = arith.constant 83 : i32
    %get3A_2775 = arith.index_cast %get3A_2774 : i32 to index
    %get3A_2776 = arith.constant 48 : index
    %get3A_2777 = tpu.vector_load %arg4[%get3A_2775, %get3A_2776] {strides = array<i32>} : memref<128x64xf32, #tpu.memory_space<vmem>>, vector<1x16xf32>,
    %get3A_2778 = vector.shape_cast %get3A_2777 : vector<1x16xf32> to vector<16xf32>
    %select_n3A_2779 = arith.select %gt3A_2772, %get3A_2778, %select_n3A_2766 : vector<16xi1>, vector<16xf32>
    %get3A_2780 = arith.constant 20 : i32
    %get3A_2781 = arith.index_cast %get3A_2780 : i32 to index
    %get3A_2782 = arith.constant 48 : index
    %get3A_2783 = tpu.vector_load %arg4[%get3A_2781, %get3A_2782] {strides = array<i32>} : memref<128x64xf32, #tpu.memory_space<vmem>>, vector<1x16xf32>,
    %get3A_2784 = vector.shape_cast %get3A_2783 : vector<1x16xf32> to vector<16xf32>
    %gt3A_2785 = arith.cmpf ogt, %get3A_2784, %select_n3A_2773 : vector<16xf32>
    %select_n3A_2786 = arith.select %gt3A_2785, %get3A_2784, %select_n3A_2773 : vector<16xi1>, vector<16xf32>
    %get3A_2787 = arith.constant 84 : i32
    %get3A_2788 = arith.index_cast %get3A_2787 : i32 to index
    %get3A_2789 = arith.constant 48 : index
    %get3A_2790 = tpu.vector_load %arg4[%get3A_2788, %get3A_2789] {strides = array<i32>} : memref<128x64xf32, #tpu.memory_space<vmem>>, vector<1x16xf32>,
    %get3A_2791 = vector.shape_cast %get3A_2790 : vector<1x16xf32> to vector<16xf32>
    %select_n3A_2792 = arith.select %gt3A_2785, %get3A_2791, %select_n3A_2779 : vector<16xi1>, vector<16xf32>
    %get3A_2793 = arith.constant 21 : i32
    %get3A_2794 = arith.index_cast %get3A_2793 : i32 to index
    %get3A_2795 = arith.constant 48 : index
    %get3A_2796 = tpu.vector_load %arg4[%get3A_2794, %get3A_2795] {strides = array<i32>} : memref<128x64xf32, #tpu.memory_space<vmem>>, vector<1x16xf32>,
    %get3A_2797 = vector.shape_cast %get3A_2796 : vector<1x16xf32> to vector<16xf32>
    %gt3A_2798 = arith.cmpf ogt, %get3A_2797, %select_n3A_2786 : vector<16xf32>
    %select_n3A_2799 = arith.select %gt3A_2798, %get3A_2797, %select_n3A_2786 : vector<16xi1>, vector<16xf32>
    %get3A_2800 = arith.constant 85 : i32
    %get3A_2801 = arith.index_cast %get3A_2800 : i32 to index
    %get3A_2802 = arith.constant 48 : index
    %get3A_2803 = tpu.vector_load %arg4[%get3A_2801, %get3A_2802] {strides = array<i32>} : memref<128x64xf32, #tpu.memory_space<vmem>>, vector<1x16xf32>,
    %get3A_2804 = vector.shape_cast %get3A_2803 : vector<1x16xf32> to vector<16xf32>
    %select_n3A_2805 = arith.select %gt3A_2798, %get3A_2804, %select_n3A_2792 : vector<16xi1>, vector<16xf32>
    %get3A_2806 = arith.constant 22 : i32
    %get3A_2807 = arith.index_cast %get3A_2806 : i32 to index
    %get3A_2808 = arith.constant 48 : index
    %get3A_2809 = tpu.vector_load %arg4[%get3A_2807, %get3A_2808] {strides = array<i32>} : memref<128x64xf32, #tpu.memory_space<vmem>>, vector<1x16xf32>,
    %get3A_2810 = vector.shape_cast %get3A_2809 : vector<1x16xf32> to vector<16xf32>
    %gt3A_2811 = arith.cmpf ogt, %get3A_2810, %select_n3A_2799 : vector<16xf32>
    %select_n3A_2812 = arith.select %gt3A_2811, %get3A_2810, %select_n3A_2799 : vector<16xi1>, vector<16xf32>
    %get3A_2813 = arith.constant 86 : i32
    %get3A_2814 = arith.index_cast %get3A_2813 : i32 to index
    %get3A_2815 = arith.constant 48 : index
    %get3A_2816 = tpu.vector_load %arg4[%get3A_2814, %get3A_2815] {strides = array<i32>} : memref<128x64xf32, #tpu.memory_space<vmem>>, vector<1x16xf32>,
    %get3A_2817 = vector.shape_cast %get3A_2816 : vector<1x16xf32> to vector<16xf32>
    %select_n3A_2818 = arith.select %gt3A_2811, %get3A_2817, %select_n3A_2805 : vector<16xi1>, vector<16xf32>
    %get3A_2819 = arith.constant 23 : i32
    %get3A_2820 = arith.index_cast %get3A_2819 : i32 to index
    %get3A_2821 = arith.constant 48 : index
    %get3A_2822 = tpu.vector_load %arg4[%get3A_2820, %get3A_2821] {strides = array<i32>} : memref<128x64xf32, #tpu.memory_space<vmem>>, vector<1x16xf32>,
    %get3A_2823 = vector.shape_cast %get3A_2822 : vector<1x16xf32> to vector<16xf32>
    %gt3A_2824 = arith.cmpf ogt, %get3A_2823, %select_n3A_2812 : vector<16xf32>
    %select_n3A_2825 = arith.select %gt3A_2824, %get3A_2823, %select_n3A_2812 : vector<16xi1>, vector<16xf32>
    %get3A_2826 = arith.constant 87 : i32
    %get3A_2827 = arith.index_cast %get3A_2826 : i32 to index
    %get3A_2828 = arith.constant 48 : index
    %get3A_2829 = tpu.vector_load %arg4[%get3A_2827, %get3A_2828] {strides = array<i32>} : memref<128x64xf32, #tpu.memory_space<vmem>>, vector<1x16xf32>,
    %get3A_2830 = vector.shape_cast %get3A_2829 : vector<1x16xf32> to vector<16xf32>
    %select_n3A_2831 = arith.select %gt3A_2824, %get3A_2830, %select_n3A_2818 : vector<16xi1>, vector<16xf32>
    %get3A_2832 = arith.constant 24 : i32
    %get3A_2833 = arith.index_cast %get3A_2832 : i32 to index
    %get3A_2834 = arith.constant 48 : index
    %get3A_2835 = tpu.vector_load %arg4[%get3A_2833, %get3A_2834] {strides = array<i32>} : memref<128x64xf32, #tpu.memory_space<vmem>>, vector<1x16xf32>,
    %get3A_2836 = vector.shape_cast %get3A_2835 : vector<1x16xf32> to vector<16xf32>
    %gt3A_2837 = arith.cmpf ogt, %get3A_2836, %select_n3A_2825 : vector<16xf32>
    %select_n3A_2838 = arith.select %gt3A_2837, %get3A_2836, %select_n3A_2825 : vector<16xi1>, vector<16xf32>
    %get3A_2839 = arith.constant 88 : i32
    %get3A_2840 = arith.index_cast %get3A_2839 : i32 to index
    %get3A_2841 = arith.constant 48 : index
    %get3A_2842 = tpu.vector_load %arg4[%get3A_2840, %get3A_2841] {strides = array<i32>} : memref<128x64xf32, #tpu.memory_space<vmem>>, vector<1x16xf32>,
    %get3A_2843 = vector.shape_cast %get3A_2842 : vector<1x16xf32> to vector<16xf32>
    %select_n3A_2844 = arith.select %gt3A_2837, %get3A_2843, %select_n3A_2831 : vector<16xi1>, vector<16xf32>
    %get3A_2845 = arith.constant 25 : i32
    %get3A_2846 = arith.index_cast %get3A_2845 : i32 to index
    %get3A_2847 = arith.constant 48 : index
    %get3A_2848 = tpu.vector_load %arg4[%get3A_2846, %get3A_2847] {strides = array<i32>} : memref<128x64xf32, #tpu.memory_space<vmem>>, vector<1x16xf32>,
    %get3A_2849 = vector.shape_cast %get3A_2848 : vector<1x16xf32> to vector<16xf32>
    %gt3A_2850 = arith.cmpf ogt, %get3A_2849, %select_n3A_2838 : vector<16xf32>
    %select_n3A_2851 = arith.select %gt3A_2850, %get3A_2849, %select_n3A_2838 : vector<16xi1>, vector<16xf32>
    %get3A_2852 = arith.constant 89 : i32
    %get3A_2853 = arith.index_cast %get3A_2852 : i32 to index
    %get3A_2854 = arith.constant 48 : index
    %get3A_2855 = tpu.vector_load %arg4[%get3A_2853, %get3A_2854] {strides = array<i32>} : memref<128x64xf32, #tpu.memory_space<vmem>>, vector<1x16xf32>,
    %get3A_2856 = vector.shape_cast %get3A_2855 : vector<1x16xf32> to vector<16xf32>
    %select_n3A_2857 = arith.select %gt3A_2850, %get3A_2856, %select_n3A_2844 : vector<16xi1>, vector<16xf32>
    %get3A_2858 = arith.constant 26 : i32
    %get3A_2859 = arith.index_cast %get3A_2858 : i32 to index
    %get3A_2860 = arith.constant 48 : index
    %get3A_2861 = tpu.vector_load %arg4[%get3A_2859, %get3A_2860] {strides = array<i32>} : memref<128x64xf32, #tpu.memory_space<vmem>>, vector<1x16xf32>,
    %get3A_2862 = vector.shape_cast %get3A_2861 : vector<1x16xf32> to vector<16xf32>
    %gt3A_2863 = arith.cmpf ogt, %get3A_2862, %select_n3A_2851 : vector<16xf32>
    %select_n3A_2864 = arith.select %gt3A_2863, %get3A_2862, %select_n3A_2851 : vector<16xi1>, vector<16xf32>
    %get3A_2865 = arith.constant 90 : i32
    %get3A_2866 = arith.index_cast %get3A_2865 : i32 to index
    %get3A_2867 = arith.constant 48 : index
    %get3A_2868 = tpu.vector_load %arg4[%get3A_2866, %get3A_2867] {strides = array<i32>} : memref<128x64xf32, #tpu.memory_space<vmem>>, vector<1x16xf32>,
    %get3A_2869 = vector.shape_cast %get3A_2868 : vector<1x16xf32> to vector<16xf32>
    %select_n3A_2870 = arith.select %gt3A_2863, %get3A_2869, %select_n3A_2857 : vector<16xi1>, vector<16xf32>
    %get3A_2871 = arith.constant 27 : i32
    %get3A_2872 = arith.index_cast %get3A_2871 : i32 to index
    %get3A_2873 = arith.constant 48 : index
    %get3A_2874 = tpu.vector_load %arg4[%get3A_2872, %get3A_2873] {strides = array<i32>} : memref<128x64xf32, #tpu.memory_space<vmem>>, vector<1x16xf32>,
    %get3A_2875 = vector.shape_cast %get3A_2874 : vector<1x16xf32> to vector<16xf32>
    %gt3A_2876 = arith.cmpf ogt, %get3A_2875, %select_n3A_2864 : vector<16xf32>
    %select_n3A_2877 = arith.select %gt3A_2876, %get3A_2875, %select_n3A_2864 : vector<16xi1>, vector<16xf32>
    %get3A_2878 = arith.constant 91 : i32
    %get3A_2879 = arith.index_cast %get3A_2878 : i32 to index
    %get3A_2880 = arith.constant 48 : index
    %get3A_2881 = tpu.vector_load %arg4[%get3A_2879, %get3A_2880] {strides = array<i32>} : memref<128x64xf32, #tpu.memory_space<vmem>>, vector<1x16xf32>,
    %get3A_2882 = vector.shape_cast %get3A_2881 : vector<1x16xf32> to vector<16xf32>
    %select_n3A_2883 = arith.select %gt3A_2876, %get3A_2882, %select_n3A_2870 : vector<16xi1>, vector<16xf32>
    %get3A_2884 = arith.constant 28 : i32
    %get3A_2885 = arith.index_cast %get3A_2884 : i32 to index
    %get3A_2886 = arith.constant 48 : index
    %get3A_2887 = tpu.vector_load %arg4[%get3A_2885, %get3A_2886] {strides = array<i32>} : memref<128x64xf32, #tpu.memory_space<vmem>>, vector<1x16xf32>,
    %get3A_2888 = vector.shape_cast %get3A_2887 : vector<1x16xf32> to vector<16xf32>
    %gt3A_2889 = arith.cmpf ogt, %get3A_2888, %select_n3A_2877 : vector<16xf32>
    %select_n3A_2890 = arith.select %gt3A_2889, %get3A_2888, %select_n3A_2877 : vector<16xi1>, vector<16xf32>
    %get3A_2891 = arith.constant 92 : i32
    %get3A_2892 = arith.index_cast %get3A_2891 : i32 to index
    %get3A_2893 = arith.constant 48 : index
    %get3A_2894 = tpu.vector_load %arg4[%get3A_2892, %get3A_2893] {strides = array<i32>} : memref<128x64xf32, #tpu.memory_space<vmem>>, vector<1x16xf32>,
    %get3A_2895 = vector.shape_cast %get3A_2894 : vector<1x16xf32> to vector<16xf32>
    %select_n3A_2896 = arith.select %gt3A_2889, %get3A_2895, %select_n3A_2883 : vector<16xi1>, vector<16xf32>
    %get3A_2897 = arith.constant 29 : i32
    %get3A_2898 = arith.index_cast %get3A_2897 : i32 to index
    %get3A_2899 = arith.constant 48 : index
    %get3A_2900 = tpu.vector_load %arg4[%get3A_2898, %get3A_2899] {strides = array<i32>} : memref<128x64xf32, #tpu.memory_space<vmem>>, vector<1x16xf32>,
    %get3A_2901 = vector.shape_cast %get3A_2900 : vector<1x16xf32> to vector<16xf32>
    %gt3A_2902 = arith.cmpf ogt, %get3A_2901, %select_n3A_2890 : vector<16xf32>
    %select_n3A_2903 = arith.select %gt3A_2902, %get3A_2901, %select_n3A_2890 : vector<16xi1>, vector<16xf32>
    %get3A_2904 = arith.constant 93 : i32
    %get3A_2905 = arith.index_cast %get3A_2904 : i32 to index
    %get3A_2906 = arith.constant 48 : index
    %get3A_2907 = tpu.vector_load %arg4[%get3A_2905, %get3A_2906] {strides = array<i32>} : memref<128x64xf32, #tpu.memory_space<vmem>>, vector<1x16xf32>,
    %get3A_2908 = vector.shape_cast %get3A_2907 : vector<1x16xf32> to vector<16xf32>
    %select_n3A_2909 = arith.select %gt3A_2902, %get3A_2908, %select_n3A_2896 : vector<16xi1>, vector<16xf32>
    %get3A_2910 = arith.constant 30 : i32
    %get3A_2911 = arith.index_cast %get3A_2910 : i32 to index
    %get3A_2912 = arith.constant 48 : index
    %get3A_2913 = tpu.vector_load %arg4[%get3A_2911, %get3A_2912] {strides = array<i32>} : memref<128x64xf32, #tpu.memory_space<vmem>>, vector<1x16xf32>,
    %get3A_2914 = vector.shape_cast %get3A_2913 : vector<1x16xf32> to vector<16xf32>
    %gt3A_2915 = arith.cmpf ogt, %get3A_2914, %select_n3A_2903 : vector<16xf32>
    %select_n3A_2916 = arith.select %gt3A_2915, %get3A_2914, %select_n3A_2903 : vector<16xi1>, vector<16xf32>
    %get3A_2917 = arith.constant 94 : i32
    %get3A_2918 = arith.index_cast %get3A_2917 : i32 to index
    %get3A_2919 = arith.constant 48 : index
    %get3A_2920 = tpu.vector_load %arg4[%get3A_2918, %get3A_2919] {strides = array<i32>} : memref<128x64xf32, #tpu.memory_space<vmem>>, vector<1x16xf32>,
    %get3A_2921 = vector.shape_cast %get3A_2920 : vector<1x16xf32> to vector<16xf32>
    %select_n3A_2922 = arith.select %gt3A_2915, %get3A_2921, %select_n3A_2909 : vector<16xi1>, vector<16xf32>
    %get3A_2923 = arith.constant 31 : i32
    %get3A_2924 = arith.index_cast %get3A_2923 : i32 to index
    %get3A_2925 = arith.constant 48 : index
    %get3A_2926 = tpu.vector_load %arg4[%get3A_2924, %get3A_2925] {strides = array<i32>} : memref<128x64xf32, #tpu.memory_space<vmem>>, vector<1x16xf32>,
    %get3A_2927 = vector.shape_cast %get3A_2926 : vector<1x16xf32> to vector<16xf32>
    %gt3A_2928 = arith.cmpf ogt, %get3A_2927, %select_n3A_2916 : vector<16xf32>
    %select_n3A_2929 = arith.select %gt3A_2928, %get3A_2927, %select_n3A_2916 : vector<16xi1>, vector<16xf32>
    %get3A_2930 = arith.constant 95 : i32
    %get3A_2931 = arith.index_cast %get3A_2930 : i32 to index
    %get3A_2932 = arith.constant 48 : index
    %get3A_2933 = tpu.vector_load %arg4[%get3A_2931, %get3A_2932] {strides = array<i32>} : memref<128x64xf32, #tpu.memory_space<vmem>>, vector<1x16xf32>,
    %get3A_2934 = vector.shape_cast %get3A_2933 : vector<1x16xf32> to vector<16xf32>
    %select_n3A_2935 = arith.select %gt3A_2928, %get3A_2934, %select_n3A_2922 : vector<16xi1>, vector<16xf32>
    %get3A_2936 = arith.constant 32 : i32
    %get3A_2937 = arith.index_cast %get3A_2936 : i32 to index
    %get3A_2938 = arith.constant 48 : index
    %get3A_2939 = tpu.vector_load %arg4[%get3A_2937, %get3A_2938] {strides = array<i32>} : memref<128x64xf32, #tpu.memory_space<vmem>>, vector<1x16xf32>,
    %get3A_2940 = vector.shape_cast %get3A_2939 : vector<1x16xf32> to vector<16xf32>
    %gt3A_2941 = arith.cmpf ogt, %get3A_2940, %select_n3A_2929 : vector<16xf32>
    %select_n3A_2942 = arith.select %gt3A_2941, %get3A_2940, %select_n3A_2929 : vector<16xi1>, vector<16xf32>
    %get3A_2943 = arith.constant 96 : i32
    %get3A_2944 = arith.index_cast %get3A_2943 : i32 to index
    %get3A_2945 = arith.constant 48 : index
    %get3A_2946 = tpu.vector_load %arg4[%get3A_2944, %get3A_2945] {strides = array<i32>} : memref<128x64xf32, #tpu.memory_space<vmem>>, vector<1x16xf32>,
    %get3A_2947 = vector.shape_cast %get3A_2946 : vector<1x16xf32> to vector<16xf32>
    %select_n3A_2948 = arith.select %gt3A_2941, %get3A_2947, %select_n3A_2935 : vector<16xi1>, vector<16xf32>
    %get3A_2949 = arith.constant 33 : i32
    %get3A_2950 = arith.index_cast %get3A_2949 : i32 to index
    %get3A_2951 = arith.constant 48 : index
    %get3A_2952 = tpu.vector_load %arg4[%get3A_2950, %get3A_2951] {strides = array<i32>} : memref<128x64xf32, #tpu.memory_space<vmem>>, vector<1x16xf32>,
    %get3A_2953 = vector.shape_cast %get3A_2952 : vector<1x16xf32> to vector<16xf32>
    %gt3A_2954 = arith.cmpf ogt, %get3A_2953, %select_n3A_2942 : vector<16xf32>
    %select_n3A_2955 = arith.select %gt3A_2954, %get3A_2953, %select_n3A_2942 : vector<16xi1>, vector<16xf32>
    %get3A_2956 = arith.constant 97 : i32
    %get3A_2957 = arith.index_cast %get3A_2956 : i32 to index
    %get3A_2958 = arith.constant 48 : index
    %get3A_2959 = tpu.vector_load %arg4[%get3A_2957, %get3A_2958] {strides = array<i32>} : memref<128x64xf32, #tpu.memory_space<vmem>>, vector<1x16xf32>,
    %get3A_2960 = vector.shape_cast %get3A_2959 : vector<1x16xf32> to vector<16xf32>
    %select_n3A_2961 = arith.select %gt3A_2954, %get3A_2960, %select_n3A_2948 : vector<16xi1>, vector<16xf32>
    %get3A_2962 = arith.constant 34 : i32
    %get3A_2963 = arith.index_cast %get3A_2962 : i32 to index
    %get3A_2964 = arith.constant 48 : index
    %get3A_2965 = tpu.vector_load %arg4[%get3A_2963, %get3A_2964] {strides = array<i32>} : memref<128x64xf32, #tpu.memory_space<vmem>>, vector<1x16xf32>,
    %get3A_2966 = vector.shape_cast %get3A_2965 : vector<1x16xf32> to vector<16xf32>
    %gt3A_2967 = arith.cmpf ogt, %get3A_2966, %select_n3A_2955 : vector<16xf32>
    %select_n3A_2968 = arith.select %gt3A_2967, %get3A_2966, %select_n3A_2955 : vector<16xi1>, vector<16xf32>
    %get3A_2969 = arith.constant 98 : i32
    %get3A_2970 = arith.index_cast %get3A_2969 : i32 to index
    %get3A_2971 = arith.constant 48 : index
    %get3A_2972 = tpu.vector_load %arg4[%get3A_2970, %get3A_2971] {strides = array<i32>} : memref<128x64xf32, #tpu.memory_space<vmem>>, vector<1x16xf32>,
    %get3A_2973 = vector.shape_cast %get3A_2972 : vector<1x16xf32> to vector<16xf32>
    %select_n3A_2974 = arith.select %gt3A_2967, %get3A_2973, %select_n3A_2961 : vector<16xi1>, vector<16xf32>
    %get3A_2975 = arith.constant 35 : i32
    %get3A_2976 = arith.index_cast %get3A_2975 : i32 to index
    %get3A_2977 = arith.constant 48 : index
    %get3A_2978 = tpu.vector_load %arg4[%get3A_2976, %get3A_2977] {strides = array<i32>} : memref<128x64xf32, #tpu.memory_space<vmem>>, vector<1x16xf32>,
    %get3A_2979 = vector.shape_cast %get3A_2978 : vector<1x16xf32> to vector<16xf32>
    %gt3A_2980 = arith.cmpf ogt, %get3A_2979, %select_n3A_2968 : vector<16xf32>
    %select_n3A_2981 = arith.select %gt3A_2980, %get3A_2979, %select_n3A_2968 : vector<16xi1>, vector<16xf32>
    %get3A_2982 = arith.constant 99 : i32
    %get3A_2983 = arith.index_cast %get3A_2982 : i32 to index
    %get3A_2984 = arith.constant 48 : index
    %get3A_2985 = tpu.vector_load %arg4[%get3A_2983, %get3A_2984] {strides = array<i32>} : memref<128x64xf32, #tpu.memory_space<vmem>>, vector<1x16xf32>,
    %get3A_2986 = vector.shape_cast %get3A_2985 : vector<1x16xf32> to vector<16xf32>
    %select_n3A_2987 = arith.select %gt3A_2980, %get3A_2986, %select_n3A_2974 : vector<16xi1>, vector<16xf32>
    %get3A_2988 = arith.constant 36 : i32
    %get3A_2989 = arith.index_cast %get3A_2988 : i32 to index
    %get3A_2990 = arith.constant 48 : index
    %get3A_2991 = tpu.vector_load %arg4[%get3A_2989, %get3A_2990] {strides = array<i32>} : memref<128x64xf32, #tpu.memory_space<vmem>>, vector<1x16xf32>,
    %get3A_2992 = vector.shape_cast %get3A_2991 : vector<1x16xf32> to vector<16xf32>
    %gt3A_2993 = arith.cmpf ogt, %get3A_2992, %select_n3A_2981 : vector<16xf32>
    %select_n3A_2994 = arith.select %gt3A_2993, %get3A_2992, %select_n3A_2981 : vector<16xi1>, vector<16xf32>
    %get3A_2995 = arith.constant 100 : i32
    %get3A_2996 = arith.index_cast %get3A_2995 : i32 to index
    %get3A_2997 = arith.constant 48 : index
    %get3A_2998 = tpu.vector_load %arg4[%get3A_2996, %get3A_2997] {strides = array<i32>} : memref<128x64xf32, #tpu.memory_space<vmem>>, vector<1x16xf32>,
    %get3A_2999 = vector.shape_cast %get3A_2998 : vector<1x16xf32> to vector<16xf32>
    %select_n3A_3000 = arith.select %gt3A_2993, %get3A_2999, %select_n3A_2987 : vector<16xi1>, vector<16xf32>
    %get3A_3001 = arith.constant 37 : i32
    %get3A_3002 = arith.index_cast %get3A_3001 : i32 to index
    %get3A_3003 = arith.constant 48 : index
    %get3A_3004 = tpu.vector_load %arg4[%get3A_3002, %get3A_3003] {strides = array<i32>} : memref<128x64xf32, #tpu.memory_space<vmem>>, vector<1x16xf32>,
    %get3A_3005 = vector.shape_cast %get3A_3004 : vector<1x16xf32> to vector<16xf32>
    %gt3A_3006 = arith.cmpf ogt, %get3A_3005, %select_n3A_2994 : vector<16xf32>
    %select_n3A_3007 = arith.select %gt3A_3006, %get3A_3005, %select_n3A_2994 : vector<16xi1>, vector<16xf32>
    %get3A_3008 = arith.constant 101 : i32
    %get3A_3009 = arith.index_cast %get3A_3008 : i32 to index
    %get3A_3010 = arith.constant 48 : index
    %get3A_3011 = tpu.vector_load %arg4[%get3A_3009, %get3A_3010] {strides = array<i32>} : memref<128x64xf32, #tpu.memory_space<vmem>>, vector<1x16xf32>,
    %get3A_3012 = vector.shape_cast %get3A_3011 : vector<1x16xf32> to vector<16xf32>
    %select_n3A_3013 = arith.select %gt3A_3006, %get3A_3012, %select_n3A_3000 : vector<16xi1>, vector<16xf32>
    %get3A_3014 = arith.constant 38 : i32
    %get3A_3015 = arith.index_cast %get3A_3014 : i32 to index
    %get3A_3016 = arith.constant 48 : index
    %get3A_3017 = tpu.vector_load %arg4[%get3A_3015, %get3A_3016] {strides = array<i32>} : memref<128x64xf32, #tpu.memory_space<vmem>>, vector<1x16xf32>,
    %get3A_3018 = vector.shape_cast %get3A_3017 : vector<1x16xf32> to vector<16xf32>
    %gt3A_3019 = arith.cmpf ogt, %get3A_3018, %select_n3A_3007 : vector<16xf32>
    %select_n3A_3020 = arith.select %gt3A_3019, %get3A_3018, %select_n3A_3007 : vector<16xi1>, vector<16xf32>
    %get3A_3021 = arith.constant 102 : i32
    %get3A_3022 = arith.index_cast %get3A_3021 : i32 to index
    %get3A_3023 = arith.constant 48 : index
    %get3A_3024 = tpu.vector_load %arg4[%get3A_3022, %get3A_3023] {strides = array<i32>} : memref<128x64xf32, #tpu.memory_space<vmem>>, vector<1x16xf32>,
    %get3A_3025 = vector.shape_cast %get3A_3024 : vector<1x16xf32> to vector<16xf32>
    %select_n3A_3026 = arith.select %gt3A_3019, %get3A_3025, %select_n3A_3013 : vector<16xi1>, vector<16xf32>
    %get3A_3027 = arith.constant 39 : i32
    %get3A_3028 = arith.index_cast %get3A_3027 : i32 to index
    %get3A_3029 = arith.constant 48 : index
    %get3A_3030 = tpu.vector_load %arg4[%get3A_3028, %get3A_3029] {strides = array<i32>} : memref<128x64xf32, #tpu.memory_space<vmem>>, vector<1x16xf32>,
    %get3A_3031 = vector.shape_cast %get3A_3030 : vector<1x16xf32> to vector<16xf32>
    %gt3A_3032 = arith.cmpf ogt, %get3A_3031, %select_n3A_3020 : vector<16xf32>
    %select_n3A_3033 = arith.select %gt3A_3032, %get3A_3031, %select_n3A_3020 : vector<16xi1>, vector<16xf32>
    %get3A_3034 = arith.constant 103 : i32
    %get3A_3035 = arith.index_cast %get3A_3034 : i32 to index
    %get3A_3036 = arith.constant 48 : index
    %get3A_3037 = tpu.vector_load %arg4[%get3A_3035, %get3A_3036] {strides = array<i32>} : memref<128x64xf32, #tpu.memory_space<vmem>>, vector<1x16xf32>,
    %get3A_3038 = vector.shape_cast %get3A_3037 : vector<1x16xf32> to vector<16xf32>
    %select_n3A_3039 = arith.select %gt3A_3032, %get3A_3038, %select_n3A_3026 : vector<16xi1>, vector<16xf32>
    %get3A_3040 = arith.constant 40 : i32
    %get3A_3041 = arith.index_cast %get3A_3040 : i32 to index
    %get3A_3042 = arith.constant 48 : index
    %get3A_3043 = tpu.vector_load %arg4[%get3A_3041, %get3A_3042] {strides = array<i32>} : memref<128x64xf32, #tpu.memory_space<vmem>>, vector<1x16xf32>,
    %get3A_3044 = vector.shape_cast %get3A_3043 : vector<1x16xf32> to vector<16xf32>
    %gt3A_3045 = arith.cmpf ogt, %get3A_3044, %select_n3A_3033 : vector<16xf32>
    %select_n3A_3046 = arith.select %gt3A_3045, %get3A_3044, %select_n3A_3033 : vector<16xi1>, vector<16xf32>
    %get3A_3047 = arith.constant 104 : i32
    %get3A_3048 = arith.index_cast %get3A_3047 : i32 to index
    %get3A_3049 = arith.constant 48 : index
    %get3A_3050 = tpu.vector_load %arg4[%get3A_3048, %get3A_3049] {strides = array<i32>} : memref<128x64xf32, #tpu.memory_space<vmem>>, vector<1x16xf32>,
    %get3A_3051 = vector.shape_cast %get3A_3050 : vector<1x16xf32> to vector<16xf32>
    %select_n3A_3052 = arith.select %gt3A_3045, %get3A_3051, %select_n3A_3039 : vector<16xi1>, vector<16xf32>
    %get3A_3053 = arith.constant 41 : i32
    %get3A_3054 = arith.index_cast %get3A_3053 : i32 to index
    %get3A_3055 = arith.constant 48 : index
    %get3A_3056 = tpu.vector_load %arg4[%get3A_3054, %get3A_3055] {strides = array<i32>} : memref<128x64xf32, #tpu.memory_space<vmem>>, vector<1x16xf32>,
    %get3A_3057 = vector.shape_cast %get3A_3056 : vector<1x16xf32> to vector<16xf32>
    %gt3A_3058 = arith.cmpf ogt, %get3A_3057, %select_n3A_3046 : vector<16xf32>
    %select_n3A_3059 = arith.select %gt3A_3058, %get3A_3057, %select_n3A_3046 : vector<16xi1>, vector<16xf32>
    %get3A_3060 = arith.constant 105 : i32
    %get3A_3061 = arith.index_cast %get3A_3060 : i32 to index
    %get3A_3062 = arith.constant 48 : index
    %get3A_3063 = tpu.vector_load %arg4[%get3A_3061, %get3A_3062] {strides = array<i32>} : memref<128x64xf32, #tpu.memory_space<vmem>>, vector<1x16xf32>,
    %get3A_3064 = vector.shape_cast %get3A_3063 : vector<1x16xf32> to vector<16xf32>
    %select_n3A_3065 = arith.select %gt3A_3058, %get3A_3064, %select_n3A_3052 : vector<16xi1>, vector<16xf32>
    %get3A_3066 = arith.constant 42 : i32
    %get3A_3067 = arith.index_cast %get3A_3066 : i32 to index
    %get3A_3068 = arith.constant 48 : index
    %get3A_3069 = tpu.vector_load %arg4[%get3A_3067, %get3A_3068] {strides = array<i32>} : memref<128x64xf32, #tpu.memory_space<vmem>>, vector<1x16xf32>,
    %get3A_3070 = vector.shape_cast %get3A_3069 : vector<1x16xf32> to vector<16xf32>
    %gt3A_3071 = arith.cmpf ogt, %get3A_3070, %select_n3A_3059 : vector<16xf32>
    %select_n3A_3072 = arith.select %gt3A_3071, %get3A_3070, %select_n3A_3059 : vector<16xi1>, vector<16xf32>
    %get3A_3073 = arith.constant 106 : i32
    %get3A_3074 = arith.index_cast %get3A_3073 : i32 to index
    %get3A_3075 = arith.constant 48 : index
    %get3A_3076 = tpu.vector_load %arg4[%get3A_3074, %get3A_3075] {strides = array<i32>} : memref<128x64xf32, #tpu.memory_space<vmem>>, vector<1x16xf32>,
    %get3A_3077 = vector.shape_cast %get3A_3076 : vector<1x16xf32> to vector<16xf32>
    %select_n3A_3078 = arith.select %gt3A_3071, %get3A_3077, %select_n3A_3065 : vector<16xi1>, vector<16xf32>
    %get3A_3079 = arith.constant 43 : i32
    %get3A_3080 = arith.index_cast %get3A_3079 : i32 to index
    %get3A_3081 = arith.constant 48 : index
    %get3A_3082 = tpu.vector_load %arg4[%get3A_3080, %get3A_3081] {strides = array<i32>} : memref<128x64xf32, #tpu.memory_space<vmem>>, vector<1x16xf32>,
    %get3A_3083 = vector.shape_cast %get3A_3082 : vector<1x16xf32> to vector<16xf32>
    %gt3A_3084 = arith.cmpf ogt, %get3A_3083, %select_n3A_3072 : vector<16xf32>
    %select_n3A_3085 = arith.select %gt3A_3084, %get3A_3083, %select_n3A_3072 : vector<16xi1>, vector<16xf32>
    %get3A_3086 = arith.constant 107 : i32
    %get3A_3087 = arith.index_cast %get3A_3086 : i32 to index
    %get3A_3088 = arith.constant 48 : index
    %get3A_3089 = tpu.vector_load %arg4[%get3A_3087, %get3A_3088] {strides = array<i32>} : memref<128x64xf32, #tpu.memory_space<vmem>>, vector<1x16xf32>,
    %get3A_3090 = vector.shape_cast %get3A_3089 : vector<1x16xf32> to vector<16xf32>
    %select_n3A_3091 = arith.select %gt3A_3084, %get3A_3090, %select_n3A_3078 : vector<16xi1>, vector<16xf32>
    %get3A_3092 = arith.constant 44 : i32
    %get3A_3093 = arith.index_cast %get3A_3092 : i32 to index
    %get3A_3094 = arith.constant 48 : index
    %get3A_3095 = tpu.vector_load %arg4[%get3A_3093, %get3A_3094] {strides = array<i32>} : memref<128x64xf32, #tpu.memory_space<vmem>>, vector<1x16xf32>,
    %get3A_3096 = vector.shape_cast %get3A_3095 : vector<1x16xf32> to vector<16xf32>
    %gt3A_3097 = arith.cmpf ogt, %get3A_3096, %select_n3A_3085 : vector<16xf32>
    %select_n3A_3098 = arith.select %gt3A_3097, %get3A_3096, %select_n3A_3085 : vector<16xi1>, vector<16xf32>
    %get3A_3099 = arith.constant 108 : i32
    %get3A_3100 = arith.index_cast %get3A_3099 : i32 to index
    %get3A_3101 = arith.constant 48 : index
    %get3A_3102 = tpu.vector_load %arg4[%get3A_3100, %get3A_3101] {strides = array<i32>} : memref<128x64xf32, #tpu.memory_space<vmem>>, vector<1x16xf32>,
    %get3A_3103 = vector.shape_cast %get3A_3102 : vector<1x16xf32> to vector<16xf32>
    %select_n3A_3104 = arith.select %gt3A_3097, %get3A_3103, %select_n3A_3091 : vector<16xi1>, vector<16xf32>
    %get3A_3105 = arith.constant 45 : i32
    %get3A_3106 = arith.index_cast %get3A_3105 : i32 to index
    %get3A_3107 = arith.constant 48 : index
    %get3A_3108 = tpu.vector_load %arg4[%get3A_3106, %get3A_3107] {strides = array<i32>} : memref<128x64xf32, #tpu.memory_space<vmem>>, vector<1x16xf32>,
    %get3A_3109 = vector.shape_cast %get3A_3108 : vector<1x16xf32> to vector<16xf32>
    %gt3A_3110 = arith.cmpf ogt, %get3A_3109, %select_n3A_3098 : vector<16xf32>
    %select_n3A_3111 = arith.select %gt3A_3110, %get3A_3109, %select_n3A_3098 : vector<16xi1>, vector<16xf32>
    %get3A_3112 = arith.constant 109 : i32
    %get3A_3113 = arith.index_cast %get3A_3112 : i32 to index
    %get3A_3114 = arith.constant 48 : index
    %get3A_3115 = tpu.vector_load %arg4[%get3A_3113, %get3A_3114] {strides = array<i32>} : memref<128x64xf32, #tpu.memory_space<vmem>>, vector<1x16xf32>,
    %get3A_3116 = vector.shape_cast %get3A_3115 : vector<1x16xf32> to vector<16xf32>
    %select_n3A_3117 = arith.select %gt3A_3110, %get3A_3116, %select_n3A_3104 : vector<16xi1>, vector<16xf32>
    %get3A_3118 = arith.constant 46 : i32
    %get3A_3119 = arith.index_cast %get3A_3118 : i32 to index
    %get3A_3120 = arith.constant 48 : index
    %get3A_3121 = tpu.vector_load %arg4[%get3A_3119, %get3A_3120] {strides = array<i32>} : memref<128x64xf32, #tpu.memory_space<vmem>>, vector<1x16xf32>,
    %get3A_3122 = vector.shape_cast %get3A_3121 : vector<1x16xf32> to vector<16xf32>
    %gt3A_3123 = arith.cmpf ogt, %get3A_3122, %select_n3A_3111 : vector<16xf32>
    %select_n3A_3124 = arith.select %gt3A_3123, %get3A_3122, %select_n3A_3111 : vector<16xi1>, vector<16xf32>
    %get3A_3125 = arith.constant 110 : i32
    %get3A_3126 = arith.index_cast %get3A_3125 : i32 to index
    %get3A_3127 = arith.constant 48 : index
    %get3A_3128 = tpu.vector_load %arg4[%get3A_3126, %get3A_3127] {strides = array<i32>} : memref<128x64xf32, #tpu.memory_space<vmem>>, vector<1x16xf32>,
    %get3A_3129 = vector.shape_cast %get3A_3128 : vector<1x16xf32> to vector<16xf32>
    %select_n3A_3130 = arith.select %gt3A_3123, %get3A_3129, %select_n3A_3117 : vector<16xi1>, vector<16xf32>
    %get3A_3131 = arith.constant 47 : i32
    %get3A_3132 = arith.index_cast %get3A_3131 : i32 to index
    %get3A_3133 = arith.constant 48 : index
    %get3A_3134 = tpu.vector_load %arg4[%get3A_3132, %get3A_3133] {strides = array<i32>} : memref<128x64xf32, #tpu.memory_space<vmem>>, vector<1x16xf32>,
    %get3A_3135 = vector.shape_cast %get3A_3134 : vector<1x16xf32> to vector<16xf32>
    %gt3A_3136 = arith.cmpf ogt, %get3A_3135, %select_n3A_3124 : vector<16xf32>
    %select_n3A_3137 = arith.select %gt3A_3136, %get3A_3135, %select_n3A_3124 : vector<16xi1>, vector<16xf32>
    %get3A_3138 = arith.constant 111 : i32
    %get3A_3139 = arith.index_cast %get3A_3138 : i32 to index
    %get3A_3140 = arith.constant 48 : index
    %get3A_3141 = tpu.vector_load %arg4[%get3A_3139, %get3A_3140] {strides = array<i32>} : memref<128x64xf32, #tpu.memory_space<vmem>>, vector<1x16xf32>,
    %get3A_3142 = vector.shape_cast %get3A_3141 : vector<1x16xf32> to vector<16xf32>
    %select_n3A_3143 = arith.select %gt3A_3136, %get3A_3142, %select_n3A_3130 : vector<16xi1>, vector<16xf32>
    %get3A_3144 = arith.constant 48 : i32
    %get3A_3145 = arith.index_cast %get3A_3144 : i32 to index
    %get3A_3146 = arith.constant 48 : index
    %get3A_3147 = tpu.vector_load %arg4[%get3A_3145, %get3A_3146] {strides = array<i32>} : memref<128x64xf32, #tpu.memory_space<vmem>>, vector<1x16xf32>,
    %get3A_3148 = vector.shape_cast %get3A_3147 : vector<1x16xf32> to vector<16xf32>
    %gt3A_3149 = arith.cmpf ogt, %get3A_3148, %select_n3A_3137 : vector<16xf32>
    %select_n3A_3150 = arith.select %gt3A_3149, %get3A_3148, %select_n3A_3137 : vector<16xi1>, vector<16xf32>
    %get3A_3151 = arith.constant 112 : i32
    %get3A_3152 = arith.index_cast %get3A_3151 : i32 to index
    %get3A_3153 = arith.constant 48 : index
    %get3A_3154 = tpu.vector_load %arg4[%get3A_3152, %get3A_3153] {strides = array<i32>} : memref<128x64xf32, #tpu.memory_space<vmem>>, vector<1x16xf32>,
    %get3A_3155 = vector.shape_cast %get3A_3154 : vector<1x16xf32> to vector<16xf32>
    %select_n3A_3156 = arith.select %gt3A_3149, %get3A_3155, %select_n3A_3143 : vector<16xi1>, vector<16xf32>
    %get3A_3157 = arith.constant 49 : i32
    %get3A_3158 = arith.index_cast %get3A_3157 : i32 to index
    %get3A_3159 = arith.constant 48 : index
    %get3A_3160 = tpu.vector_load %arg4[%get3A_3158, %get3A_3159] {strides = array<i32>} : memref<128x64xf32, #tpu.memory_space<vmem>>, vector<1x16xf32>,
    %get3A_3161 = vector.shape_cast %get3A_3160 : vector<1x16xf32> to vector<16xf32>
    %gt3A_3162 = arith.cmpf ogt, %get3A_3161, %select_n3A_3150 : vector<16xf32>
    %select_n3A_3163 = arith.select %gt3A_3162, %get3A_3161, %select_n3A_3150 : vector<16xi1>, vector<16xf32>
    %get3A_3164 = arith.constant 113 : i32
    %get3A_3165 = arith.index_cast %get3A_3164 : i32 to index
    %get3A_3166 = arith.constant 48 : index
    %get3A_3167 = tpu.vector_load %arg4[%get3A_3165, %get3A_3166] {strides = array<i32>} : memref<128x64xf32, #tpu.memory_space<vmem>>, vector<1x16xf32>,
    %get3A_3168 = vector.shape_cast %get3A_3167 : vector<1x16xf32> to vector<16xf32>
    %select_n3A_3169 = arith.select %gt3A_3162, %get3A_3168, %select_n3A_3156 : vector<16xi1>, vector<16xf32>
    %get3A_3170 = arith.constant 50 : i32
    %get3A_3171 = arith.index_cast %get3A_3170 : i32 to index
    %get3A_3172 = arith.constant 48 : index
    %get3A_3173 = tpu.vector_load %arg4[%get3A_3171, %get3A_3172] {strides = array<i32>} : memref<128x64xf32, #tpu.memory_space<vmem>>, vector<1x16xf32>,
    %get3A_3174 = vector.shape_cast %get3A_3173 : vector<1x16xf32> to vector<16xf32>
    %gt3A_3175 = arith.cmpf ogt, %get3A_3174, %select_n3A_3163 : vector<16xf32>
    %select_n3A_3176 = arith.select %gt3A_3175, %get3A_3174, %select_n3A_3163 : vector<16xi1>, vector<16xf32>
    %get3A_3177 = arith.constant 114 : i32
    %get3A_3178 = arith.index_cast %get3A_3177 : i32 to index
    %get3A_3179 = arith.constant 48 : index
    %get3A_3180 = tpu.vector_load %arg4[%get3A_3178, %get3A_3179] {strides = array<i32>} : memref<128x64xf32, #tpu.memory_space<vmem>>, vector<1x16xf32>,
    %get3A_3181 = vector.shape_cast %get3A_3180 : vector<1x16xf32> to vector<16xf32>
    %select_n3A_3182 = arith.select %gt3A_3175, %get3A_3181, %select_n3A_3169 : vector<16xi1>, vector<16xf32>
    %get3A_3183 = arith.constant 51 : i32
    %get3A_3184 = arith.index_cast %get3A_3183 : i32 to index
    %get3A_3185 = arith.constant 48 : index
    %get3A_3186 = tpu.vector_load %arg4[%get3A_3184, %get3A_3185] {strides = array<i32>} : memref<128x64xf32, #tpu.memory_space<vmem>>, vector<1x16xf32>,
    %get3A_3187 = vector.shape_cast %get3A_3186 : vector<1x16xf32> to vector<16xf32>
    %gt3A_3188 = arith.cmpf ogt, %get3A_3187, %select_n3A_3176 : vector<16xf32>
    %select_n3A_3189 = arith.select %gt3A_3188, %get3A_3187, %select_n3A_3176 : vector<16xi1>, vector<16xf32>
    %get3A_3190 = arith.constant 115 : i32
    %get3A_3191 = arith.index_cast %get3A_3190 : i32 to index
    %get3A_3192 = arith.constant 48 : index
    %get3A_3193 = tpu.vector_load %arg4[%get3A_3191, %get3A_3192] {strides = array<i32>} : memref<128x64xf32, #tpu.memory_space<vmem>>, vector<1x16xf32>,
    %get3A_3194 = vector.shape_cast %get3A_3193 : vector<1x16xf32> to vector<16xf32>
    %select_n3A_3195 = arith.select %gt3A_3188, %get3A_3194, %select_n3A_3182 : vector<16xi1>, vector<16xf32>
    %get3A_3196 = arith.constant 52 : i32
    %get3A_3197 = arith.index_cast %get3A_3196 : i32 to index
    %get3A_3198 = arith.constant 48 : index
    %get3A_3199 = tpu.vector_load %arg4[%get3A_3197, %get3A_3198] {strides = array<i32>} : memref<128x64xf32, #tpu.memory_space<vmem>>, vector<1x16xf32>,
    %get3A_3200 = vector.shape_cast %get3A_3199 : vector<1x16xf32> to vector<16xf32>
    %gt3A_3201 = arith.cmpf ogt, %get3A_3200, %select_n3A_3189 : vector<16xf32>
    %select_n3A_3202 = arith.select %gt3A_3201, %get3A_3200, %select_n3A_3189 : vector<16xi1>, vector<16xf32>
    %get3A_3203 = arith.constant 116 : i32
    %get3A_3204 = arith.index_cast %get3A_3203 : i32 to index
    %get3A_3205 = arith.constant 48 : index
    %get3A_3206 = tpu.vector_load %arg4[%get3A_3204, %get3A_3205] {strides = array<i32>} : memref<128x64xf32, #tpu.memory_space<vmem>>, vector<1x16xf32>,
    %get3A_3207 = vector.shape_cast %get3A_3206 : vector<1x16xf32> to vector<16xf32>
    %select_n3A_3208 = arith.select %gt3A_3201, %get3A_3207, %select_n3A_3195 : vector<16xi1>, vector<16xf32>
    %get3A_3209 = arith.constant 53 : i32
    %get3A_3210 = arith.index_cast %get3A_3209 : i32 to index
    %get3A_3211 = arith.constant 48 : index
    %get3A_3212 = tpu.vector_load %arg4[%get3A_3210, %get3A_3211] {strides = array<i32>} : memref<128x64xf32, #tpu.memory_space<vmem>>, vector<1x16xf32>,
    %get3A_3213 = vector.shape_cast %get3A_3212 : vector<1x16xf32> to vector<16xf32>
    %gt3A_3214 = arith.cmpf ogt, %get3A_3213, %select_n3A_3202 : vector<16xf32>
    %select_n3A_3215 = arith.select %gt3A_3214, %get3A_3213, %select_n3A_3202 : vector<16xi1>, vector<16xf32>
    %get3A_3216 = arith.constant 117 : i32
    %get3A_3217 = arith.index_cast %get3A_3216 : i32 to index
    %get3A_3218 = arith.constant 48 : index
    %get3A_3219 = tpu.vector_load %arg4[%get3A_3217, %get3A_3218] {strides = array<i32>} : memref<128x64xf32, #tpu.memory_space<vmem>>, vector<1x16xf32>,
    %get3A_3220 = vector.shape_cast %get3A_3219 : vector<1x16xf32> to vector<16xf32>
    %select_n3A_3221 = arith.select %gt3A_3214, %get3A_3220, %select_n3A_3208 : vector<16xi1>, vector<16xf32>
    %get3A_3222 = arith.constant 54 : i32
    %get3A_3223 = arith.index_cast %get3A_3222 : i32 to index
    %get3A_3224 = arith.constant 48 : index
    %get3A_3225 = tpu.vector_load %arg4[%get3A_3223, %get3A_3224] {strides = array<i32>} : memref<128x64xf32, #tpu.memory_space<vmem>>, vector<1x16xf32>,
    %get3A_3226 = vector.shape_cast %get3A_3225 : vector<1x16xf32> to vector<16xf32>
    %gt3A_3227 = arith.cmpf ogt, %get3A_3226, %select_n3A_3215 : vector<16xf32>
    %select_n3A_3228 = arith.select %gt3A_3227, %get3A_3226, %select_n3A_3215 : vector<16xi1>, vector<16xf32>
    %get3A_3229 = arith.constant 118 : i32
    %get3A_3230 = arith.index_cast %get3A_3229 : i32 to index
    %get3A_3231 = arith.constant 48 : index
    %get3A_3232 = tpu.vector_load %arg4[%get3A_3230, %get3A_3231] {strides = array<i32>} : memref<128x64xf32, #tpu.memory_space<vmem>>, vector<1x16xf32>,
    %get3A_3233 = vector.shape_cast %get3A_3232 : vector<1x16xf32> to vector<16xf32>
    %select_n3A_3234 = arith.select %gt3A_3227, %get3A_3233, %select_n3A_3221 : vector<16xi1>, vector<16xf32>
    %get3A_3235 = arith.constant 55 : i32
    %get3A_3236 = arith.index_cast %get3A_3235 : i32 to index
    %get3A_3237 = arith.constant 48 : index
    %get3A_3238 = tpu.vector_load %arg4[%get3A_3236, %get3A_3237] {strides = array<i32>} : memref<128x64xf32, #tpu.memory_space<vmem>>, vector<1x16xf32>,
    %get3A_3239 = vector.shape_cast %get3A_3238 : vector<1x16xf32> to vector<16xf32>
    %gt3A_3240 = arith.cmpf ogt, %get3A_3239, %select_n3A_3228 : vector<16xf32>
    %select_n3A_3241 = arith.select %gt3A_3240, %get3A_3239, %select_n3A_3228 : vector<16xi1>, vector<16xf32>
    %get3A_3242 = arith.constant 119 : i32
    %get3A_3243 = arith.index_cast %get3A_3242 : i32 to index
    %get3A_3244 = arith.constant 48 : index
    %get3A_3245 = tpu.vector_load %arg4[%get3A_3243, %get3A_3244] {strides = array<i32>} : memref<128x64xf32, #tpu.memory_space<vmem>>, vector<1x16xf32>,
    %get3A_3246 = vector.shape_cast %get3A_3245 : vector<1x16xf32> to vector<16xf32>
    %select_n3A_3247 = arith.select %gt3A_3240, %get3A_3246, %select_n3A_3234 : vector<16xi1>, vector<16xf32>
    %get3A_3248 = arith.constant 56 : i32
    %get3A_3249 = arith.index_cast %get3A_3248 : i32 to index
    %get3A_3250 = arith.constant 48 : index
    %get3A_3251 = tpu.vector_load %arg4[%get3A_3249, %get3A_3250] {strides = array<i32>} : memref<128x64xf32, #tpu.memory_space<vmem>>, vector<1x16xf32>,
    %get3A_3252 = vector.shape_cast %get3A_3251 : vector<1x16xf32> to vector<16xf32>
    %gt3A_3253 = arith.cmpf ogt, %get3A_3252, %select_n3A_3241 : vector<16xf32>
    %select_n3A_3254 = arith.select %gt3A_3253, %get3A_3252, %select_n3A_3241 : vector<16xi1>, vector<16xf32>
    %get3A_3255 = arith.constant 120 : i32
    %get3A_3256 = arith.index_cast %get3A_3255 : i32 to index
    %get3A_3257 = arith.constant 48 : index
    %get3A_3258 = tpu.vector_load %arg4[%get3A_3256, %get3A_3257] {strides = array<i32>} : memref<128x64xf32, #tpu.memory_space<vmem>>, vector<1x16xf32>,
    %get3A_3259 = vector.shape_cast %get3A_3258 : vector<1x16xf32> to vector<16xf32>
    %select_n3A_3260 = arith.select %gt3A_3253, %get3A_3259, %select_n3A_3247 : vector<16xi1>, vector<16xf32>
    %get3A_3261 = arith.constant 57 : i32
    %get3A_3262 = arith.index_cast %get3A_3261 : i32 to index
    %get3A_3263 = arith.constant 48 : index
    %get3A_3264 = tpu.vector_load %arg4[%get3A_3262, %get3A_3263] {strides = array<i32>} : memref<128x64xf32, #tpu.memory_space<vmem>>, vector<1x16xf32>,
    %get3A_3265 = vector.shape_cast %get3A_3264 : vector<1x16xf32> to vector<16xf32>
    %gt3A_3266 = arith.cmpf ogt, %get3A_3265, %select_n3A_3254 : vector<16xf32>
    %select_n3A_3267 = arith.select %gt3A_3266, %get3A_3265, %select_n3A_3254 : vector<16xi1>, vector<16xf32>
    %get3A_3268 = arith.constant 121 : i32
    %get3A_3269 = arith.index_cast %get3A_3268 : i32 to index
    %get3A_3270 = arith.constant 48 : index
    %get3A_3271 = tpu.vector_load %arg4[%get3A_3269, %get3A_3270] {strides = array<i32>} : memref<128x64xf32, #tpu.memory_space<vmem>>, vector<1x16xf32>,
    %get3A_3272 = vector.shape_cast %get3A_3271 : vector<1x16xf32> to vector<16xf32>
    %select_n3A_3273 = arith.select %gt3A_3266, %get3A_3272, %select_n3A_3260 : vector<16xi1>, vector<16xf32>
    %get3A_3274 = arith.constant 58 : i32
    %get3A_3275 = arith.index_cast %get3A_3274 : i32 to index
    %get3A_3276 = arith.constant 48 : index
    %get3A_3277 = tpu.vector_load %arg4[%get3A_3275, %get3A_3276] {strides = array<i32>} : memref<128x64xf32, #tpu.memory_space<vmem>>, vector<1x16xf32>,
    %get3A_3278 = vector.shape_cast %get3A_3277 : vector<1x16xf32> to vector<16xf32>
    %gt3A_3279 = arith.cmpf ogt, %get3A_3278, %select_n3A_3267 : vector<16xf32>
    %select_n3A_3280 = arith.select %gt3A_3279, %get3A_3278, %select_n3A_3267 : vector<16xi1>, vector<16xf32>
    %get3A_3281 = arith.constant 122 : i32
    %get3A_3282 = arith.index_cast %get3A_3281 : i32 to index
    %get3A_3283 = arith.constant 48 : index
    %get3A_3284 = tpu.vector_load %arg4[%get3A_3282, %get3A_3283] {strides = array<i32>} : memref<128x64xf32, #tpu.memory_space<vmem>>, vector<1x16xf32>,
    %get3A_3285 = vector.shape_cast %get3A_3284 : vector<1x16xf32> to vector<16xf32>
    %select_n3A_3286 = arith.select %gt3A_3279, %get3A_3285, %select_n3A_3273 : vector<16xi1>, vector<16xf32>
    %get3A_3287 = arith.constant 59 : i32
    %get3A_3288 = arith.index_cast %get3A_3287 : i32 to index
    %get3A_3289 = arith.constant 48 : index
    %get3A_3290 = tpu.vector_load %arg4[%get3A_3288, %get3A_3289] {strides = array<i32>} : memref<128x64xf32, #tpu.memory_space<vmem>>, vector<1x16xf32>,
    %get3A_3291 = vector.shape_cast %get3A_3290 : vector<1x16xf32> to vector<16xf32>
    %gt3A_3292 = arith.cmpf ogt, %get3A_3291, %select_n3A_3280 : vector<16xf32>
    %select_n3A_3293 = arith.select %gt3A_3292, %get3A_3291, %select_n3A_3280 : vector<16xi1>, vector<16xf32>
    %get3A_3294 = arith.constant 123 : i32
    %get3A_3295 = arith.index_cast %get3A_3294 : i32 to index
    %get3A_3296 = arith.constant 48 : index
    %get3A_3297 = tpu.vector_load %arg4[%get3A_3295, %get3A_3296] {strides = array<i32>} : memref<128x64xf32, #tpu.memory_space<vmem>>, vector<1x16xf32>,
    %get3A_3298 = vector.shape_cast %get3A_3297 : vector<1x16xf32> to vector<16xf32>
    %select_n3A_3299 = arith.select %gt3A_3292, %get3A_3298, %select_n3A_3286 : vector<16xi1>, vector<16xf32>
    %get3A_3300 = arith.constant 60 : i32
    %get3A_3301 = arith.index_cast %get3A_3300 : i32 to index
    %get3A_3302 = arith.constant 48 : index
    %get3A_3303 = tpu.vector_load %arg4[%get3A_3301, %get3A_3302] {strides = array<i32>} : memref<128x64xf32, #tpu.memory_space<vmem>>, vector<1x16xf32>,
    %get3A_3304 = vector.shape_cast %get3A_3303 : vector<1x16xf32> to vector<16xf32>
    %gt3A_3305 = arith.cmpf ogt, %get3A_3304, %select_n3A_3293 : vector<16xf32>
    %select_n3A_3306 = arith.select %gt3A_3305, %get3A_3304, %select_n3A_3293 : vector<16xi1>, vector<16xf32>
    %get3A_3307 = arith.constant 124 : i32
    %get3A_3308 = arith.index_cast %get3A_3307 : i32 to index
    %get3A_3309 = arith.constant 48 : index
    %get3A_3310 = tpu.vector_load %arg4[%get3A_3308, %get3A_3309] {strides = array<i32>} : memref<128x64xf32, #tpu.memory_space<vmem>>, vector<1x16xf32>,
    %get3A_3311 = vector.shape_cast %get3A_3310 : vector<1x16xf32> to vector<16xf32>
    %select_n3A_3312 = arith.select %gt3A_3305, %get3A_3311, %select_n3A_3299 : vector<16xi1>, vector<16xf32>
    %get3A_3313 = arith.constant 61 : i32
    %get3A_3314 = arith.index_cast %get3A_3313 : i32 to index
    %get3A_3315 = arith.constant 48 : index
    %get3A_3316 = tpu.vector_load %arg4[%get3A_3314, %get3A_3315] {strides = array<i32>} : memref<128x64xf32, #tpu.memory_space<vmem>>, vector<1x16xf32>,
    %get3A_3317 = vector.shape_cast %get3A_3316 : vector<1x16xf32> to vector<16xf32>
    %gt3A_3318 = arith.cmpf ogt, %get3A_3317, %select_n3A_3306 : vector<16xf32>
    %select_n3A_3319 = arith.select %gt3A_3318, %get3A_3317, %select_n3A_3306 : vector<16xi1>, vector<16xf32>
    %get3A_3320 = arith.constant 125 : i32
    %get3A_3321 = arith.index_cast %get3A_3320 : i32 to index
    %get3A_3322 = arith.constant 48 : index
    %get3A_3323 = tpu.vector_load %arg4[%get3A_3321, %get3A_3322] {strides = array<i32>} : memref<128x64xf32, #tpu.memory_space<vmem>>, vector<1x16xf32>,
    %get3A_3324 = vector.shape_cast %get3A_3323 : vector<1x16xf32> to vector<16xf32>
    %select_n3A_3325 = arith.select %gt3A_3318, %get3A_3324, %select_n3A_3312 : vector<16xi1>, vector<16xf32>
    %get3A_3326 = arith.constant 62 : i32
    %get3A_3327 = arith.index_cast %get3A_3326 : i32 to index
    %get3A_3328 = arith.constant 48 : index
    %get3A_3329 = tpu.vector_load %arg4[%get3A_3327, %get3A_3328] {strides = array<i32>} : memref<128x64xf32, #tpu.memory_space<vmem>>, vector<1x16xf32>,
    %get3A_3330 = vector.shape_cast %get3A_3329 : vector<1x16xf32> to vector<16xf32>
    %gt3A_3331 = arith.cmpf ogt, %get3A_3330, %select_n3A_3319 : vector<16xf32>
    %select_n3A_3332 = arith.select %gt3A_3331, %get3A_3330, %select_n3A_3319 : vector<16xi1>, vector<16xf32>
    %get3A_3333 = arith.constant 126 : i32
    %get3A_3334 = arith.index_cast %get3A_3333 : i32 to index
    %get3A_3335 = arith.constant 48 : index
    %get3A_3336 = tpu.vector_load %arg4[%get3A_3334, %get3A_3335] {strides = array<i32>} : memref<128x64xf32, #tpu.memory_space<vmem>>, vector<1x16xf32>,
    %get3A_3337 = vector.shape_cast %get3A_3336 : vector<1x16xf32> to vector<16xf32>
    %select_n3A_3338 = arith.select %gt3A_3331, %get3A_3337, %select_n3A_3325 : vector<16xi1>, vector<16xf32>
    %get3A_3339 = arith.constant 63 : i32
    %get3A_3340 = arith.index_cast %get3A_3339 : i32 to index
    %get3A_3341 = arith.constant 48 : index
    %get3A_3342 = tpu.vector_load %arg4[%get3A_3340, %get3A_3341] {strides = array<i32>} : memref<128x64xf32, #tpu.memory_space<vmem>>, vector<1x16xf32>,
    %get3A_3343 = vector.shape_cast %get3A_3342 : vector<1x16xf32> to vector<16xf32>
    %gt3A_3344 = arith.cmpf ogt, %get3A_3343, %select_n3A_3332 : vector<16xf32>
    %select_n3A_3345 = arith.select %gt3A_3344, %get3A_3343, %select_n3A_3332 : vector<16xi1>, vector<16xf32>
    %get3A_3346 = arith.constant 127 : i32
    %get3A_3347 = arith.index_cast %get3A_3346 : i32 to index
    %get3A_3348 = arith.constant 48 : index
    %get3A_3349 = tpu.vector_load %arg4[%get3A_3347, %get3A_3348] {strides = array<i32>} : memref<128x64xf32, #tpu.memory_space<vmem>>, vector<1x16xf32>,
    %get3A_3350 = vector.shape_cast %get3A_3349 : vector<1x16xf32> to vector<16xf32>
    %select_n3A_3351 = arith.select %gt3A_3344, %get3A_3350, %select_n3A_3338 : vector<16xi1>, vector<16xf32>
    %swap3A_3352 = arith.constant 48 : index
    %swap3A_3353 = tpu.vector_load %arg5[%swap3A_3352] {strides = array<i32>} : memref<64xf32, #tpu.memory_space<vmem>>, vector<16xf32>,
    %swap3A_3354 = vector.shape_cast %swap3A_3353 : vector<16xf32> to vector<16xf32>
    %swap3A_3355 = vector.shape_cast %select_n3A_3351 : vector<16xf32> to vector<16xf32>
    tpu.vector_store %arg5[%swap3A_3352], %swap3A_3355 {strides = array<i32>} : memref<64xf32, #tpu.memory_space<vmem>>, vector<16xf32>,
    %mul3A_3356 = arith.constant 64 : i32
    %mul3A_3357 = arith.muli %add3A, %mul3A_3356 : i32
    "tpu.region"() ({
      %run_scoped3A = tpu.sem_alloc : memref<!tpu.dma_semaphore, #tpu.memory_space<semaphore_mem>>
      %dma_start3A = tpu.memref_slice %arg3[%mul3A_3357] : memref<2048xf32, #tpu.memory_space<hbm>> -> memref<64xf32, #tpu.memory_space<hbm>>
      %dma_start3A_3358 = tpu.memref_slice %arg3[%mul3A_3357] : memref<2048xf32, #tpu.memory_space<hbm>> -> memref<64xf32, #tpu.memory_space<hbm>>
      tpu.enqueue_dma source(%arg5 : memref<64xf32, #tpu.memory_space<vmem>>) target(%dma_start3A_3358 : memref<64xf32, #tpu.memory_space<hbm>>) target_semaphore(%run_scoped3A : memref<!tpu.dma_semaphore, #tpu.memory_space<semaphore_mem>>)
      %dma_wait3A = tpu.memref_slice %arg3[%mul3A_3357] : memref<2048xf32, #tpu.memory_space<hbm>> -> memref<64xf32, #tpu.memory_space<hbm>>
      %dma_wait3A_3359 = tpu.memref_slice %arg3[%mul3A_3357] : memref<2048xf32, #tpu.memory_space<hbm>> -> memref<64xf32, #tpu.memory_space<hbm>>
      tpu.wait_dma2 semaphore(%run_scoped3A : memref<!tpu.dma_semaphore, #tpu.memory_space<semaphore_mem>>) src(%arg5 : memref<64xf32, #tpu.memory_space<vmem>>) dst(%dma_wait3A_3359 : memref<64xf32, #tpu.memory_space<hbm>>)
      tpu.yield
    }) : () -> ()
    return
  }
}

module attributes {stable_mosaic.version = 14 : i64} {
  func.func @_tc_body(%arg0: i32, %arg1: memref<1x192xf32, #tpu.memory_space<vmem>>, %arg2: memref<3072x768xf32, #tpu.memory_space<vmem>>, %arg3: memref<1024x768xf32, #tpu.memory_space<vmem>>, %arg4: memref<64x768xf32, #tpu.memory_space<vmem>>, %arg5: memref<64x192xf32, #tpu.memory_space<vmem>>, %arg6: memref<1x768xf32, #tpu.memory_space<vmem>>, %arg7: memref<1x1xf32, #tpu.memory_space<vmem>>, %arg8: memref<1x1xf32, #tpu.memory_space<vmem>>, %arg9: memref<16x128x64xf32, #tpu.memory_space<vmem>>, %arg10: memref<64x768xf32, #tpu.memory_space<vmem>>, %arg11: memref<16x3072xf32, #tpu.memory_space<vmem>>) attributes {dimension_semantics = [#tpu.dimension_semantics<arbitrary>], iteration_bounds = array<i64: 6>, scalar_prefetch = 0 : i64, scratch_operands = 2 : i64, tpu.core_type = #tpu.core_type<tc>, window_params = [{pipeline_mode = #tpu.pipeline_mode<synchronous>, transform_indices = @transform_0, window_bounds = array<i64: 1, 192>}, {transform_indices = @transform_1, window_bounds = array<i64: 3072, 768>}, {transform_indices = @transform_2, window_bounds = array<i64: 1024, 768>}, {pipeline_mode = #tpu.pipeline_mode<synchronous>, transform_indices = @transform_3, window_bounds = array<i64: 64, 768>}, {pipeline_mode = #tpu.pipeline_mode<synchronous>, transform_indices = @transform_4, window_bounds = array<i64: 64, 192>}, {pipeline_mode = #tpu.pipeline_mode<synchronous>, transform_indices = @transform_5, window_bounds = array<i64: 1, 768>}, {pipeline_mode = #tpu.pipeline_mode<synchronous>, transform_indices = @transform_6, window_bounds = array<i64: 1, 1>}, {pipeline_mode = #tpu.pipeline_mode<synchronous>, transform_indices = @transform_7, window_bounds = array<i64: 1, 1>}, {transform_indices = @transform_8, window_bounds = array<i64: 16, 128, 64>}]} {
    %eq3A = arith.constant 0 : i32
    %eq3A_0 = arith.cmpi eq, %arg0, %eq3A : i32
    %convert_element_type3A = arith.extui %eq3A_0 : i1 to i32
    %cond3A = arith.constant 0 : i32
    %cond3A_1 = arith.cmpi ne, %convert_element_type3A, %cond3A : i32
    scf.if %cond3A_1 {
      %get3A = arith.constant 0 : index
      %get3A_10 = arith.constant 0 : index
      %get3A_11 = vector.load %arg1[%get3A, %get3A_10] : memref<1x192xf32, #tpu.memory_space<vmem>>, vector<1x192xf32>
      %concatenate3A = tpu.concatenate %get3A_11, %get3A_11, %get3A_11, %get3A_11, %get3A_11, %get3A_11, %get3A_11, %get3A_11, %get3A_11, %get3A_11, %get3A_11, %get3A_11, %get3A_11, %get3A_11, %get3A_11, %get3A_11 in 1 : vector<1x192xf32>, vector<1x192xf32>, vector<1x192xf32>, vector<1x192xf32>, vector<1x192xf32>, vector<1x192xf32>, vector<1x192xf32>, vector<1x192xf32>, vector<1x192xf32>, vector<1x192xf32>, vector<1x192xf32>, vector<1x192xf32>, vector<1x192xf32>, vector<1x192xf32>, vector<1x192xf32>, vector<1x192xf32> -> vector<1x3072xf32>
      %iota3A = tpu.iota {dimensions = array<i32: 0>} : vector<16x3072xi32>
      %iota3A_12 = tpu.iota {dimensions = array<i32: 1>} : vector<16x3072xi32>
      %jit3A = arith.constant 192 : i32
      %div3A = vector.broadcast %jit3A : i32 to vector<16x3072xi32>
      %div3A_13 = arith.divsi %iota3A_12, %div3A : vector<16x3072xi32>
      %sign3A = arith.constant 0 : i32
      %sign3A_14 = vector.broadcast %sign3A : i32 to vector<16x3072xi32>
      %sign3A_15 = arith.cmpi sgt, %iota3A_12, %sign3A_14 : vector<16x3072xi32>
      %sign3A_16 = arith.extui %sign3A_15 : vector<16x3072xi1> to vector<16x3072xi32>
      %sign3A_17 = arith.constant 0 : i32
      %sign3A_18 = vector.broadcast %sign3A_17 : i32 to vector<16x3072xi32>
      %sign3A_19 = arith.cmpi slt, %iota3A_12, %sign3A_18 : vector<16x3072xi32>
      %sign3A_20 = arith.extui %sign3A_19 : vector<16x3072xi1> to vector<16x3072xi32>
      %sign3A_21 = arith.subi %sign3A_16, %sign3A_20 : vector<16x3072xi32>
      %sign3A_22 = arith.constant 0 : i32
      %sign3A_23 = arith.cmpi sgt, %jit3A, %sign3A_22 : i32
      %sign3A_24 = arith.extui %sign3A_23 : i1 to i32
      %sign3A_25 = arith.constant 0 : i32
      %sign3A_26 = arith.cmpi slt, %jit3A, %sign3A_25 : i32
      %sign3A_27 = arith.extui %sign3A_26 : i1 to i32
      %sign3A_28 = arith.subi %sign3A_24, %sign3A_27 : i32
      %ne3A = vector.broadcast %sign3A_28 : i32 to vector<16x3072xi32>
      %ne3A_29 = arith.cmpi ne, %sign3A_21, %ne3A : vector<16x3072xi32>
      %rem3A = vector.broadcast %jit3A : i32 to vector<16x3072xi32>
      %rem3A_30 = arith.remsi %iota3A_12, %rem3A : vector<16x3072xi32>
      %ne3A_31 = arith.constant 0 : i32
      %ne3A_32 = vector.broadcast %ne3A_31 : i32 to vector<16x3072xi32>
      %ne3A_33 = arith.cmpi ne, %rem3A_30, %ne3A_32 : vector<16x3072xi32>
      %and3A = arith.andi %ne3A_29, %ne3A_33 : vector<16x3072xi1>
      %sub3A = arith.constant 1 : i32
      %sub3A_34 = vector.broadcast %sub3A : i32 to vector<16x3072xi32>
      %sub3A_35 = arith.subi %div3A_13, %sub3A_34 : vector<16x3072xi32>
      %select_n3A = arith.select %and3A, %sub3A_35, %div3A_13 : vector<16x3072xi1>, vector<16x3072xi32>
      %eq3A_36 = arith.cmpi eq, %iota3A, %select_n3A : vector<16x3072xi32>
      %broadcast_in_dim3A = vector.shape_cast %concatenate3A : vector<1x3072xf32> to vector<1x3072xf32>
      %broadcast_in_dim3A_37 = vector.broadcast %broadcast_in_dim3A : vector<1x3072xf32> to vector<16x3072xf32>
      %jit3A_38 = arith.constant 0.000000e+00 : f32
      %broadcast_in_dim3A_39 = vector.broadcast %jit3A_38 : f32 to vector<16x3072xf32>
      %select_n3A_40 = arith.select %eq3A_36, %broadcast_in_dim3A_37, %broadcast_in_dim3A_39 : vector<16x3072xi1>, vector<16x3072xf32>
      %swap3A = arith.constant 0 : index
      %swap3A_41 = arith.constant 0 : index
      %swap3A_42 = vector.load %arg11[%swap3A, %swap3A_41] : memref<16x3072xf32, #tpu.memory_space<vmem>>, vector<16x3072xf32>
      tpu.vector_store %arg11[%swap3A, %swap3A_41], %select_n3A_40 {strides = array<i32>} : memref<16x3072xf32, #tpu.memory_space<vmem>>, vector<16x3072xf32>,
    } else {
    }
    %lt3A = arith.constant 4 : i32
    %lt3A_2 = arith.cmpi slt, %arg0, %lt3A : i32
    %convert_element_type3A_3 = arith.extui %lt3A_2 : i1 to i32
    %cond3A_4 = arith.constant 0 : i32
    %cond3A_5 = arith.cmpi ne, %convert_element_type3A_3, %cond3A_4 : i32
    scf.if %cond3A_5 {
      %get3A = arith.constant 0 : index
      %get3A_10 = arith.constant 0 : index
      %get3A_11 = vector.load %arg11[%get3A, %get3A_10] : memref<16x3072xf32, #tpu.memory_space<vmem>>, vector<16x3072xf32>
      %get3A_12 = arith.constant 0 : index
      %get3A_13 = arith.constant 0 : index
      %get3A_14 = vector.load %arg2[%get3A_12, %get3A_13] : memref<3072x768xf32, #tpu.memory_space<vmem>>, vector<3072x768xf32>
      %dot_general3A = arith.constant dense<0.000000e+00> : vector<16x768xf32>
      %dot_general3A_15 = tpu.matmul %get3A_11, %get3A_14, %dot_general3A {dimension_numbers = #tpu.dot_dimension_numbers<[1], [0], [0], [1], [0, 0, 1, 1], [], []>, transpose_lhs_hint = false} : vector<16x3072xf32>, vector<3072x768xf32>, vector<16x768xf32> -> vector<16x768xf32>
      %mul3A = arith.constant 16 : i32
      %mul3A_16 = arith.muli %arg0, %mul3A : i32
      %swap3A = arith.index_cast %mul3A_16 : i32 to index
      %swap3A_17 = arith.constant 0 : index
      %swap3A_18 = vector.load %arg10[%swap3A, %swap3A_17] : memref<64x768xf32, #tpu.memory_space<vmem>>, vector<16x768xf32>
      tpu.vector_store %arg10[%swap3A, %swap3A_17], %dot_general3A_15 {strides = array<i32>} : memref<64x768xf32, #tpu.memory_space<vmem>>, vector<16x768xf32>,
    } else {
    }
    %ge3A = arith.constant 4 : i32
    %ge3A_6 = arith.cmpi sge, %arg0, %ge3A : i32
    %convert_element_type3A_7 = arith.extui %ge3A_6 : i1 to i32
    %cond3A_8 = arith.constant 0 : i32
    %cond3A_9 = arith.cmpi ne, %convert_element_type3A_7, %cond3A_8 : i32
    scf.if %cond3A_9 {
      %get3A = arith.constant 0 : index
      %get3A_10 = arith.constant 0 : index
      %get3A_11 = vector.load %arg3[%get3A, %get3A_10] : memref<1024x768xf32, #tpu.memory_space<vmem>>, vector<1024x768xf32>
      %get3A_12 = arith.constant 0 : index
      %get3A_13 = arith.constant 0 : index
      %get3A_14 = vector.load %arg4[%get3A_12, %get3A_13] : memref<64x768xf32, #tpu.memory_space<vmem>>, vector<64x768xf32>
      %dot_general3A = arith.constant dense<0.000000e+00> : vector<64x1024xf32>
      %dot_general3A_15 = tpu.matmul %get3A_14, %get3A_11, %dot_general3A {dimension_numbers = #tpu.dot_dimension_numbers<[1], [1], [0], [0], [0, 0, 1, 0], [], []>, transpose_lhs_hint = false} : vector<64x768xf32>, vector<1024x768xf32>, vector<64x1024xf32> -> vector<64x1024xf32>
      %get3A_16 = arith.constant 0 : index
      %get3A_17 = arith.constant 0 : index
      %get3A_18 = vector.load %arg10[%get3A_16, %get3A_17] : memref<64x768xf32, #tpu.memory_space<vmem>>, vector<64x768xf32>
      %dot_general3A_19 = arith.constant dense<0.000000e+00> : vector<64x1024xf32>
      %dot_general3A_20 = tpu.matmul %get3A_18, %get3A_11, %dot_general3A_19 {dimension_numbers = #tpu.dot_dimension_numbers<[1], [1], [0], [0], [0, 0, 1, 0], [], []>, transpose_lhs_hint = false} : vector<64x768xf32>, vector<1024x768xf32>, vector<64x1024xf32> -> vector<64x1024xf32>
      %get3A_21 = arith.constant 0 : index
      %get3A_22 = arith.constant 0 : index
      %get3A_23 = vector.load %arg6[%get3A_21, %get3A_22] : memref<1x768xf32, #tpu.memory_space<vmem>>, vector<1x768xf32>
      %dot_general3A_24 = arith.constant dense<0.000000e+00> : vector<1x1024xf32>
      %dot_general3A_25 = tpu.matmul %get3A_23, %get3A_11, %dot_general3A_24 {dimension_numbers = #tpu.dot_dimension_numbers<[1], [1], [0], [0], [0, 0, 1, 0], [], []>, transpose_lhs_hint = false} : vector<1x768xf32>, vector<1024x768xf32>, vector<1x1024xf32> -> vector<1x1024xf32>
      %get3A_26 = arith.constant 0 : index
      %get3A_27 = arith.constant 0 : index
      %get3A_28 = vector.load %arg5[%get3A_26, %get3A_27] : memref<64x192xf32, #tpu.memory_space<vmem>>, vector<64x192xf32>
      %get3A_29 = arith.constant 0 : index
      %get3A_30 = arith.constant 0 : index
      %get3A_31 = vector.load %arg1[%get3A_29, %get3A_30] : memref<1x192xf32, #tpu.memory_space<vmem>>, vector<1x192xf32>
      %mul3A = vector.broadcast %get3A_31 : vector<1x192xf32> to vector<64x192xf32>
      %mul3A_32 = arith.mulf %get3A_28, %mul3A : vector<64x192xf32>
      %reduce_sum3A = arith.constant dense<0.000000e+00> : vector<64xf32>
      %reduce_sum3A_33 = vector.multi_reduction <add>, %mul3A_32, %reduce_sum3A [1] : vector<64x192xf32> to vector<64xf32>
      %broadcast_in_dim3A = vector.shape_cast %reduce_sum3A_33 : vector<64xf32> to vector<64x1xf32>
      %add3A = vector.broadcast %dot_general3A_25 : vector<1x1024xf32> to vector<64x1024xf32>
      %add3A_34 = arith.addf %dot_general3A_20, %add3A : vector<64x1024xf32>
      %add3A_35 = vector.broadcast %broadcast_in_dim3A : vector<64x1xf32> to vector<64x1024xf32>
      %add3A_36 = arith.addf %add3A_34, %add3A_35 : vector<64x1024xf32>
      %get3A_37 = arith.constant 0 : index
      %get3A_38 = arith.constant 0 : index
      %get3A_39 = vector.load %arg7[%get3A_37, %get3A_38] : memref<1x1xf32, #tpu.memory_space<vmem>>, vector<1x1xf32>
      %get3A_40 = vector.extract %get3A_39[0, 0] : f32 from vector<1x1xf32>
      %get3A_41 = arith.constant 0 : index
      %get3A_42 = arith.constant 0 : index
      %get3A_43 = vector.load %arg8[%get3A_41, %get3A_42] : memref<1x1xf32, #tpu.memory_space<vmem>>, vector<1x1xf32>
      %get3A_44 = vector.extract %get3A_43[0, 0] : f32 from vector<1x1xf32>
      %add3A_45 = arith.addf %get3A_40, %get3A_44 : f32
      %add3A_46 = vector.broadcast %add3A_45 : f32 to vector<64x1024xf32>
      %add3A_47 = arith.addf %add3A_36, %add3A_46 : vector<64x1024xf32>
      %slice3A = vector.extract_strided_slice %dot_general3A_15 {offsets = [0, 0], sizes = [64, 64], strides = [1, 1]} : vector<64x1024xf32> to vector<64x64xf32>
      %swap3A = arith.constant 0 : index
      %swap3A_48 = arith.constant 0 : index
      %swap3A_49 = arith.constant 0 : index
      %swap3A_50 = vector.load %arg9[%swap3A, %swap3A_48, %swap3A_49] : memref<16x128x64xf32, #tpu.memory_space<vmem>>, vector<1x64x64xf32>
      %swap3A_51 = vector.shape_cast %swap3A_50 : vector<1x64x64xf32> to vector<64x64xf32>
      %swap3A_52 = vector.shape_cast %slice3A : vector<64x64xf32> to vector<1x64x64xf32>
      tpu.vector_store %arg9[%swap3A, %swap3A_48, %swap3A_49], %swap3A_52 {strides = array<i32>} : memref<16x128x64xf32, #tpu.memory_space<vmem>>, vector<1x64x64xf32>,
      %slice3A_53 = vector.extract_strided_slice %add3A_47 {offsets = [0, 0], sizes = [64, 64], strides = [1, 1]} : vector<64x1024xf32> to vector<64x64xf32>
      %swap3A_54 = arith.constant 0 : index
      %swap3A_55 = arith.constant 64 : index
      %swap3A_56 = arith.constant 0 : index
      %swap3A_57 = vector.load %arg9[%swap3A_54, %swap3A_55, %swap3A_56] : memref<16x128x64xf32, #tpu.memory_space<vmem>>, vector<1x64x64xf32>
      %swap3A_58 = vector.shape_cast %swap3A_57 : vector<1x64x64xf32> to vector<64x64xf32>
      %swap3A_59 = vector.shape_cast %slice3A_53 : vector<64x64xf32> to vector<1x64x64xf32>
      tpu.vector_store %arg9[%swap3A_54, %swap3A_55, %swap3A_56], %swap3A_59 {strides = array<i32>} : memref<16x128x64xf32, #tpu.memory_space<vmem>>, vector<1x64x64xf32>,
      %slice3A_60 = vector.extract_strided_slice %dot_general3A_15 {offsets = [0, 64], sizes = [64, 64], strides = [1, 1]} : vector<64x1024xf32> to vector<64x64xf32>
      %swap3A_61 = arith.constant 1 : index
      %swap3A_62 = arith.constant 0 : index
      %swap3A_63 = arith.constant 0 : index
      %swap3A_64 = vector.load %arg9[%swap3A_61, %swap3A_62, %swap3A_63] : memref<16x128x64xf32, #tpu.memory_space<vmem>>, vector<1x64x64xf32>
      %swap3A_65 = vector.shape_cast %swap3A_64 : vector<1x64x64xf32> to vector<64x64xf32>
      %swap3A_66 = vector.shape_cast %slice3A_60 : vector<64x64xf32> to vector<1x64x64xf32>
      tpu.vector_store %arg9[%swap3A_61, %swap3A_62, %swap3A_63], %swap3A_66 {strides = array<i32>} : memref<16x128x64xf32, #tpu.memory_space<vmem>>, vector<1x64x64xf32>,
      %slice3A_67 = vector.extract_strided_slice %add3A_47 {offsets = [0, 64], sizes = [64, 64], strides = [1, 1]} : vector<64x1024xf32> to vector<64x64xf32>
      %swap3A_68 = arith.constant 1 : index
      %swap3A_69 = arith.constant 64 : index
      %swap3A_70 = arith.constant 0 : index
      %swap3A_71 = vector.load %arg9[%swap3A_68, %swap3A_69, %swap3A_70] : memref<16x128x64xf32, #tpu.memory_space<vmem>>, vector<1x64x64xf32>
      %swap3A_72 = vector.shape_cast %swap3A_71 : vector<1x64x64xf32> to vector<64x64xf32>
      %swap3A_73 = vector.shape_cast %slice3A_67 : vector<64x64xf32> to vector<1x64x64xf32>
      tpu.vector_store %arg9[%swap3A_68, %swap3A_69, %swap3A_70], %swap3A_73 {strides = array<i32>} : memref<16x128x64xf32, #tpu.memory_space<vmem>>, vector<1x64x64xf32>,
      %slice3A_74 = vector.extract_strided_slice %dot_general3A_15 {offsets = [0, 128], sizes = [64, 64], strides = [1, 1]} : vector<64x1024xf32> to vector<64x64xf32>
      %swap3A_75 = arith.constant 2 : index
      %swap3A_76 = arith.constant 0 : index
      %swap3A_77 = arith.constant 0 : index
      %swap3A_78 = vector.load %arg9[%swap3A_75, %swap3A_76, %swap3A_77] : memref<16x128x64xf32, #tpu.memory_space<vmem>>, vector<1x64x64xf32>
      %swap3A_79 = vector.shape_cast %swap3A_78 : vector<1x64x64xf32> to vector<64x64xf32>
      %swap3A_80 = vector.shape_cast %slice3A_74 : vector<64x64xf32> to vector<1x64x64xf32>
      tpu.vector_store %arg9[%swap3A_75, %swap3A_76, %swap3A_77], %swap3A_80 {strides = array<i32>} : memref<16x128x64xf32, #tpu.memory_space<vmem>>, vector<1x64x64xf32>,
      %slice3A_81 = vector.extract_strided_slice %add3A_47 {offsets = [0, 128], sizes = [64, 64], strides = [1, 1]} : vector<64x1024xf32> to vector<64x64xf32>
      %swap3A_82 = arith.constant 2 : index
      %swap3A_83 = arith.constant 64 : index
      %swap3A_84 = arith.constant 0 : index
      %swap3A_85 = vector.load %arg9[%swap3A_82, %swap3A_83, %swap3A_84] : memref<16x128x64xf32, #tpu.memory_space<vmem>>, vector<1x64x64xf32>
      %swap3A_86 = vector.shape_cast %swap3A_85 : vector<1x64x64xf32> to vector<64x64xf32>
      %swap3A_87 = vector.shape_cast %slice3A_81 : vector<64x64xf32> to vector<1x64x64xf32>
      tpu.vector_store %arg9[%swap3A_82, %swap3A_83, %swap3A_84], %swap3A_87 {strides = array<i32>} : memref<16x128x64xf32, #tpu.memory_space<vmem>>, vector<1x64x64xf32>,
      %slice3A_88 = vector.extract_strided_slice %dot_general3A_15 {offsets = [0, 192], sizes = [64, 64], strides = [1, 1]} : vector<64x1024xf32> to vector<64x64xf32>
      %swap3A_89 = arith.constant 3 : index
      %swap3A_90 = arith.constant 0 : index
      %swap3A_91 = arith.constant 0 : index
      %swap3A_92 = vector.load %arg9[%swap3A_89, %swap3A_90, %swap3A_91] : memref<16x128x64xf32, #tpu.memory_space<vmem>>, vector<1x64x64xf32>
      %swap3A_93 = vector.shape_cast %swap3A_92 : vector<1x64x64xf32> to vector<64x64xf32>
      %swap3A_94 = vector.shape_cast %slice3A_88 : vector<64x64xf32> to vector<1x64x64xf32>
      tpu.vector_store %arg9[%swap3A_89, %swap3A_90, %swap3A_91], %swap3A_94 {strides = array<i32>} : memref<16x128x64xf32, #tpu.memory_space<vmem>>, vector<1x64x64xf32>,
      %slice3A_95 = vector.extract_strided_slice %add3A_47 {offsets = [0, 192], sizes = [64, 64], strides = [1, 1]} : vector<64x1024xf32> to vector<64x64xf32>
      %swap3A_96 = arith.constant 3 : index
      %swap3A_97 = arith.constant 64 : index
      %swap3A_98 = arith.constant 0 : index
      %swap3A_99 = vector.load %arg9[%swap3A_96, %swap3A_97, %swap3A_98] : memref<16x128x64xf32, #tpu.memory_space<vmem>>, vector<1x64x64xf32>
      %swap3A_100 = vector.shape_cast %swap3A_99 : vector<1x64x64xf32> to vector<64x64xf32>
      %swap3A_101 = vector.shape_cast %slice3A_95 : vector<64x64xf32> to vector<1x64x64xf32>
      tpu.vector_store %arg9[%swap3A_96, %swap3A_97, %swap3A_98], %swap3A_101 {strides = array<i32>} : memref<16x128x64xf32, #tpu.memory_space<vmem>>, vector<1x64x64xf32>,
      %slice3A_102 = vector.extract_strided_slice %dot_general3A_15 {offsets = [0, 256], sizes = [64, 64], strides = [1, 1]} : vector<64x1024xf32> to vector<64x64xf32>
      %swap3A_103 = arith.constant 4 : index
      %swap3A_104 = arith.constant 0 : index
      %swap3A_105 = arith.constant 0 : index
      %swap3A_106 = vector.load %arg9[%swap3A_103, %swap3A_104, %swap3A_105] : memref<16x128x64xf32, #tpu.memory_space<vmem>>, vector<1x64x64xf32>
      %swap3A_107 = vector.shape_cast %swap3A_106 : vector<1x64x64xf32> to vector<64x64xf32>
      %swap3A_108 = vector.shape_cast %slice3A_102 : vector<64x64xf32> to vector<1x64x64xf32>
      tpu.vector_store %arg9[%swap3A_103, %swap3A_104, %swap3A_105], %swap3A_108 {strides = array<i32>} : memref<16x128x64xf32, #tpu.memory_space<vmem>>, vector<1x64x64xf32>,
      %slice3A_109 = vector.extract_strided_slice %add3A_47 {offsets = [0, 256], sizes = [64, 64], strides = [1, 1]} : vector<64x1024xf32> to vector<64x64xf32>
      %swap3A_110 = arith.constant 4 : index
      %swap3A_111 = arith.constant 64 : index
      %swap3A_112 = arith.constant 0 : index
      %swap3A_113 = vector.load %arg9[%swap3A_110, %swap3A_111, %swap3A_112] : memref<16x128x64xf32, #tpu.memory_space<vmem>>, vector<1x64x64xf32>
      %swap3A_114 = vector.shape_cast %swap3A_113 : vector<1x64x64xf32> to vector<64x64xf32>
      %swap3A_115 = vector.shape_cast %slice3A_109 : vector<64x64xf32> to vector<1x64x64xf32>
      tpu.vector_store %arg9[%swap3A_110, %swap3A_111, %swap3A_112], %swap3A_115 {strides = array<i32>} : memref<16x128x64xf32, #tpu.memory_space<vmem>>, vector<1x64x64xf32>,
      %slice3A_116 = vector.extract_strided_slice %dot_general3A_15 {offsets = [0, 320], sizes = [64, 64], strides = [1, 1]} : vector<64x1024xf32> to vector<64x64xf32>
      %swap3A_117 = arith.constant 5 : index
      %swap3A_118 = arith.constant 0 : index
      %swap3A_119 = arith.constant 0 : index
      %swap3A_120 = vector.load %arg9[%swap3A_117, %swap3A_118, %swap3A_119] : memref<16x128x64xf32, #tpu.memory_space<vmem>>, vector<1x64x64xf32>
      %swap3A_121 = vector.shape_cast %swap3A_120 : vector<1x64x64xf32> to vector<64x64xf32>
      %swap3A_122 = vector.shape_cast %slice3A_116 : vector<64x64xf32> to vector<1x64x64xf32>
      tpu.vector_store %arg9[%swap3A_117, %swap3A_118, %swap3A_119], %swap3A_122 {strides = array<i32>} : memref<16x128x64xf32, #tpu.memory_space<vmem>>, vector<1x64x64xf32>,
      %slice3A_123 = vector.extract_strided_slice %add3A_47 {offsets = [0, 320], sizes = [64, 64], strides = [1, 1]} : vector<64x1024xf32> to vector<64x64xf32>
      %swap3A_124 = arith.constant 5 : index
      %swap3A_125 = arith.constant 64 : index
      %swap3A_126 = arith.constant 0 : index
      %swap3A_127 = vector.load %arg9[%swap3A_124, %swap3A_125, %swap3A_126] : memref<16x128x64xf32, #tpu.memory_space<vmem>>, vector<1x64x64xf32>
      %swap3A_128 = vector.shape_cast %swap3A_127 : vector<1x64x64xf32> to vector<64x64xf32>
      %swap3A_129 = vector.shape_cast %slice3A_123 : vector<64x64xf32> to vector<1x64x64xf32>
      tpu.vector_store %arg9[%swap3A_124, %swap3A_125, %swap3A_126], %swap3A_129 {strides = array<i32>} : memref<16x128x64xf32, #tpu.memory_space<vmem>>, vector<1x64x64xf32>,
      %slice3A_130 = vector.extract_strided_slice %dot_general3A_15 {offsets = [0, 384], sizes = [64, 64], strides = [1, 1]} : vector<64x1024xf32> to vector<64x64xf32>
      %swap3A_131 = arith.constant 6 : index
      %swap3A_132 = arith.constant 0 : index
      %swap3A_133 = arith.constant 0 : index
      %swap3A_134 = vector.load %arg9[%swap3A_131, %swap3A_132, %swap3A_133] : memref<16x128x64xf32, #tpu.memory_space<vmem>>, vector<1x64x64xf32>
      %swap3A_135 = vector.shape_cast %swap3A_134 : vector<1x64x64xf32> to vector<64x64xf32>
      %swap3A_136 = vector.shape_cast %slice3A_130 : vector<64x64xf32> to vector<1x64x64xf32>
      tpu.vector_store %arg9[%swap3A_131, %swap3A_132, %swap3A_133], %swap3A_136 {strides = array<i32>} : memref<16x128x64xf32, #tpu.memory_space<vmem>>, vector<1x64x64xf32>,
      %slice3A_137 = vector.extract_strided_slice %add3A_47 {offsets = [0, 384], sizes = [64, 64], strides = [1, 1]} : vector<64x1024xf32> to vector<64x64xf32>
      %swap3A_138 = arith.constant 6 : index
      %swap3A_139 = arith.constant 64 : index
      %swap3A_140 = arith.constant 0 : index
      %swap3A_141 = vector.load %arg9[%swap3A_138, %swap3A_139, %swap3A_140] : memref<16x128x64xf32, #tpu.memory_space<vmem>>, vector<1x64x64xf32>
      %swap3A_142 = vector.shape_cast %swap3A_141 : vector<1x64x64xf32> to vector<64x64xf32>
      %swap3A_143 = vector.shape_cast %slice3A_137 : vector<64x64xf32> to vector<1x64x64xf32>
      tpu.vector_store %arg9[%swap3A_138, %swap3A_139, %swap3A_140], %swap3A_143 {strides = array<i32>} : memref<16x128x64xf32, #tpu.memory_space<vmem>>, vector<1x64x64xf32>,
      %slice3A_144 = vector.extract_strided_slice %dot_general3A_15 {offsets = [0, 448], sizes = [64, 64], strides = [1, 1]} : vector<64x1024xf32> to vector<64x64xf32>
      %swap3A_145 = arith.constant 7 : index
      %swap3A_146 = arith.constant 0 : index
      %swap3A_147 = arith.constant 0 : index
      %swap3A_148 = vector.load %arg9[%swap3A_145, %swap3A_146, %swap3A_147] : memref<16x128x64xf32, #tpu.memory_space<vmem>>, vector<1x64x64xf32>
      %swap3A_149 = vector.shape_cast %swap3A_148 : vector<1x64x64xf32> to vector<64x64xf32>
      %swap3A_150 = vector.shape_cast %slice3A_144 : vector<64x64xf32> to vector<1x64x64xf32>
      tpu.vector_store %arg9[%swap3A_145, %swap3A_146, %swap3A_147], %swap3A_150 {strides = array<i32>} : memref<16x128x64xf32, #tpu.memory_space<vmem>>, vector<1x64x64xf32>,
      %slice3A_151 = vector.extract_strided_slice %add3A_47 {offsets = [0, 448], sizes = [64, 64], strides = [1, 1]} : vector<64x1024xf32> to vector<64x64xf32>
      %swap3A_152 = arith.constant 7 : index
      %swap3A_153 = arith.constant 64 : index
      %swap3A_154 = arith.constant 0 : index
      %swap3A_155 = vector.load %arg9[%swap3A_152, %swap3A_153, %swap3A_154] : memref<16x128x64xf32, #tpu.memory_space<vmem>>, vector<1x64x64xf32>
      %swap3A_156 = vector.shape_cast %swap3A_155 : vector<1x64x64xf32> to vector<64x64xf32>
      %swap3A_157 = vector.shape_cast %slice3A_151 : vector<64x64xf32> to vector<1x64x64xf32>
      tpu.vector_store %arg9[%swap3A_152, %swap3A_153, %swap3A_154], %swap3A_157 {strides = array<i32>} : memref<16x128x64xf32, #tpu.memory_space<vmem>>, vector<1x64x64xf32>,
      %slice3A_158 = vector.extract_strided_slice %dot_general3A_15 {offsets = [0, 512], sizes = [64, 64], strides = [1, 1]} : vector<64x1024xf32> to vector<64x64xf32>
      %swap3A_159 = arith.constant 8 : index
      %swap3A_160 = arith.constant 0 : index
      %swap3A_161 = arith.constant 0 : index
      %swap3A_162 = vector.load %arg9[%swap3A_159, %swap3A_160, %swap3A_161] : memref<16x128x64xf32, #tpu.memory_space<vmem>>, vector<1x64x64xf32>
      %swap3A_163 = vector.shape_cast %swap3A_162 : vector<1x64x64xf32> to vector<64x64xf32>
      %swap3A_164 = vector.shape_cast %slice3A_158 : vector<64x64xf32> to vector<1x64x64xf32>
      tpu.vector_store %arg9[%swap3A_159, %swap3A_160, %swap3A_161], %swap3A_164 {strides = array<i32>} : memref<16x128x64xf32, #tpu.memory_space<vmem>>, vector<1x64x64xf32>,
      %slice3A_165 = vector.extract_strided_slice %add3A_47 {offsets = [0, 512], sizes = [64, 64], strides = [1, 1]} : vector<64x1024xf32> to vector<64x64xf32>
      %swap3A_166 = arith.constant 8 : index
      %swap3A_167 = arith.constant 64 : index
      %swap3A_168 = arith.constant 0 : index
      %swap3A_169 = vector.load %arg9[%swap3A_166, %swap3A_167, %swap3A_168] : memref<16x128x64xf32, #tpu.memory_space<vmem>>, vector<1x64x64xf32>
      %swap3A_170 = vector.shape_cast %swap3A_169 : vector<1x64x64xf32> to vector<64x64xf32>
      %swap3A_171 = vector.shape_cast %slice3A_165 : vector<64x64xf32> to vector<1x64x64xf32>
      tpu.vector_store %arg9[%swap3A_166, %swap3A_167, %swap3A_168], %swap3A_171 {strides = array<i32>} : memref<16x128x64xf32, #tpu.memory_space<vmem>>, vector<1x64x64xf32>,
      %slice3A_172 = vector.extract_strided_slice %dot_general3A_15 {offsets = [0, 576], sizes = [64, 64], strides = [1, 1]} : vector<64x1024xf32> to vector<64x64xf32>
      %swap3A_173 = arith.constant 9 : index
      %swap3A_174 = arith.constant 0 : index
      %swap3A_175 = arith.constant 0 : index
      %swap3A_176 = vector.load %arg9[%swap3A_173, %swap3A_174, %swap3A_175] : memref<16x128x64xf32, #tpu.memory_space<vmem>>, vector<1x64x64xf32>
      %swap3A_177 = vector.shape_cast %swap3A_176 : vector<1x64x64xf32> to vector<64x64xf32>
      %swap3A_178 = vector.shape_cast %slice3A_172 : vector<64x64xf32> to vector<1x64x64xf32>
      tpu.vector_store %arg9[%swap3A_173, %swap3A_174, %swap3A_175], %swap3A_178 {strides = array<i32>} : memref<16x128x64xf32, #tpu.memory_space<vmem>>, vector<1x64x64xf32>,
      %slice3A_179 = vector.extract_strided_slice %add3A_47 {offsets = [0, 576], sizes = [64, 64], strides = [1, 1]} : vector<64x1024xf32> to vector<64x64xf32>
      %swap3A_180 = arith.constant 9 : index
      %swap3A_181 = arith.constant 64 : index
      %swap3A_182 = arith.constant 0 : index
      %swap3A_183 = vector.load %arg9[%swap3A_180, %swap3A_181, %swap3A_182] : memref<16x128x64xf32, #tpu.memory_space<vmem>>, vector<1x64x64xf32>
      %swap3A_184 = vector.shape_cast %swap3A_183 : vector<1x64x64xf32> to vector<64x64xf32>
      %swap3A_185 = vector.shape_cast %slice3A_179 : vector<64x64xf32> to vector<1x64x64xf32>
      tpu.vector_store %arg9[%swap3A_180, %swap3A_181, %swap3A_182], %swap3A_185 {strides = array<i32>} : memref<16x128x64xf32, #tpu.memory_space<vmem>>, vector<1x64x64xf32>,
      %slice3A_186 = vector.extract_strided_slice %dot_general3A_15 {offsets = [0, 640], sizes = [64, 64], strides = [1, 1]} : vector<64x1024xf32> to vector<64x64xf32>
      %swap3A_187 = arith.constant 10 : index
      %swap3A_188 = arith.constant 0 : index
      %swap3A_189 = arith.constant 0 : index
      %swap3A_190 = vector.load %arg9[%swap3A_187, %swap3A_188, %swap3A_189] : memref<16x128x64xf32, #tpu.memory_space<vmem>>, vector<1x64x64xf32>
      %swap3A_191 = vector.shape_cast %swap3A_190 : vector<1x64x64xf32> to vector<64x64xf32>
      %swap3A_192 = vector.shape_cast %slice3A_186 : vector<64x64xf32> to vector<1x64x64xf32>
      tpu.vector_store %arg9[%swap3A_187, %swap3A_188, %swap3A_189], %swap3A_192 {strides = array<i32>} : memref<16x128x64xf32, #tpu.memory_space<vmem>>, vector<1x64x64xf32>,
      %slice3A_193 = vector.extract_strided_slice %add3A_47 {offsets = [0, 640], sizes = [64, 64], strides = [1, 1]} : vector<64x1024xf32> to vector<64x64xf32>
      %swap3A_194 = arith.constant 10 : index
      %swap3A_195 = arith.constant 64 : index
      %swap3A_196 = arith.constant 0 : index
      %swap3A_197 = vector.load %arg9[%swap3A_194, %swap3A_195, %swap3A_196] : memref<16x128x64xf32, #tpu.memory_space<vmem>>, vector<1x64x64xf32>
      %swap3A_198 = vector.shape_cast %swap3A_197 : vector<1x64x64xf32> to vector<64x64xf32>
      %swap3A_199 = vector.shape_cast %slice3A_193 : vector<64x64xf32> to vector<1x64x64xf32>
      tpu.vector_store %arg9[%swap3A_194, %swap3A_195, %swap3A_196], %swap3A_199 {strides = array<i32>} : memref<16x128x64xf32, #tpu.memory_space<vmem>>, vector<1x64x64xf32>,
      %slice3A_200 = vector.extract_strided_slice %dot_general3A_15 {offsets = [0, 704], sizes = [64, 64], strides = [1, 1]} : vector<64x1024xf32> to vector<64x64xf32>
      %swap3A_201 = arith.constant 11 : index
      %swap3A_202 = arith.constant 0 : index
      %swap3A_203 = arith.constant 0 : index
      %swap3A_204 = vector.load %arg9[%swap3A_201, %swap3A_202, %swap3A_203] : memref<16x128x64xf32, #tpu.memory_space<vmem>>, vector<1x64x64xf32>
      %swap3A_205 = vector.shape_cast %swap3A_204 : vector<1x64x64xf32> to vector<64x64xf32>
      %swap3A_206 = vector.shape_cast %slice3A_200 : vector<64x64xf32> to vector<1x64x64xf32>
      tpu.vector_store %arg9[%swap3A_201, %swap3A_202, %swap3A_203], %swap3A_206 {strides = array<i32>} : memref<16x128x64xf32, #tpu.memory_space<vmem>>, vector<1x64x64xf32>,
      %slice3A_207 = vector.extract_strided_slice %add3A_47 {offsets = [0, 704], sizes = [64, 64], strides = [1, 1]} : vector<64x1024xf32> to vector<64x64xf32>
      %swap3A_208 = arith.constant 11 : index
      %swap3A_209 = arith.constant 64 : index
      %swap3A_210 = arith.constant 0 : index
      %swap3A_211 = vector.load %arg9[%swap3A_208, %swap3A_209, %swap3A_210] : memref<16x128x64xf32, #tpu.memory_space<vmem>>, vector<1x64x64xf32>
      %swap3A_212 = vector.shape_cast %swap3A_211 : vector<1x64x64xf32> to vector<64x64xf32>
      %swap3A_213 = vector.shape_cast %slice3A_207 : vector<64x64xf32> to vector<1x64x64xf32>
      tpu.vector_store %arg9[%swap3A_208, %swap3A_209, %swap3A_210], %swap3A_213 {strides = array<i32>} : memref<16x128x64xf32, #tpu.memory_space<vmem>>, vector<1x64x64xf32>,
      %slice3A_214 = vector.extract_strided_slice %dot_general3A_15 {offsets = [0, 768], sizes = [64, 64], strides = [1, 1]} : vector<64x1024xf32> to vector<64x64xf32>
      %swap3A_215 = arith.constant 12 : index
      %swap3A_216 = arith.constant 0 : index
      %swap3A_217 = arith.constant 0 : index
      %swap3A_218 = vector.load %arg9[%swap3A_215, %swap3A_216, %swap3A_217] : memref<16x128x64xf32, #tpu.memory_space<vmem>>, vector<1x64x64xf32>
      %swap3A_219 = vector.shape_cast %swap3A_218 : vector<1x64x64xf32> to vector<64x64xf32>
      %swap3A_220 = vector.shape_cast %slice3A_214 : vector<64x64xf32> to vector<1x64x64xf32>
      tpu.vector_store %arg9[%swap3A_215, %swap3A_216, %swap3A_217], %swap3A_220 {strides = array<i32>} : memref<16x128x64xf32, #tpu.memory_space<vmem>>, vector<1x64x64xf32>,
      %slice3A_221 = vector.extract_strided_slice %add3A_47 {offsets = [0, 768], sizes = [64, 64], strides = [1, 1]} : vector<64x1024xf32> to vector<64x64xf32>
      %swap3A_222 = arith.constant 12 : index
      %swap3A_223 = arith.constant 64 : index
      %swap3A_224 = arith.constant 0 : index
      %swap3A_225 = vector.load %arg9[%swap3A_222, %swap3A_223, %swap3A_224] : memref<16x128x64xf32, #tpu.memory_space<vmem>>, vector<1x64x64xf32>
      %swap3A_226 = vector.shape_cast %swap3A_225 : vector<1x64x64xf32> to vector<64x64xf32>
      %swap3A_227 = vector.shape_cast %slice3A_221 : vector<64x64xf32> to vector<1x64x64xf32>
      tpu.vector_store %arg9[%swap3A_222, %swap3A_223, %swap3A_224], %swap3A_227 {strides = array<i32>} : memref<16x128x64xf32, #tpu.memory_space<vmem>>, vector<1x64x64xf32>,
      %slice3A_228 = vector.extract_strided_slice %dot_general3A_15 {offsets = [0, 832], sizes = [64, 64], strides = [1, 1]} : vector<64x1024xf32> to vector<64x64xf32>
      %swap3A_229 = arith.constant 13 : index
      %swap3A_230 = arith.constant 0 : index
      %swap3A_231 = arith.constant 0 : index
      %swap3A_232 = vector.load %arg9[%swap3A_229, %swap3A_230, %swap3A_231] : memref<16x128x64xf32, #tpu.memory_space<vmem>>, vector<1x64x64xf32>
      %swap3A_233 = vector.shape_cast %swap3A_232 : vector<1x64x64xf32> to vector<64x64xf32>
      %swap3A_234 = vector.shape_cast %slice3A_228 : vector<64x64xf32> to vector<1x64x64xf32>
      tpu.vector_store %arg9[%swap3A_229, %swap3A_230, %swap3A_231], %swap3A_234 {strides = array<i32>} : memref<16x128x64xf32, #tpu.memory_space<vmem>>, vector<1x64x64xf32>,
      %slice3A_235 = vector.extract_strided_slice %add3A_47 {offsets = [0, 832], sizes = [64, 64], strides = [1, 1]} : vector<64x1024xf32> to vector<64x64xf32>
      %swap3A_236 = arith.constant 13 : index
      %swap3A_237 = arith.constant 64 : index
      %swap3A_238 = arith.constant 0 : index
      %swap3A_239 = vector.load %arg9[%swap3A_236, %swap3A_237, %swap3A_238] : memref<16x128x64xf32, #tpu.memory_space<vmem>>, vector<1x64x64xf32>
      %swap3A_240 = vector.shape_cast %swap3A_239 : vector<1x64x64xf32> to vector<64x64xf32>
      %swap3A_241 = vector.shape_cast %slice3A_235 : vector<64x64xf32> to vector<1x64x64xf32>
      tpu.vector_store %arg9[%swap3A_236, %swap3A_237, %swap3A_238], %swap3A_241 {strides = array<i32>} : memref<16x128x64xf32, #tpu.memory_space<vmem>>, vector<1x64x64xf32>,
      %slice3A_242 = vector.extract_strided_slice %dot_general3A_15 {offsets = [0, 896], sizes = [64, 64], strides = [1, 1]} : vector<64x1024xf32> to vector<64x64xf32>
      %swap3A_243 = arith.constant 14 : index
      %swap3A_244 = arith.constant 0 : index
      %swap3A_245 = arith.constant 0 : index
      %swap3A_246 = vector.load %arg9[%swap3A_243, %swap3A_244, %swap3A_245] : memref<16x128x64xf32, #tpu.memory_space<vmem>>, vector<1x64x64xf32>
      %swap3A_247 = vector.shape_cast %swap3A_246 : vector<1x64x64xf32> to vector<64x64xf32>
      %swap3A_248 = vector.shape_cast %slice3A_242 : vector<64x64xf32> to vector<1x64x64xf32>
      tpu.vector_store %arg9[%swap3A_243, %swap3A_244, %swap3A_245], %swap3A_248 {strides = array<i32>} : memref<16x128x64xf32, #tpu.memory_space<vmem>>, vector<1x64x64xf32>,
      %slice3A_249 = vector.extract_strided_slice %add3A_47 {offsets = [0, 896], sizes = [64, 64], strides = [1, 1]} : vector<64x1024xf32> to vector<64x64xf32>
      %swap3A_250 = arith.constant 14 : index
      %swap3A_251 = arith.constant 64 : index
      %swap3A_252 = arith.constant 0 : index
      %swap3A_253 = vector.load %arg9[%swap3A_250, %swap3A_251, %swap3A_252] : memref<16x128x64xf32, #tpu.memory_space<vmem>>, vector<1x64x64xf32>
      %swap3A_254 = vector.shape_cast %swap3A_253 : vector<1x64x64xf32> to vector<64x64xf32>
      %swap3A_255 = vector.shape_cast %slice3A_249 : vector<64x64xf32> to vector<1x64x64xf32>
      tpu.vector_store %arg9[%swap3A_250, %swap3A_251, %swap3A_252], %swap3A_255 {strides = array<i32>} : memref<16x128x64xf32, #tpu.memory_space<vmem>>, vector<1x64x64xf32>,
      %slice3A_256 = vector.extract_strided_slice %dot_general3A_15 {offsets = [0, 960], sizes = [64, 64], strides = [1, 1]} : vector<64x1024xf32> to vector<64x64xf32>
      %swap3A_257 = arith.constant 15 : index
      %swap3A_258 = arith.constant 0 : index
      %swap3A_259 = arith.constant 0 : index
      %swap3A_260 = vector.load %arg9[%swap3A_257, %swap3A_258, %swap3A_259] : memref<16x128x64xf32, #tpu.memory_space<vmem>>, vector<1x64x64xf32>
      %swap3A_261 = vector.shape_cast %swap3A_260 : vector<1x64x64xf32> to vector<64x64xf32>
      %swap3A_262 = vector.shape_cast %slice3A_256 : vector<64x64xf32> to vector<1x64x64xf32>
      tpu.vector_store %arg9[%swap3A_257, %swap3A_258, %swap3A_259], %swap3A_262 {strides = array<i32>} : memref<16x128x64xf32, #tpu.memory_space<vmem>>, vector<1x64x64xf32>,
      %slice3A_263 = vector.extract_strided_slice %add3A_47 {offsets = [0, 960], sizes = [64, 64], strides = [1, 1]} : vector<64x1024xf32> to vector<64x64xf32>
      %swap3A_264 = arith.constant 15 : index
      %swap3A_265 = arith.constant 64 : index
      %swap3A_266 = arith.constant 0 : index
      %swap3A_267 = vector.load %arg9[%swap3A_264, %swap3A_265, %swap3A_266] : memref<16x128x64xf32, #tpu.memory_space<vmem>>, vector<1x64x64xf32>
      %swap3A_268 = vector.shape_cast %swap3A_267 : vector<1x64x64xf32> to vector<64x64xf32>
      %swap3A_269 = vector.shape_cast %slice3A_263 : vector<64x64xf32> to vector<1x64x64xf32>
      tpu.vector_store %arg9[%swap3A_264, %swap3A_265, %swap3A_266], %swap3A_269 {strides = array<i32>} : memref<16x128x64xf32, #tpu.memory_space<vmem>>, vector<1x64x64xf32>,
    } else {
    }
    return
  }
  func.func @transform_0(%arg0: i32) -> (i32, i32) {
    %c0_i32 = arith.constant 0 : i32
    %c0_i32_0 = arith.constant 0 : i32
    %c0_i32_1 = arith.constant 0 : i32
    return %c0_i32, %c0_i32_0 : i32, i32
  }
  func.func @transform_1(%arg0: i32) -> (i32, i32) {
    %min3A = arith.constant 3 : i32
    %min3A_0 = arith.minsi %arg0, %min3A : i32
    %c0_i32 = arith.constant 0 : i32
    %c0_i32_1 = arith.constant 0 : i32
    return %min3A_0, %c0_i32 : i32, i32
  }
  func.func @transform_2(%arg0: i32) -> (i32, i32) {
    %sub3A = arith.constant 4 : i32
    %sub3A_0 = arith.subi %arg0, %sub3A : i32
    %max3A = arith.constant 0 : i32
    %max3A_1 = arith.maxsi %sub3A_0, %max3A : i32
    %c0_i32 = arith.constant 0 : i32
    %c0_i32_2 = arith.constant 0 : i32
    return %max3A_1, %c0_i32 : i32, i32
  }
  func.func @transform_3(%arg0: i32) -> (i32, i32) {
    %c0_i32 = arith.constant 0 : i32
    %c0_i32_0 = arith.constant 0 : i32
    %c0_i32_1 = arith.constant 0 : i32
    return %c0_i32, %c0_i32_0 : i32, i32
  }
  func.func @transform_4(%arg0: i32) -> (i32, i32) {
    %c0_i32 = arith.constant 0 : i32
    %c0_i32_0 = arith.constant 0 : i32
    %c0_i32_1 = arith.constant 0 : i32
    return %c0_i32, %c0_i32_0 : i32, i32
  }
  func.func @transform_5(%arg0: i32) -> (i32, i32) {
    %c0_i32 = arith.constant 0 : i32
    %c0_i32_0 = arith.constant 0 : i32
    %c0_i32_1 = arith.constant 0 : i32
    return %c0_i32, %c0_i32_0 : i32, i32
  }
  func.func @transform_6(%arg0: i32) -> (i32, i32) {
    %c0_i32 = arith.constant 0 : i32
    %c0_i32_0 = arith.constant 0 : i32
    %c0_i32_1 = arith.constant 0 : i32
    return %c0_i32, %c0_i32_0 : i32, i32
  }
  func.func @transform_7(%arg0: i32) -> (i32, i32) {
    %c0_i32 = arith.constant 0 : i32
    %c0_i32_0 = arith.constant 0 : i32
    %c0_i32_1 = arith.constant 0 : i32
    return %c0_i32, %c0_i32_0 : i32, i32
  }
  func.func @transform_8(%arg0: i32) -> (i32, i32, i32) {
    %sub3A = arith.constant 4 : i32
    %sub3A_0 = arith.subi %arg0, %sub3A : i32
    %max3A = arith.constant 0 : i32
    %max3A_1 = arith.maxsi %sub3A_0, %max3A : i32
    %c0_i32 = arith.constant 0 : i32
    %c0_i32_2 = arith.constant 0 : i32
    %c0_i32_3 = arith.constant 0 : i32
    return %max3A_1, %c0_i32, %c0_i32_2 : i32, i32, i32
  }
}

</mosaic_0001>

<sc_bundles>
// kernel: kernel.4.cloned.1.call-start
scs
__scs_entry_jumppad:
0x0: {  	(pc) =	sbr.rel $0x88, $3  }
0x1: {  	(tag) =	ssettag $0x0;
	lr =	simm.s32 $0x1  }
0x2: {  	[smem:$0x3F99] =	sst lr;
	_ =	strace $0xD0000000  }
0x3: {  	_ = 	snop  }
0x4: {  	_ = 	snop  }
0x5: {  	_ = 	snop  }
0x6: {  	_ = 	snop  }
0x7: {  	_ = 	snop  }
__scs_overlays_trampoline_lowered:
0x8: {  	[smem:$0x3FA8] =	sst s0  }
0x9: {  	[smem:$0x3FA9] =	sst s1  }
0xa: {  	[smem:$0x3FAA] =	sst s2  }
0xb: {  	[smem:$0x3FAB] =	sst s3  }
0xc: {  	[smem:$0x3FAC] =	sst s4  }
0xd: {  	[smem:$0x3FAD] =	sst s5  }
0xe: {  	[smem:$0x3FAE] =	sst s6  }
0xf: {  	[smem:$0x3FAF] =	sst s7  }
0x10: {  	[smem:$0x3FB0] =	sst s8  }
0x11: {  	[smem:$0x3FB1] =	sst s9;
	s0 =	simm.s32 @!p0 $0x0  }
0x12: {  	s1 =	sld [smem:$0x3F97];
	s0 =	simm.s32 @p0 $0x1  }
0x13: {  	[smem:$0x3FB2] =	sst s0;
	s0 =	simm.s32 @!p1 $0x0  }
0x14: {  	s2 =	sld [smem:$0x3F96];
	s0 =	simm.s32 @p1 $0x1  }
0x15: {  	[smem:$0x3FB3] =	sst s0;
	s0 =	simm.s32 @!p2 $0x0  }
0x16: {  	s3 =	sld [smem:$0x3FDB];
	s0 =	simm.s32 @p2 $0x1  }
0x17: {  	s4 =	simm.s32 $0x1BF5;
	[smem:$0x3FB5] =	sst s0  }
0x18: {  	s0 =	sld [smem:$0x3F98];
	_ =	swait.ge [sflag:s4], $0x0  }
0x19: {  	s7 =	sld [smem:$0x3F99]  }
0x1a: {  	s8 =	sadd.s32 $0xFFFFE003, lr  }
0x1b: {  	s9 =	sadd.s32 $0xFFFFFEF7, lr;
	s5 =	simm.s32 $0xFFFFFFFF;
	p2 =	slt.u32 s8, $0xFFFFF086  }
0x1c: {  	p1 =	slt.u32 s9, $0xF7A;
	s5 =	simm.s32 @!p2 $0x0  }
0x1d: {  	s5 =	simm.s32 @p1 $0x1;
	p0 =	seq.s32 s7, s2  }
0x1e: {  	s7 =	smul.u32 @!p0 $0xF7A, s2;
	p2 =	seq.s32 @!p0 s5, $0x0  }
0x1f: {  	s9 =	smul.u32 $0xF7A, s1;
	s8 =	simm.s32 @!p0 $0x1BF5;
	p2 =	por !p2, p0  }
0x20: {  	[sflag:s8] =	ssyncset.s32 @!p0 $0xFFFFF086;
	s6 =	sadd.s32 @!p0 s3, s7;
	s7 =	simm.s32 @!p0 $0x108  }
0x21: {  	s3 =	sadd.s32 s3, s9;
	s6 =	sadd.s32 @!p0 $0x88, s6;
	s7 =	simm.s32 @p2 $0x1082  }
0x22: {  	[simem:s7], [sflag:s8] =	dma.local @!p0 [hbm:s6], $0xF7A  }
0x23: {  	s9 =	sor.u32 $0xD0000000, s2;
	s6 =	simm.s32 $0x108;
	_ =	swait.ge @!p0 [sflag:s8], $0x0  }
0x24: {  	s3 =	sadd.s32 $0x88, s3;
	s6 =	simm.s32 @!p1 $0x1082;
	[sflag:s4] =	ssyncset.s32 $0xFFFFF086  }
0x25: {  	[simem:s6], [sflag:s4] =	dma.local [hbm:s3], $0xF7A  }
0x26: {  	[smem:$0x3F99] =	sst s1;
	(tag) =	ssettag s2;
	_ =	strace s9  }
0x27: {  	s1 =	sld [smem:$0x3FA9]  }
0x28: {  	s2 =	sld [smem:$0x3FAA]  }
0x29: {  	s4 =	sld [smem:$0x3FAC]  }
0x2a: {  	p0 =	seq.s32 s5, $0x0;
	s5 =	sld [smem:$0x3FAD]  }
0x2b: {  	s6 =	sld [smem:$0x3FAE]  }
0x2c: {  	s7 =	sld [smem:$0x3FAF]  }
0x2d: {  	s3 =	simm.s32 $0x108;
	s8 =	sld [smem:$0x3FB0]  }
0x2e: {  	s3 =	simm.s32 @!p0 $0x1082;
	s9 =	sld [smem:$0x3FB1]  }
0x2f: {  	lr =	sadd.s32 s0, s3;
	s0 =	sld [smem:$0x3FA8]  }
0x30: {  	s3 =	sld [smem:$0x3FAB]  }
0x31: {  	[smem:$0x3FB4] =	sst s10  }
0x32: {  	s10 =	sld [smem:$0x3FB2];
	_ =	sdelay $0x3  }
0x33: {  	p0 =	seq.s32 s10, $0x1;
	s10 =	sld [smem:$0x3FB4];
	_ =	sdelay $0x3  }
0x34: {  	[smem:$0x3FB4] =	sst s10  }
0x35: {  	s10 =	sld [smem:$0x3FB3];
	_ =	sdelay $0x3  }
0x36: {  	p1 =	seq.s32 s10, $0x1;
	s10 =	sld [smem:$0x3FB4];
	_ =	sdelay $0x3  }
0x37: {  	[smem:$0x3FB4] =	sst s10  }
0x38: {  	s10 =	sld [smem:$0x3FB5]  }
0x39: {  	_ = 	snop;
	(pc) =	sbr.ind lr, $3  }
0x3a: {  	_ = 	snop  }
0x3b: {  	_ = 	snop  }
0x3c: {  	p2 =	seq.s32 s10, $0x1;
	s10 =	sld [smem:$0x3FB4]  }
0x3d: {  	_ =	shalt  }
0x3e: {  	_ =	shalt  }
0x3f: {  	_ =	shalt  }
0x40: {  	_ =	shalt  }
0x41: {  	_ =	shalt  }
0x42: {  	_ =	shalt  }
0x43: {  	_ =	shalt  }
0x44: {  	_ =	shalt  }
0x45: {  	_ =	shalt  }
0x46: {  	_ =	shalt  }
0x47: {  	_ =	shalt  }
0x48: {  	_ =	shalt  }
0x49: {  	_ =	shalt  }
0x4a: {  	_ =	shalt  }
0x4b: {  	_ =	shalt  }
0x4c: {  	_ =	shalt  }
0x4d: {  	_ =	shalt  }
0x4e: {  	_ =	shalt  }
0x4f: {  	_ =	shalt  }
0x50: {  	_ =	shalt  }
0x51: {  	_ =	shalt  }
0x52: {  	_ =	shalt  }
0x53: {  	_ =	shalt  }
0x54: {  	_ =	shalt  }
0x55: {  	_ =	shalt  }
0x56: {  	_ =	shalt  }
0x57: {  	_ =	shalt  }
0x58: {  	_ =	shalt  }
0x59: {  	_ =	shalt  }
0x5a: {  	_ =	shalt  }
0x5b: {  	_ =	shalt  }
0x5c: {  	_ =	shalt  }
0x5d: {  	_ =	shalt  }
0x5e: {  	_ =	shalt  }
0x5f: {  	_ =	shalt  }
0x60: {  	_ =	shalt  }
0x61: {  	_ =	shalt  }
0x62: {  	_ =	shalt  }
0x63: {  	_ =	shalt  }
0x64: {  	_ =	shalt  }
0x65: {  	_ =	shalt  }
0x66: {  	_ =	shalt  }
0x67: {  	_ =	shalt  }
0x68: {  	_ =	shalt  }
0x69: {  	_ =	shalt  }
0x6a: {  	_ =	shalt  }
0x6b: {  	_ =	shalt  }
0x6c: {  	_ =	shalt  }
0x6d: {  	_ =	shalt  }
0x6e: {  	_ =	shalt  }
0x6f: {  	_ =	shalt  }
0x70: {  	_ =	shalt  }
0x71: {  	_ =	shalt  }
0x72: {  	_ =	shalt  }
0x73: {  	_ =	shalt  }
0x74: {  	_ =	shalt  }
0x75: {  	_ =	shalt  }
0x76: {  	_ =	shalt  }
0x77: {  	_ =	shalt  }
0x78: {  	_ =	shalt  }
0x79: {  	_ =	shalt  }
0x7a: {  	_ =	shalt  }
0x7b: {  	_ =	shalt  }
0x7c: {  	_ =	shalt  }
0x7d: {  	_ =	shalt  }
0x7e: {  	_ =	shalt  }
0x7f: {  	_ =	shalt  }
0x80: {  	_ =	shalt  }
0x81: {  	_ =	shalt  }
0x82: {  	_ =	shalt  }
0x83: {  	_ =	shalt  }
0x84: {  	_ =	shalt  }
0x85: {  	_ =	shalt  }
0x86: {  	_ =	shalt  }
0x87: {  	_ =	shalt  }
.Lfunc_end0:
.L_simem_size_0:
called_computation_lowered:
.L_overlay_start_0:
0x88: {  	s2 =	sld [smem:$0x3FD9]  }
0x89: {  	s3 =	sld [smem:$0x3FFE];
	_ =	sdelay $0x1  }
0x8a: {  	s1 =	srdreg.scid  }
0x8b: {  	s0 =	sand.u32 $0x1, s1  }
0x8c: {  	s17 =	sshll.u32 s0, $0xA;
	s2 =	sadd.s32 s3, s2  }
0x8d: {  	s2 =	sadd.s32 s2, s17  }
0x8e: {  	[smem:$0x3FC0] =	sst s2  }
0x8f: {  	_ = 	snop  }
0x90: {  	s2 =	sld [smem:$0x3FD0];
	(tm) =	ssettm $0x1  }
0x91: {  	s18 =	sld [smem:$0x3FFB];
	_ =	sdelay $0x3  }
0x92: {  	_ =	strace s18  }
0x93: {  	s3 =	sld [smem:$0x3FFC];
	_ =	sdelay $0x3  }
0x94: {  	_ =	strace s3  }
0x95: {  	s3 =	sld [smem:$0x3FFD];
	_ =	sdelay $0x3  }
0x96: {  	_ =	strace s3  }
0x97: {  	_ =	strace $0x8FFFFFFF  }
0x98: {  	s19 =	sld [smem:$0x3FDB];
	_ =	sdelay $0x1  }
0x99: {  	s4 =	simm.s32 $_scs_section_size  }
0x9a: {  	s5 =	simm.s32 $_size__tile_overlayer_lowered;
	s6 =	simm.s32 $_tile_overlayer_lowered  }
0x9b: {  	s22 =	simm.s32 $0x1BFF;
	s21 =	sshll.u32 s6, $0x1;
	s3 =	sadd.s32 s4, s19  }
0x9c: {  	s7 =	simm.s32 $0x0;
	s20 =	sshll.u32 s5, $0x1;
	s5 =	sadd.s32 s21, s3  }
0x9d: {  	[timem:s7], [sflag:s22] =	dma.local [hbm:s5], s20  }
0x9e: {  	_ =	swait.ge [sflag:s22], s20  }
0x9f: {  	s4 =	ssub.s32 $0x0, s20;
	[sflag:s22] =	ssyncset.done $0x0  }
0xa0: {  	[sflag:s22] =	ssyncadd.s32 s4;
	_ =	sdelay $0x1  }
0xa1: {  	s23 =	simm.s32 $0x1B8B  }
0xa2: {  	_ =	swait.ge [sflag:s23], $0x1  }
0xa3: {  	[sflag:s23] =	ssyncset.done $0x0  }
0xa4: {  	s25 =	simm.s32 $0x1B8E;
	s24 =	sld [smem:$0x3FFE];
	[sflag:s23] =	ssyncadd.s32 $0xFFFFFFFF  }
0xa5: {  	s26 =	simm.s32 $execute0_lowered;
	[smem:$0x3FD2] =	sst s25  }
0xa6: {  	s5 =	sshll.u32 s26, $0x1;
	_ =	strace $0x80000046;
	[dreg:$0x1] =	wrdreg $0xFFFFFFFF  }
0xa7: {  	s28 =	simm.s32 $_size_execute0_lowered;
	s3 =	sadd.s32 s3, s5;
	[dreg:$0x0] =	wrdreg $0x0  }
0xa8: {  	s5 =	sshll.u32 s28, $0x1;
	[dreg:$0x2] =	wrdreg s3  }
0xa9: {  	[dreg:$0x3] =	wrdreg s5  }
0xaa: {  	[dreg:$0x4] =	wrdreg $0xC0  }
0xab: {  	_ =	task [dreg:s7], $0x5FFFF  }
0xac: {  	[dreg:$0x1] =	wrdreg $0xFFFFFFFF  }
0xad: {  	[dreg:$0x0] =	wrdreg $0x60  }
0xae: {  	[dreg:$0x2] =	wrdreg s24  }
0xaf: {  	[dreg:$0x3] =	wrdreg s2  }
0xb0: {  	[dreg:$0x4] =	wrdreg $0x9  }
0xb1: {  	_ =	task.clear_ibuf [dreg:s7], $0x5FFFF;
	_ =	strace $0x90000046  }
0xb2: {  	s29 =	simm.s32 $0x9;
	_ =	strace $0x80000048  }
0xb3: {  	_ =	swait.ge [sflag:s29], $0x1  }
0xb4: {  	[sflag:s29] =	ssyncadd.s32 $0xFFFFFFFF  }
0xb5: {  	_ =	strace $0x90000048  }
0xb6: {  	_ =	sfence  }
0xb7: {  	s30 =	sld [smem:$0x0];
	_ =	sdelay $0x2  }
0xb8: {  	s31 =	sshll.u32 s1, $0xD;
	s1 =	sshrl.u32 s1, $0x2  }
0xb9: {  	s3 =	sand.u32 $0x4000, s31;
	s1 =	sadd.s32 s1, s30  }
0xba: {  	s0 =	sor.u32 s3, s0;
	s1 =	sshll.u32 s1, $0x11  }
0xbb: {  	s0 =	sor.u32 s1, s0  }
0xbc: {  	s0 =	sadd.s32 $0x8F2B, s0  }
0xbd: {  	[sflag:s0] =	ssyncadd.remote.s32 $0x1  }
0xbe: {  	_ =	sfence.sel $0xFFFF  }
0xbf: {  	[dreg:$0x0] =	wrdreg $0xFFFFFFFF;
	(pc) =	sbr.abs _section_cstart, $3  }
0xc0: {  	[dreg:$0x1] =	wrdreg $0xFFFFFFFF  }
0xc1: {  	_ =	task.clear_ibuf [dreg:s7], $0x2FFFF;
	_ =	strace $0x9FFFFFFF  }
0xc2: {  	(tm) =	ssettm $0x7FFFFFFF  }
0xc3: {  	_ =	shalt  }
tec
execute0_lowered:
.L_overlay_start_1:
0x0: {  	(tag) =	ssettag $0x1  }
0x1: {  	s3 =	rddreg [dreg:$0x0]  }
0x2: {  	s4 =	rddreg [dreg:$0x1]  }
0x3: {  	s0 =	rddreg [dreg:$0x2]  }
0x4: {  	s5 =	srdreg.scid;
	s1 =	stileid.u32  }
0x5: {  	s2 =	simm.s32 $0x0;
	s5 =	sand.u32 $0x1, s5;
	s6 =	sshll.u32 s1, $0x1  }
0x6: {  	[smem:$0x7FF] =	sst s2;
	s6 =	sor.u32 s5, s6  }
0x7: {  	_ =	strace $0x80000047;
	s5 =	ssub.s32 $0x2, s5;
	s7 =	sshll.u32 s6, $0xB  }
0x8: {  	s31 =	sshrl.u32 s5, $0x1;
	s6 =	sshll.u32 s6, $0x3;
	s3 =	sadd.s32 s7, s3  }
0x9: {  	s5 =	ssub.s32 s5, s31;
	s4 =	sadd.s32 s4, s6;
	s6 =	simm.s32 $0x1  }
0xa: {  	s7 =	simm.s32 $0x4000;
	s3 =	sadd.s32 $0x1000, s3;
	s5 =	smax.u32 s5, $0x1  }
.LBB2_1:
0xb: {  	[tilespmem:s2], [sflag:$0x1] =	stream.linear.gather [hbm4b:s3+s2], $0x4000, $0x38;
	[tilespmem:$0x4080] =	vst v63  }
0xc: {  	_ =	swait.ge [sflag:s6], $0x4000  }
0xd: {  	[sflag:s6] =	ssyncset.done $0x0  }
0xe: {  	[sflag:s6] =	ssyncadd.s32 $0xFFFFC000  }
0xf: {  	v1 =	vld [tilespmem:$0x0]  }
0x10: {  	v0 =	vld [tilespmem:$0x2000]  }
0x11: {  	v6 =	vld [tilespmem:$0x80]  }
0x12: {  	v47 =	vld [tilespmem:$0x2080]  }
0x13: {  	v7 =	vld [tilespmem:$0x100]  }
0x14: {  	v48 =	vld [tilespmem:$0x2100]  }
0x15: {  	v9 =	vld [tilespmem:$0x180]  }
0x16: {  	v49 =	vld [tilespmem:$0x2180]  }
0x17: {  	v10 =	vld [tilespmem:$0x200]  }
0x18: {  	v50 =	vld [tilespmem:$0x2200]  }
0x19: {  	v11 =	vld [tilespmem:$0x280]  }
0x1a: {  	v51 =	vld [tilespmem:$0x2280]  }
0x1b: {  	v13 =	vld [tilespmem:$0x300]  }
0x1c: {  	v52 =	vld [tilespmem:$0x2300]  }
0x1d: {  	v14 =	vld [tilespmem:$0x380]  }
0x1e: {  	v53 =	vld [tilespmem:$0x2380]  }
0x1f: {  	v15 =	vld [tilespmem:$0x400]  }
0x20: {  	v54 =	vld [tilespmem:$0x2400]  }
0x21: {  	v17 =	vld [tilespmem:$0x480]  }
0x22: {  	v55 =	vld [tilespmem:$0x2480]  }
0x23: {  	v18 =	vld [tilespmem:$0x500]  }
0x24: {  	v56 =	vld [tilespmem:$0x2500]  }
0x25: {  	v19 =	vld [tilespmem:$0x580]  }
0x26: {  	v57 =	vld [tilespmem:$0x2580]  }
0x27: {  	v21 =	vld [tilespmem:$0x600]  }
0x28: {  	v58 =	vld [tilespmem:$0x2600]  }
0x29: {  	v22 =	vld [tilespmem:$0x680]  }
0x2a: {  	v59 =	vld [tilespmem:$0x2680]  }
0x2b: {  	v23 =	vld [tilespmem:$0x700]  }
0x2c: {  	v60 =	vld [tilespmem:$0x2700]  }
0x2d: {  	v61 =	vld [tilespmem:$0x2780]  }
0x2e: {  	v62 =	vld [tilespmem:$0x2800]  }
0x2f: {  	v63 =	vld [tilespmem:$0x2880]  }
0x30: {  	v4 =	vld [tilespmem:$0x2900]  }
0x31: {  	v5 =	vld [tilespmem:$0x2980]  }
0x32: {  	v8 =	vld [tilespmem:$0x2A00]  }
0x33: {  	v12 =	vld [tilespmem:$0x2A80]  }
0x34: {  	v16 =	vld [tilespmem:$0x2B00]  }
0x35: {  	v27 =	vld [tilespmem:$0xB80]  }
0x36: {  	v20 =	vld [tilespmem:$0x2B80]  }
0x37: {  	v29 =	vld [tilespmem:$0xC00]  }
0x38: {  	v24 =	vld [tilespmem:$0x2C00]  }
0x39: {  	v31 =	vld [tilespmem:$0xC80];
	[tilespmem:$0x1E9D0] =	vst v0  }
0x3a: {  	v25 =	vld [tilespmem:$0x2C80];
	[tilespmem:$0x1E9E0] =	vst v47  }
0x3b: {  	v32 =	vld [tilespmem:$0xD00];
	[tilespmem:$0x1E9F0] =	vst v48  }
0x3c: {  	v26 =	vld [tilespmem:$0x2D00];
	[tilespmem:$0x1EA00] =	vst v49  }
0x3d: {  	v34 =	vld [tilespmem:$0xD80];
	[tilespmem:$0x1EA10] =	vst v50  }
0x3e: {  	v28 =	vld [tilespmem:$0x2D80];
	[tilespmem:$0x1EA20] =	vst v51  }
0x3f: {  	v36 =	vld [tilespmem:$0xE00];
	[tilespmem:$0x1EA40] =	vst v52  }
0x40: {  	v30 =	vld [tilespmem:$0x2E00];
	[tilespmem:$0x1EA60] =	vst v53  }
0x41: {  	v38 =	vld [tilespmem:$0xE80];
	[tilespmem:$0x1EA80] =	vst v54  }
0x42: {  	v33 =	vld [tilespmem:$0x2E80];
	[tilespmem:$0x1EAA0] =	vst v55  }
0x43: {  	v40 =	vld [tilespmem:$0xF00];
	[tilespmem:$0x1EAC0] =	vst v56  }
0x44: {  	v35 =	vld [tilespmem:$0x2F00];
	[tilespmem:$0x1EAE0] =	vst v57  }
0x45: {  	v42 =	vld [tilespmem:$0xF80];
	[tilespmem:$0x1EB00] =	vst v58  }
0x46: {  	v37 =	vld [tilespmem:$0x2F80];
	[tilespmem:$0x1EB20] =	vst v59  }
0x47: {  	v44 =	vld [tilespmem:$0x1000];
	[tilespmem:$0x1EB40] =	vst v60  }
0x48: {  	v39 =	vld [tilespmem:$0x3000];
	[tilespmem:$0x1EB60] =	vst v61  }
0x49: {  	v46 =	vld [tilespmem:$0x1080];
	[tilespmem:$0x1EB80] =	vst v62  }
0x4a: {  	v41 =	vld [tilespmem:$0x3080];
	[tilespmem:$0x1EBA0] =	vst v63  }
0x4b: {  	v43 =	vld [tilespmem:$0x3100];
	[tilespmem:$0x1EBC0] =	vst v4  }
0x4c: {  	v45 =	vld [tilespmem:$0x3180];
	[tilespmem:$0x1EBD0] =	vst v5  }
0x4d: {  	v2 =	vld [tilespmem:$0x2010];
	[tilespmem:$0x1EBE0] =	vst v8  }
0x4e: {  	v3 =	vld [tilespmem:$0x2090];
	[tilespmem:$0x1EBF0] =	vst v12  }
0x4f: {  	v49 =	vld [tilespmem:$0x780];
	[tilespmem:$0x1EC10] =	vst v16  }
0x50: {  	v51 =	vld [tilespmem:$0x800];
	[tilespmem:$0x1EC20] =	vst v20  }
0x51: {  	v53 =	vld [tilespmem:$0x880];
	[tilespmem:$0x1EC50] =	vst v24  }
0x52: {  	v55 =	vld [tilespmem:$0x900];
	[tilespmem:$0x1EC70] =	vst v25  }
0x53: {  	v57 =	vld [tilespmem:$0x980];
	[tilespmem:$0x1EC90] =	vst v26  }
0x54: {  	v60 =	vld [tilespmem:$0xA00];
	[tilespmem:$0x1ECA0] =	vst v28  }
0x55: {  	v62 =	vld [tilespmem:$0xA80];
	[tilespmem:$0x1ECC0] =	vst v30  }
0x56: {  	v63 =	vld [tilespmem:$0xB00];
	[tilespmem:$0x1ECD0] =	vst v33  }
0x57: {  	[tilespmem:$0x1ECF0] =	vst v35;
	v48 =	vld [tilespmem:$0x1100]  }
0x58: {  	[tilespmem:$0x1ED00] =	vst v37;
	v52 =	vld [tilespmem:$0x1180]  }
0x59: {  	[tilespmem:$0x1ED20] =	vst v39;
	v56 =	vld [tilespmem:$0x1200]  }
0x5a: {  	[tilespmem:$0x1ED30] =	vst v41;
	v47 =	vld [tilespmem:$0x3200]  }
0x5b: {  	[tilespmem:$0x1ED50] =	vst v43;
	v50 =	vld [tilespmem:$0x3280]  }
0x5c: {  	[tilespmem:$0x1ED60] =	vst v45;
	v54 =	vld [tilespmem:$0x1300]  }
0x5d: {  	v58 =	vld [tilespmem:$0x3300];
	[tilespmem:$0x1EF30] =	vst v2  }
0x5e: {  	v61 =	vld [tilespmem:$0x1380];
	[tilespmem:$0x1EF60] =	vst v3  }
0x5f: {  	v4 =	vld [tilespmem:$0x3380];
	[tilespmem:$0x1ED80] =	vst v47  }
0x60: {  	v5 =	vld [tilespmem:$0x1400];
	[tilespmem:$0x1ED90] =	vst v50  }
0x61: {  	v8 =	vld [tilespmem:$0x3400];
	[tilespmem:$0x1EC40] =	vst v54  }
0x62: {  	v12 =	vld [tilespmem:$0x1480];
	[tilespmem:$0x1EDB0] =	vst v58  }
0x63: {  	v16 =	vld [tilespmem:$0x3480];
	[tilespmem:$0x1EC80] =	vst v61  }
0x64: {  	v20 =	vld [tilespmem:$0x1500];
	[tilespmem:$0x1EDC0] =	vst v4  }
0x65: {  	v24 =	vld [tilespmem:$0x3500];
	[tilespmem:$0x1ECB0] =	vst v5  }
0x66: {  	v25 =	vld [tilespmem:$0x1580];
	[tilespmem:$0x1EDE0] =	vst v8  }
0x67: {  	v26 =	vld [tilespmem:$0x3580];
	[tilespmem:$0x1ECE0] =	vst v12  }
0x68: {  	v28 =	vld [tilespmem:$0x1600];
	[tilespmem:$0x1EDF0] =	vst v16  }
0x69: {  	v30 =	vld [tilespmem:$0x3600];
	[tilespmem:$0x1ED10] =	vst v20  }
0x6a: {  	v33 =	vld [tilespmem:$0x1680];
	[tilespmem:$0x1EE10] =	vst v24  }
0x6b: {  	v35 =	vld [tilespmem:$0x3680];
	[tilespmem:$0x1ED40] =	vst v25  }
0x6c: {  	v37 =	vld [tilespmem:$0x1700];
	[tilespmem:$0x1EE20] =	vst v26  }
0x6d: {  	v39 =	vld [tilespmem:$0x3700];
	[tilespmem:$0x1ED70] =	vst v28  }
0x6e: {  	v41 =	vld [tilespmem:$0x1780];
	[tilespmem:$0x1EE40] =	vst v30  }
0x6f: {  	v43 =	vld [tilespmem:$0x3780];
	[tilespmem:$0x1EDA0] =	vst v33  }
0x70: {  	v45 =	vld [tilespmem:$0x1800];
	[tilespmem:$0x1EE50] =	vst v35  }
0x71: {  	[tilespmem:$0x1EDD0] =	vst v37;
	v47 =	vld [tilespmem:$0x3800]  }
0x72: {  	[tilespmem:$0x1EE70] =	vst v39;
	v50 =	vld [tilespmem:$0x1880]  }
0x73: {  	[tilespmem:$0x1EE00] =	vst v41;
	v54 =	vld [tilespmem:$0x3880]  }
0x74: {  	[tilespmem:$0x1EE80] =	vst v43;
	v58 =	vld [tilespmem:$0x1900]  }
0x75: {  	[tilespmem:$0x1EE30] =	vst v45;
	v61 =	vld [tilespmem:$0x3900]  }
0x76: {  	v4 =	vld [tilespmem:$0x1980];
	[tilespmem:$0x1EEB0] =	vst v47  }
0x77: {  	v5 =	vld [tilespmem:$0x3980];
	[tilespmem:$0x1EE60] =	vst v50  }
0x78: {  	v8 =	vld [tilespmem:$0x1A00];
	[tilespmem:$0x1EEC0] =	vst v54  }
0x79: {  	v12 =	vld [tilespmem:$0x3A00];
	[tilespmem:$0x1EE90] =	vst v58  }
0x7a: {  	v16 =	vld [tilespmem:$0x1A80];
	[tilespmem:$0x1EEF0] =	vst v61  }
0x7b: {  	v20 =	vld [tilespmem:$0x3A80];
	[tilespmem:$0x1EED0] =	vst v4  }
0x7c: {  	v24 =	vld [tilespmem:$0x1B00];
	[tilespmem:$0x1EF00] =	vst v5  }
0x7d: {  	v25 =	vld [tilespmem:$0x3B00];
	[tilespmem:$0x1EF10] =	vst v8  }
0x7e: {  	v26 =	vld [tilespmem:$0x1B80];
	[tilespmem:$0x1EF50] =	vst v12  }
0x7f: {  	v28 =	vld [tilespmem:$0x3B80];
	[tilespmem:$0x1EFB0] =	vst v16  }
0x80: {  	v30 =	vld [tilespmem:$0x1C00];
	[tilespmem:$0x1EFF0] =	vst v20  }
0x81: {  	v33 =	vld [tilespmem:$0x3C00];
	[tilespmem:$0x1F040] =	vst v24  }
0x82: {  	v35 =	vld [tilespmem:$0x1C80];
	[tilespmem:$0x1F080] =	vst v25  }
0x83: {  	v37 =	vld [tilespmem:$0x3C80];
	[tilespmem:$0x1F0E0] =	vst v26  }
0x84: {  	v39 =	vld [tilespmem:$0x1D00];
	[tilespmem:$0x1F120] =	vst v28  }
0x85: {  	v41 =	vld [tilespmem:$0x3D00];
	[tilespmem:$0x1F170] =	vst v30  }
0x86: {  	v43 =	vld [tilespmem:$0x1D80];
	[tilespmem:$0x1F1B0] =	vst v33  }
0x87: {  	v45 =	vld [tilespmem:$0x3D80];
	[tilespmem:$0x1F210] =	vst v35  }
0x88: {  	[tilespmem:$0x1F250] =	vst v37;
	v47 =	vld [tilespmem:$0x1E00]  }
0x89: {  	[tilespmem:$0x1F2A0] =	vst v39;
	v50 =	vld [tilespmem:$0x3E00]  }
0x8a: {  	[tilespmem:$0x1F2E0] =	vst v41;
	v54 =	vld [tilespmem:$0x1E80]  }
0x8b: {  	[tilespmem:$0x1F340] =	vst v43;
	v4 =	vld [tilespmem:$0x3F00]  }
0x8c: {  	[tilespmem:$0x1F380] =	vst v45;
	v5 =	vld [tilespmem:$0x1F80]  }
0x8d: {  	v58 =	vld [tilespmem:$0x3E80];
	[tilespmem:$0x1F3C0] =	vst v47  }
0x8e: {  	v61 =	vld [tilespmem:$0x1F00];
	[tilespmem:$0x1F400] =	vst v50  }
0x8f: {  	v8 =	vld [tilespmem:$0x3F80];
	[tilespmem:$0x1F450] =	vst v54  }
0x90: {  	[tilespmem:$0x1F510] =	vst v4;
	v4 =	vld [tilespmem:$0x2110]  }
0x91: {  	[tilespmem:$0x1F4C0] =	vst v5;
	v5 =	vld [tilespmem:$0x2190]  }
0x92: {  	v59 =	vld [tilespmem:$0x1280];
	[tilespmem:$0x1F4E0] =	vst v58  }
0x93: {  	v0 =	vld [tilespmem:$0x10];
	[tilespmem:$0x1F490] =	vst v61  }
0x94: {  	v2 =	vld [tilespmem:$0x90];
	[tilespmem:$0x1F530] =	vst v8  }
0x95: {  	v3 =	vld [tilespmem:$0x110];
	[tilespmem:$0x1EF90] =	vst v4  }
0x96: {  	v4 =	vld [tilespmem:$0x190];
	[tilespmem:$0x1EFC0] =	vst v5  }
0x97: {  	v5 =	vld [tilespmem:$0x210]  }
0x98: {  	v8 =	vld [tilespmem:$0x2210]  }
0x99: {  	v12 =	vld [tilespmem:$0x2290]  }
0x9a: {  	v16 =	vld [tilespmem:$0x2310]  }
0x9b: {  	v20 =	vld [tilespmem:$0x2390]  }
0x9c: {  	v24 =	vld [tilespmem:$0x2410]  }
0x9d: {  	v25 =	vld [tilespmem:$0x2490]  }
0x9e: {  	v26 =	vld [tilespmem:$0x2510]  }
0x9f: {  	v28 =	vld [tilespmem:$0x2590]  }
0xa0: {  	v30 =	vld [tilespmem:$0x2610]  }
0xa1: {  	v33 =	vld [tilespmem:$0x2690]  }
0xa2: {  	v35 =	vld [tilespmem:$0x2710]  }
0xa3: {  	vm0 =	vlt.f32 v1, $-Inf;
	vm1 =	vgt.f32 v1, $-Inf;
	v37 =	vld [tilespmem:$0x2790]  }
0xa4: {  	vm2 =	vmor vm1, vm0;
	v39 =	vld [tilespmem:$0x2810]  }
0xa5: {  	v1 =	vnsel vm2, $0xFF800000, v1;
	v41 =	vld [tilespmem:$0x2890]  }
0xa6: {  	vm3 =	vgt.f32 v6, v1;
	v43 =	vld [tilespmem:$0x2910]  }
0xa7: {  	v1 =	vsel vm3, v6, v1;
	v45 =	vld [tilespmem:$0x2990]  }
0xa8: {  	vm4 =	vgt.f32 v7, v1;
	v47 =	vld [tilespmem:$0x2A10]  }
0xa9: {  	v1 =	vsel vm4, v7, v1;
	v50 =	vld [tilespmem:$0x2A90]  }
0xaa: {  	vm5 =	vgt.f32 v9, v1;
	v54 =	vld [tilespmem:$0x2B10]  }
0xab: {  	v1 =	vsel vm5, v9, v1;
	v58 =	vld [tilespmem:$0x2B90]  }
0xac: {  	vm6 =	vgt.f32 v10, v1;
	v61 =	vld [tilespmem:$0x2C10]  }
0xad: {  	v1 =	vsel vm6, v10, v1;
	v6 =	vld [tilespmem:$0x3910]  }
0xae: {  	vm7 =	vgt.f32 v11, v1;
	v9 =	vld [tilespmem:$0x3A10]  }
0xaf: {  	v1 =	vsel vm7, v11, v1;
	v10 =	vld [tilespmem:$0x3A90];
	[tilespmem:$0x1F000] =	vst v8  }
0xb0: {  	vm0 =	vgt.f32 v13, v1;
	v11 =	vld [tilespmem:$0x1B90];
	[tilespmem:$0x1F020] =	vst v12  }
0xb1: {  	v1 =	vsel vm0, v13, v1;
	v13 =	vld [tilespmem:$0x3B90];
	[tilespmem:$0x1F060] =	vst v16  }
0xb2: {  	v7 =	vld [tilespmem:$0x6A0];
	[tilespmem:$0x1F090] =	vst v20  }
0xb3: {  	v8 =	vld [tilespmem:$0x290];
	[tilespmem:$0x1F0C0] =	vst v24  }
0xb4: {  	v12 =	vld [tilespmem:$0x310];
	[tilespmem:$0x1F0F0] =	vst v25  }
0xb5: {  	v16 =	vld [tilespmem:$0x390];
	[tilespmem:$0x1F130] =	vst v26  }
0xb6: {  	v20 =	vld [tilespmem:$0x410];
	[tilespmem:$0x1F150] =	vst v28  }
0xb7: {  	v24 =	vld [tilespmem:$0x490];
	[tilespmem:$0x1F190] =	vst v30  }
0xb8: {  	v25 =	vld [tilespmem:$0x510];
	[tilespmem:$0x1F1C0] =	vst v33  }
0xb9: {  	v26 =	vld [tilespmem:$0x590];
	[tilespmem:$0x1F1F0] =	vst v35  }
0xba: {  	v28 =	vld [tilespmem:$0x610];
	[tilespmem:$0x1F220] =	vst v37  }
0xbb: {  	v30 =	vld [tilespmem:$0x690];
	[tilespmem:$0x1F260] =	vst v39  }
0xbc: {  	v33 =	vld [tilespmem:$0x710];
	[tilespmem:$0x1F280] =	vst v41  }
0xbd: {  	v35 =	vld [tilespmem:$0x790];
	[tilespmem:$0x1F2C0] =	vst v43  }
0xbe: {  	v37 =	vld [tilespmem:$0x810];
	[tilespmem:$0x1F2F0] =	vst v45  }
0xbf: {  	v39 =	vld [tilespmem:$0x890];
	[tilespmem:$0x1F320] =	vst v47  }
0xc0: {  	v41 =	vld [tilespmem:$0x910];
	[tilespmem:$0x1F350] =	vst v50  }
0xc1: {  	[tilespmem:$0x1F3E0] =	vst v61;
	v61 =	vld [tilespmem:$0xC90]  }
0xc2: {  	[tilespmem:$0x1F6D0] =	vst v6;
	v6 =	vld [tilespmem:$0x1990]  }
0xc3: {  	v43 =	vld [tilespmem:$0x990];
	[tilespmem:$0x1F390] =	vst v54  }
0xc4: {  	v45 =	vld [tilespmem:$0xA10];
	[tilespmem:$0x1F3B0] =	vst v58  }
0xc5: {  	v47 =	vld [tilespmem:$0xA90];
	[tilespmem:$0x1F700] =	vst v9  }
0xc6: {  	[tilespmem:$0x1EEA0] =	vst v61;
	v61 =	vld [tilespmem:$0x2C90]  }
0xc7: {  	[tilespmem:$0x1F680] =	vst v6;
	v6 =	vld [tilespmem:$0x3990]  }
0xc8: {  	v50 =	vld [tilespmem:$0xB10];
	[tilespmem:$0x1F730] =	vst v10  }
0xc9: {  	[tilespmem:$0x1F750] =	vst v11;
	v11 =	vld [tilespmem:$0x3C10]  }
0xca: {  	v9 =	vld [tilespmem:$0x1A90];
	[tilespmem:$0x1F770] =	vst v13  }
0xcb: {  	[tilespmem:$0x1F410] =	vst v61;
	v61 =	vld [tilespmem:$0xD10]  }
0xcc: {  	[tilespmem:$0x1F6F0] =	vst v6;
	v6 =	vld [tilespmem:$0x1A10]  }
0xcd: {  	v10 =	vld [tilespmem:$0x1B10];
	[tilespmem:$0x1F7E0] =	vst v7  }
0xce: {  	[tilespmem:$0x1F7A0] =	vst v11;
	v11 =	vld [tilespmem:$0x1D10]  }
0xcf: {  	v54 =	vld [tilespmem:$0xB90];
	[tilespmem:$0x1F6E0] =	vst v9  }
0xd0: {  	v9 =	vimm.s32 $0x0;
	[tilespmem:$0x1EEE0] =	vst v61;
	v61 =	vld [tilespmem:$0x2D10]  }
0xd1: {  	[tilespmem:$0x1F6B0] =	vst v6;
	v6 =	vsel vm7, $0xFFFFFFFF, v9;
	v9 =	vld [tilespmem:$0x3B10]  }
0xd2: {  	v58 =	vld [tilespmem:$0xC10];
	[tilespmem:$0x1F710] =	vst v10  }
0xd3: {  	v7 =	vld [tilespmem:$0xAA0];
	v10 =	vimm.s32 $0x0;
	[tilespmem:$0x1F7F0] =	vst v11  }
0xd4: {  	[tilespmem:$0x1EA30] =	vst v6;
	v6 =	vsel vm0, $0xFFFFFFFF, v10;
	vm0 =	vgt.f32 v14, v1;
	v10 =	vld [tilespmem:$0x1C10]  }
0xd5: {  	v1 =	vsel vm0, v14, v1;
	v14 =	vld [tilespmem:$0x1C90];
	[tilespmem:$0x1F440] =	vst v61  }
0xd6: {  	v61 =	vld [tilespmem:$0xD90];
	[tilespmem:$0x1F740] =	vst v9;
	v9 =	vimm.s32 $0x0  }
0xd7: {  	v13 =	vimm.s32 $0x0;
	[tilespmem:$0x1EA50] =	vst v6;
	v6 =	vsel vm0, $0xFFFFFFFF, v9;
	vm0 =	vgt.f32 v15, v1;
	v9 =	vld [tilespmem:$0x3C90]  }
0xd8: {  	[tilespmem:$0x1EA70] =	vst v6;
	v6 =	vsel vm0, $0xFFFFFFFF, v13;
	v1 =	vsel vm0, v15, v1;
	v13 =	vld [tilespmem:$0x3D10]  }
0xd9: {  	[tilespmem:$0x1F780] =	vst v10;
	v15 =	vld [tilespmem:$0x1D90];
	vm0 =	vgt.f32 v17, v1  }
0xda: {  	v10 =	vimm.s32 $0x0;
	[tilespmem:$0x1F7B0] =	vst v14;
	v1 =	vsel vm0, v17, v1;
	v17 =	vld [tilespmem:$0x3D90]  }
0xdb: {  	[tilespmem:$0x1EA90] =	vst v6;
	v6 =	vsel vm0, $0xFFFFFFFF, v10;
	v10 =	vld [tilespmem:$0x3E10]  }
0xdc: {  	[tilespmem:$0x1EF20] =	vst v61;
	v61 =	vld [tilespmem:$0x2D90]  }
0xdd: {  	v14 =	vimm.s32 $0x0;
	vm0 =	vgt.f32 v18, v1;
	[tilespmem:$0x1F7D0] =	vst v9;
	v9 =	vld [tilespmem:$0x1E10]  }
0xde: {  	[tilespmem:$0x1EAB0] =	vst v6;
	v6 =	vsel vm0, $0xFFFFFFFF, v14;
	v1 =	vsel vm0, v18, v1;
	v14 =	vld [tilespmem:$0x3E90]  }
0xdf: {  	v18 =	vimm.s32 $0x0;
	[tilespmem:$0x1F810] =	vst v13;
	vm0 =	vgt.f32 v19, v1;
	v13 =	vld [tilespmem:$0x1E90]  }
0xe0: {  	[tilespmem:$0x1EAD0] =	vst v6;
	v6 =	vsel vm0, $0xFFFFFFFF, v18;
	v18 =	vld [tilespmem:$0x3F10]  }
0xe1: {  	[tilespmem:$0x1F840] =	vst v17;
	v17 =	vld [tilespmem:$0x1F10]  }
0xe2: {  	v1 =	vsel vm0, v19, v1;
	[tilespmem:$0x1F870] =	vst v10;
	v10 =	vld [tilespmem:$0x20]  }
0xe3: {  	vm0 =	vgt.f32 v21, v1;
	[tilespmem:$0x1F460] =	vst v61;
	v61 =	vld [tilespmem:$0xE10]  }
0xe4: {  	v11 =	vimm.s32 $0x0;
	[tilespmem:$0x1F820] =	vst v15;
	v1 =	vsel vm0, v21, v1;
	v21 =	vld [tilespmem:$0x1F90]  }
0xe5: {  	[tilespmem:$0x1EAF0] =	vst v6;
	v6 =	vsel vm0, $0xFFFFFFFF, v11;
	v11 =	vld [tilespmem:$0x20A0]  }
0xe6: {  	v15 =	vimm.s32 $0x0;
	[tilespmem:$0x1F8A0] =	vst v14;
	vm0 =	vgt.f32 v22, v1;
	v14 =	vld [tilespmem:$0x2120]  }
0xe7: {  	[tilespmem:$0x1EB10] =	vst v6;
	v6 =	vsel vm0, $0xFFFFFFFF, v15;
	v1 =	vsel vm0, v22, v1;
	v22 =	vld [tilespmem:$0x3F90]  }
0xe8: {  	v15 =	vld [tilespmem:$0x21A0];
	[tilespmem:$0x1EB30] =	vst v6  }
0xe9: {  	[tilespmem:$0x1F8C0] =	vst v18;
	v18 =	vld [tilespmem:$0x22A0]  }
0xea: {  	[tilespmem:$0x1F8B0] =	vst v17;
	v17 =	vld [tilespmem:$0x2220]  }
0xeb: {  	vm0 =	vgt.f32 v23, v1;
	[tilespmem:$0x1EF80] =	vst v61;
	v61 =	vld [tilespmem:$0x2E10]  }
0xec: {  	v19 =	vimm.s32 $0x0;
	v1 =	vsel vm0, v23, v1;
	[tilespmem:$0x1F8D0] =	vst v21;
	v21 =	vld [tilespmem:$0x2320]  }
0xed: {  	v6 =	vsel vm0, $0xFFFFFFFF, v19;
	vm0 =	vgt.f32 v49, v1;
	[tilespmem:$0x1F910] =	vst v11;
	v11 =	vld [tilespmem:$0x4A0]  }
0xee: {  	[tilespmem:$0x1EB50] =	vst v6;
	v1 =	vsel vm0, v49, v1;
	v49 =	vld [tilespmem:$0x2020]  }
0xef: {  	v23 =	vimm.s32 $0x0;
	[tilespmem:$0x1F930] =	vst v14;
	v14 =	vld [tilespmem:$0x24A0]  }
0xf0: {  	v6 =	vsel vm0, $0xFFFFFFFF, v23;
	[tilespmem:$0x1F8E0] =	vst v22;
	vm0 =	vgt.f32 v51, v1;
	v22 =	vld [tilespmem:$0x23A0]  }
0xf1: {  	[tilespmem:$0x1F850] =	vst v9;
	v9 =	vimm.s32 $0x0;
	v1 =	vsel vm0, v51, v1;
	v51 =	vld [tilespmem:$0x120]  }
0xf2: {  	[tilespmem:$0x1EB70] =	vst v6;
	v6 =	vsel vm0, $0xFFFFFFFF, v9;
	v9 =	vld [tilespmem:$0x2420]  }
0xf3: {  	[tilespmem:$0x1F990] =	vst v18;
	v18 =	vld [tilespmem:$0x2520]  }
0xf4: {  	[tilespmem:$0x1F970] =	vst v17;
	v17 =	vld [tilespmem:$0x520]  }
0xf5: {  	vm0 =	vgt.f32 v53, v1;
	[tilespmem:$0x1F480] =	vst v61;
	v61 =	vld [tilespmem:$0xE90]  }
0xf6: {  	v1 =	vsel vm0, v53, v1;
	v53 =	vld [tilespmem:$0x1A0]  }
0xf7: {  	[tilespmem:$0x1F720] =	vst v11;
	v11 =	vld [tilespmem:$0x1EA10]  }
0xf8: {  	[tilespmem:$0x1F8F0] =	vst v49;
	v49 =	vld [tilespmem:$0xA0]  }
0xf9: {  	vm11 =	vgt.f32 v55, v1;
	[tilespmem:$0x1FA10] =	vst v14;
	v14 =	vld [tilespmem:$0x1EA20]  }
0xfa: {  	v1 =	vsel vm11, v55, v1;
	v55 =	vld [tilespmem:$0x220]  }
0xfb: {  	[tilespmem:$0x1F9D0] =	vst v22;
	v22 =	vld [tilespmem:$0x1E9D0];
	vm12 =	vgt.f32 v57, v1  }
0xfc: {  	v1 =	vsel vm12, v57, v1;
	v57 =	vld [tilespmem:$0x2A0]  }
0xfd: {  	[tilespmem:$0x1EFE0] =	vst v61;
	v61 =	vld [tilespmem:$0x2E90];
	vm13 =	vgt.f32 v60, v1  }
0xfe: {  	[tilespmem:$0x1F760] =	vst v17;
	v17 =	vld [tilespmem:$0x720];
	v1 =	vsel vm13, v60, v1  }
0xff: {  	[tilespmem:$0x1F880] =	vst v13;
	v13 =	vimm.s32 $0x0;
	v60 =	vld [tilespmem:$0x320];
	vm8 =	vgt.f32 v62, v1  }
0x100: {  	v19 =	vimm.s32 $0x0;
	[tilespmem:$0x1EB90] =	vst v6;
	v6 =	vsel vm0, $0xFFFFFFFF, v13;
	v1 =	vsel vm8, v62, v1;
	v62 =	vld [tilespmem:$0x3A0]  }
0x101: {  	[tilespmem:$0x1EBB0] =	vst v6;
	v6 =	vsel vm8, $0xFFFFFFFF, v19;
	v19 =	vld [tilespmem:$0x5A0]  }
0x102: {  	vm15 =	vgt.f32 v63, v1;
	[tilespmem:$0x1F4A0] =	vst v61;
	v61 =	vld [tilespmem:$0xF10]  }
0x103: {  	[tilespmem:$0x1F800] =	vst v17;
	v17 =	vld [tilespmem:$0x1EAF0];
	v1 =	vsel vm15, v63, v1  }
0x104: {  	v23 =	vimm.s32 $0x0;
	v63 =	vld [tilespmem:$0x420];
	vm9 =	vgt.f32 v27, v1  }
0x105: {  	[tilespmem:$0x1EC00] =	vst v6;
	v6 =	vsel vm9, $0xFFFFFFFF, v23;
	v23 =	vld [tilespmem:$0x25A0]  }
0x106: {  	[tilespmem:$0x1F950] =	vst v15;
	v1 =	vsel vm9, v27, v1;
	v27 =	vld [tilespmem:$0x1E9E0]  }
0x107: {  	[tilespmem:$0x1F050] =	vst v61;
	v61 =	vld [tilespmem:$0x2F10]  }
0x108: {  	vm10 =	vlt.f32 v0, $-Inf;
	vm0 =	vgt.f32 v29, v1;
	[tilespmem:$0x1F790] =	vst v19;
	v19 =	vld [tilespmem:$0x1EA40]  }
0x109: {  	vm14 =	vgt.f32 v0, $-Inf;
	[tilespmem:$0x1F9B0] =	vst v21;
	v13 =	vimm.s32 $0x0;
	v1 =	vsel vm0, v29, v1;
	v29 =	vld [tilespmem:$0x620]  }
0x10a: {  	v15 =	vimm.s32 $0x0;
	[tilespmem:$0x1EC30] =	vst v6;
	v6 =	vsel vm0, $0xFFFFFFFF, v13;
	vm0 =	vmor vm14, vm10;
	v13 =	vld [tilespmem:$0x26A0]  }
0x10b: {  	[tilespmem:$0x1EC60] =	vst v6;
	v6 =	vsel vm0, $0xFFFFFFFF, v15;
	v0 =	vnsel vm0, $0xFF800000, v0;
	v15 =	vld [tilespmem:$0x1EA30]  }
0x10c: {  	v21 =	vimm.s32 $0x0;
	vm9 =	vgt.f32 v31, v1;
	vm0 =	vgt.f32 v2, v0;
	[tilespmem:$0x1F4D0] =	vst v61;
	v61 =	vld [tilespmem:$0xF90]  }
0x10d: {  	[tilespmem:$0x1EF40] =	vst v6;
	v1 =	vsel vm9, v31, v1;
	v6 =	vsel vm0, $0xFFFFFFFF, v21;
	v21 =	vld [tilespmem:$0x1EA50]  }
0x10e: {  	vm14 =	vgt.f32 v32, v1;
	[tilespmem:$0x1FA50] =	vst v23;
	v23 =	vld [tilespmem:$0x1EA60]  }
0x10f: {  	v1 =	vsel vm14, v32, v1;
	v32 =	vld [tilespmem:$0x1E9F0]  }
0x110: {  	[tilespmem:$0x1EF70] =	vst v6;
	v6 =	vnsel vm2, $0x0, v22;
	v22 =	vld [tilespmem:$0x2720]  }
0x111: {  	[tilespmem:$0x1F0B0] =	vst v61;
	v61 =	vld [tilespmem:$0x2F90]  }
0x112: {  	v0 =	vsel vm0, v2, v0;
	v2 =	vsel vm3, v27, v6;
	v27 =	vld [tilespmem:$0x1EA70]  }
0x113: {  	[tilespmem:$0x1F7C0] =	vst v29;
	v29 =	vld [tilespmem:$0x7A0]  }
0x114: {  	vm7 =	vgt.f32 v34, v1;
	[tilespmem:$0x1FA90] =	vst v13;
	v13 =	vld [tilespmem:$0x1EAD0]  }
0x115: {  	[tilespmem:$0x1F9F0] =	vst v9;
	v31 =	vimm.s32 $0x0;
	vm0 =	vgt.f32 v3, v0;
	v1 =	vsel vm7, v34, v1;
	v34 =	vld [tilespmem:$0x2620]  }
0x116: {  	v6 =	vsel vm0, $0xFFFFFFFF, v31;
	v0 =	vsel vm0, v3, v0;
	[tilespmem:$0x1F4F0] =	vst v61;
	v61 =	vld [tilespmem:$0x1010]  }
0x117: {  	v9 =	vimm.s32 $0x0;
	[tilespmem:$0x1EFA0] =	vst v6;
	v6 =	vld [tilespmem:$0x1EA00];
	vm0 =	vgt.f32 v4, v0  }
0x118: {  	vm8 =	vgt.f32 v36, v1;
	v3 =	vsel vm0, $0xFFFFFFFF, v9;
	v9 =	vld [tilespmem:$0x820]  }
0x119: {  	v1 =	vsel vm8, v36, v1;
	v36 =	vld [tilespmem:$0x27A0]  }
0x11a: {  	[tilespmem:$0x1FA30] =	vst v18;
	v0 =	vsel vm0, v4, v0;
	v2 =	vsel vm4, v32, v2;
	v32 =	vld [tilespmem:$0x1EA80]  }
0x11b: {  	v18 =	vimm.s32 $0x0;
	vm10 =	vgt.f32 v5, v0;
	[tilespmem:$0x1F110] =	vst v61;
	v61 =	vld [tilespmem:$0x3010]  }
0x11c: {  	[tilespmem:$0x1EFD0] =	vst v3;
	v3 =	vsel vm10, $0xFFFFFFFF, v18;
	v18 =	vld [tilespmem:$0x8A0]  }
0x11d: {  	vm4 =	vnez.u8 v21;
	v21 =	vld [tilespmem:$0x1EB00]  }
0x11e: {  	[tilespmem:$0x1FAB0] =	vst v22;
	v22 =	vld [tilespmem:$0x1EB10]  }
0x11f: {  	[tilespmem:$0x1F830] =	vst v29;
	v29 =	vld [tilespmem:$0x1EB30]  }
0x120: {  	v0 =	vsel vm10, v5, v0;
	[tilespmem:$0x1F520] =	vst v61;
	v61 =	vld [tilespmem:$0x1090]  }
0x121: {  	v31 =	vimm.s32 $0x0;
	vm10 =	vgt.f32 v8, v0;
	[tilespmem:$0x1FA70] =	vst v34;
	v34 =	vld [tilespmem:$0x1EA90]  }
0x122: {  	[tilespmem:$0x1F010] =	vst v3;
	v3 =	vsel vm10, $0xFFFFFFFF, v31;
	v31 =	vld [tilespmem:$0x920]  }
0x123: {  	v2 =	vsel vm5, v6, v2;
	vm5 =	vgt.f32 v38, v1;
	v6 =	vld [tilespmem:$0xC20]  }
0x124: {  	v1 =	vsel vm5, v38, v1;
	v38 =	vld [tilespmem:$0x1EAA0]  }
0x125: {  	[tilespmem:$0x1F180] =	vst v61;
	v61 =	vld [tilespmem:$0x3090]  }
0x126: {  	v2 =	vsel vm6, v11, v2;
	v11 =	vld [tilespmem:$0x1EAC0]  }
0x127: {  	vm6 =	vnez.u8 v15;
	v15 =	vld [tilespmem:$0x1EAE0]  }
0x128: {  	v2 =	vsel vm6, v14, v2;
	v14 =	vld [tilespmem:$0x2820]  }
0x129: {  	vm6 =	vnez.u8 v27;
	v27 =	vld [tilespmem:$0x1EB20]  }
0x12a: {  	[tilespmem:$0x1F540] =	vst v61;
	v61 =	vld [tilespmem:$0x1110]  }
0x12b: {  	[tilespmem:$0x1FAD0] =	vst v36;
	v36 =	vld [tilespmem:$0x1EB50]  }
0x12c: {  	v2 =	vsel vm4, v19, v2;
	[tilespmem:$0x1F860] =	vst v18;
	v18 =	vld [tilespmem:$0x1EBD0]  }
0x12d: {  	v2 =	vsel vm6, v23, v2;
	vm6 =	vgt.f32 v40, v1;
	v23 =	vld [tilespmem:$0x28A0]  }
0x12e: {  	v1 =	vsel vm6, v40, v1;
	v40 =	vld [tilespmem:$0x1EAB0]  }
0x12f: {  	[tilespmem:$0x1F1E0] =	vst v61;
	v61 =	vld [tilespmem:$0x3110]  }
0x130: {  	vm4 =	vnez.u8 v34;
	v34 =	vld [tilespmem:$0x1EB40]  }
0x131: {  	v0 =	vsel vm10, v8, v0;
	v8 =	vimm.s32 $0x0;
	[tilespmem:$0x1F890] =	vst v31;
	v31 =	vld [tilespmem:$0xBA0];
	vm3 =	vgt.f32 v42, v1  }
0x132: {  	v2 =	vsel vm4, v32, v2;
	vm4 =	vgt.f32 v12, v0;
	v1 =	vsel vm3, v42, v1;
	v42 =	vld [tilespmem:$0x1EB70]  }
0x133: {  	[tilespmem:$0x1F030] =	vst v3;
	v3 =	vsel vm4, $0xFFFFFFFF, v8;
	v8 =	vld [tilespmem:$0x9A0]  }
0x134: {  	[tilespmem:$0x1F560] =	vst v61;
	v61 =	vld [tilespmem:$0x1190]  }
0x135: {  	v0 =	vsel vm4, v12, v0;
	v12 =	vld [tilespmem:$0x29A0]  }
0x136: {  	[tilespmem:$0x1FAE0] =	vst v14;
	v14 =	vld [tilespmem:$0x1EBB0]  }
0x137: {  	vm4 =	vnez.u8 v17;
	v17 =	vld [tilespmem:$0x2A20];
	vm0 =	vgt.f32 v16, v0  }
0x138: {  	v0 =	vsel vm0, v16, v0;
	v16 =	vld [tilespmem:$0x1EBC0]  }
0x139: {  	[tilespmem:$0x1F240] =	vst v61;
	v61 =	vld [tilespmem:$0x3190]  }
0x13a: {  	[tilespmem:$0x1FAF0] =	vst v23;
	v23 =	vld [tilespmem:$0x1EBF0]  }
0x13b: {  	vm10 =	vnez.u8 v40;
	v40 =	vld [tilespmem:$0x1EB60]  }
0x13c: {  	[tilespmem:$0x1F940] =	vst v31;
	v31 =	vld [tilespmem:$0x2E20]  }
0x13d: {  	v2 =	vsel vm10, v38, v2;
	v38 =	vld [tilespmem:$0x2920]  }
0x13e: {  	v19 =	vimm.s32 $0x0;
	[tilespmem:$0x1F580] =	vst v61;
	v61 =	vld [tilespmem:$0x1210]  }
0x13f: {  	[tilespmem:$0x1F070] =	vst v3;
	v3 =	vsel vm0, $0xFFFFFFFF, v19;
	vm0 =	vgt.f32 v20, v0;
	vm10 =	vnez.u8 v13;
	v13 =	vld [tilespmem:$0x1EBA0]  }
0x140: {  	v32 =	vimm.s32 $0x0;
	v0 =	vsel vm0, v20, v0;
	v20 =	vld [tilespmem:$0x1EBE0]  }
0x141: {  	[tilespmem:$0x1F0A0] =	vst v3;
	v3 =	vsel vm0, $0xFFFFFFFF, v32;
	v32 =	vld [tilespmem:$0x1EC40]  }
0x142: {  	v2 =	vsel vm10, v11, v2;
	v11 =	vld [tilespmem:$0x1EB90]  }
0x143: {  	[tilespmem:$0x1F2B0] =	vst v61;
	v61 =	vld [tilespmem:$0x3210]  }
0x144: {  	vm10 =	vnez.u8 v22;
	v22 =	vld [tilespmem:$0x2AA0]  }
0x145: {  	[tilespmem:$0x1FB10] =	vst v12;
	v12 =	vld [tilespmem:$0x1ECB0]  }
0x146: {  	vm0 =	vgt.f32 v24, v0;
	[tilespmem:$0x1FB20] =	vst v17;
	v17 =	vld [tilespmem:$0x1ECE0]  }
0x147: {  	v0 =	vsel vm0, v24, v0;
	v24 =	vld [tilespmem:$0x1EC00]  }
0x148: {  	v2 =	vsel vm4, v15, v2;
	[tilespmem:$0x1F590] =	vst v61;
	v61 =	vld [tilespmem:$0x1290]  }
0x149: {  	v2 =	vsel vm10, v21, v2;
	vm10 =	vnez.u8 v29;
	v29 =	vld [tilespmem:$0x1EC30]  }
0x14a: {  	vm4 =	vgt.f32 v44, v1;
	v2 =	vsel vm10, v27, v2;
	v27 =	vld [tilespmem:$0x2B20]  }
0x14b: {  	v1 =	vsel vm4, v44, v1;
	v44 =	vimm.s32 $0x0;
	vm10 =	vnez.u8 v36;
	v36 =	vld [tilespmem:$0x1EC50]  }
0x14c: {  	[tilespmem:$0x1F0D0] =	vst v3;
	v3 =	vsel vm0, $0xFFFFFFFF, v44;
	v44 =	vld [tilespmem:$0x1EC80]  }
0x14d: {  	[tilespmem:$0x1F310] =	vst v61;
	v61 =	vld [tilespmem:$0x3290]  }
0x14e: {  	vm1 =	vgt.f32 v46, v1;
	[tilespmem:$0x1FBA0] =	vst v31;
	v31 =	vld [tilespmem:$0x1EE80]  }
0x14f: {  	v1 =	vsel vm1, v46, v1;
	v46 =	vld [tilespmem:$0x1EB80]  }
0x150: {  	[tilespmem:$0x1FB00] =	vst v38;
	v38 =	vld [tilespmem:$0x1EC60]  }
0x151: {  	v2 =	vsel vm10, v34, v2;
	vm10 =	vnez.u8 v42;
	v42 =	vld [tilespmem:$0x1EC70]  }
0x152: {  	v15 =	vimm.s32 $0x0;
	vm0 =	vgt.f32 v25, v0;
	[tilespmem:$0x1F5B0] =	vst v61;
	v61 =	vld [tilespmem:$0x1310]  }
0x153: {  	[tilespmem:$0x1F100] =	vst v3;
	v3 =	vsel vm0, $0xFFFFFFFF, v15;
	v15 =	vld [tilespmem:$0x2CA0]  }
0x154: {  	v2 =	vsel vm10, v40, v2;
	v40 =	vld [tilespmem:$0x2BA0]  }
0x155: {  	vm10 =	vnez.u8 v11;
	v11 =	vld [tilespmem:$0xCA0]  }
0x156: {  	[tilespmem:$0x1FB30] =	vst v22;
	v22 =	vld [tilespmem:$0x1ED10]  }
0x157: {  	v0 =	vsel vm0, v25, v0;
	vm2 =	vgt.f32 v48, v1;
	[tilespmem:$0x1F370] =	vst v61;
	v61 =	vld [tilespmem:$0x3310]  }
0x158: {  	vm0 =	vgt.f32 v26, v0;
	v1 =	vsel vm2, v48, v1;
	v48 =	vld [tilespmem:$0xA20]  }
0x159: {  	v19 =	vimm.s32 $0x0;
	v0 =	vsel vm0, v26, v0;
	v26 =	vld [tilespmem:$0x1EC10]  }
0x15a: {  	[tilespmem:$0x1F140] =	vst v3;
	v3 =	vsel vm0, $0xFFFFFFFF, v19;
	v19 =	vld [tilespmem:$0x1ECF0]  }
0x15b: {  	[tilespmem:$0x1FB40] =	vst v27;
	v27 =	vld [tilespmem:$0x1ED30]  }
0x15c: {  	[tilespmem:$0x1F5C0] =	vst v61;
	v61 =	vld [tilespmem:$0x1390]  }
0x15d: {  	v2 =	vsel vm10, v46, v2;
	vm10 =	vnez.u8 v14;
	v14 =	vld [tilespmem:$0x1ECC0]  }
0x15e: {  	[tilespmem:$0x1FB70] =	vst v15;
	v15 =	vld [tilespmem:$0xFA0]  }
0x15f: {  	v2 =	vsel vm10, v13, v2;
	vm10 =	vgt.f32 v52, v1;
	[tilespmem:$0x1FB50] =	vst v40;
	v40 =	vld [tilespmem:$0x1EDB0]  }
0x160: {  	v1 =	vsel vm10, v52, v1;
	v52 =	vld [tilespmem:$0x1EC90]  }
0x161: {  	[tilespmem:$0x1F3D0] =	vst v61;
	v61 =	vld [tilespmem:$0x3390]  }
0x162: {  	v2 =	vsel vm11, v16, v2;
	v16 =	vld [tilespmem:$0x1ECD0]  }
0x163: {  	v2 =	vsel vm12, v18, v2;
	vm11 =	vgt.f32 v56, v1;
	vm12 =	vnez.u8 v24;
	v24 =	vld [tilespmem:$0x1ED20]  }
0x164: {  	v21 =	vsel vm11, v56, v1;
	v1 =	vld [tilespmem:$0xB20]  }
0x165: {  	v56 =	vld [tilespmem:$0x2C20]  }
0x166: {  	[tilespmem:$0x1F5E0] =	vst v61;
	v61 =	vld [tilespmem:$0x1410]  }
0x167: {  	v2 =	vsel vm13, v20, v2;
	vm13 =	vgt.f32 v28, v0;
	v20 =	vld [tilespmem:$0x2D20]  }
0x168: {  	v2 =	vsel vm12, v23, v2;
	vm12 =	vgt.f32 v59, v21;
	v0 =	vsel vm13, v28, v0;
	v28 =	vld [tilespmem:$0x1EC20]  }
0x169: {  	[tilespmem:$0x1F160] =	vst v3;
	v3 =	vsel vm12, v59, v21;
	v59 =	vld [tilespmem:$0x1ECA0]  }
0x16a: {  	v21 =	vld [tilespmem:$0x1ED00]  }
0x16b: {  	v25 =	vimm.s32 $0x0;
	[tilespmem:$0x1F430] =	vst v61;
	v61 =	vld [tilespmem:$0x3410]  }
0x16c: {  	v34 =	vimm.s32 $0x0;
	v2 =	vsel vm15, v26, v2;
	vm0 =	vgt.f32 v30, v0;
	v26 =	vld [tilespmem:$0x2DA0]  }
0x16d: {  	v4 =	vsel vm13, $0xFFFFFFFF, v25;
	vm15 =	vnez.u8 v38;
	v38 =	vld [tilespmem:$0x1EDA0];
	v0 =	vsel vm0, v30, v0  }
0x16e: {  	[tilespmem:$0x1F1A0] =	vst v4;
	v4 =	vsel vm0, $0xFFFFFFFF, v34;
	v30 =	vld [tilespmem:$0x1ED50];
	vm0 =	vgt.f32 v33, v0  }
0x16f: {  	v0 =	vsel vm0, v33, v0;
	v33 =	vld [tilespmem:$0x1ED70]  }
0x170: {  	[tilespmem:$0x1F5F0] =	vst v61;
	v61 =	vld [tilespmem:$0x1490]  }
0x171: {  	[tilespmem:$0x1FB60] =	vst v56;
	v56 =	vld [tilespmem:$0x1EDF0]  }
0x172: {  	vm13 =	vnez.u8 v29;
	[tilespmem:$0x1FB80] =	vst v20;
	v20 =	vld [tilespmem:$0x1EE10]  }
0x173: {  	v2 =	vsel vm13, v28, v2;
	vm13 =	vgt.f32 v32, v3;
	v28 =	vld [tilespmem:$0x1ED40]  }
0x174: {  	v46 =	vimm.s32 $0x0;
	[tilespmem:$0x1F1D0] =	vst v4;
	v3 =	vsel vm13, v32, v3;
	v32 =	vld [tilespmem:$0x1ED60]  }
0x175: {  	v4 =	vsel vm0, $0xFFFFFFFF, v46;
	vm0 =	vgt.f32 v35, v0;
	[tilespmem:$0x1F470] =	vst v61;
	v61 =	vld [tilespmem:$0x3490]  }
0x176: {  	v0 =	vsel vm0, v35, v0;
	v35 =	vld [tilespmem:$0x1ED80]  }
0x177: {  	v13 =	vimm.s32 $0x0;
	[tilespmem:$0x1F200] =	vst v4;
	v2 =	vsel vm15, v36, v2;
	v36 =	vld [tilespmem:$0x2EA0]  }
0x178: {  	v4 =	vsel vm0, $0xFFFFFFFF, v13;
	[tilespmem:$0x1FB90] =	vst v26;
	v26 =	vld [tilespmem:$0x1EE50]  }
0x179: {  	[tilespmem:$0x1F230] =	vst v4;
	v4 =	vld [tilespmem:$0xD20]  }
0x17a: {  	[tilespmem:$0x1F610] =	vst v61;
	v61 =	vld [tilespmem:$0x1510]  }
0x17b: {  	v2 =	vsel vm9, v42, v2;
	vm0 =	vgt.f32 v37, v0;
	v42 =	vld [tilespmem:$0x1EDC0]  }
0x17c: {  	v18 =	vimm.s32 $0x0;
	v0 =	vsel vm0, v37, v0;
	v37 =	vld [tilespmem:$0x1ED90]  }
0x17d: {  	v2 =	vsel vm14, v52, v2;
	v5 =	vsel vm0, $0xFFFFFFFF, v18;
	v52 =	vld [tilespmem:$0x2FA0]  }
0x17e: {  	[tilespmem:$0x1F270] =	vst v5;
	v5 =	vld [tilespmem:$0xDA0]  }
0x17f: {  	[tilespmem:$0x1F4B0] =	vst v61;
	v61 =	vld [tilespmem:$0x3510]  }
0x180: {  	v23 =	vimm.s32 $0x0;
	v2 =	vsel vm7, v59, v2;
	vm0 =	vgt.f32 v39, v0;
	v59 =	vld [tilespmem:$0x1EE00]  }
0x181: {  	[tilespmem:$0x1F9C0] =	vst v11;
	vm9 =	vgt.f32 v44, v3;
	v2 =	vsel vm8, v14, v2;
	v11 =	vsel vm0, $0xFFFFFFFF, v23;
	v23 =	vld [tilespmem:$0x1EE30]  }
0x182: {  	v3 =	vsel vm9, v44, v3;
	v2 =	vsel vm5, v16, v2;
	v16 =	vld [tilespmem:$0xF20]  }
0x183: {  	vm7 =	vgt.f32 v12, v3;
	v0 =	vsel vm0, v39, v0;
	[tilespmem:$0x1FBB0] =	vst v36;
	v36 =	vld [tilespmem:$0x31A0]  }
0x184: {  	v3 =	vsel vm7, v12, v3;
	vm0 =	vgt.f32 v41, v0;
	[tilespmem:$0x1F620] =	vst v61;
	v61 =	vld [tilespmem:$0x1590]  }
0x185: {  	vm5 =	vgt.f32 v17, v3;
	v0 =	vsel vm0, v41, v0;
	v41 =	vld [tilespmem:$0x2F20]  }
0x186: {  	v29 =	vimm.s32 $0x0;
	v3 =	vsel vm5, v17, v3;
	v17 =	vld [tilespmem:$0x10A0]  }
0x187: {  	v2 =	vsel vm6, v19, v2;
	v12 =	vsel vm0, $0xFFFFFFFF, v29;
	v29 =	vld [tilespmem:$0x1EE70]  }
0x188: {  	v2 =	vsel vm3, v21, v2;
	v21 =	vld [tilespmem:$0x3020]  }
0x189: {  	[tilespmem:$0x1F500] =	vst v61;
	v61 =	vld [tilespmem:$0x3590]  }
0x18a: {  	vm14 =	vgt.f32 v22, v3;
	[tilespmem:$0x1FBD0] =	vst v52;
	v52 =	vld [tilespmem:$0x1EF50]  }
0x18b: {  	vm6 =	vgt.f32 v43, v0;
	v25 =	vsel vm14, v22, v3;
	v3 =	vld [tilespmem:$0xE20]  }
0x18c: {  	v0 =	vsel vm6, v43, v0;
	v43 =	vld [tilespmem:$0x1EDD0]  }
0x18d: {  	v22 =	vld [tilespmem:$0x1EE20]  }
0x18e: {  	[tilespmem:$0x1F640] =	vst v61;
	v61 =	vld [tilespmem:$0x1610]  }
0x18f: {  	v2 =	vsel vm4, v24, v2;
	v24 =	vld [tilespmem:$0x1EE40]  }
0x190: {  	v2 =	vsel vm1, v27, v2;
	vm8 =	vgt.f32 v45, v0;
	v27 =	vld [tilespmem:$0x1EE60]  }
0x191: {  	vm15 =	vgt.f32 v28, v25;
	v0 =	vsel vm8, v45, v0;
	v45 =	vld [tilespmem:$0x1EDE0]  }
0x192: {  	v34 =	vimm.s32 $0x0;
	[tilespmem:$0x1F290] =	vst v11;
	v11 =	vsel vm15, v28, v25;
	v25 =	vld [tilespmem:$0x30A0]  }
0x193: {  	v39 =	vimm.s32 $0x0;
	v13 =	vsel vm6, $0xFFFFFFFF, v34;
	[tilespmem:$0x1F550] =	vst v61;
	v61 =	vld [tilespmem:$0x3610]  }
0x194: {  	[tilespmem:$0x1F300] =	vst v13;
	v13 =	vsel vm8, $0xFFFFFFFF, v39;
	v39 =	vld [tilespmem:$0x1120]  }
0x195: {  	v2 =	vsel vm2, v30, v2;
	v30 =	vld [tilespmem:$0x3120]  }
0x196: {  	[tilespmem:$0x1FC10] =	vst v36;
	v36 =	vld [tilespmem:$0x1F020]  }
0x197: {  	[tilespmem:$0x1F2D0] =	vst v12;
	v12 =	vsel vm10, v32, v2;
	v2 =	vld [tilespmem:$0xEA0]  }
0x198: {  	[tilespmem:$0x1F650] =	vst v61;
	v61 =	vld [tilespmem:$0x1690]  }
0x199: {  	v32 =	vld [tilespmem:$0x1EE90]  }
0x19a: {  	vm0 =	vgt.f32 v33, v11;
	[tilespmem:$0x1FBC0] =	vst v41;
	v41 =	vld [tilespmem:$0x1EEF0]  }
0x19b: {  	v11 =	vsel vm0, v33, v11;
	v33 =	vld [tilespmem:$0x1EEA0]  }
0x19c: {  	v12 =	vsel vm11, v35, v12;
	v35 =	vld [tilespmem:$0x1EEB0]  }
0x19d: {  	v44 =	vimm.s32 $0x0;
	vm10 =	vgt.f32 v47, v0;
	[tilespmem:$0x1F570] =	vst v61;
	v61 =	vld [tilespmem:$0x3690]  }
0x19e: {  	[tilespmem:$0x1F330] =	vst v13;
	v13 =	vsel vm10, $0xFFFFFFFF, v44;
	v44 =	vld [tilespmem:$0x1EF10]  }
0x19f: {  	v0 =	vsel vm10, v47, v0;
	v47 =	vld [tilespmem:$0x1EF40]  }
0x1a0: {  	v12 =	vsel vm12, v37, v12;
	vm2 =	vgt.f32 v38, v11;
	v37 =	vld [tilespmem:$0x1EEC0]  }
0x1a1: {  	v11 =	vsel vm2, v38, v11;
	v38 =	vld [tilespmem:$0x1EED0]  }
0x1a2: {  	[tilespmem:$0x1F660] =	vst v61;
	v61 =	vld [tilespmem:$0x1710]  }
0x1a3: {  	vm6 =	vgt.f32 v50, v0;
	v12 =	vsel vm13, v40, v12;
	v40 =	vld [tilespmem:$0x1EEE0]  }
0x1a4: {  	v0 =	vsel vm6, v50, v0;
	v50 =	vld [tilespmem:$0x32A0]  }
0x1a5: {  	v12 =	vsel vm9, v42, v12;
	v42 =	vld [tilespmem:$0x3220]  }
0x1a6: {  	[tilespmem:$0x1FBF0] =	vst v25;
	v25 =	vld [tilespmem:$0x1EFA0]  }
0x1a7: {  	[tilespmem:$0x1F5A0] =	vst v61;
	v61 =	vld [tilespmem:$0x3710]  }
0x1a8: {  	vm9 =	vgt.f32 v43, v11;
	[tilespmem:$0x1FC00] =	vst v30;
	v30 =	vld [tilespmem:$0x1EFE0]  }
0x1a9: {  	v46 =	vsel vm9, v43, v11;
	v11 =	vld [tilespmem:$0x1020]  }
0x1aa: {  	v43 =	vld [tilespmem:$0x1EF00]  }
0x1ab: {  	v12 =	vsel vm7, v45, v12;
	v45 =	vld [tilespmem:$0x1EF20]  }
0x1ac: {  	[tilespmem:$0x1F670] =	vst v61;
	v61 =	vld [tilespmem:$0x1790]  }
0x1ad: {  	v12 =	vsel vm5, v56, v12;
	vm11 =	vgt.f32 v59, v46;
	v56 =	vld [tilespmem:$0x1EF60]  }
0x1ae: {  	[tilespmem:$0x1F360] =	vst v13;
	v13 =	vsel vm11, v59, v46;
	v46 =	vld [tilespmem:$0x1EF30]  }
0x1af: {  	v12 =	vsel vm14, v20, v12;
	v20 =	vld [tilespmem:$0x1320]  }
0x1b0: {  	v59 =	vld [tilespmem:$0x1EF80]  }
0x1b1: {  	v12 =	vsel vm15, v22, v12;
	vm15 =	vgt.f32 v54, v0;
	[tilespmem:$0x1F5D0] =	vst v61;
	v61 =	vld [tilespmem:$0x3790]  }
0x1b2: {  	v19 =	vimm.s32 $0x0;
	v0 =	vsel vm15, v54, v0;
	v54 =	vld [tilespmem:$0x12A0]  }
0x1b3: {  	v14 =	vsel vm6, $0xFFFFFFFF, v19;
	vm6 =	vgt.f32 v23, v13;
	v12 =	vsel vm0, v24, v12;
	v24 =	vld [tilespmem:$0x1EF90]  }
0x1b4: {  	v13 =	vsel vm6, v23, v13;
	v23 =	vld [tilespmem:$0x13A0]  }
0x1b5: {  	[tilespmem:$0x1FC20] =	vst v42;
	v42 =	vld [tilespmem:$0x1F070]  }
0x1b6: {  	[tilespmem:$0x1F690] =	vst v61;
	v61 =	vld [tilespmem:$0x1810]  }
0x1b7: {  	v12 =	vsel vm2, v26, v12;
	vm8 =	vgt.f32 v58, v0;
	v26 =	vld [tilespmem:$0x3320]  }
0x1b8: {  	vm7 =	vgt.f32 v27, v13;
	v0 =	vsel vm8, v58, v0;
	v58 =	vld [tilespmem:$0x1EF70]  }
0x1b9: {  	v28 =	vimm.s32 $0x0;
	v13 =	vsel vm7, v27, v13;
	v27 =	vld [tilespmem:$0x1EFB0]  }
0x1ba: {  	[tilespmem:$0x1F3A0] =	vst v14;
	v14 =	vsel vm8, $0xFFFFFFFF, v28;
	v28 =	vld [tilespmem:$0x1EFC0]  }
0x1bb: {  	[tilespmem:$0x1F600] =	vst v61;
	v61 =	vld [tilespmem:$0x3810]  }
0x1bc: {  	v12 =	vsel vm9, v29, v12;
	v29 =	vld [tilespmem:$0x1EFD0]  }
0x1bd: {  	[tilespmem:$0x1F3F0] =	vst v14;
	v14 =	vld [tilespmem:$0x11A0]  }
0x1be: {  	v12 =	vsel vm11, v31, v12;
	vm10 =	vgt.f32 v33, v0;
	v31 =	vld [tilespmem:$0x1220]  }
0x1bf: {  	v0 =	vsel vm10, v33, v0;
	v33 =	vld [tilespmem:$0x1F000]  }
0x1c0: {  	v34 =	vimm.s32 $0x0;
	[tilespmem:$0x1F6A0] =	vst v61;
	v61 =	vld [tilespmem:$0x1890]  }
0x1c1: {  	vm9 =	vgt.f32 v32, v13;
	v18 =	vsel vm10, $0xFFFFFFFF, v34;
	v34 =	vld [tilespmem:$0x1F010]  }
0x1c2: {  	vm4 =	vnez.u8 v47;
	v12 =	vsel vm6, v35, v12;
	v13 =	vsel vm9, v32, v13;
	v35 =	vld [tilespmem:$0x33A0]  }
0x1c3: {  	vm6 =	vnez.u8 v25;
	v12 =	vsel vm7, v37, v12;
	vm11 =	vgt.f32 v38, v13;
	v37 =	vld [tilespmem:$0x1F030]  }
0x1c4: {  	[tilespmem:$0x1F420] =	vst v18;
	vm14 =	vgt.f32 v40, v0;
	v18 =	vnsel vm4, $0x0, v46;
	v13 =	vsel vm11, v38, v13;
	v38 =	vld [tilespmem:$0x1F040]  }
0x1c5: {  	v12 =	vsel vm9, v41, v12;
	v0 =	vsel vm14, v40, v0;
	vm5 =	vnez.u8 v58;
	[tilespmem:$0x1F630] =	vst v61;
	v61 =	vld [tilespmem:$0x3890]  }
0x1c6: {  	[tilespmem:$0x1FBE0] =	vst v21;
	v12 =	vsel vm11, v43, v12;
	vm13 =	vgt.f32 v44, v13;
	v43 =	vld [tilespmem:$0x3420];
	v18 =	vsel vm5, v56, v18  }
0x1c7: {  	[tilespmem:$0x1FC30] =	vst v50;
	v32 =	vld [tilespmem:$0x1EFF0];
	vm10 =	vnez.u8 v29;
	v13 =	vsel vm13, v44, v13;
	v18 =	vsel vm6, v24, v18  }
0x1c8: {  	[tilespmem:$0x1FC40] =	vst v26;
	v40 =	vld [tilespmem:$0x1F050];
	v12 =	vsel vm13, v52, v12;
	vm13 =	vnez.u8 v34;
	v18 =	vsel vm10, v28, v18  }
0x1c9: {  	v41 =	vld [tilespmem:$0x1F060];
	vm7 =	vgt.f32 v27, v13;
	[tilespmem:$0x1FC50] =	vst v35;
	vm4 =	vnez.u8 v37;
	v18 =	vsel vm13, v33, v18  }
0x1ca: {  	v13 =	vsel vm7, v27, v13;
	v19 =	vsel vm4, v36, v18;
	v18 =	vld [tilespmem:$0x1420];
	[tilespmem:$0x1F6C0] =	vst v61  }
0x1cb: {  	vm5 =	vgt.f32 v38, v13;
	v61 =	vld [tilespmem:$0x1910];
	[tilespmem:$0x1FC60] =	vst v43  }
0x1cc: {  	v21 =	vsel vm5, v38, v13;
	v13 =	vld [tilespmem:$0x1F080]  }
0x1cd: {  	vm11 =	vgt.f32 v45, v0;
	v44 =	vld [tilespmem:$0x1F090]  }
0x1ce: {  	v0 =	vsel vm11, v45, v0;
	v45 =	vld [tilespmem:$0x1F0A0]  }
0x1cf: {  	v46 =	vld [tilespmem:$0x1F0B0]  }
0x1d0: {  	v47 =	vld [tilespmem:$0x1F0C0]  }
0x1d1: {  	v50 =	vld [tilespmem:$0x1F0D0]  }
0x1d2: {  	v52 =	vld [tilespmem:$0x34A0]  }
0x1d3: {  	v56 =	vld [tilespmem:$0x1F0E0]  }
0x1d4: {  	vm12 =	vgt.f32 v59, v0;
	v58 =	vld [tilespmem:$0x1F0F0]  }
0x1d5: {  	v0 =	vsel vm12, v59, v0;
	v59 =	vld [tilespmem:$0x1F100]  }
0x1d6: {  	v28 =	vld [tilespmem:$0x1F110]  }
0x1d7: {  	vm9 =	vgt.f32 v30, v0;
	v29 =	vld [tilespmem:$0x1F120]  }
0x1d8: {  	v0 =	vsel vm9, v30, v0;
	v30 =	vld [tilespmem:$0x1F130]  }
0x1d9: {  	v12 =	vsel vm7, v32, v12;
	v32 =	vld [tilespmem:$0x1F140]  }
0x1da: {  	v34 =	vld [tilespmem:$0x1F150]  }
0x1db: {  	v35 =	vld [tilespmem:$0x1F160]  }
0x1dc: {  	v36 =	vld [tilespmem:$0x1F170]  }
0x1dd: {  	v37 =	vld [tilespmem:$0x1F180]  }
0x1de: {  	vm10 =	vgt.f32 v40, v0;
	v38 =	vld [tilespmem:$0x1F190]  }
0x1df: {  	vm6 =	vnez.u8 v42;
	v0 =	vsel vm10, v40, v0;
	v40 =	vld [tilespmem:$0x1F1A0]  }
0x1e0: {  	v19 =	vsel vm6, v41, v19;
	v41 =	vld [tilespmem:$0x35A0]  }
0x1e1: {  	v42 =	vld [tilespmem:$0x1F1B0]  }
0x1e2: {  	v43 =	vld [tilespmem:$0x1F1C0]  }
0x1e3: {  	vm7 =	vnez.u8 v45;
	v45 =	vld [tilespmem:$0x1F1E0]  }
0x1e4: {  	vm8 =	vnez.u8 v50;
	v50 =	vld [tilespmem:$0x3620]  }
0x1e5: {  	[tilespmem:$0x1FC70] =	vst v52;
	v52 =	vld [tilespmem:$0x1F210]  }
0x1e6: {  	vm4 =	vnez.u8 v59;
	v59 =	vld [tilespmem:$0x1F240]  }
0x1e7: {  	v12 =	vsel vm5, v13, v12;
	vm5 =	vnez.u8 v32;
	v32 =	vld [tilespmem:$0x1F260]  }
0x1e8: {  	vm6 =	vnez.u8 v35;
	v35 =	vld [tilespmem:$0x36A0]  }
0x1e9: {  	[tilespmem:$0x1FCC0] =	vst v41;
	v41 =	vld [tilespmem:$0x1F2C0]  }
0x1ea: {  	vm13 =	vgt.f32 v56, v21;
	v19 =	vsel vm7, v44, v19;
	v44 =	vld [tilespmem:$0x1F1D0]  }
0x1eb: {  	v21 =	vsel vm13, v56, v21;
	v56 =	vld [tilespmem:$0x1F220]  }
0x1ec: {  	v12 =	vsel vm13, v29, v12;
	vm13 =	vnez.u8 v40;
	v40 =	vld [tilespmem:$0x1F2B0]  }
0x1ed: {  	vm7 =	vgt.f32 v46, v0;
	v29 =	vld [tilespmem:$0x1F4F0]  }
0x1ee: {  	v0 =	vsel vm7, v46, v0;
	v46 =	vld [tilespmem:$0x1F1F0]  }
0x1ef: {  	v19 =	vsel vm8, v47, v19;
	v47 =	vld [tilespmem:$0x1F200]  }
0x1f0: {  	vm0 =	vgt.f32 v36, v21;
	v19 =	vsel vm4, v58, v19;
	v58 =	vld [tilespmem:$0x1F230]  }
0x1f1: {  	v21 =	vsel vm0, v36, v21;
	v36 =	vld [tilespmem:$0x1F280]  }
0x1f2: {  	v12 =	vsel vm0, v42, v12;
	v42 =	vld [tilespmem:$0x1F2D0]  }
0x1f3: {  	v19 =	vsel vm5, v30, v19;
	v30 =	vld [tilespmem:$0x1F250]  }
0x1f4: {  	vm8 =	vgt.f32 v28, v0;
	v19 =	vsel vm6, v34, v19;
	v34 =	vld [tilespmem:$0x1F270]  }
0x1f5: {  	v0 =	vsel vm8, v28, v0;
	[tilespmem:$0x1FD00] =	vst v50;
	v50 =	vld [tilespmem:$0x1F320]  }
0x1f6: {  	vm5 =	vgt.f32 v37, v0;
	[tilespmem:$0x1FD40] =	vst v35;
	v35 =	vld [tilespmem:$0x1F370]  }
0x1f7: {  	v0 =	vsel vm5, v37, v0;
	v37 =	vld [tilespmem:$0x1F290]  }
0x1f8: {  	v19 =	vsel vm13, v38, v19;
	v38 =	vld [tilespmem:$0x1F2A0]  }
0x1f9: {  	vm4 =	vnez.u8 v44;
	v44 =	vld [tilespmem:$0x1F2E0]  }
0x1fa: {  	v24 =	vsel vm4, v43, v19;
	v43 =	vld [tilespmem:$0x3720]  }
0x1fb: {  	vm13 =	vgt.f32 v52, v21;
	vm6 =	vnez.u8 v47;
	v47 =	vld [tilespmem:$0x1F310]  }
0x1fc: {  	vm4 =	vgt.f32 v45, v0;
	v21 =	vsel vm13, v52, v21;
	v52 =	vld [tilespmem:$0x1F330]  }
0x1fd: {  	v0 =	vsel vm4, v45, v0;
	v45 =	vld [tilespmem:$0x1F2F0]  }
0x1fe: {  	v24 =	vsel vm6, v46, v24;
	vm6 =	vnez.u8 v58;
	v46 =	vld [tilespmem:$0x1F300]  }
0x1ff: {  	v58 =	vld [tilespmem:$0x37A0];
	v24 =	vsel vm6, v56, v24;
	vm6 =	vgt.f32 v59, v0  }
0x200: {  	v0 =	vsel vm6, v59, v0;
	v59 =	vld [tilespmem:$0x1F340]  }
0x201: {  	v12 =	vsel vm13, v30, v12;
	vm13 =	vnez.u8 v34;
	v34 =	vld [tilespmem:$0x1F360]  }
0x202: {  	v24 =	vsel vm13, v32, v24;
	v32 =	vld [tilespmem:$0x1F350]  }
0x203: {  	vm13 =	vnez.u8 v37;
	v37 =	vld [tilespmem:$0x1F390]  }
0x204: {  	vm0 =	vgt.f32 v38, v21;
	v25 =	vsel vm13, v36, v24;
	v36 =	vld [tilespmem:$0x1F380]  }
0x205: {  	vm2 =	vgt.f32 v40, v0;
	v21 =	vsel vm0, v38, v21;
	v38 =	vld [tilespmem:$0x1F3A0]  }
0x206: {  	v0 =	vsel vm2, v40, v0;
	v40 =	vld [tilespmem:$0x3820]  }
0x207: {  	[tilespmem:$0x1FD80] =	vst v43;
	v43 =	vld [tilespmem:$0x1F3C0]  }
0x208: {  	vm13 =	vnez.u8 v42;
	v12 =	vsel vm0, v44, v12;
	v44 =	vld [tilespmem:$0x1F3D0]  }
0x209: {  	v25 =	vsel vm13, v41, v25;
	v41 =	vld [tilespmem:$0x1F3B0]  }
0x20a: {  	vm13 =	vnez.u8 v46;
	v46 =	vld [tilespmem:$0x1F3F0]  }
0x20b: {  	[tilespmem:$0x1FDC0] =	vst v58;
	v58 =	vld [tilespmem:$0x1F420]  }
0x20c: {  	vm3 =	vgt.f32 v47, v0;
	v25 =	vsel vm13, v45, v25;
	v45 =	vld [tilespmem:$0x1F3E0]  }
0x20d: {  	v0 =	vsel vm3, v47, v0;
	v47 =	vld [tilespmem:$0x38A0]  }
0x20e: {  	vm13 =	vnez.u8 v52;
	v52 =	vld [tilespmem:$0x1F410]  }
0x20f: {  	v25 =	vsel vm13, v50, v25;
	v50 =	vld [tilespmem:$0x1F400]  }
0x210: {  	vm0 =	vgt.f32 v59, v21;
	vm13 =	vnez.u8 v34;
	v34 =	vld [tilespmem:$0x1F440]  }
0x211: {  	v21 =	vsel vm0, v59, v21;
	v59 =	vld [tilespmem:$0x1F430]  }
0x212: {  	v25 =	vsel vm13, v32, v25;
	v32 =	vld [tilespmem:$0x1F500]  }
0x213: {  	v12 =	vsel vm0, v36, v12;
	v36 =	vld [tilespmem:$0x1F450]  }
0x214: {  	vm13 =	vnez.u8 v38;
	[tilespmem:$0x1FE00] =	vst v40;
	v40 =	vld [tilespmem:$0x1F460]  }
0x215: {  	vm0 =	vgt.f32 v43, v21;
	v25 =	vsel vm13, v37, v25;
	v37 =	vld [tilespmem:$0x3920]  }
0x216: {  	v21 =	vsel vm0, v43, v21;
	v43 =	vld [tilespmem:$0x1F480]  }
0x217: {  	vm1 =	vgt.f32 v35, v0;
	vm13 =	vnez.u8 v46;
	v46 =	vld [tilespmem:$0x1F4A0]  }
0x218: {  	v0 =	vsel vm1, v35, v0;
	v25 =	vsel vm15, v41, v25;
	v41 =	vld [tilespmem:$0x1F470]  }
0x219: {  	vm15 =	vgt.f32 v44, v0;
	[tilespmem:$0x1FE40] =	vst v47;
	v47 =	vld [tilespmem:$0x1F4B0]  }
0x21a: {  	v0 =	vsel vm15, v44, v0;
	v44 =	vld [tilespmem:$0x1F490]  }
0x21b: {  	v25 =	vsel vm13, v45, v25;
	v45 =	vld [tilespmem:$0x39A0]  }
0x21c: {  	v12 =	vsel vm0, v50, v12;
	v50 =	vld [tilespmem:$0x1F4C0]  }
0x21d: {  	vm13 =	vnez.u8 v58;
	v58 =	vld [tilespmem:$0x3A20]  }
0x21e: {  	v25 =	vsel vm13, v52, v25;
	vm13 =	vgt.f32 v59, v0;
	v52 =	vld [tilespmem:$0x1F4D0]  }
0x21f: {  	v0 =	vsel vm13, v59, v0;
	v59 =	vld [tilespmem:$0x1F4E0]  }
0x220: {  	v25 =	vsel vm14, v34, v25;
	vm0 =	vgt.f32 v36, v21;
	v34 =	vld [tilespmem:$0x1F510]  }
0x221: {  	v21 =	vsel vm0, v36, v21;
	v36 =	vld [tilespmem:$0x1F520]  }
0x222: {  	[tilespmem:$0x1FE70] =	vst v37;
	v37 =	vld [tilespmem:$0x3AA0]  }
0x223: {  	v25 =	vsel vm11, v40, v25;
	v40 =	vld [tilespmem:$0x1F530]  }
0x224: {  	vm11 =	vgt.f32 v41, v0;
	v25 =	vsel vm12, v43, v25;
	v43 =	vld [tilespmem:$0x1F550]  }
0x225: {  	v0 =	vsel vm11, v41, v0;
	v41 =	vld [tilespmem:$0x1F540]  }
0x226: {  	[tilespmem:$0x1FEB0] =	vst v45;
	v45 =	vld [tilespmem:$0x1F560]  }
0x227: {  	vm12 =	vgt.f32 v44, v21;
	[tilespmem:$0x1FEF0] =	vst v58;
	v58 =	vld [tilespmem:$0x1F590]  }
0x228: {  	v25 =	vsel vm9, v46, v25;
	v21 =	vsel vm12, v44, v21;
	vm9 =	vgt.f32 v47, v0;
	v44 =	vld [tilespmem:$0x3B20]  }
0x229: {  	v0 =	vsel vm9, v47, v0;
	v47 =	vld [tilespmem:$0x1F570]  }
0x22a: {  	vm14 =	vgt.f32 v50, v21;
	v50 =	vld [tilespmem:$0x1F580]  }
0x22b: {  	v21 =	vsel vm10, v52, v25;
	v52 =	vld [tilespmem:$0x3BA0]  }
0x22c: {  	v12 =	vsel vm0, v59, v12;
	v59 =	vld [tilespmem:$0x1F5A0]  }
0x22d: {  	v21 =	vsel vm7, v29, v21;
	vm7 =	vgt.f32 v32, v0;
	v12 =	vsel vm12, v34, v12;
	[tilespmem:$0x1FF20] =	vst v37;
	v37 =	vld [tilespmem:$0x1F5B0]  }
0x22e: {  	v21 =	vsel vm8, v36, v21;
	v0 =	vsel vm7, v32, v0;
	v12 =	vsel vm14, v40, v12;
	v40 =	vld [tilespmem:$0x3C20]  }
0x22f: {  	[tilespmem:$0x1FFE0] =	vst v12;
	v12 =	vsel vm5, v41, v21;
	vm5 =	vgt.f32 v43, v0;
	v41 =	vld [tilespmem:$0x1F5C0]  }
0x230: {  	v0 =	vsel vm5, v43, v0;
	v43 =	vld [tilespmem:$0x1F5D0]  }
0x231: {  	vm12 =	vlt.f32 v10, $-Inf;
	vm14 =	vgt.f32 v10, $-Inf;
	[tilespmem:$0x1FF40] =	vst v44;
	v44 =	vld [tilespmem:$0x1F5E0]  }
0x232: {  	v46 =	vimm.s32 $0x0;
	vm0 =	vmor vm14, vm12;
	v12 =	vsel vm4, v45, v12;
	v45 =	vld [tilespmem:$0x3CA0]  }
0x233: {  	v21 =	vsel vm0, $0xFFFFFFFF, v46;
	v46 =	vld [tilespmem:$0x1F5F0]  }
0x234: {  	[tilespmem:$0x1FF50] =	vst v52;
	v52 =	vld [tilespmem:$0x1F610]  }
0x235: {  	vm4 =	vgt.f32 v47, v0;
	v12 =	vsel vm6, v50, v12;
	v50 =	vld [tilespmem:$0x1F670]  }
0x236: {  	v36 =	vimm.s32 $0x0;
	v0 =	vsel vm4, v47, v0;
	v47 =	vld [tilespmem:$0x1F600]  }
0x237: {  	v10 =	vnsel vm0, $0xFF800000, v10;
	v12 =	vsel vm2, v58, v12;
	v58 =	vld [tilespmem:$0x1F620];
	vm2 =	vgt.f32 v59, v0  }
0x238: {  	vm0 =	vgt.f32 v49, v10;
	v12 =	vsel vm3, v37, v12;
	v0 =	vsel vm2, v59, v0;
	v59 =	vld [tilespmem:$0x1F630]  }
0x239: {  	[tilespmem:$0x1F900] =	vst v21;
	v21 =	vsel vm0, $0xFFFFFFFF, v36;
	v10 =	vsel vm0, v49, v10;
	v12 =	vsel vm1, v41, v12;
	v41 =	vld [tilespmem:$0x1F640]  }
0x23a: {  	vm6 =	vgt.f32 v51, v10;
	vm0 =	vgt.f32 v43, v0;
	v12 =	vsel vm15, v44, v12;
	v44 =	vld [tilespmem:$0x1F650]  }
0x23b: {  	v10 =	vsel vm6, v51, v10;
	v0 =	vsel vm0, v43, v0;
	v43 =	vld [tilespmem:$0x3DA0]  }
0x23c: {  	v51 =	vimm.s32 $0x0;
	vm10 =	vgt.f32 v53, v10;
	v12 =	vsel vm13, v46, v12;
	v46 =	vld [tilespmem:$0x1F660]  }
0x23d: {  	[tilespmem:$0x1F920] =	vst v21;
	v21 =	vsel vm10, $0xFFFFFFFF, v51;
	v10 =	vsel vm10, v53, v10;
	v51 =	vld [tilespmem:$0x1F680]  }
0x23e: {  	vm1 =	vgt.f32 v47, v0;
	v12 =	vsel vm11, v52, v12;
	vm13 =	vgt.f32 v55, v10;
	v52 =	vld [tilespmem:$0x1F690]  }
0x23f: {  	v0 =	vsel vm1, v47, v0;
	v10 =	vsel vm13, v55, v10;
	v47 =	vld [tilespmem:$0x3E20]  }
0x240: {  	v12 =	vsel vm9, v58, v12;
	v58 =	vld [tilespmem:$0x1F6A0];
	vm15 =	vgt.f32 v57, v10  }
0x241: {  	[tilespmem:$0x1FF60] =	vst v40;
	vm12 =	vgt.f32 v59, v0;
	v10 =	vsel vm15, v57, v10;
	v57 =	vld [tilespmem:$0x3EA0]  }
0x242: {  	v40 =	vimm.s32 $0x0;
	[tilespmem:$0x1FF70] =	vst v45;
	v12 =	vsel vm7, v41, v12;
	v0 =	vsel vm12, v59, v0;
	v59 =	vld [tilespmem:$0x1F6B0]  }
0x243: {  	v45 =	vimm.s32 $0x0;
	[tilespmem:$0x1F960] =	vst v21;
	v21 =	vsel vm13, $0xFFFFFFFF, v40;
	v12 =	vsel vm5, v44, v12;
	v44 =	vld [tilespmem:$0x3F20]  }
0x244: {  	[tilespmem:$0x1F980] =	vst v21;
	v21 =	vsel vm15, $0xFFFFFFFF, v45;
	v45 =	vld [tilespmem:$0x1F6D0]  }
0x245: {  	[tilespmem:$0x1FF90] =	vst v43;
	v43 =	vld [tilespmem:$0x1F6C0]  }
0x246: {  	v12 =	vsel vm4, v46, v12;
	v46 =	vld [tilespmem:$0x1F6E0]  }
0x247: {  	vm14 =	vgt.f32 v61, v0;
	vm4 =	vgt.f32 v60, v10;
	v12 =	vsel vm2, v50, v12;
	v50 =	vld [tilespmem:$0x1FA0]  }
0x248: {  	v0 =	vsel vm14, v61, v0;
	v10 =	vsel vm4, v60, v10;
	v60 =	vld [tilespmem:$0x1F730]  }
0x249: {  	vm9 =	vgt.f32 v51, v0;
	v12 =	vsel vm0, v52, v12;
	v52 =	vld [tilespmem:$0x1F700]  }
0x24a: {  	vm11 =	vgt.f32 v62, v10;
	v55 =	vsel vm9, v51, v0;
	v51 =	vld [tilespmem:$0x1F6F0]  }
0x24b: {  	v10 =	vsel vm11, v62, v10;
	v62 =	vld [tilespmem:$0x1F740]  }
0x24c: {  	[tilespmem:$0x1FFC0] =	vst v44;
	v44 =	vld [tilespmem:$0x30]  }
0x24d: {  	[tilespmem:$0x1FFB0] =	vst v57;
	vm10 =	vgt.f32 v59, v55;
	v57 =	vld [tilespmem:$0x1F720]  }
0x24e: {  	v41 =	vimm.s32 $0x0;
	[tilespmem:$0x1F9A0] =	vst v21;
	v21 =	vsel vm10, v59, v55;
	v55 =	vld [tilespmem:$0x1F710]  }
0x24f: {  	[tilespmem:$0x1FFA0] =	vst v47;
	v47 =	vimm.s32 $0x0;
	v12 =	vsel vm1, v58, v12;
	vm13 =	vgt.f32 v63, v10;
	v59 =	vld [tilespmem:$0x3FA0]  }
0x250: {  	v0 =	vsel vm11, $0xFFFFFFFF, v41;
	v12 =	vsel vm12, v43, v12;
	v10 =	vsel vm13, v63, v10;
	v63 =	vld [tilespmem:$0x1F750]  }
0x251: {  	[tilespmem:$0x1F9E0] =	vst v0;
	v0 =	vsel vm13, $0xFFFFFFFF, v47;
	v47 =	vld [tilespmem:$0x130];
	v12 =	vsel vm14, v45, v12  }
0x252: {  	v58 =	vimm.s32 $0x0;
	vm12 =	vgt.f32 v46, v21;
	[tilespmem:$0x1FFD0] =	vst v50;
	v50 =	vld [tilespmem:$0x1F760];
	v12 =	vsel vm9, v51, v12  }
0x253: {  	v21 =	vsel vm12, v46, v21;
	v46 =	vld [tilespmem:$0xB0];
	v51 =	vimm.s32 $0x0;
	v12 =	vsel vm10, v52, v12  }
0x254: {  	vm15 =	vgt.f32 v57, v10;
	v52 =	vld [tilespmem:$0x1F770];
	vm9 =	vlt.f32 v44, $-Inf;
	vm10 =	vgt.f32 v44, $-Inf  }
0x255: {  	[tilespmem:$0x1FA00] =	vst v0;
	vm14 =	vgt.f32 v55, v21;
	v0 =	vsel vm15, $0xFFFFFFFF, v58;
	v12 =	vsel vm12, v60, v12;
	v58 =	vld [tilespmem:$0x1F790]  }
0x256: {  	v10 =	vsel vm15, v57, v10;
	vm1 =	vmor vm10, vm9;
	v60 =	vld [tilespmem:$0x1F7A0];
	v21 =	vsel vm14, v55, v21  }
0x257: {  	[tilespmem:$0x1FFF0] =	vst v59;
	v57 =	vimm.s32 $0x0;
	v59 =	vimm.s32 $0x0;
	v55 =	vld [tilespmem:$0x1F780];
	vm5 =	vgt.f32 v63, v21  }
0x258: {  	v12 =	vsel vm14, v62, v12;
	v44 =	vnsel vm1, $0xFF800000, v44;
	v21 =	vsel vm5, v63, v21;
	v63 =	vld [tilespmem:$0x1F7C0]  }
0x259: {  	[tilespmem:$0x1FA20] =	vst v0;
	vm7 =	vgt.f32 v50, v10;
	v0 =	vsel vm1, $0xFFFFFFFF, v57;
	v62 =	vld [tilespmem:$0x1F7B0];
	vm1 =	vgt.f32 v46, v44  }
0x25a: {  	v45 =	vsel vm7, $0xFFFFFFFF, v51;
	v10 =	vsel vm7, v50, v10;
	v46 =	vsel vm1, v46, v44  }
0x25b: {  	v51 =	vld [tilespmem:$0x1B0];
	v12 =	vsel vm5, v52, v12;
	vm14 =	vgt.f32 v47, v46;
	vm11 =	vgt.f32 v58, v10  }
0x25c: {  	[tilespmem:$0x1FC90] =	vst v0;
	vm8 =	vgt.f32 v55, v21;
	v0 =	vsel vm11, $0xFFFFFFFF, v59;
	v10 =	vsel vm11, v58, v10;
	v58 =	vld [tilespmem:$0x1F7D0]  }
0x25d: {  	v59 =	vld [tilespmem:$0x1F7E0];
	v21 =	vsel vm8, v55, v21;
	v55 =	vimm.s32 $0x0;
	vm2 =	vgt.f32 v63, v10  }
0x25e: {  	v61 =	vsel vm8, v60, v12;
	vm12 =	vgt.f32 v62, v21;
	v12 =	vsel vm2, $0xFFFFFFFF, v55;
	v55 =	vld [tilespmem:$0x230]  }
0x25f: {  	v47 =	vsel vm14, v47, v46;
	v21 =	vsel vm12, v62, v21;
	v62 =	vld [tilespmem:$0x1F7F0]  }
0x260: {  	v57 =	vimm.s32 $0x0;
	vm7 =	vgt.f32 v51, v47;
	v10 =	vsel vm2, v63, v10;
	v63 =	vld [tilespmem:$0x1F800]  }
0x261: {  	v60 =	vimm.s32 $0x0;
	v51 =	vsel vm7, v51, v47;
	[tilespmem:$0x1FA80] =	vst v12;
	v12 =	vsel vm1, $0xFFFFFFFF, v57  }
0x262: {  	v50 =	vsel vm12, v58, v61;
	vm13 =	vgt.f32 v59, v10;
	v61 =	vimm.s32 $0x0  }
0x263: {  	v58 =	vimm.s32 $0x0;
	v44 =	vsel vm13, $0xFFFFFFFF, v60;
	v52 =	vsel vm14, $0xFFFFFFFF, v61;
	v61 =	vld [tilespmem:$0x1F820]  }
0x264: {  	v57 =	vld [tilespmem:$0x2B0];
	v10 =	vsel vm13, v59, v10;
	v59 =	vimm.s32 $0x0;
	vm15 =	vgt.f32 v62, v21  }
0x265: {  	[tilespmem:$0x1FA60] =	vst v0;
	v60 =	vld [tilespmem:$0x1F810];
	vm5 =	vgt.f32 v63, v10;
	vm1 =	vgt.f32 v55, v51;
	v21 =	vsel vm15, v62, v21  }
0x266: {  	[tilespmem:$0x1FCB0] =	vst v52;
	v0 =	vsel vm5, $0xFFFFFFFF, v58;
	v10 =	vsel vm5, v63, v10;
	v62 =	vld [tilespmem:$0x1F830];
	v63 =	vimm.s32 $0x0  }
0x267: {  	v52 =	vld [tilespmem:$0x1F870];
	[tilespmem:$0x1FAC0] =	vst v0;
	v0 =	vsel vm7, $0xFFFFFFFF, v59;
	v59 =	vsel vm1, $0xFFFFFFFF, v63  }
0x268: {  	vm8 =	vgt.f32 v61, v21;
	[tilespmem:$0x1FCE0] =	vst v59;
	v59 =	vld [tilespmem:$0x1F840]  }
0x269: {  	v21 =	vsel vm8, v61, v21;
	v61 =	vld [tilespmem:$0x1F850]  }
0x26a: {  	v58 =	vld [tilespmem:$0x330]  }
0x26b: {  	v51 =	vsel vm1, v55, v51;
	v50 =	vsel vm15, v60, v50;
	vm15 =	vgt.f32 v62, v10  }
0x26c: {  	v55 =	vld [tilespmem:$0x3B0];
	vm9 =	vgt.f32 v57, v51;
	v63 =	vimm.s32 $0x0;
	v10 =	vsel vm15, v62, v10  }
0x26d: {  	v60 =	vimm.s32 $0x0;
	v62 =	vld [tilespmem:$0x1F860];
	v59 =	vsel vm8, v59, v50;
	vm11 =	vgt.f32 v9, v10  }
0x26e: {  	v9 =	vsel vm11, v9, v10;
	v10 =	vsel vm9, v57, v51;
	vm10 =	vgt.f32 v61, v21  }
0x26f: {  	[tilespmem:$0x1FCD0] =	vst v0;
	v0 =	vsel vm9, $0xFFFFFFFF, v60;
	vm5 =	vgt.f32 v58, v10;
	v59 =	vsel vm10, v52, v59;
	v52 =	vld [tilespmem:$0x1F890]  }
0x270: {  	[tilespmem:$0x1FCF0] =	vst v0;
	v0 =	vsel vm5, $0xFFFFFFFF, v63;
	v10 =	vsel vm5, v58, v10  }
0x271: {  	[tilespmem:$0x1FD10] =	vst v0;
	v0 =	vld [tilespmem:$0x1F880];
	vm1 =	vgt.f32 v55, v10  }
0x272: {  	vm14 =	vgt.f32 v62, v9;
	v10 =	vsel vm1, v55, v10;
	v55 =	vld [tilespmem:$0x1F8A0]  }
0x273: {  	v57 =	vld [tilespmem:$0x430];
	v60 =	vsel vm10, v61, v21;
	v61 =	vimm.s32 $0x0;
	v9 =	vsel vm14, v62, v9  }
0x274: {  	v61 =	vsel vm1, $0xFFFFFFFF, v61;
	vm9 =	vgt.f32 v52, v9  }
0x275: {  	v58 =	vld [tilespmem:$0x4B0];
	[tilespmem:$0x1FD20] =	vst v61;
	v61 =	vsel vm9, v52, v9  }
0x276: {  	v62 =	vld [tilespmem:$0x530];
	vm7 =	vgt.f32 v0, v60;
	vm10 =	vgt.f32 v8, v61  }
0x277: {  	v52 =	vld [tilespmem:$0x1F8B0];
	v55 =	vsel vm7, v55, v59;
	v59 =	vsel vm10, v8, v61  }
0x278: {  	vm8 =	vgt.f32 v57, v10;
	v60 =	vsel vm7, v0, v60;
	vm7 =	vgt.f32 v48, v59  }
0x279: {  	v10 =	vsel vm8, v57, v10;
	v59 =	vsel vm7, v48, v59;
	v48 =	vld [tilespmem:$0x1F8D0]  }
0x27a: {  	vm13 =	vgt.f32 v58, v10  }
0x27b: {  	v63 =	vimm.s32 $0x0;
	v58 =	vsel vm13, v58, v10  }
0x27c: {  	v0 =	vsel vm8, $0xFFFFFFFF, v63;
	v63 =	vld [tilespmem:$0x1F8C0];
	vm1 =	vgt.f32 v62, v58;
	vm12 =	vgt.f32 v52, v60  }
0x27d: {  	v58 =	vsel vm1, v62, v58;
	v62 =	vld [tilespmem:$0x1F900];
	v60 =	vsel vm12, v52, v60  }
0x27e: {  	vm5 =	vgt.f32 v48, v60;
	v60 =	vld [tilespmem:$0x1F8E0];
	_ =	sdelay $0x1  }
0x27f: {  	v57 =	vld [tilespmem:$0x5B0]  }
0x280: {  	v61 =	vimm.s32 $0x0  }
0x281: {  	[tilespmem:$0x1FD30] =	vst v0;
	v0 =	vsel vm13, $0xFFFFFFFF, v61;
	v61 =	vsel vm12, v63, v55;
	vm12 =	vnez.u8 v62;
	v62 =	vld [tilespmem:$0x1F920]  }
0x282: {  	v10 =	vsel vm5, v60, v61;
	v61 =	vld [tilespmem:$0x1F8F0]  }
0x283: {  	v52 =	vimm.s32 $0x0;
	v63 =	vld [tilespmem:$0x630]  }
0x284: {  	[tilespmem:$0x1FD50] =	vst v0;
	vm13 =	vgt.f32 v57, v58;
	v0 =	vsel vm1, $0xFFFFFFFF, v52;
	v52 =	vld [tilespmem:$0x1F910];
	v48 =	vimm.s32 $0x0  }
0x285: {  	[tilespmem:$0x1FD60] =	vst v0;
	v0 =	vsel vm13, $0xFFFFFFFF, v48;
	v48 =	vld [tilespmem:$0x1F930];
	_ =	sdelay $0x1  }
0x286: {  	v61 =	vnsel vm12, $0x0, v61;
	vm12 =	vnez.u8 v62;
	v62 =	vld [tilespmem:$0x1F960]  }
0x287: {  	v57 =	vsel vm13, v57, v58  }
0x288: {  	vm0 =	vgt.f32 v63, v57;
	v60 =	vld [tilespmem:$0x6B0];
	v61 =	vsel vm12, v52, v61;
	v52 =	vimm.s32 $0x0  }
0x289: {  	[tilespmem:$0x1FD70] =	vst v0;
	v61 =	vsel vm6, v48, v61;
	v48 =	vld [tilespmem:$0x1F940];
	v0 =	vsel vm0, $0xFFFFFFFF, v52  }
0x28a: {  	vm8 =	vgt.f32 v7, v59;
	[tilespmem:$0x1FD90] =	vst v0;
	v0 =	vld [tilespmem:$0x1F950]  }
0x28b: {  	v59 =	vsel vm8, v7, v59;
	vm13 =	vnez.u8 v62;
	v62 =	vsel vm0, v63, v57;
	v57 =	vld [tilespmem:$0x1F980]  }
0x28c: {  	vm5 =	vgt.f32 v1, v59;
	v52 =	vld [tilespmem:$0x1F970]  }
0x28d: {  	v59 =	vsel vm5, v1, v59  }
0x28e: {  	vm6 =	vgt.f32 v48, v59  }
0x28f: {  	v61 =	vsel vm13, v0, v61;
	v59 =	vsel vm6, v48, v59  }
0x290: {  	v58 =	vld [tilespmem:$0x730];
	vm13 =	vgt.f32 v60, v62;
	v48 =	vimm.s32 $0x0;
	vm12 =	vnez.u8 v57  }
0x291: {  	v0 =	vsel vm13, $0xFFFFFFFF, v48;
	v61 =	vsel vm12, v52, v61;
	v52 =	vld [tilespmem:$0x1F9A0]  }
0x292: {  	[tilespmem:$0x1FDA0] =	vst v0;
	v0 =	vld [tilespmem:$0x1F990];
	_ =	sdelay $0x2  }
0x293: {  	v60 =	vsel vm13, v60, v62;
	v48 =	vld [tilespmem:$0x1F9B0]  }
0x294: {  	vm0 =	vgt.f32 v58, v60;
	vm12 =	vnez.u8 v52;
	v52 =	vimm.s32 $0x0  }
0x295: {  	v61 =	vsel vm12, v0, v61;
	v0 =	vsel vm0, $0xFFFFFFFF, v52;
	v52 =	vld [tilespmem:$0x1F9E0];
	_ =	sdelay $0x1  }
0x296: {  	v63 =	vld [tilespmem:$0x7B0]  }
0x297: {  	v61 =	vsel vm4, v48, v61;
	v48 =	vld [tilespmem:$0x1F9C0]  }
0x298: {  	[tilespmem:$0x1FDB0] =	vst v0;
	v0 =	vld [tilespmem:$0x1F9D0]  }
0x299: {  	vm13 =	vnez.u8 v52;
	v52 =	vld [tilespmem:$0x1FA00];
	_ =	sdelay $0x1  }
0x29a: {  	vm3 =	vgt.f32 v6, v59  }
0x29b: {  	v59 =	vsel vm3, v6, v59  }
0x29c: {  	v60 =	vsel vm0, v58, v60;
	vm4 =	vgt.f32 v48, v59;
	v61 =	vsel vm13, v0, v61  }
0x29d: {  	vm13 =	vgt.f32 v63, v60;
	vm12 =	vnez.u8 v52;
	v52 =	vimm.s32 $0x0  }
0x29e: {  	v58 =	vld [tilespmem:$0x1F9F0];
	v59 =	vsel vm4, v48, v59;
	v48 =	vsel vm13, $0xFFFFFFFF, v52  }
0x29f: {  	[tilespmem:$0x1FDD0] =	vst v48;
	v48 =	vld [tilespmem:$0x1FA20]  }
0x2a0: {  	v52 =	vld [tilespmem:$0x1FA10];
	_ =	sdelay $0x3  }
0x2a1: {  	[tilespmem:$0x1FA40] =	vst v45;
	v62 =	vld [tilespmem:$0x830];
	v61 =	vsel vm12, v58, v61;
	vm12 =	vnez.u8 v48  }
0x2a2: {  	v61 =	vsel vm12, v52, v61;
	v52 =	vld [tilespmem:$0x1FA40];
	_ =	sdelay $0x3  }
0x2a3: {  	v60 =	vsel vm13, v63, v60;
	vm1 =	vgt.f32 v4, v59  }
0x2a4: {  	vm0 =	vgt.f32 v62, v60;
	vm13 =	vnez.u8 v52;
	v52 =	vimm.s32 $0x0  }
0x2a5: {  	v59 =	vsel vm1, v4, v59;
	v4 =	vld [tilespmem:$0x1FA30];
	v48 =	vsel vm0, $0xFFFFFFFF, v52  }
0x2a6: {  	[tilespmem:$0x1FDE0] =	vst v48;
	v48 =	vld [tilespmem:$0x1FA60]  }
0x2a7: {  	v52 =	vld [tilespmem:$0x1FA50];
	_ =	sdelay $0x3  }
0x2a8: {  	v0 =	vld [tilespmem:$0x8B0];
	v61 =	vsel vm13, v4, v61;
	vm12 =	vnez.u8 v48  }
0x2a9: {  	v61 =	vsel vm12, v52, v61;
	v52 =	vld [tilespmem:$0x1FA80];
	_ =	sdelay $0x3  }
0x2aa: {  	v60 =	vsel vm0, v62, v60;
	vm2 =	vgt.f32 v5, v59  }
0x2ab: {  	vm0 =	vgt.f32 v0, v60;
	vm12 =	vnez.u8 v52;
	v52 =	vimm.s32 $0x0  }
0x2ac: {  	[tilespmem:$0x1FAA0] =	vst v44;
	v59 =	vsel vm2, v5, v59;
	v5 =	vld [tilespmem:$0x1FA70];
	v48 =	vsel vm0, $0xFFFFFFFF, v52  }
0x2ad: {  	[tilespmem:$0x1FDF0] =	vst v48;
	v48 =	vld [tilespmem:$0x1FAA0]  }
0x2ae: {  	v52 =	vld [tilespmem:$0x1FA90];
	_ =	sdelay $0x3  }
0x2af: {  	v63 =	vld [tilespmem:$0x930];
	v61 =	vsel vm12, v5, v61;
	vm13 =	vnez.u8 v48  }
0x2b0: {  	v61 =	vsel vm13, v52, v61;
	v52 =	vld [tilespmem:$0x1FAC0];
	_ =	sdelay $0x3  }
0x2b1: {  	v0 =	vsel vm0, v0, v60;
	vm12 =	vgt.f32 v3, v59  }
0x2b2: {  	vm0 =	vgt.f32 v63, v0;
	vm13 =	vnez.u8 v52;
	v52 =	vimm.s32 $0x0  }
0x2b3: {  	v59 =	vsel vm12, v3, v59;
	v3 =	vld [tilespmem:$0x1FAB0];
	v48 =	vsel vm0, $0xFFFFFFFF, v52  }
0x2b4: {  	[tilespmem:$0x1FE10] =	vst v48;
	v48 =	vld [tilespmem:$0x1FAD0];
	_ =	sdelay $0x3  }
0x2b5: {  	v62 =	vld [tilespmem:$0x9B0];
	v61 =	vsel vm13, v3, v61  }
0x2b6: {  	v61 =	vsel vm15, v48, v61;
	v48 =	vld [tilespmem:$0x1FAE0];
	_ =	sdelay $0x2  }
0x2b7: {  	v0 =	vsel vm0, v63, v0  }
0x2b8: {  	vm0 =	vgt.f32 v62, v0;
	v52 =	vimm.s32 $0x0  }
0x2b9: {  	v61 =	vsel vm11, v48, v61;
	v48 =	vsel vm0, $0xFFFFFFFF, v52  }
0x2ba: {  	[tilespmem:$0x1FE20] =	vst v48;
	v48 =	vld [tilespmem:$0x1FAF0];
	_ =	sdelay $0x3  }
0x2bb: {  	v60 =	vld [tilespmem:$0xA30]  }
0x2bc: {  	v61 =	vsel vm14, v48, v61;
	v48 =	vld [tilespmem:$0x1FB00];
	_ =	sdelay $0x2  }
0x2bd: {  	v0 =	vsel vm0, v62, v0  }
0x2be: {  	vm0 =	vgt.f32 v60, v0;
	v52 =	vimm.s32 $0x0  }
0x2bf: {  	v61 =	vsel vm9, v48, v61;
	v48 =	vsel vm0, $0xFFFFFFFF, v52  }
0x2c0: {  	[tilespmem:$0x1FE30] =	vst v48;
	v48 =	vld [tilespmem:$0x1FB10];
	_ =	sdelay $0x3  }
0x2c1: {  	v63 =	vld [tilespmem:$0xAB0]  }
0x2c2: {  	v61 =	vsel vm10, v48, v61;
	v48 =	vld [tilespmem:$0x1FB20];
	_ =	sdelay $0x2  }
0x2c3: {  	v0 =	vsel vm0, v60, v0  }
0x2c4: {  	vm0 =	vgt.f32 v63, v0;
	v52 =	vimm.s32 $0x0  }
0x2c5: {  	v61 =	vsel vm7, v48, v61;
	v48 =	vsel vm0, $0xFFFFFFFF, v52  }
0x2c6: {  	[tilespmem:$0x1FE50] =	vst v48;
	v48 =	vld [tilespmem:$0x1FB30];
	_ =	sdelay $0x3  }
0x2c7: {  	v52 =	vld [tilespmem:$0x1FB40]  }
0x2c8: {  	v61 =	vsel vm8, v48, v61;
	v48 =	vld [tilespmem:$0x1FB50];
	_ =	sdelay $0x1  }
0x2c9: {  	v62 =	vld [tilespmem:$0xB30];
	_ =	sdelay $0x1  }
0x2ca: {  	v60 =	vld [tilespmem:$0xBB0];
	v61 =	vsel vm5, v52, v61  }
0x2cb: {  	v61 =	vsel vm6, v48, v61;
	v48 =	vld [tilespmem:$0x1FB60]  }
0x2cc: {  	v0 =	vsel vm0, v63, v0  }
0x2cd: {  	vm0 =	vgt.f32 v62, v0  }
0x2ce: {  	v0 =	vsel vm0, v62, v0  }
0x2cf: {  	vm15 =	vgt.f32 v60, v0;
	v52 =	vimm.s32 $0x0  }
0x2d0: {  	v61 =	vsel vm3, v48, v61;
	v48 =	vsel vm15, $0xFFFFFFFF, v52  }
0x2d1: {  	[tilespmem:$0x1FE60] =	vst v48;
	v48 =	vld [tilespmem:$0x1FB70];
	_ =	sdelay $0x3  }
0x2d2: {  	v63 =	vld [tilespmem:$0xC30]  }
0x2d3: {  	v61 =	vsel vm4, v48, v61;
	v48 =	vld [tilespmem:$0x1FB80];
	_ =	sdelay $0x2  }
0x2d4: {  	v0 =	vsel vm15, v60, v0  }
0x2d5: {  	vm6 =	vmmov vm0;
	vm0 =	vgt.f32 v63, v0;
	v52 =	vimm.s32 $0x0  }
0x2d6: {  	v22 =	vld [tilespmem:$0x1520];
	v61 =	vsel vm1, v48, v61;
	v48 =	vsel vm0, $0xFFFFFFFF, v52  }
0x2d7: {  	[tilespmem:$0x1FE80] =	vst v48;
	v48 =	vld [tilespmem:$0x1FB90]  }
0x2d8: {  	v33 =	vld [tilespmem:$0x3520]  }
0x2d9: {  	v26 =	vld [tilespmem:$0x15A0]  }
0x2da: {  	v27 =	vld [tilespmem:$0x1AA0]  }
0x2db: {  	v62 =	vld [tilespmem:$0xCB0]  }
0x2dc: {  	v61 =	vsel vm2, v48, v61;
	v48 =	vld [tilespmem:$0x1FBA0]  }
0x2dd: {  	v13 =	vld [tilespmem:$0x14A0]  }
0x2de: {  	[tilespmem:$0x1FC80] =	vst v33;
	v33 =	vld [tilespmem:$0x16A0]  }
0x2df: {  	v28 =	vld [tilespmem:$0x1A20];
	v0 =	vsel vm0, v63, v0  }
0x2e0: {  	v19 =	vld [tilespmem:$0x1620];
	vm8 =	vgt.f32 v62, v0;
	v52 =	vimm.s32 $0x0  }
0x2e1: {  	v56 =	vld [tilespmem:$0x17A0];
	v61 =	vsel vm12, v48, v61;
	v48 =	vsel vm8, $0xFFFFFFFF, v52  }
0x2e2: {  	[tilespmem:$0x1FE90] =	vst v48;
	v48 =	vld [tilespmem:$0x1FBB0]  }
0x2e3: {  	v30 =	vld [tilespmem:$0x19A0]  }
0x2e4: {  	v24 =	vld [tilespmem:$0x1720]  }
0x2e5: {  	v42 =	vld [tilespmem:$0x1820]  }
0x2e6: {  	vm13 =	vgt.f32 v2, v59;
	v60 =	vld [tilespmem:$0xD30]  }
0x2e7: {  	v61 =	vsel vm13, v48, v61;
	v48 =	vld [tilespmem:$0x1FBC0]  }
0x2e8: {  	v35 =	vld [tilespmem:$0x1920]  }
0x2e9: {  	v38 =	vld [tilespmem:$0x18A0];
	v59 =	vsel vm13, v2, v59  }
0x2ea: {  	v25 =	vld [tilespmem:$0x1C20];
	vm11 =	vgt.f32 v16, v59  }
0x2eb: {  	v29 =	vld [tilespmem:$0x1B20];
	v59 =	vsel vm11, v16, v59;
	v0 =	vsel vm8, v62, v0  }
0x2ec: {  	v34 =	vld [tilespmem:$0x1BA0];
	v52 =	vimm.s32 $0x0;
	v61 =	vsel vm11, v48, v61;
	vm11 =	vgt.f32 v60, v0  }
0x2ed: {  	v32 =	vld [tilespmem:$0x1EA0];
	v48 =	vsel vm11, $0xFFFFFFFF, v52  }
0x2ee: {  	[tilespmem:$0x1FEA0] =	vst v48;
	v48 =	vld [tilespmem:$0x1FBD0]  }
0x2ef: {  	v49 =	vld [tilespmem:$0x1D20]  }
0x2f0: {  	v36 =	vld [tilespmem:$0x1DA0]  }
0x2f1: {  	v53 =	vld [tilespmem:$0x3D20]  }
0x2f2: {  	vm9 =	vgt.f32 v15, v59;
	v63 =	vld [tilespmem:$0xDB0]  }
0x2f3: {  	v61 =	vsel vm9, v48, v61;
	v48 =	vld [tilespmem:$0x1FBE0]  }
0x2f4: {  	v37 =	vld [tilespmem:$0x1CA0]  }
0x2f5: {  	v40 =	vld [tilespmem:$0x1F20]  }
0x2f6: {  	[tilespmem:$0x1FF80] =	vst v53;
	v53 =	vld [tilespmem:$0x1E20];
	v59 =	vsel vm9, v15, v59;
	v0 =	vsel vm11, v60, v0  }
0x2f7: {  	v41 =	vld [tilespmem:$0x2030];
	vm7 =	vgt.f32 v11, v59;
	v52 =	vimm.s32 $0x0;
	vm13 =	vgt.f32 v63, v0  }
0x2f8: {  	v43 =	vld [tilespmem:$0x20B0];
	v61 =	vsel vm7, v48, v61;
	v48 =	vsel vm13, $0xFFFFFFFF, v52  }
0x2f9: {  	[tilespmem:$0x1FEC0] =	vst v48;
	v48 =	vld [tilespmem:$0x1FBF0]  }
0x2fa: {  	v45 =	vld [tilespmem:$0x2130]  }
0x2fb: {  	v46 =	vld [tilespmem:$0x22B0]  }
0x2fc: {  	v47 =	vld [tilespmem:$0x2330];
	v59 =	vsel vm7, v11, v59  }
0x2fd: {  	vm5 =	vgt.f32 v17, v59;
	v62 =	vld [tilespmem:$0xE30]  }
0x2fe: {  	v61 =	vsel vm5, v48, v61;
	v48 =	vld [tilespmem:$0x1FC00]  }
0x2ff: {  	[tilespmem:$0x1FCA0] =	vst v12;
	v12 =	vld [tilespmem:$0x21B0]  }
0x300: {  	v44 =	vld [tilespmem:$0x2230]  }
0x301: {  	v50 =	vld [tilespmem:$0x23B0];
	v59 =	vsel vm5, v17, v59;
	v0 =	vsel vm13, v63, v0  }
0x302: {  	v51 =	vld [tilespmem:$0x24B0];
	vm14 =	vgt.f32 v39, v59;
	vm15 =	vgt.f32 v62, v0;
	v52 =	vimm.s32 $0x0  }
0x303: {  	v21 =	vld [tilespmem:$0x2430];
	v61 =	vsel vm14, v48, v61;
	v48 =	vsel vm15, $0xFFFFFFFF, v52  }
0x304: {  	[tilespmem:$0x1FED0] =	vst v48;
	v48 =	vld [tilespmem:$0x1FC10]  }
0x305: {  	v9 =	vld [tilespmem:$0x2530]  }
0x306: {  	v8 =	vld [tilespmem:$0x25B0]  }
0x307: {  	v7 =	vld [tilespmem:$0x26B0];
	v59 =	vsel vm14, v39, v59  }
0x308: {  	vm1 =	vgt.f32 v14, v59;
	v60 =	vld [tilespmem:$0xEB0]  }
0x309: {  	v61 =	vsel vm1, v48, v61;
	v48 =	vld [tilespmem:$0x1FC20]  }
0x30a: {  	v55 =	vld [tilespmem:$0x2630]  }
0x30b: {  	v1 =	vld [tilespmem:$0x2730]  }
0x30c: {  	v57 =	vld [tilespmem:$0x27B0];
	v59 =	vsel vm1, v14, v59;
	v0 =	vsel vm15, v62, v0  }
0x30d: {  	v6 =	vld [tilespmem:$0x2830];
	vm0 =	vgt.f32 v31, v59;
	vm8 =	vgt.f32 v60, v0;
	v52 =	vimm.s32 $0x0  }
0x30e: {  	v58 =	vld [tilespmem:$0x28B0];
	v61 =	vsel vm0, v48, v61;
	v48 =	vsel vm8, $0xFFFFFFFF, v52  }
0x30f: {  	[tilespmem:$0x1FEE0] =	vst v48;
	v48 =	vld [tilespmem:$0x1FC30]  }
0x310: {  	v4 =	vld [tilespmem:$0x2930]  }
0x311: {  	v5 =	vld [tilespmem:$0x29B0]  }
0x312: {  	v3 =	vld [tilespmem:$0x2A30];
	v59 =	vsel vm0, v31, v59  }
0x313: {  	vm10 =	vgt.f32 v54, v59;
	v52 =	vld [tilespmem:$0x1FC40]  }
0x314: {  	v61 =	vsel vm10, v48, v61;
	v48 =	vld [tilespmem:$0x1FC50]  }
0x315: {  	v2 =	vld [tilespmem:$0x2AB0];
	v59 =	vsel vm10, v54, v59  }
0x316: {  	vm12 =	vgt.f32 v20, v59;
	v63 =	vld [tilespmem:$0xF30]  }
0x317: {  	v16 =	vld [tilespmem:$0x2B30];
	v59 =	vsel vm12, v20, v59  }
0x318: {  	v62 =	vld [tilespmem:$0xFB0];
	vm14 =	vgt.f32 v23, v59;
	v61 =	vsel vm12, v52, v61  }
0x319: {  	v61 =	vsel vm14, v48, v61;
	v48 =	vld [tilespmem:$0x1FC60]  }
0x31a: {  	v15 =	vld [tilespmem:$0x2BB0];
	v0 =	vsel vm8, v60, v0  }
0x31b: {  	v11 =	vld [tilespmem:$0x2C30];
	vm2 =	vgt.f32 v63, v0  }
0x31c: {  	v17 =	vld [tilespmem:$0x2CB0];
	v0 =	vsel vm2, v63, v0;
	v59 =	vsel vm14, v23, v59  }
0x31d: {  	v39 =	vld [tilespmem:$0x2D30];
	vm11 =	vgt.f32 v62, v0;
	vm7 =	vgt.f32 v18, v59;
	v52 =	vimm.s32 $0x0  }
0x31e: {  	v14 =	vld [tilespmem:$0x2DB0];
	v61 =	vsel vm7, v48, v61;
	v48 =	vsel vm11, $0xFFFFFFFF, v52  }
0x31f: {  	[tilespmem:$0x1FF00] =	vst v48;
	v48 =	vld [tilespmem:$0x1FC70]  }
0x320: {  	v31 =	vld [tilespmem:$0x2E30]  }
0x321: {  	v60 =	vld [tilespmem:$0x1030]  }
0x322: {  	v63 =	vld [tilespmem:$0x10B0];
	v59 =	vsel vm7, v18, v59  }
0x323: {  	vm9 =	vgt.f32 v13, v59;
	v52 =	vld [tilespmem:$0x1FC80]  }
0x324: {  	v61 =	vsel vm9, v48, v61;
	v48 =	vld [tilespmem:$0x1FC90]  }
0x325: {  	v54 =	vld [tilespmem:$0x2EB0]  }
0x326: {  	v20 =	vld [tilespmem:$0x2F30];
	v0 =	vsel vm11, v62, v0;
	v59 =	vsel vm9, v13, v59  }
0x327: {  	v62 =	vld [tilespmem:$0x1130];
	vm13 =	vgt.f32 v60, v0;
	vm10 =	vgt.f32 v22, v59  }
0x328: {  	v0 =	vsel vm13, v60, v0;
	v60 =	vld [tilespmem:$0x1FCC0];
	v61 =	vsel vm10, v52, v61;
	v52 =	vimm.s32 $0x0  }
0x329: {  	vm5 =	vgt.f32 v63, v0;
	vm12 =	vnez.u8 v48;
	v48 =	vsel vm13, $0xFFFFFFFF, v52;
	v52 =	vld [tilespmem:$0x1FCA0]  }
0x32a: {  	v0 =	vsel vm5, v63, v0;
	v63 =	vld [tilespmem:$0x1FD20]  }
0x32b: {  	v23 =	vld [tilespmem:$0x2FB0]  }
0x32c: {  	v18 =	vld [tilespmem:$0x3030];
	vm13 =	vgt.f32 v62, v0  }
0x32d: {  	v0 =	vsel vm13, v62, v0;
	v62 =	vld [tilespmem:$0x1FD10]  }
0x32e: {  	vm14 =	vnez.u8 v52;
	v52 =	vld [tilespmem:$0x1FCB0]  }
0x32f: {  	v13 =	vld [tilespmem:$0x30B0]  }
0x330: {  	v59 =	vsel vm10, v22, v59;
	v22 =	vld [tilespmem:$0x3130];
	v41 =	vnsel vm12, $0x0, v41  }
0x331: {  	v41 =	vsel vm14, v43, v41;
	v43 =	vld [tilespmem:$0x11B0]  }
0x332: {  	vm11 =	vnez.u8 v62;
	v62 =	vld [tilespmem:$0x1FD70]  }
0x333: {  	vm15 =	vgt.f32 v26, v59;
	vm4 =	vnez.u8 v52;
	v52 =	vld [tilespmem:$0x1FCE0]  }
0x334: {  	v41 =	vsel vm4, v45, v41;
	v45 =	vsel vm15, v26, v59;
	v26 =	vld [tilespmem:$0x31B0];
	v59 =	vimm.s32 $0x0  }
0x335: {  	[tilespmem:$0x1FF10] =	vst v48;
	v48 =	vsel vm5, $0xFFFFFFFF, v59;
	v59 =	vsel vm15, v60, v61;
	v61 =	vld [tilespmem:$0x1FCD0]  }
0x336: {  	vm14 =	vgt.f32 v43, v0;
	v60 =	vld [tilespmem:$0x1FCF0]  }
0x337: {  	vm9 =	vgt.f32 v19, v45;
	v0 =	vsel vm14, v43, v0;
	v43 =	vld [tilespmem:$0x1330]  }
0x338: {  	v19 =	vsel vm9, v19, v45;
	v45 =	vld [tilespmem:$0x12B0]  }
0x339: {  	[tilespmem:$0x1FF30] =	vst v48;
	v48 =	vld [tilespmem:$0x1FD80]  }
0x33a: {  	vm8 =	vnez.u8 v52;
	v52 =	vld [tilespmem:$0x1FD30]  }
0x33b: {  	vm7 =	vnez.u8 v61;
	v61 =	vld [tilespmem:$0x1FD00]  }
0x33c: {  	vm15 =	vgt.f32 v33, v19;
	vm10 =	vnez.u8 v60;
	v60 =	vld [tilespmem:$0x1FD50]  }
0x33d: {  	v19 =	vsel vm15, v33, v19;
	v12 =	vsel vm7, v12, v41;
	v41 =	vld [tilespmem:$0x1230]  }
0x33e: {  	v12 =	vsel vm8, v44, v12;
	v44 =	vld [tilespmem:$0x3230];
	vm8 =	vgt.f32 v24, v19  }
0x33f: {  	vm12 =	vnez.u8 v63;
	v63 =	vsel vm8, v24, v19;
	v19 =	vld [tilespmem:$0x1430]  }
0x340: {  	v12 =	vsel vm10, v46, v12;
	vm4 =	vnez.u8 v52;
	v52 =	vld [tilespmem:$0x14B0]  }
0x341: {  	v12 =	vsel vm11, v47, v12;
	v47 =	vld [tilespmem:$0x32B0]  }
0x342: {  	v46 =	vsel vm9, v61, v59;
	v59 =	vld [tilespmem:$0x1FD40]  }
0x343: {  	v61 =	vld [tilespmem:$0x1FD60]  }
0x344: {  	v12 =	vsel vm12, v50, v12;
	v50 =	vld [tilespmem:$0x1FD90]  }
0x345: {  	vm5 =	vnez.u8 v60;
	v60 =	vld [tilespmem:$0x1FDC0]  }
0x346: {  	vm9 =	vnez.u8 v62;
	v62 =	vld [tilespmem:$0x1530]  }
0x347: {  	v12 =	vsel vm4, v21, v12;
	v21 =	vld [tilespmem:$0x3330];
	vm11 =	vgt.f32 v41, v0  }
0x348: {  	v0 =	vsel vm11, v41, v0;
	v41 =	vld [tilespmem:$0x13B0]  }
0x349: {  	v12 =	vsel vm5, v51, v12;
	v51 =	vld [tilespmem:$0x1FDA0];
	vm12 =	vgt.f32 v45, v0  }
0x34a: {  	v0 =	vsel vm12, v45, v0;
	v45 =	vld [tilespmem:$0x1FDF0]  }
0x34b: {  	vm4 =	vgt.f32 v56, v63;
	vm7 =	vnez.u8 v61;
	v61 =	vld [tilespmem:$0x1FDD0]  }
0x34c: {  	v33 =	vsel vm15, v59, v46;
	v59 =	vsel vm4, v56, v63;
	v63 =	vld [tilespmem:$0x1FDE0]  }
0x34d: {  	v46 =	vld [tilespmem:$0x15B0]  }
0x34e: {  	vm10 =	vnez.u8 v50;
	v50 =	vld [tilespmem:$0x1FE10]  }
0x34f: {  	v9 =	vsel vm7, v9, v12;
	v12 =	vld [tilespmem:$0x33B0]  }
0x350: {  	v24 =	vsel vm8, v48, v33;
	v33 =	vld [tilespmem:$0x3430]  }
0x351: {  	v48 =	vld [tilespmem:$0x1FE00]  }
0x352: {  	v8 =	vsel vm9, v8, v9;
	v9 =	vld [tilespmem:$0x34B0]  }
0x353: {  	vm15 =	vnez.u8 v51;
	v51 =	vld [tilespmem:$0x1FE20]  }
0x354: {  	v24 =	vsel vm4, v60, v24;
	v60 =	vld [tilespmem:$0x1FE60]  }
0x355: {  	vm9 =	vgt.f32 v43, v0;
	v8 =	vsel vm10, v55, v8;
	v55 =	vld [tilespmem:$0x1FDB0]  }
0x356: {  	v0 =	vsel vm9, v43, v0;
	v43 =	vld [tilespmem:$0x1830]  }
0x357: {  	v7 =	vsel vm15, v7, v8;
	vm15 =	vnez.u8 v45;
	v45 =	vld [tilespmem:$0x1FED0]  }
0x358: {  	vm7 =	vnez.u8 v61;
	v61 =	vld [tilespmem:$0x1730]  }
0x359: {  	vm10 =	vgt.f32 v41, v0;
	vm8 =	vnez.u8 v63;
	v63 =	vld [tilespmem:$0x1FE80]  }
0x35a: {  	v0 =	vsel vm10, v41, v0;
	v41 =	vld [tilespmem:$0x1FEB0]  }
0x35b: {  	vm0 =	vgt.f32 v42, v59;
	vm4 =	vnez.u8 v50;
	v50 =	vld [tilespmem:$0x18B0]  }
0x35c: {  	v24 =	vsel vm0, v48, v24;
	v48 =	vld [tilespmem:$0x1FEE0]  }
0x35d: {  	vm5 =	vnez.u8 v55;
	v55 =	vld [tilespmem:$0x1FE30]  }
0x35e: {  	v1 =	vsel vm5, v1, v7;
	v7 =	vsel vm0, v42, v59;
	v59 =	vld [tilespmem:$0x16B0]  }
0x35f: {  	v42 =	vld [tilespmem:$0x1FEC0]  }
0x360: {  	vm5 =	vnez.u8 v51;
	v51 =	vld [tilespmem:$0x1FEF0]  }
0x361: {  	v1 =	vsel vm7, v57, v1;
	v57 =	vld [tilespmem:$0x1FE40]  }
0x362: {  	vm0 =	vgt.f32 v38, v7;
	v1 =	vsel vm8, v6, v1;
	v6 =	vld [tilespmem:$0x3530]  }
0x363: {  	v56 =	vsel vm0, v38, v7;
	v7 =	vld [tilespmem:$0x3630]  }
0x364: {  	vm7 =	vgt.f32 v19, v0;
	v38 =	vld [tilespmem:$0x1FEA0]  }
0x365: {  	v0 =	vsel vm7, v19, v0;
	v1 =	vsel vm15, v58, v1;
	v58 =	vld [tilespmem:$0x1FE50]  }
0x366: {  	vm8 =	vgt.f32 v52, v0;
	v1 =	vsel vm4, v4, v1;
	v4 =	vld [tilespmem:$0x35B0]  }
0x367: {  	v0 =	vsel vm8, v52, v0;
	v52 =	vld [tilespmem:$0x1630]  }
0x368: {  	vm15 =	vnez.u8 v55;
	v55 =	vld [tilespmem:$0x1930];
	v1 =	vsel vm5, v5, v1;
	vm5 =	vgt.f32 v62, v0  }
0x369: {  	v0 =	vsel vm5, v62, v0;
	v62 =	vld [tilespmem:$0x1FE70]  }
0x36a: {  	v8 =	vsel vm0, v57, v24;
	v24 =	vld [tilespmem:$0x1FE90]  }
0x36b: {  	v1 =	vsel vm15, v3, v1;
	vm15 =	vgt.f32 v35, v56;
	v57 =	vld [tilespmem:$0x3930]  }
0x36c: {  	v3 =	vsel vm15, v35, v56;
	v35 =	vld [tilespmem:$0x17B0]  }
0x36d: {  	v56 =	vld [tilespmem:$0x1FF10]  }
0x36e: {  	vm4 =	vnez.u8 v58;
	v58 =	vld [tilespmem:$0x1FF20]  }
0x36f: {  	v1 =	vsel vm4, v2, v1;
	vm4 =	vnez.u8 v60;
	v60 =	vld [tilespmem:$0x19B0]  }
0x370: {  	v1 =	vsel vm6, v16, v1;
	v16 =	vld [tilespmem:$0x36B0];
	vm6 =	vgt.f32 v46, v0  }
0x371: {  	v0 =	vsel vm6, v46, v0;
	v46 =	vld [tilespmem:$0x3830]  }
0x372: {  	v8 =	vsel vm15, v62, v8;
	v62 =	vld [tilespmem:$0x1A30]  }
0x373: {  	v1 =	vsel vm4, v15, v1;
	vm15 =	vnez.u8 v63;
	vm4 =	vnez.u8 v24;
	v63 =	vld [tilespmem:$0x1FF40]  }
0x374: {  	v24 =	vld [tilespmem:$0x3A30];
	v1 =	vsel vm15, v11, v1;
	vm3 =	vgt.f32 v52, v0;
	vm15 =	vgt.f32 v30, v3  }
0x375: {  	v11 =	vld [tilespmem:$0x3730];
	v1 =	vsel vm4, v17, v1;
	vm4 =	vnez.u8 v38;
	v3 =	vsel vm15, v30, v3  }
0x376: {  	v17 =	vld [tilespmem:$0x37B0];
	v8 =	vsel vm15, v41, v8;
	vm15 =	vnez.u8 v42;
	v1 =	vsel vm4, v39, v1  }
0x377: {  	v0 =	vsel vm3, v52, v0;
	v52 =	vld [tilespmem:$0x38B0];
	v1 =	vsel vm15, v14, v1;
	vm15 =	vnez.u8 v45  }
0x378: {  	v30 =	vld [tilespmem:$0x3B30];
	v1 =	vsel vm15, v31, v1;
	vm15 =	vnez.u8 v48  }
0x379: {  	v1 =	vsel vm15, v54, v1;
	v54 =	vld [tilespmem:$0x1FF00]  }
0x37a: {  	v38 =	vld [tilespmem:$0x3C30];
	vm4 =	vgt.f32 v59, v0;
	vm0 =	vgt.f32 v28, v3  }
0x37b: {  	v0 =	vsel vm4, v59, v0;
	v3 =	vsel vm0, v28, v3;
	v59 =	vld [tilespmem:$0x1FF30]  }
0x37c: {  	v41 =	vld [tilespmem:$0x1CB0];
	v8 =	vsel vm0, v51, v8;
	vm1 =	vgt.f32 v61, v0;
	vm0 =	vgt.f32 v27, v3  }
0x37d: {  	v42 =	vld [tilespmem:$0x3CB0];
	v0 =	vsel vm1, v61, v0;
	v3 =	vsel vm0, v27, v3  }
0x37e: {  	v39 =	vld [tilespmem:$0x1FF70];
	v8 =	vsel vm0, v58, v8;
	v1 =	vsel vm2, v20, v1;
	vm15 =	vnez.u8 v54  }
0x37f: {  	v28 =	vld [tilespmem:$0x1FF50];
	vm2 =	vgt.f32 v35, v0;
	v1 =	vsel vm15, v23, v1;
	vm15 =	vnez.u8 v56  }
0x380: {  	v45 =	vld [tilespmem:$0x3D30];
	v0 =	vsel vm2, v35, v0;
	vm0 =	vnez.u8 v59;
	v1 =	vsel vm15, v18, v1  }
0x381: {  	v51 =	vld [tilespmem:$0x1EB0];
	vm15 =	vgt.f32 v43, v0;
	v1 =	vsel vm0, v13, v1  }
0x382: {  	v31 =	vld [tilespmem:$0x1BB0];
	v0 =	vsel vm15, v43, v0;
	v1 =	vsel vm13, v22, v1  }
0x383: {  	v48 =	vld [tilespmem:$0x1FF90];
	vm13 =	vgt.f32 v50, v0;
	v1 =	vsel vm14, v26, v1  }
0x384: {  	v61 =	vld [tilespmem:$0x39B0];
	vm0 =	vgt.f32 v29, v3;
	v0 =	vsel vm13, v50, v0;
	v1 =	vsel vm11, v44, v1  }
0x385: {  	v27 =	vld [tilespmem:$0x3AB0];
	v3 =	vsel vm0, v29, v3;
	vm11 =	vgt.f32 v55, v0;
	v1 =	vsel vm12, v47, v1  }
0x386: {  	v8 =	vsel vm0, v63, v8;
	v26 =	vld [tilespmem:$0x1AB0];
	v0 =	vsel vm11, v55, v0;
	v1 =	vsel vm9, v21, v1  }
0x387: {  	v29 =	vld [tilespmem:$0x1B30];
	vm12 =	vgt.f32 v34, v3;
	vm9 =	vgt.f32 v60, v0;
	v1 =	vsel vm10, v12, v1  }
0x388: {  	v3 =	vsel vm12, v34, v3;
	v0 =	vsel vm9, v60, v0;
	v1 =	vsel vm7, v33, v1;
	v33 =	vld [tilespmem:$0x1FF60]  }
0x389: {  	v35 =	vld [tilespmem:$0x1C30];
	vm14 =	vgt.f32 v25, v3;
	vm7 =	vgt.f32 v62, v0;
	v1 =	vsel vm8, v9, v1  }
0x38a: {  	v59 =	vld [tilespmem:$0x1FFC0];
	v3 =	vsel vm14, v25, v3;
	v0 =	vsel vm7, v62, v0;
	v1 =	vsel vm5, v6, v1  }
0x38b: {  	v54 =	vld [tilespmem:$0x1F30];
	vm5 =	vgt.f32 v26, v0;
	v1 =	vsel vm6, v4, v1;
	vm6 =	vgt.f32 v37, v3  }
0x38c: {  	v44 =	vld [tilespmem:$0x1FF80];
	v8 =	vsel vm12, v28, v8;
	v0 =	vsel vm5, v26, v0;
	v3 =	vsel vm6, v37, v3  }
0x38d: {  	v56 =	vld [tilespmem:$0x1FFB0];
	v1 =	vsel vm3, v7, v1;
	vm3 =	vgt.f32 v29, v0;
	v8 =	vsel vm14, v33, v8  }
0x38e: {  	v43 =	vld [tilespmem:$0x1D30];
	v1 =	vsel vm4, v16, v1;
	v0 =	vsel vm3, v29, v0;
	vm8 =	vgt.f32 v49, v3  }
0x38f: {  	v50 =	vld [tilespmem:$0x3E30];
	v7 =	vsel vm6, v39, v8;
	v1 =	vsel vm1, v11, v1;
	vm1 =	vgt.f32 v31, v0  }
0x390: {  	v47 =	vld [tilespmem:$0x3DB0];
	v3 =	vsel vm8, v49, v3;
	v1 =	vsel vm2, v17, v1;
	v0 =	vsel vm1, v31, v0  }
0x391: {  	v55 =	vld [tilespmem:$0x3F30];
	v7 =	vsel vm8, v44, v7;
	v1 =	vsel vm15, v46, v1;
	vm10 =	vgt.f32 v35, v0  }
0x392: {  	vm12 =	vgt.f32 v36, v3;
	v46 =	vld [tilespmem:$0x1DB0];
	v1 =	vsel vm13, v52, v1;
	v0 =	vsel vm10, v35, v0  }
0x393: {  	v34 =	vld [tilespmem:$0x3BB0];
	v3 =	vsel vm12, v36, v3;
	v1 =	vsel vm11, v57, v1;
	vm13 =	vgt.f32 v41, v0  }
0x394: {  	v49 =	vld [tilespmem:$0x1E30];
	v7 =	vsel vm12, v48, v7;
	v1 =	vsel vm9, v61, v1;
	v0 =	vsel vm13, v41, v0  }
0x395: {  	vm14 =	vgt.f32 v53, v3;
	v52 =	vld [tilespmem:$0x1FFA0];
	v1 =	vsel vm7, v24, v1;
	vm15 =	vgt.f32 v43, v0  }
0x396: {  	v60 =	vld [tilespmem:$0x1FFD0];
	v3 =	vsel vm14, v53, v3;
	v1 =	vsel vm5, v27, v1;
	v0 =	vsel vm15, v43, v0  }
0x397: {  	v62 =	vld [tilespmem:$0x1FFF0];
	vm9 =	vgt.f32 v32, v3;
	v1 =	vsel vm3, v30, v1;
	vm8 =	vgt.f32 v46, v0  }
0x398: {  	v53 =	vld [tilespmem:$0x3EB0];
	v3 =	vsel vm9, v32, v3;
	v1 =	vsel vm1, v34, v1;
	v0 =	vsel vm8, v46, v0  }
0x399: {  	v57 =	vld [tilespmem:$0x1FB0];
	vm11 =	vgt.f32 v40, v3;
	v1 =	vsel vm10, v38, v1;
	vm10 =	vgt.f32 v49, v0  }
0x39a: {  	v61 =	vld [tilespmem:$0x1FFE0];
	v7 =	vsel vm14, v52, v7;
	v1 =	vsel vm13, v42, v1;
	v0 =	vsel vm10, v49, v0  }
0x39b: {  	v58 =	vld [tilespmem:$0x3FB0];
	v3 =	vsel vm11, v40, v3;
	v1 =	vsel vm15, v45, v1;
	vm12 =	vgt.f32 v51, v0  }
0x39c: {  	v6 =	vsel vm9, v56, v7;
	v1 =	vsel vm8, v47, v1;
	v0 =	vsel vm12, v51, v0  }
0x39d: {  	vm14 =	vgt.f32 v60, v3;
	v1 =	vsel vm10, v50, v1;
	vm13 =	vgt.f32 v54, v0  }
0x39e: {  	[tilespmem:$0x4010] =	vst v10;
	v6 =	vsel vm11, v59, v6;
	v1 =	vsel vm12, v53, v1;
	v0 =	vsel vm13, v54, v0  }
0x39f: {  	[tilespmem:$0x4000] =	vst v61;
	v3 =	vsel vm14, v62, v6;
	vm15 =	vgt.f32 v57, v0;
	v63 =	vsel vm13, v55, v1  }
0x3a0: {  	p0 =	sne.s32 s5, $0x1;
	[tilespmem:$0x4020] =	vst v3;
	v0 =	vsel vm15, v58, v63  }
.Ltmp0:
0x3a1: {  	[tilespmem:$0x4030] =	vst v0;
	(pc) =	sbr.rel @p0 .LBB2_1-.Ltmp0, $4  }
0x3a2: {  	[hbm4b:s4+s2] =	stream.linear.scatter [tilespmem:s7], [sflag:$0x1], $0x40, $0x38;
	[tilespmem:$0x4080] =	vst v63  }
0x3a3: {  	_ =	swait.ge [sflag:s6], $0x40  }
0x3a4: {  	[sflag:s6] =	ssyncset.done $0x0  }
0x3a5: {  	s5 =	sadd.s32 $0xFFFFFFFF, s5;
	[sflag:s6] =	ssyncadd.s32 $0xFFFFFFC0  }
0x3a6: {  	_ =	sfence.sel $0x180000  }
0x3a7: {  	[bflag:$0x0] =	sbarrier.arrive $0xFFFF  }
0x3a8: {  	p0 =	sne.s32 s1, $0x0;
	_ =	strace $0x90000047  }
0x3a9: {  	s0 =	sadd.s32 @!p0 $0x100000, s0;
	[bflag:$0x2] =	sbarrier.arrive $0xFFFF  }
0x3aa: {  	[sflag:s0] =	ssyncadd.tile.s32 @!p0 $0x1;
	_ =	shalt  }
.Lfunc_end2:
_tile_overlayer_lowered:
.L_overlay_start_2:
0x3ab: {  	(tag) =	ssettag $0x2  }
0x3ac: {  	s0 =	rddreg [dreg:$0x0];
	s2 =	stileid.u32  }
0x3ad: {  	s1 =	rddreg [dreg:$0x1];
	p0 =	sne.s32 s2, $0x0  }
0x3ae: {  	s3 =	rddreg [dreg:$0x2];
	[bflag:$0x3] =	sbarrier.arrive $0xFFFF;
	s2 =	simm.s32 @!p0 $0x1C01  }
0x3af: {  	[timem:s3], [sflag:s2] =	dma.local @!p0 [hbm:s0], s1  }
0x3b0: {  	s0 =	simm.s32 @!p0 $0x1  }
0x3b1: {  	_ =	swait.ge @!p0 [sflag:s0], s1  }
0x3b2: {  	s1 =	ssub.s32 @!p0 $0x0, s1;
	[sflag:s0] =	ssyncset.done @!p0 $0x0  }
0x3b3: {  	[sflag:s0] =	ssyncadd.s32 @!p0 s1  }
0x3b4: {  	[bflag:$0x3] =	sbarrier.arrive $0xFFFF  }
0x3b5: {  	_ =	shalt  }

</sc_bundles>
